<compile_context>
chip_gen: v7x
topology: tpu7x:2x2x1
jax: 0.10.2.dev20260603
libtpu: 0.0.44.dev20260713+nightly
codegen_flags: <defaults>
</compile_context>

<pallas_src>
import functools

import jax
import jax.numpy as jnp
from jax import lax
from jax.experimental import pallas as pl
from jax.experimental.pallas import tpu as pltpu
from jax.experimental.pallas import tpu_sc as plsc

N = 10000
E = 320000
D = 128
H = 16
C = 40

NC = 2
NS = 16
KB = 125
BB = 80
KT = NC * KB
RPT = N // NS
P = 5
M = 2 * P

_mesh = plsc.VectorSubcoreMesh(core_axis_name="c", subcore_axis_name="s")
_sc_params = pltpu.CompilerParams(use_tc_tiling_on_sc=False,
                                  needs_layout_passes=False)


def _rsqrt16(x):
    i = plsc.bitcast(x, jnp.int32)
    i = 0x5F3759DF - lax.shift_right_logical(i, 1)
    y = plsc.bitcast(i, jnp.float32)
    xh = 0.5 * x
    for _ in range(3):
        y = y * (1.5 - xh * y * y)
    return y


def _sc_a(h1, ei_blk, ones_rows, zero_rows):

    @functools.partial(
        pl.kernel,
        out_type=[
            jax.ShapeDtypeStruct((NC, N, H), jnp.float32),
            jax.ShapeDtypeStruct((NC, N, H), jnp.float32),
        ],
        mesh=_mesh,
        compiler_params=_sc_params,
        scratch_types=[
            pltpu.VMEM((KT, BB), jnp.int32),
            pltpu.VMEM((KT, BB), jnp.int32),
            pltpu.VMEM((BB, H), jnp.float32),
            pltpu.VMEM((RPT, H), jnp.float32),
            pltpu.VMEM((RPT, H), jnp.float32),
            pltpu.VMEM((RPT, H), jnp.float32),
            pltpu.VMEM((M, BB, H), jnp.float32),
            pltpu.VMEM_SHARED((N, H), jnp.float32),
            pltpu.VMEM_SHARED((N, H), jnp.float32),
            pltpu.SemaphoreType.DMA((M,)),
            pltpu.SemaphoreType.DMA((M,)),
        ],
    )
    def sc_a(h1_hbm, ei_hbm, ones_hbm, zeros_hbm,
             s1_hbm, dis_hbm,
             sidx, didx, ones_v, zv, va, vb, rows, acc, gtab, gsem, ssem):
        c = lax.axis_index("c")
        s = lax.axis_index("s")
        sl = pl.ds(s * RPT, RPT)
        pltpu.sync_copy(zeros_hbm, zv)
        pltpu.sync_copy(zv, acc.at[sl])
        pltpu.sync_copy(ones_hbm, ones_v)
        pltpu.sync_copy(ei_hbm.at[0, s], sidx)
        pltpu.sync_copy(ei_hbm.at[1, s], didx)
        plsc.subcore_barrier()

        def deg_body(jj, _):
            for b in range(M):
                j = jj * M + b
                pltpu.async_copy(ones_v, acc.at[didx.at[j]], ssem.at[b],
                                 add=True)

                @pl.when(jj >= 1)
                def _wait():
                    pltpu.make_async_copy(
                        ones_v, acc.at[didx.at[j - M]], ssem.at[b]).wait()

            return _

        lax.fori_loop(0, KT // M, deg_body, None)
        for b in range(M):
            pltpu.make_async_copy(
                ones_v, acc.at[didx.at[KT - M + b]], ssem.at[b]).wait()
        plsc.subcore_barrier()

        pltpu.sync_copy(acc.at[sl], va)
        pltpu.sync_copy(h1_hbm.at[sl], vb)

        def dis_row(i, _):
            dis = _rsqrt16(va[i, :] + 1.0)
            va[i, :] = dis
            vb[i, :] = dis * vb[i, :]
            return _

        lax.fori_loop(0, RPT, dis_row, None)
        pltpu.sync_copy(va, dis_hbm.at[c, sl])
        pltpu.sync_copy(vb, gtab.at[sl])

        @pl.when(c == 0)
        def _seed():
            pltpu.sync_copy(vb, acc.at[sl])

        @pl.when(c != 0)
        def _zero():
            pltpu.sync_copy(zv, acc.at[sl])

        plsc.subcore_barrier()

        q0 = c * KB
        for b in range(P):
            pltpu.async_copy(gtab.at[sidx.at[q0 + b]], rows.at[b], gsem.at[b])

        def mp_body(jj, _):
            for b in range(M):
                jr = jj * M + b
                j = q0 + jr
                bp = (b + P) % M
                pltpu.make_async_copy(
                    gtab.at[sidx.at[j]], rows.at[b], gsem.at[b]).wait()
                pltpu.async_copy(rows.at[b], acc.at[didx.at[j]], ssem.at[b],
                                 add=True)

                @pl.when(jr + P < KB)
                def _next():
                    @pl.when(jr >= P)
                    def _retire():
                        pltpu.make_async_copy(
                            rows.at[bp], acc.at[didx.at[j - P]],
                            ssem.at[bp]).wait()

                    pltpu.async_copy(
                        gtab.at[sidx.at[j + P]], rows.at[bp], gsem.at[bp])

            return _

        lax.fori_loop(0, KB // M, mp_body, None)
        for b in range(KB % M):
            jr = (KB // M) * M + b
            j = q0 + jr
            pltpu.make_async_copy(
                gtab.at[sidx.at[j]], rows.at[b], gsem.at[b]).wait()
            pltpu.async_copy(rows.at[b], acc.at[didx.at[j]], ssem.at[b],
                             add=True)
        for b in range(M):
            jr = KB - M + b
            pltpu.make_async_copy(
                rows.at[b], acc.at[didx.at[q0 + jr]], ssem.at[b]).wait()
        plsc.subcore_barrier()
        pltpu.sync_copy(acc.at[sl], va)
        pltpu.sync_copy(va, s1_hbm.at[c, sl])

    return sc_a(h1, ei_blk, ones_rows, zero_rows)


def _sc_b(s1, dis, b1row, ei_blk, zero_rows):

    @functools.partial(
        pl.kernel,
        out_type=jax.ShapeDtypeStruct((NC, N, H), jnp.float32),
        mesh=_mesh,
        compiler_params=_sc_params,
        scratch_types=[
            pltpu.VMEM((KT, BB), jnp.int32),
            pltpu.VMEM((KT, BB), jnp.int32),
            pltpu.VMEM((16, H), jnp.float32),
            pltpu.VMEM((RPT, H), jnp.float32),
            pltpu.VMEM((RPT, H), jnp.float32),
            pltpu.VMEM((RPT, H), jnp.float32),
            pltpu.VMEM((RPT, H), jnp.float32),
            pltpu.VMEM((M, BB, H), jnp.float32),
            pltpu.VMEM_SHARED((N, H), jnp.float32),
            pltpu.VMEM_SHARED((N, H), jnp.float32),
            pltpu.SemaphoreType.DMA((M,)),
            pltpu.SemaphoreType.DMA((M,)),
        ],
    )
    def sc_b(s1_hbm, dis_hbm, b1_hbm, ei_hbm, zeros_hbm,
             s2_hbm,
             sidx, didx, b1v, zv, va, vb, vc, rows, acc, gtab, gsem, ssem):
        c = lax.axis_index("c")
        s = lax.axis_index("s")
        sl = pl.ds(s * RPT, RPT)
        pltpu.sync_copy(zeros_hbm, zv)
        pltpu.sync_copy(ei_hbm.at[0, s], sidx)
        pltpu.sync_copy(ei_hbm.at[1, s], didx)
        pltpu.sync_copy(b1_hbm, b1v)

        pltpu.sync_copy(s1_hbm.at[0, sl], va)
        pltpu.sync_copy(s1_hbm.at[1, sl], vc)
        pltpu.sync_copy(dis_hbm.at[c, sl], vb)

        def g2_row(i, _):
            agg = vb[i, :] * (va[i, :] + vc[i, :]) + b1v[0, :]
            va[i, :] = vb[i, :] * jnp.maximum(agg, 0.0)
            return _

        lax.fori_loop(0, RPT, g2_row, None)
        pltpu.sync_copy(va, gtab.at[sl])

        @pl.when(c == 0)
        def _seed():
            pltpu.sync_copy(va, acc.at[sl])

        @pl.when(c != 0)
        def _zero():
            pltpu.sync_copy(zv, acc.at[sl])

        plsc.subcore_barrier()

        q0 = c * KB
        for b in range(P):
            pltpu.async_copy(gtab.at[sidx.at[q0 + b]], rows.at[b], gsem.at[b])

        def mp_body(jj, _):
            for b in range(M):
                jr = jj * M + b
                j = q0 + jr
                bp = (b + P) % M
                pltpu.make_async_copy(
                    gtab.at[sidx.at[j]], rows.at[b], gsem.at[b]).wait()
                pltpu.async_copy(rows.at[b], acc.at[didx.at[j]], ssem.at[b],
                                 add=True)

                @pl.when(jr + P < KB)
                def _next():
                    @pl.when(jr >= P)
                    def _retire():
                        pltpu.make_async_copy(
                            rows.at[bp], acc.at[didx.at[j - P]],
                            ssem.at[bp]).wait()

                    pltpu.async_copy(
                        gtab.at[sidx.at[j + P]], rows.at[bp], gsem.at[bp])

            return _

        lax.fori_loop(0, KB // M, mp_body, None)
        for b in range(KB % M):
            jr = (KB // M) * M + b
            j = q0 + jr
            pltpu.make_async_copy(
                gtab.at[sidx.at[j]], rows.at[b], gsem.at[b]).wait()
            pltpu.async_copy(rows.at[b], acc.at[didx.at[j]], ssem.at[b],
                             add=True)
        for b in range(M):
            jr = KB - M + b
            pltpu.make_async_copy(
                rows.at[b], acc.at[didx.at[q0 + jr]], ssem.at[b]).wait()
        plsc.subcore_barrier()
        pltpu.sync_copy(acc.at[sl], va)

        def scale_row(i, _):
            va[i, :] = vb[i, :] * va[i, :]
            return _

        lax.fori_loop(0, RPT, scale_row, None)
        pltpu.sync_copy(va, s2_hbm.at[c, sl])

    return sc_b(s1, dis, b1row, ei_blk, zero_rows)


_R = 1000
_RM = 2000


def _tc_matmul(x, w1):
    def body(x_ref, w_ref, o_ref):
        o_ref[...] = jnp.dot(x_ref[...], w_ref[...],
                             preferred_element_type=jnp.float32)

    return pl.pallas_call(
        body,
        grid=(N // _RM,),
        in_specs=[
            pl.BlockSpec((_RM, D), lambda i: (i, 0)),
            pl.BlockSpec((D, H), lambda i: (0, 0)),
        ],
        out_specs=pl.BlockSpec((_RM, H), lambda i: (i, 0)),
        out_shape=jax.ShapeDtypeStruct((N, H), jnp.float32),
    )(x, w1)


def _tc_final(s2, w2, b2):
    def body(s_ref, w_ref, b_ref, o_ref):
        logits = jnp.dot(s_ref[0] + s_ref[1], w_ref[...],
                         preferred_element_type=jnp.float32) + b_ref[...]
        m = jnp.max(logits, axis=1, keepdims=True)
        t = logits - m
        lse = jnp.log(jnp.sum(jnp.exp(t), axis=1, keepdims=True))
        o_ref[...] = t - lse

    return pl.pallas_call(
        body,
        grid=(N // _RM,),
        in_specs=[
            pl.BlockSpec((NC, _RM, H), lambda i: (0, i, 0)),
            pl.BlockSpec((H, C), lambda i: (0, 0)),
            pl.BlockSpec((1, C), lambda i: (0, 0)),
        ],
        out_specs=pl.BlockSpec((_RM, C), lambda i: (i, 0)),
        out_shape=jax.ShapeDtypeStruct((N, C), jnp.float32),
    )(s2, w2, b2)


def kernel(x, edge_index, W1, b1, W2, b2):
    ei = edge_index.astype(jnp.int32).reshape(2, NS, KT, BB)

    ones_rows = jnp.ones((BB, H), jnp.float32)
    zeros16 = jnp.zeros((RPT, H), jnp.float32)
    b1row = jnp.broadcast_to(b1.reshape(1, H), (16, H))

    h1 = _tc_matmul(x, W1)
    s1, dis = _sc_a(h1, ei, ones_rows, zeros16)
    s2 = _sc_b(s1, dis, b1row, ei, zeros16)
    return _tc_final(s2, W2, b2.reshape(1, C))

# --- scband reference (transcript-rebuilt; emitter-appended) ---
"""Pipeline reference for scband-gcn-90220083019929 (READ-ONLY COPY).

The authoritative reference and input builder live on the scoring server;
editing this copy changes nothing except your own understanding.
"""

import jax, jax.numpy as jnp
import numpy as np

N = 10000
E = 320000
D = 128
H = 16
C = 40


def setup_inputs(seed: int = 0) -> dict:
    key = jax.random.key(seed)
    k_x, k_e, k_w1, k_w2 = jax.random.split(key, 4)
    x = jax.random.normal(k_x, (N, D), dtype=jnp.float32)
    edge_index = jax.random.randint(k_e, (2, E), 0, N, dtype=jnp.int64)
    W1 = jax.random.normal(k_w1, (D, H), dtype=jnp.float32) * (1.0 / np.sqrt(D))
    b1 = jnp.zeros((H,), dtype=jnp.float32)
    W2 = jax.random.normal(k_w2, (H, C), dtype=jnp.float32) * (1.0 / np.sqrt(H))
    b2 = jnp.zeros((C,), dtype=jnp.float32)
    return {"x": x, "edge_index": edge_index, "W1": W1, "b1": b1, "W2": W2, "b2": b2}


def _gcn_conv(x, src, dst, norm, W, b):
    # GCNConv: x' = D^{-1/2} (A + I) D^{-1/2} X W + b
    h = x @ W
    msg = h[src] * norm[:, None]
    out = jnp.zeros((x.shape[0], h.shape[1]), dtype=h.dtype).at[dst].add(msg)
    return out + b


def _build_norm(edge_index, n):
    self_loops = jnp.arange(n, dtype=edge_index.dtype)
    src = jnp.concatenate([edge_index[0], self_loops])
    dst = jnp.concatenate([edge_index[1], self_loops])
    deg = jnp.zeros((n,), dtype=jnp.float32).at[dst].add(1.0)
    deg_inv_sqrt = jnp.where(deg > 0, 1.0 / jnp.sqrt(deg), 0.0)
    norm = deg_inv_sqrt[src] * deg_inv_sqrt[dst]
    return src, dst, norm


def reference(x, edge_index, W1, b1, W2, b2):
    src, dst, norm = _build_norm(edge_index, x.shape[0])
    h = _gcn_conv(x, src, dst, norm, W1, b1)
    h = jax.nn.relu(h)
    # F.dropout with training=False is identity (eval mode)
    h = _gcn_conv(h, src, dst, norm, W2, b2)
    return jax.nn.log_softmax(h, axis=1)

if __name__ == "__main__":
    import jax
    _d = setup_inputs()
    print(jax.jit(kernel)(*tuple(_d.values())))

</pallas_src>

<mosaic_0001>
#map = affine_map<(d0, d1) -> (0, 0)>
#map1 = affine_map<(d0, d1) -> (0, 0, 0, 0)>
#map2 = affine_map<(d0, d1) -> (0, 0, 0)>
module attributes {stable_mosaic.version = 14 : i64} {
  func.func @sc_a(%arg0: i32, %arg1: i32, %arg2: memref<10000x16xf32, #tpu.memory_space<hbm>>, %arg3: memref<2x16x250x80xi32, #tpu.memory_space<hbm>>, %arg4: memref<80x16xf32, #tpu.memory_space<hbm>>, %arg5: memref<625x16xf32, #tpu.memory_space<hbm>>, %arg6: memref<2x10000x16xf32, #tpu.memory_space<hbm>>, %arg7: memref<2x10000x16xf32, #tpu.memory_space<hbm>>, %arg8: memref<250x80xi32, #tpu.memory_space<vmem>>, %arg9: memref<250x80xi32, #tpu.memory_space<vmem>>, %arg10: memref<80x16xf32, #tpu.memory_space<vmem>>, %arg11: memref<625x16xf32, #tpu.memory_space<vmem>>, %arg12: memref<625x16xf32, #tpu.memory_space<vmem>>, %arg13: memref<625x16xf32, #tpu.memory_space<vmem>>, %arg14: memref<10x80x16xf32, #tpu.memory_space<vmem>>, %arg15: memref<10000x16xf32, #tpu.memory_space<vmem_shared>>, %arg16: memref<10000x16xf32, #tpu.memory_space<vmem_shared>>, %arg17: memref<10x!tpu.dma_semaphore, #tpu.memory_space<semaphore_mem>>, %arg18: memref<10x!tpu.dma_semaphore, #tpu.memory_space<semaphore_mem>>) attributes {dimension_semantics = [#tpu.dimension_semantics<core_parallel>, #tpu.dimension_semantics<subcore_parallel>], iteration_bounds = array<i64: 2, 16>, scalar_prefetch = 0 : i64, scratch_operands = 11 : i64, tpu.core_type = #tpu.core_type<sc_vector_subcore>, window_params = [{transform_indices = #map}, {transform_indices = #map1}, {transform_indices = #map}, {transform_indices = #map}, {transform_indices = #map2}, {transform_indices = #map2}]} {
    %mul3A = arith.constant 625 : i32
    %mul3A_0 = arith.muli %arg1, %mul3A : i32
    "tpu.region"() ({
      %run_scoped3A_514 = tpu.sem_alloc : memref<!tpu.dma_semaphore, #tpu.memory_space<semaphore_mem>>
      tpu.enqueue_dma source(%arg5 : memref<625x16xf32, #tpu.memory_space<hbm>>) target(%arg11 : memref<625x16xf32, #tpu.memory_space<vmem>>) target_semaphore(%run_scoped3A_514 : memref<!tpu.dma_semaphore, #tpu.memory_space<semaphore_mem>>)
      tpu.wait_dma2 semaphore(%run_scoped3A_514 : memref<!tpu.dma_semaphore, #tpu.memory_space<semaphore_mem>>) src(%arg5 : memref<625x16xf32, #tpu.memory_space<hbm>>) dst(%arg11 : memref<625x16xf32, #tpu.memory_space<vmem>>)
      tpu.yield
    }) : () -> ()
    "tpu.region"() ({
      %run_scoped3A_514 = tpu.sem_alloc : memref<!tpu.dma_semaphore, #tpu.memory_space<semaphore_mem>>
      %dma_start3A_515 = arith.constant 0 : i32
      %dma_start3A_516 = tpu.memref_slice %arg15[%mul3A_0, %dma_start3A_515] : memref<10000x16xf32, #tpu.memory_space<vmem_shared>> -> memref<625x16xf32, #tpu.memory_space<vmem_shared>>
      %dma_start3A_517 = arith.constant 0 : i32
      %dma_start3A_518 = tpu.memref_slice %arg15[%mul3A_0, %dma_start3A_517] : memref<10000x16xf32, #tpu.memory_space<vmem_shared>> -> memref<625x16xf32, #tpu.memory_space<vmem_shared>>
      tpu.enqueue_dma source(%arg11 : memref<625x16xf32, #tpu.memory_space<vmem>>) target(%dma_start3A_518 : memref<625x16xf32, #tpu.memory_space<vmem_shared>>) target_semaphore(%run_scoped3A_514 : memref<!tpu.dma_semaphore, #tpu.memory_space<semaphore_mem>>)
      %dma_wait3A_519 = arith.constant 0 : i32
      %dma_wait3A_520 = tpu.memref_slice %arg15[%mul3A_0, %dma_wait3A_519] : memref<10000x16xf32, #tpu.memory_space<vmem_shared>> -> memref<625x16xf32, #tpu.memory_space<vmem_shared>>
      %dma_wait3A_521 = arith.constant 0 : i32
      %dma_wait3A_522 = tpu.memref_slice %arg15[%mul3A_0, %dma_wait3A_521] : memref<10000x16xf32, #tpu.memory_space<vmem_shared>> -> memref<625x16xf32, #tpu.memory_space<vmem_shared>>
      tpu.wait_dma2 semaphore(%run_scoped3A_514 : memref<!tpu.dma_semaphore, #tpu.memory_space<semaphore_mem>>) src(%arg11 : memref<625x16xf32, #tpu.memory_space<vmem>>) dst(%dma_wait3A_522 : memref<625x16xf32, #tpu.memory_space<vmem_shared>>)
      tpu.yield
    }) : () -> ()
    "tpu.region"() ({
      %run_scoped3A_514 = tpu.sem_alloc : memref<!tpu.dma_semaphore, #tpu.memory_space<semaphore_mem>>
      tpu.enqueue_dma source(%arg4 : memref<80x16xf32, #tpu.memory_space<hbm>>) target(%arg10 : memref<80x16xf32, #tpu.memory_space<vmem>>) target_semaphore(%run_scoped3A_514 : memref<!tpu.dma_semaphore, #tpu.memory_space<semaphore_mem>>)
      tpu.wait_dma2 semaphore(%run_scoped3A_514 : memref<!tpu.dma_semaphore, #tpu.memory_space<semaphore_mem>>) src(%arg4 : memref<80x16xf32, #tpu.memory_space<hbm>>) dst(%arg10 : memref<80x16xf32, #tpu.memory_space<vmem>>)
      tpu.yield
    }) : () -> ()
    %run_scoped3A = arith.constant 0 : i32
    "tpu.region"() ({
      %run_scoped3A_514 = tpu.sem_alloc : memref<!tpu.dma_semaphore, #tpu.memory_space<semaphore_mem>>
      %dma_start3A_515 = arith.constant 0 : i32
      %dma_start3A_516 = arith.constant 0 : i32
      %dma_start3A_517 = tpu.memref_slice %arg3[%run_scoped3A, %arg1, %dma_start3A_515, %dma_start3A_516] : memref<2x16x250x80xi32, #tpu.memory_space<hbm>> -> memref<1x1x250x80xi32, #tpu.memory_space<hbm>>
      %dma_start3A_518 = tpu.memref_squeeze %dma_start3A_517 : memref<1x1x250x80xi32, #tpu.memory_space<hbm>> -> memref<250x80xi32, #tpu.memory_space<hbm>>
      %dma_start3A_519 = arith.constant 0 : i32
      %dma_start3A_520 = arith.constant 0 : i32
      %dma_start3A_521 = tpu.memref_slice %arg3[%run_scoped3A, %arg1, %dma_start3A_519, %dma_start3A_520] : memref<2x16x250x80xi32, #tpu.memory_space<hbm>> -> memref<1x1x250x80xi32, #tpu.memory_space<hbm>>
      %dma_start3A_522 = tpu.memref_squeeze %dma_start3A_521 : memref<1x1x250x80xi32, #tpu.memory_space<hbm>> -> memref<250x80xi32, #tpu.memory_space<hbm>>
      tpu.enqueue_dma source(%dma_start3A_522 : memref<250x80xi32, #tpu.memory_space<hbm>>) target(%arg8 : memref<250x80xi32, #tpu.memory_space<vmem>>) target_semaphore(%run_scoped3A_514 : memref<!tpu.dma_semaphore, #tpu.memory_space<semaphore_mem>>)
      %dma_wait3A_523 = arith.constant 0 : i32
      %dma_wait3A_524 = arith.constant 0 : i32
      %dma_wait3A_525 = tpu.memref_slice %arg3[%run_scoped3A, %arg1, %dma_wait3A_523, %dma_wait3A_524] : memref<2x16x250x80xi32, #tpu.memory_space<hbm>> -> memref<1x1x250x80xi32, #tpu.memory_space<hbm>>
      %dma_wait3A_526 = tpu.memref_squeeze %dma_wait3A_525 : memref<1x1x250x80xi32, #tpu.memory_space<hbm>> -> memref<250x80xi32, #tpu.memory_space<hbm>>
      %dma_wait3A_527 = arith.constant 0 : i32
      %dma_wait3A_528 = arith.constant 0 : i32
      %dma_wait3A_529 = tpu.memref_slice %arg3[%run_scoped3A, %arg1, %dma_wait3A_527, %dma_wait3A_528] : memref<2x16x250x80xi32, #tpu.memory_space<hbm>> -> memref<1x1x250x80xi32, #tpu.memory_space<hbm>>
      %dma_wait3A_530 = tpu.memref_squeeze %dma_wait3A_529 : memref<1x1x250x80xi32, #tpu.memory_space<hbm>> -> memref<250x80xi32, #tpu.memory_space<hbm>>
      tpu.wait_dma2 semaphore(%run_scoped3A_514 : memref<!tpu.dma_semaphore, #tpu.memory_space<semaphore_mem>>) src(%dma_wait3A_530 : memref<250x80xi32, #tpu.memory_space<hbm>>) dst(%arg8 : memref<250x80xi32, #tpu.memory_space<vmem>>)
      tpu.yield
    }) : () -> ()
    %run_scoped3A_1 = arith.constant 1 : i32
    "tpu.region"() ({
      %run_scoped3A_514 = tpu.sem_alloc : memref<!tpu.dma_semaphore, #tpu.memory_space<semaphore_mem>>
      %dma_start3A_515 = arith.constant 0 : i32
      %dma_start3A_516 = arith.constant 0 : i32
      %dma_start3A_517 = tpu.memref_slice %arg3[%run_scoped3A_1, %arg1, %dma_start3A_515, %dma_start3A_516] : memref<2x16x250x80xi32, #tpu.memory_space<hbm>> -> memref<1x1x250x80xi32, #tpu.memory_space<hbm>>
      %dma_start3A_518 = tpu.memref_squeeze %dma_start3A_517 : memref<1x1x250x80xi32, #tpu.memory_space<hbm>> -> memref<250x80xi32, #tpu.memory_space<hbm>>
      %dma_start3A_519 = arith.constant 0 : i32
      %dma_start3A_520 = arith.constant 0 : i32
      %dma_start3A_521 = tpu.memref_slice %arg3[%run_scoped3A_1, %arg1, %dma_start3A_519, %dma_start3A_520] : memref<2x16x250x80xi32, #tpu.memory_space<hbm>> -> memref<1x1x250x80xi32, #tpu.memory_space<hbm>>
      %dma_start3A_522 = tpu.memref_squeeze %dma_start3A_521 : memref<1x1x250x80xi32, #tpu.memory_space<hbm>> -> memref<250x80xi32, #tpu.memory_space<hbm>>
      tpu.enqueue_dma source(%dma_start3A_522 : memref<250x80xi32, #tpu.memory_space<hbm>>) target(%arg9 : memref<250x80xi32, #tpu.memory_space<vmem>>) target_semaphore(%run_scoped3A_514 : memref<!tpu.dma_semaphore, #tpu.memory_space<semaphore_mem>>)
      %dma_wait3A_523 = arith.constant 0 : i32
      %dma_wait3A_524 = arith.constant 0 : i32
      %dma_wait3A_525 = tpu.memref_slice %arg3[%run_scoped3A_1, %arg1, %dma_wait3A_523, %dma_wait3A_524] : memref<2x16x250x80xi32, #tpu.memory_space<hbm>> -> memref<1x1x250x80xi32, #tpu.memory_space<hbm>>
      %dma_wait3A_526 = tpu.memref_squeeze %dma_wait3A_525 : memref<1x1x250x80xi32, #tpu.memory_space<hbm>> -> memref<250x80xi32, #tpu.memory_space<hbm>>
      %dma_wait3A_527 = arith.constant 0 : i32
      %dma_wait3A_528 = arith.constant 0 : i32
      %dma_wait3A_529 = tpu.memref_slice %arg3[%run_scoped3A_1, %arg1, %dma_wait3A_527, %dma_wait3A_528] : memref<2x16x250x80xi32, #tpu.memory_space<hbm>> -> memref<1x1x250x80xi32, #tpu.memory_space<hbm>>
      %dma_wait3A_530 = tpu.memref_squeeze %dma_wait3A_529 : memref<1x1x250x80xi32, #tpu.memory_space<hbm>> -> memref<250x80xi32, #tpu.memory_space<hbm>>
      tpu.wait_dma2 semaphore(%run_scoped3A_514 : memref<!tpu.dma_semaphore, #tpu.memory_space<semaphore_mem>>) src(%dma_wait3A_530 : memref<250x80xi32, #tpu.memory_space<hbm>>) dst(%arg9 : memref<250x80xi32, #tpu.memory_space<vmem>>)
      tpu.yield
    }) : () -> ()
    %barrier3A = arith.constant 0 : index
    tpu.barrier barrier_id(%barrier3A)
    %scan3A = arith.constant 0 : i32
    %scan3A_2 = arith.constant 25 : i32
    %scan3A_3 = arith.addi %scan3A, %scan3A_2 : i32
    %scan3A_4 = arith.constant 1 : i32
    scf.for %scan3A_514 = %scan3A to %scan3A_3 step %scan3A_4  : i32 {
      %mul3A_515 = arith.constant 10 : i32
      %mul3A_516 = arith.muli %scan3A_514, %mul3A_515 : i32
      %add3A_517 = arith.constant 0 : i32
      %add3A_518 = arith.addi %mul3A_516, %add3A_517 : i32
      %dma_start3A_519 = arith.constant 0 : i32
      %dma_start3A_520 = arith.constant 0 : i32
      %dma_start3A_521 = tpu.memref_slice %arg9[%add3A_518, %dma_start3A_520] : memref<250x80xi32, #tpu.memory_space<vmem>> -> memref<1x80xi32, #tpu.memory_space<vmem>>
      %dma_start3A_522 = tpu.memref_squeeze %dma_start3A_521 : memref<1x80xi32, #tpu.memory_space<vmem>> -> memref<80xi32, #tpu.memory_space<vmem>>
      %dma_start3A_523 = arith.constant 0 : i32
      %dma_start3A_524 = arith.constant 0 : i32
      %dma_start3A_525 = tpu.memref_slice %arg15[%dma_start3A_523, %dma_start3A_524] : memref<10000x16xf32, #tpu.memory_space<vmem_shared>> -> memref<10000x16xf32, #tpu.memory_space<vmem_shared>>
      %dma_start3A_526 = tpu.memref_slice %arg18[%dma_start3A_519] : memref<10x!tpu.dma_semaphore, #tpu.memory_space<semaphore_mem>> -> memref<1x!tpu.dma_semaphore, #tpu.memory_space<semaphore_mem>>
      %dma_start3A_527 = tpu.memref_squeeze %dma_start3A_526 : memref<1x!tpu.dma_semaphore, #tpu.memory_space<semaphore_mem>> -> memref<!tpu.dma_semaphore, #tpu.memory_space<semaphore_mem>>
      tpu.enqueue_indirect_dma source(%arg10 : memref<80x16xf32, #tpu.memory_space<vmem>>) target(%dma_start3A_525 : memref<10000x16xf32, #tpu.memory_space<vmem_shared>>) offsets(%dma_start3A_522 : memref<80xi32, #tpu.memory_space<vmem>>) semaphore(%dma_start3A_527 : memref<!tpu.dma_semaphore, #tpu.memory_space<semaphore_mem>>) {add = true}
      %ge3A = arith.constant 1 : i32
      %ge3A_528 = arith.cmpi sge, %scan3A_514, %ge3A : i32
      %convert_element_type3A_529 = arith.extui %ge3A_528 : i1 to i32
      %cond3A_530 = arith.constant 0 : i32
      %cond3A_531 = arith.cmpi ne, %convert_element_type3A_529, %cond3A_530 : i32
      scf.if %cond3A_531 {
        %sub3A = arith.constant 10 : i32
        %sub3A_694 = arith.subi %add3A_518, %sub3A : i32
        %dma_wait3A_695 = arith.constant 0 : i32
        %dma_wait3A_696 = arith.constant 0 : i32
        %dma_wait3A_697 = tpu.memref_slice %arg9[%sub3A_694, %dma_wait3A_696] : memref<250x80xi32, #tpu.memory_space<vmem>> -> memref<1x80xi32, #tpu.memory_space<vmem>>
        %dma_wait3A_698 = tpu.memref_squeeze %dma_wait3A_697 : memref<1x80xi32, #tpu.memory_space<vmem>> -> memref<80xi32, #tpu.memory_space<vmem>>
        %dma_wait3A_699 = arith.constant 0 : i32
        %dma_wait3A_700 = arith.constant 0 : i32
        %dma_wait3A_701 = tpu.memref_slice %arg15[%dma_wait3A_699, %dma_wait3A_700] : memref<10000x16xf32, #tpu.memory_space<vmem_shared>> -> memref<10000x16xf32, #tpu.memory_space<vmem_shared>>
        %dma_wait3A_702 = tpu.memref_slice %arg18[%dma_wait3A_695] : memref<10x!tpu.dma_semaphore, #tpu.memory_space<semaphore_mem>> -> memref<1x!tpu.dma_semaphore, #tpu.memory_space<semaphore_mem>>
        %dma_wait3A_703 = tpu.memref_squeeze %dma_wait3A_702 : memref<1x!tpu.dma_semaphore, #tpu.memory_space<semaphore_mem>> -> memref<!tpu.dma_semaphore, #tpu.memory_space<semaphore_mem>>
        tpu.wait_indirect_dma semaphore(%dma_wait3A_703 : memref<!tpu.dma_semaphore, #tpu.memory_space<semaphore_mem>>) src(%arg10 : memref<80x16xf32, #tpu.memory_space<vmem>>) dst(%dma_wait3A_701 : memref<10000x16xf32, #tpu.memory_space<vmem_shared>>)
      } else {
      }
      %mul3A_532 = arith.constant 10 : i32
      %mul3A_533 = arith.muli %scan3A_514, %mul3A_532 : i32
      %add3A_534 = arith.constant 1 : i32
      %add3A_535 = arith.addi %mul3A_533, %add3A_534 : i32
      %dma_start3A_536 = arith.constant 1 : i32
      %dma_start3A_537 = arith.constant 0 : i32
      %dma_start3A_538 = tpu.memref_slice %arg9[%add3A_535, %dma_start3A_537] : memref<250x80xi32, #tpu.memory_space<vmem>> -> memref<1x80xi32, #tpu.memory_space<vmem>>
      %dma_start3A_539 = tpu.memref_squeeze %dma_start3A_538 : memref<1x80xi32, #tpu.memory_space<vmem>> -> memref<80xi32, #tpu.memory_space<vmem>>
      %dma_start3A_540 = arith.constant 0 : i32
      %dma_start3A_541 = arith.constant 0 : i32
      %dma_start3A_542 = tpu.memref_slice %arg15[%dma_start3A_540, %dma_start3A_541] : memref<10000x16xf32, #tpu.memory_space<vmem_shared>> -> memref<10000x16xf32, #tpu.memory_space<vmem_shared>>
      %dma_start3A_543 = tpu.memref_slice %arg18[%dma_start3A_536] : memref<10x!tpu.dma_semaphore, #tpu.memory_space<semaphore_mem>> -> memref<1x!tpu.dma_semaphore, #tpu.memory_space<semaphore_mem>>
      %dma_start3A_544 = tpu.memref_squeeze %dma_start3A_543 : memref<1x!tpu.dma_semaphore, #tpu.memory_space<semaphore_mem>> -> memref<!tpu.dma_semaphore, #tpu.memory_space<semaphore_mem>>
      tpu.enqueue_indirect_dma source(%arg10 : memref<80x16xf32, #tpu.memory_space<vmem>>) target(%dma_start3A_542 : memref<10000x16xf32, #tpu.memory_space<vmem_shared>>) offsets(%dma_start3A_539 : memref<80xi32, #tpu.memory_space<vmem>>) semaphore(%dma_start3A_544 : memref<!tpu.dma_semaphore, #tpu.memory_space<semaphore_mem>>) {add = true}
      %ge3A_545 = arith.constant 1 : i32
      %ge3A_546 = arith.cmpi sge, %scan3A_514, %ge3A_545 : i32
      %convert_element_type3A_547 = arith.extui %ge3A_546 : i1 to i32
      %cond3A_548 = arith.constant 0 : i32
      %cond3A_549 = arith.cmpi ne, %convert_element_type3A_547, %cond3A_548 : i32
      scf.if %cond3A_549 {
        %sub3A = arith.constant 10 : i32
        %sub3A_694 = arith.subi %add3A_535, %sub3A : i32
        %dma_wait3A_695 = arith.constant 1 : i32
        %dma_wait3A_696 = arith.constant 0 : i32
        %dma_wait3A_697 = tpu.memref_slice %arg9[%sub3A_694, %dma_wait3A_696] : memref<250x80xi32, #tpu.memory_space<vmem>> -> memref<1x80xi32, #tpu.memory_space<vmem>>
        %dma_wait3A_698 = tpu.memref_squeeze %dma_wait3A_697 : memref<1x80xi32, #tpu.memory_space<vmem>> -> memref<80xi32, #tpu.memory_space<vmem>>
        %dma_wait3A_699 = arith.constant 0 : i32
        %dma_wait3A_700 = arith.constant 0 : i32
        %dma_wait3A_701 = tpu.memref_slice %arg15[%dma_wait3A_699, %dma_wait3A_700] : memref<10000x16xf32, #tpu.memory_space<vmem_shared>> -> memref<10000x16xf32, #tpu.memory_space<vmem_shared>>
        %dma_wait3A_702 = tpu.memref_slice %arg18[%dma_wait3A_695] : memref<10x!tpu.dma_semaphore, #tpu.memory_space<semaphore_mem>> -> memref<1x!tpu.dma_semaphore, #tpu.memory_space<semaphore_mem>>
        %dma_wait3A_703 = tpu.memref_squeeze %dma_wait3A_702 : memref<1x!tpu.dma_semaphore, #tpu.memory_space<semaphore_mem>> -> memref<!tpu.dma_semaphore, #tpu.memory_space<semaphore_mem>>
        tpu.wait_indirect_dma semaphore(%dma_wait3A_703 : memref<!tpu.dma_semaphore, #tpu.memory_space<semaphore_mem>>) src(%arg10 : memref<80x16xf32, #tpu.memory_space<vmem>>) dst(%dma_wait3A_701 : memref<10000x16xf32, #tpu.memory_space<vmem_shared>>)
      } else {
      }
      %mul3A_550 = arith.constant 10 : i32
      %mul3A_551 = arith.muli %scan3A_514, %mul3A_550 : i32
      %add3A_552 = arith.constant 2 : i32
      %add3A_553 = arith.addi %mul3A_551, %add3A_552 : i32
      %dma_start3A_554 = arith.constant 2 : i32
      %dma_start3A_555 = arith.constant 0 : i32
      %dma_start3A_556 = tpu.memref_slice %arg9[%add3A_553, %dma_start3A_555] : memref<250x80xi32, #tpu.memory_space<vmem>> -> memref<1x80xi32, #tpu.memory_space<vmem>>
      %dma_start3A_557 = tpu.memref_squeeze %dma_start3A_556 : memref<1x80xi32, #tpu.memory_space<vmem>> -> memref<80xi32, #tpu.memory_space<vmem>>
      %dma_start3A_558 = arith.constant 0 : i32
      %dma_start3A_559 = arith.constant 0 : i32
      %dma_start3A_560 = tpu.memref_slice %arg15[%dma_start3A_558, %dma_start3A_559] : memref<10000x16xf32, #tpu.memory_space<vmem_shared>> -> memref<10000x16xf32, #tpu.memory_space<vmem_shared>>
      %dma_start3A_561 = tpu.memref_slice %arg18[%dma_start3A_554] : memref<10x!tpu.dma_semaphore, #tpu.memory_space<semaphore_mem>> -> memref<1x!tpu.dma_semaphore, #tpu.memory_space<semaphore_mem>>
      %dma_start3A_562 = tpu.memref_squeeze %dma_start3A_561 : memref<1x!tpu.dma_semaphore, #tpu.memory_space<semaphore_mem>> -> memref<!tpu.dma_semaphore, #tpu.memory_space<semaphore_mem>>
      tpu.enqueue_indirect_dma source(%arg10 : memref<80x16xf32, #tpu.memory_space<vmem>>) target(%dma_start3A_560 : memref<10000x16xf32, #tpu.memory_space<vmem_shared>>) offsets(%dma_start3A_557 : memref<80xi32, #tpu.memory_space<vmem>>) semaphore(%dma_start3A_562 : memref<!tpu.dma_semaphore, #tpu.memory_space<semaphore_mem>>) {add = true}
      %ge3A_563 = arith.constant 1 : i32
      %ge3A_564 = arith.cmpi sge, %scan3A_514, %ge3A_563 : i32
      %convert_element_type3A_565 = arith.extui %ge3A_564 : i1 to i32
      %cond3A_566 = arith.constant 0 : i32
      %cond3A_567 = arith.cmpi ne, %convert_element_type3A_565, %cond3A_566 : i32
      scf.if %cond3A_567 {
        %sub3A = arith.constant 10 : i32
        %sub3A_694 = arith.subi %add3A_553, %sub3A : i32
        %dma_wait3A_695 = arith.constant 2 : i32
        %dma_wait3A_696 = arith.constant 0 : i32
        %dma_wait3A_697 = tpu.memref_slice %arg9[%sub3A_694, %dma_wait3A_696] : memref<250x80xi32, #tpu.memory_space<vmem>> -> memref<1x80xi32, #tpu.memory_space<vmem>>
        %dma_wait3A_698 = tpu.memref_squeeze %dma_wait3A_697 : memref<1x80xi32, #tpu.memory_space<vmem>> -> memref<80xi32, #tpu.memory_space<vmem>>
        %dma_wait3A_699 = arith.constant 0 : i32
        %dma_wait3A_700 = arith.constant 0 : i32
        %dma_wait3A_701 = tpu.memref_slice %arg15[%dma_wait3A_699, %dma_wait3A_700] : memref<10000x16xf32, #tpu.memory_space<vmem_shared>> -> memref<10000x16xf32, #tpu.memory_space<vmem_shared>>
        %dma_wait3A_702 = tpu.memref_slice %arg18[%dma_wait3A_695] : memref<10x!tpu.dma_semaphore, #tpu.memory_space<semaphore_mem>> -> memref<1x!tpu.dma_semaphore, #tpu.memory_space<semaphore_mem>>
        %dma_wait3A_703 = tpu.memref_squeeze %dma_wait3A_702 : memref<1x!tpu.dma_semaphore, #tpu.memory_space<semaphore_mem>> -> memref<!tpu.dma_semaphore, #tpu.memory_space<semaphore_mem>>
        tpu.wait_indirect_dma semaphore(%dma_wait3A_703 : memref<!tpu.dma_semaphore, #tpu.memory_space<semaphore_mem>>) src(%arg10 : memref<80x16xf32, #tpu.memory_space<vmem>>) dst(%dma_wait3A_701 : memref<10000x16xf32, #tpu.memory_space<vmem_shared>>)
      } else {
      }
      %mul3A_568 = arith.constant 10 : i32
      %mul3A_569 = arith.muli %scan3A_514, %mul3A_568 : i32
      %add3A_570 = arith.constant 3 : i32
      %add3A_571 = arith.addi %mul3A_569, %add3A_570 : i32
      %dma_start3A_572 = arith.constant 3 : i32
      %dma_start3A_573 = arith.constant 0 : i32
      %dma_start3A_574 = tpu.memref_slice %arg9[%add3A_571, %dma_start3A_573] : memref<250x80xi32, #tpu.memory_space<vmem>> -> memref<1x80xi32, #tpu.memory_space<vmem>>
      %dma_start3A_575 = tpu.memref_squeeze %dma_start3A_574 : memref<1x80xi32, #tpu.memory_space<vmem>> -> memref<80xi32, #tpu.memory_space<vmem>>
      %dma_start3A_576 = arith.constant 0 : i32
      %dma_start3A_577 = arith.constant 0 : i32
      %dma_start3A_578 = tpu.memref_slice %arg15[%dma_start3A_576, %dma_start3A_577] : memref<10000x16xf32, #tpu.memory_space<vmem_shared>> -> memref<10000x16xf32, #tpu.memory_space<vmem_shared>>
      %dma_start3A_579 = tpu.memref_slice %arg18[%dma_start3A_572] : memref<10x!tpu.dma_semaphore, #tpu.memory_space<semaphore_mem>> -> memref<1x!tpu.dma_semaphore, #tpu.memory_space<semaphore_mem>>
      %dma_start3A_580 = tpu.memref_squeeze %dma_start3A_579 : memref<1x!tpu.dma_semaphore, #tpu.memory_space<semaphore_mem>> -> memref<!tpu.dma_semaphore, #tpu.memory_space<semaphore_mem>>
      tpu.enqueue_indirect_dma source(%arg10 : memref<80x16xf32, #tpu.memory_space<vmem>>) target(%dma_start3A_578 : memref<10000x16xf32, #tpu.memory_space<vmem_shared>>) offsets(%dma_start3A_575 : memref<80xi32, #tpu.memory_space<vmem>>) semaphore(%dma_start3A_580 : memref<!tpu.dma_semaphore, #tpu.memory_space<semaphore_mem>>) {add = true}
      %ge3A_581 = arith.constant 1 : i32
      %ge3A_582 = arith.cmpi sge, %scan3A_514, %ge3A_581 : i32
      %convert_element_type3A_583 = arith.extui %ge3A_582 : i1 to i32
      %cond3A_584 = arith.constant 0 : i32
      %cond3A_585 = arith.cmpi ne, %convert_element_type3A_583, %cond3A_584 : i32
      scf.if %cond3A_585 {
        %sub3A = arith.constant 10 : i32
        %sub3A_694 = arith.subi %add3A_571, %sub3A : i32
        %dma_wait3A_695 = arith.constant 3 : i32
        %dma_wait3A_696 = arith.constant 0 : i32
        %dma_wait3A_697 = tpu.memref_slice %arg9[%sub3A_694, %dma_wait3A_696] : memref<250x80xi32, #tpu.memory_space<vmem>> -> memref<1x80xi32, #tpu.memory_space<vmem>>
        %dma_wait3A_698 = tpu.memref_squeeze %dma_wait3A_697 : memref<1x80xi32, #tpu.memory_space<vmem>> -> memref<80xi32, #tpu.memory_space<vmem>>
        %dma_wait3A_699 = arith.constant 0 : i32
        %dma_wait3A_700 = arith.constant 0 : i32
        %dma_wait3A_701 = tpu.memref_slice %arg15[%dma_wait3A_699, %dma_wait3A_700] : memref<10000x16xf32, #tpu.memory_space<vmem_shared>> -> memref<10000x16xf32, #tpu.memory_space<vmem_shared>>
        %dma_wait3A_702 = tpu.memref_slice %arg18[%dma_wait3A_695] : memref<10x!tpu.dma_semaphore, #tpu.memory_space<semaphore_mem>> -> memref<1x!tpu.dma_semaphore, #tpu.memory_space<semaphore_mem>>
        %dma_wait3A_703 = tpu.memref_squeeze %dma_wait3A_702 : memref<1x!tpu.dma_semaphore, #tpu.memory_space<semaphore_mem>> -> memref<!tpu.dma_semaphore, #tpu.memory_space<semaphore_mem>>
        tpu.wait_indirect_dma semaphore(%dma_wait3A_703 : memref<!tpu.dma_semaphore, #tpu.memory_space<semaphore_mem>>) src(%arg10 : memref<80x16xf32, #tpu.memory_space<vmem>>) dst(%dma_wait3A_701 : memref<10000x16xf32, #tpu.memory_space<vmem_shared>>)
      } else {
      }
      %mul3A_586 = arith.constant 10 : i32
      %mul3A_587 = arith.muli %scan3A_514, %mul3A_586 : i32
      %add3A_588 = arith.constant 4 : i32
      %add3A_589 = arith.addi %mul3A_587, %add3A_588 : i32
      %dma_start3A_590 = arith.constant 4 : i32
      %dma_start3A_591 = arith.constant 0 : i32
      %dma_start3A_592 = tpu.memref_slice %arg9[%add3A_589, %dma_start3A_591] : memref<250x80xi32, #tpu.memory_space<vmem>> -> memref<1x80xi32, #tpu.memory_space<vmem>>
      %dma_start3A_593 = tpu.memref_squeeze %dma_start3A_592 : memref<1x80xi32, #tpu.memory_space<vmem>> -> memref<80xi32, #tpu.memory_space<vmem>>
      %dma_start3A_594 = arith.constant 0 : i32
      %dma_start3A_595 = arith.constant 0 : i32
      %dma_start3A_596 = tpu.memref_slice %arg15[%dma_start3A_594, %dma_start3A_595] : memref<10000x16xf32, #tpu.memory_space<vmem_shared>> -> memref<10000x16xf32, #tpu.memory_space<vmem_shared>>
      %dma_start3A_597 = tpu.memref_slice %arg18[%dma_start3A_590] : memref<10x!tpu.dma_semaphore, #tpu.memory_space<semaphore_mem>> -> memref<1x!tpu.dma_semaphore, #tpu.memory_space<semaphore_mem>>
      %dma_start3A_598 = tpu.memref_squeeze %dma_start3A_597 : memref<1x!tpu.dma_semaphore, #tpu.memory_space<semaphore_mem>> -> memref<!tpu.dma_semaphore, #tpu.memory_space<semaphore_mem>>
      tpu.enqueue_indirect_dma source(%arg10 : memref<80x16xf32, #tpu.memory_space<vmem>>) target(%dma_start3A_596 : memref<10000x16xf32, #tpu.memory_space<vmem_shared>>) offsets(%dma_start3A_593 : memref<80xi32, #tpu.memory_space<vmem>>) semaphore(%dma_start3A_598 : memref<!tpu.dma_semaphore, #tpu.memory_space<semaphore_mem>>) {add = true}
      %ge3A_599 = arith.constant 1 : i32
      %ge3A_600 = arith.cmpi sge, %scan3A_514, %ge3A_599 : i32
      %convert_element_type3A_601 = arith.extui %ge3A_600 : i1 to i32
      %cond3A_602 = arith.constant 0 : i32
      %cond3A_603 = arith.cmpi ne, %convert_element_type3A_601, %cond3A_602 : i32
      scf.if %cond3A_603 {
        %sub3A = arith.constant 10 : i32
        %sub3A_694 = arith.subi %add3A_589, %sub3A : i32
        %dma_wait3A_695 = arith.constant 4 : i32
        %dma_wait3A_696 = arith.constant 0 : i32
        %dma_wait3A_697 = tpu.memref_slice %arg9[%sub3A_694, %dma_wait3A_696] : memref<250x80xi32, #tpu.memory_space<vmem>> -> memref<1x80xi32, #tpu.memory_space<vmem>>
        %dma_wait3A_698 = tpu.memref_squeeze %dma_wait3A_697 : memref<1x80xi32, #tpu.memory_space<vmem>> -> memref<80xi32, #tpu.memory_space<vmem>>
        %dma_wait3A_699 = arith.constant 0 : i32
        %dma_wait3A_700 = arith.constant 0 : i32
        %dma_wait3A_701 = tpu.memref_slice %arg15[%dma_wait3A_699, %dma_wait3A_700] : memref<10000x16xf32, #tpu.memory_space<vmem_shared>> -> memref<10000x16xf32, #tpu.memory_space<vmem_shared>>
        %dma_wait3A_702 = tpu.memref_slice %arg18[%dma_wait3A_695] : memref<10x!tpu.dma_semaphore, #tpu.memory_space<semaphore_mem>> -> memref<1x!tpu.dma_semaphore, #tpu.memory_space<semaphore_mem>>
        %dma_wait3A_703 = tpu.memref_squeeze %dma_wait3A_702 : memref<1x!tpu.dma_semaphore, #tpu.memory_space<semaphore_mem>> -> memref<!tpu.dma_semaphore, #tpu.memory_space<semaphore_mem>>
        tpu.wait_indirect_dma semaphore(%dma_wait3A_703 : memref<!tpu.dma_semaphore, #tpu.memory_space<semaphore_mem>>) src(%arg10 : memref<80x16xf32, #tpu.memory_space<vmem>>) dst(%dma_wait3A_701 : memref<10000x16xf32, #tpu.memory_space<vmem_shared>>)
      } else {
      }
      %mul3A_604 = arith.constant 10 : i32
      %mul3A_605 = arith.muli %scan3A_514, %mul3A_604 : i32
      %add3A_606 = arith.constant 5 : i32
      %add3A_607 = arith.addi %mul3A_605, %add3A_606 : i32
      %dma_start3A_608 = arith.constant 5 : i32
      %dma_start3A_609 = arith.constant 0 : i32
      %dma_start3A_610 = tpu.memref_slice %arg9[%add3A_607, %dma_start3A_609] : memref<250x80xi32, #tpu.memory_space<vmem>> -> memref<1x80xi32, #tpu.memory_space<vmem>>
      %dma_start3A_611 = tpu.memref_squeeze %dma_start3A_610 : memref<1x80xi32, #tpu.memory_space<vmem>> -> memref<80xi32, #tpu.memory_space<vmem>>
      %dma_start3A_612 = arith.constant 0 : i32
      %dma_start3A_613 = arith.constant 0 : i32
      %dma_start3A_614 = tpu.memref_slice %arg15[%dma_start3A_612, %dma_start3A_613] : memref<10000x16xf32, #tpu.memory_space<vmem_shared>> -> memref<10000x16xf32, #tpu.memory_space<vmem_shared>>
      %dma_start3A_615 = tpu.memref_slice %arg18[%dma_start3A_608] : memref<10x!tpu.dma_semaphore, #tpu.memory_space<semaphore_mem>> -> memref<1x!tpu.dma_semaphore, #tpu.memory_space<semaphore_mem>>
      %dma_start3A_616 = tpu.memref_squeeze %dma_start3A_615 : memref<1x!tpu.dma_semaphore, #tpu.memory_space<semaphore_mem>> -> memref<!tpu.dma_semaphore, #tpu.memory_space<semaphore_mem>>
      tpu.enqueue_indirect_dma source(%arg10 : memref<80x16xf32, #tpu.memory_space<vmem>>) target(%dma_start3A_614 : memref<10000x16xf32, #tpu.memory_space<vmem_shared>>) offsets(%dma_start3A_611 : memref<80xi32, #tpu.memory_space<vmem>>) semaphore(%dma_start3A_616 : memref<!tpu.dma_semaphore, #tpu.memory_space<semaphore_mem>>) {add = true}
      %ge3A_617 = arith.constant 1 : i32
      %ge3A_618 = arith.cmpi sge, %scan3A_514, %ge3A_617 : i32
      %convert_element_type3A_619 = arith.extui %ge3A_618 : i1 to i32
      %cond3A_620 = arith.constant 0 : i32
      %cond3A_621 = arith.cmpi ne, %convert_element_type3A_619, %cond3A_620 : i32
      scf.if %cond3A_621 {
        %sub3A = arith.constant 10 : i32
        %sub3A_694 = arith.subi %add3A_607, %sub3A : i32
        %dma_wait3A_695 = arith.constant 5 : i32
        %dma_wait3A_696 = arith.constant 0 : i32
        %dma_wait3A_697 = tpu.memref_slice %arg9[%sub3A_694, %dma_wait3A_696] : memref<250x80xi32, #tpu.memory_space<vmem>> -> memref<1x80xi32, #tpu.memory_space<vmem>>
        %dma_wait3A_698 = tpu.memref_squeeze %dma_wait3A_697 : memref<1x80xi32, #tpu.memory_space<vmem>> -> memref<80xi32, #tpu.memory_space<vmem>>
        %dma_wait3A_699 = arith.constant 0 : i32
        %dma_wait3A_700 = arith.constant 0 : i32
        %dma_wait3A_701 = tpu.memref_slice %arg15[%dma_wait3A_699, %dma_wait3A_700] : memref<10000x16xf32, #tpu.memory_space<vmem_shared>> -> memref<10000x16xf32, #tpu.memory_space<vmem_shared>>
        %dma_wait3A_702 = tpu.memref_slice %arg18[%dma_wait3A_695] : memref<10x!tpu.dma_semaphore, #tpu.memory_space<semaphore_mem>> -> memref<1x!tpu.dma_semaphore, #tpu.memory_space<semaphore_mem>>
        %dma_wait3A_703 = tpu.memref_squeeze %dma_wait3A_702 : memref<1x!tpu.dma_semaphore, #tpu.memory_space<semaphore_mem>> -> memref<!tpu.dma_semaphore, #tpu.memory_space<semaphore_mem>>
        tpu.wait_indirect_dma semaphore(%dma_wait3A_703 : memref<!tpu.dma_semaphore, #tpu.memory_space<semaphore_mem>>) src(%arg10 : memref<80x16xf32, #tpu.memory_space<vmem>>) dst(%dma_wait3A_701 : memref<10000x16xf32, #tpu.memory_space<vmem_shared>>)
      } else {
      }
      %mul3A_622 = arith.constant 10 : i32
      %mul3A_623 = arith.muli %scan3A_514, %mul3A_622 : i32
      %add3A_624 = arith.constant 6 : i32
      %add3A_625 = arith.addi %mul3A_623, %add3A_624 : i32
      %dma_start3A_626 = arith.constant 6 : i32
      %dma_start3A_627 = arith.constant 0 : i32
      %dma_start3A_628 = tpu.memref_slice %arg9[%add3A_625, %dma_start3A_627] : memref<250x80xi32, #tpu.memory_space<vmem>> -> memref<1x80xi32, #tpu.memory_space<vmem>>
      %dma_start3A_629 = tpu.memref_squeeze %dma_start3A_628 : memref<1x80xi32, #tpu.memory_space<vmem>> -> memref<80xi32, #tpu.memory_space<vmem>>
      %dma_start3A_630 = arith.constant 0 : i32
      %dma_start3A_631 = arith.constant 0 : i32
      %dma_start3A_632 = tpu.memref_slice %arg15[%dma_start3A_630, %dma_start3A_631] : memref<10000x16xf32, #tpu.memory_space<vmem_shared>> -> memref<10000x16xf32, #tpu.memory_space<vmem_shared>>
      %dma_start3A_633 = tpu.memref_slice %arg18[%dma_start3A_626] : memref<10x!tpu.dma_semaphore, #tpu.memory_space<semaphore_mem>> -> memref<1x!tpu.dma_semaphore, #tpu.memory_space<semaphore_mem>>
      %dma_start3A_634 = tpu.memref_squeeze %dma_start3A_633 : memref<1x!tpu.dma_semaphore, #tpu.memory_space<semaphore_mem>> -> memref<!tpu.dma_semaphore, #tpu.memory_space<semaphore_mem>>
      tpu.enqueue_indirect_dma source(%arg10 : memref<80x16xf32, #tpu.memory_space<vmem>>) target(%dma_start3A_632 : memref<10000x16xf32, #tpu.memory_space<vmem_shared>>) offsets(%dma_start3A_629 : memref<80xi32, #tpu.memory_space<vmem>>) semaphore(%dma_start3A_634 : memref<!tpu.dma_semaphore, #tpu.memory_space<semaphore_mem>>) {add = true}
      %ge3A_635 = arith.constant 1 : i32
      %ge3A_636 = arith.cmpi sge, %scan3A_514, %ge3A_635 : i32
      %convert_element_type3A_637 = arith.extui %ge3A_636 : i1 to i32
      %cond3A_638 = arith.constant 0 : i32
      %cond3A_639 = arith.cmpi ne, %convert_element_type3A_637, %cond3A_638 : i32
      scf.if %cond3A_639 {
        %sub3A = arith.constant 10 : i32
        %sub3A_694 = arith.subi %add3A_625, %sub3A : i32
        %dma_wait3A_695 = arith.constant 6 : i32
        %dma_wait3A_696 = arith.constant 0 : i32
        %dma_wait3A_697 = tpu.memref_slice %arg9[%sub3A_694, %dma_wait3A_696] : memref<250x80xi32, #tpu.memory_space<vmem>> -> memref<1x80xi32, #tpu.memory_space<vmem>>
        %dma_wait3A_698 = tpu.memref_squeeze %dma_wait3A_697 : memref<1x80xi32, #tpu.memory_space<vmem>> -> memref<80xi32, #tpu.memory_space<vmem>>
        %dma_wait3A_699 = arith.constant 0 : i32
        %dma_wait3A_700 = arith.constant 0 : i32
        %dma_wait3A_701 = tpu.memref_slice %arg15[%dma_wait3A_699, %dma_wait3A_700] : memref<10000x16xf32, #tpu.memory_space<vmem_shared>> -> memref<10000x16xf32, #tpu.memory_space<vmem_shared>>
        %dma_wait3A_702 = tpu.memref_slice %arg18[%dma_wait3A_695] : memref<10x!tpu.dma_semaphore, #tpu.memory_space<semaphore_mem>> -> memref<1x!tpu.dma_semaphore, #tpu.memory_space<semaphore_mem>>
        %dma_wait3A_703 = tpu.memref_squeeze %dma_wait3A_702 : memref<1x!tpu.dma_semaphore, #tpu.memory_space<semaphore_mem>> -> memref<!tpu.dma_semaphore, #tpu.memory_space<semaphore_mem>>
        tpu.wait_indirect_dma semaphore(%dma_wait3A_703 : memref<!tpu.dma_semaphore, #tpu.memory_space<semaphore_mem>>) src(%arg10 : memref<80x16xf32, #tpu.memory_space<vmem>>) dst(%dma_wait3A_701 : memref<10000x16xf32, #tpu.memory_space<vmem_shared>>)
      } else {
      }
      %mul3A_640 = arith.constant 10 : i32
      %mul3A_641 = arith.muli %scan3A_514, %mul3A_640 : i32
      %add3A_642 = arith.constant 7 : i32
      %add3A_643 = arith.addi %mul3A_641, %add3A_642 : i32
      %dma_start3A_644 = arith.constant 7 : i32
      %dma_start3A_645 = arith.constant 0 : i32
      %dma_start3A_646 = tpu.memref_slice %arg9[%add3A_643, %dma_start3A_645] : memref<250x80xi32, #tpu.memory_space<vmem>> -> memref<1x80xi32, #tpu.memory_space<vmem>>
      %dma_start3A_647 = tpu.memref_squeeze %dma_start3A_646 : memref<1x80xi32, #tpu.memory_space<vmem>> -> memref<80xi32, #tpu.memory_space<vmem>>
      %dma_start3A_648 = arith.constant 0 : i32
      %dma_start3A_649 = arith.constant 0 : i32
      %dma_start3A_650 = tpu.memref_slice %arg15[%dma_start3A_648, %dma_start3A_649] : memref<10000x16xf32, #tpu.memory_space<vmem_shared>> -> memref<10000x16xf32, #tpu.memory_space<vmem_shared>>
      %dma_start3A_651 = tpu.memref_slice %arg18[%dma_start3A_644] : memref<10x!tpu.dma_semaphore, #tpu.memory_space<semaphore_mem>> -> memref<1x!tpu.dma_semaphore, #tpu.memory_space<semaphore_mem>>
      %dma_start3A_652 = tpu.memref_squeeze %dma_start3A_651 : memref<1x!tpu.dma_semaphore, #tpu.memory_space<semaphore_mem>> -> memref<!tpu.dma_semaphore, #tpu.memory_space<semaphore_mem>>
      tpu.enqueue_indirect_dma source(%arg10 : memref<80x16xf32, #tpu.memory_space<vmem>>) target(%dma_start3A_650 : memref<10000x16xf32, #tpu.memory_space<vmem_shared>>) offsets(%dma_start3A_647 : memref<80xi32, #tpu.memory_space<vmem>>) semaphore(%dma_start3A_652 : memref<!tpu.dma_semaphore, #tpu.memory_space<semaphore_mem>>) {add = true}
      %ge3A_653 = arith.constant 1 : i32
      %ge3A_654 = arith.cmpi sge, %scan3A_514, %ge3A_653 : i32
      %convert_element_type3A_655 = arith.extui %ge3A_654 : i1 to i32
      %cond3A_656 = arith.constant 0 : i32
      %cond3A_657 = arith.cmpi ne, %convert_element_type3A_655, %cond3A_656 : i32
      scf.if %cond3A_657 {
        %sub3A = arith.constant 10 : i32
        %sub3A_694 = arith.subi %add3A_643, %sub3A : i32
        %dma_wait3A_695 = arith.constant 7 : i32
        %dma_wait3A_696 = arith.constant 0 : i32
        %dma_wait3A_697 = tpu.memref_slice %arg9[%sub3A_694, %dma_wait3A_696] : memref<250x80xi32, #tpu.memory_space<vmem>> -> memref<1x80xi32, #tpu.memory_space<vmem>>
        %dma_wait3A_698 = tpu.memref_squeeze %dma_wait3A_697 : memref<1x80xi32, #tpu.memory_space<vmem>> -> memref<80xi32, #tpu.memory_space<vmem>>
        %dma_wait3A_699 = arith.constant 0 : i32
        %dma_wait3A_700 = arith.constant 0 : i32
        %dma_wait3A_701 = tpu.memref_slice %arg15[%dma_wait3A_699, %dma_wait3A_700] : memref<10000x16xf32, #tpu.memory_space<vmem_shared>> -> memref<10000x16xf32, #tpu.memory_space<vmem_shared>>
        %dma_wait3A_702 = tpu.memref_slice %arg18[%dma_wait3A_695] : memref<10x!tpu.dma_semaphore, #tpu.memory_space<semaphore_mem>> -> memref<1x!tpu.dma_semaphore, #tpu.memory_space<semaphore_mem>>
        %dma_wait3A_703 = tpu.memref_squeeze %dma_wait3A_702 : memref<1x!tpu.dma_semaphore, #tpu.memory_space<semaphore_mem>> -> memref<!tpu.dma_semaphore, #tpu.memory_space<semaphore_mem>>
        tpu.wait_indirect_dma semaphore(%dma_wait3A_703 : memref<!tpu.dma_semaphore, #tpu.memory_space<semaphore_mem>>) src(%arg10 : memref<80x16xf32, #tpu.memory_space<vmem>>) dst(%dma_wait3A_701 : memref<10000x16xf32, #tpu.memory_space<vmem_shared>>)
      } else {
      }
      %mul3A_658 = arith.constant 10 : i32
      %mul3A_659 = arith.muli %scan3A_514, %mul3A_658 : i32
      %add3A_660 = arith.constant 8 : i32
      %add3A_661 = arith.addi %mul3A_659, %add3A_660 : i32
      %dma_start3A_662 = arith.constant 8 : i32
      %dma_start3A_663 = arith.constant 0 : i32
      %dma_start3A_664 = tpu.memref_slice %arg9[%add3A_661, %dma_start3A_663] : memref<250x80xi32, #tpu.memory_space<vmem>> -> memref<1x80xi32, #tpu.memory_space<vmem>>
      %dma_start3A_665 = tpu.memref_squeeze %dma_start3A_664 : memref<1x80xi32, #tpu.memory_space<vmem>> -> memref<80xi32, #tpu.memory_space<vmem>>
      %dma_start3A_666 = arith.constant 0 : i32
      %dma_start3A_667 = arith.constant 0 : i32
      %dma_start3A_668 = tpu.memref_slice %arg15[%dma_start3A_666, %dma_start3A_667] : memref<10000x16xf32, #tpu.memory_space<vmem_shared>> -> memref<10000x16xf32, #tpu.memory_space<vmem_shared>>
      %dma_start3A_669 = tpu.memref_slice %arg18[%dma_start3A_662] : memref<10x!tpu.dma_semaphore, #tpu.memory_space<semaphore_mem>> -> memref<1x!tpu.dma_semaphore, #tpu.memory_space<semaphore_mem>>
      %dma_start3A_670 = tpu.memref_squeeze %dma_start3A_669 : memref<1x!tpu.dma_semaphore, #tpu.memory_space<semaphore_mem>> -> memref<!tpu.dma_semaphore, #tpu.memory_space<semaphore_mem>>
      tpu.enqueue_indirect_dma source(%arg10 : memref<80x16xf32, #tpu.memory_space<vmem>>) target(%dma_start3A_668 : memref<10000x16xf32, #tpu.memory_space<vmem_shared>>) offsets(%dma_start3A_665 : memref<80xi32, #tpu.memory_space<vmem>>) semaphore(%dma_start3A_670 : memref<!tpu.dma_semaphore, #tpu.memory_space<semaphore_mem>>) {add = true}
      %ge3A_671 = arith.constant 1 : i32
      %ge3A_672 = arith.cmpi sge, %scan3A_514, %ge3A_671 : i32
      %convert_element_type3A_673 = arith.extui %ge3A_672 : i1 to i32
      %cond3A_674 = arith.constant 0 : i32
      %cond3A_675 = arith.cmpi ne, %convert_element_type3A_673, %cond3A_674 : i32
      scf.if %cond3A_675 {
        %sub3A = arith.constant 10 : i32
        %sub3A_694 = arith.subi %add3A_661, %sub3A : i32
        %dma_wait3A_695 = arith.constant 8 : i32
        %dma_wait3A_696 = arith.constant 0 : i32
        %dma_wait3A_697 = tpu.memref_slice %arg9[%sub3A_694, %dma_wait3A_696] : memref<250x80xi32, #tpu.memory_space<vmem>> -> memref<1x80xi32, #tpu.memory_space<vmem>>
        %dma_wait3A_698 = tpu.memref_squeeze %dma_wait3A_697 : memref<1x80xi32, #tpu.memory_space<vmem>> -> memref<80xi32, #tpu.memory_space<vmem>>
        %dma_wait3A_699 = arith.constant 0 : i32
        %dma_wait3A_700 = arith.constant 0 : i32
        %dma_wait3A_701 = tpu.memref_slice %arg15[%dma_wait3A_699, %dma_wait3A_700] : memref<10000x16xf32, #tpu.memory_space<vmem_shared>> -> memref<10000x16xf32, #tpu.memory_space<vmem_shared>>
        %dma_wait3A_702 = tpu.memref_slice %arg18[%dma_wait3A_695] : memref<10x!tpu.dma_semaphore, #tpu.memory_space<semaphore_mem>> -> memref<1x!tpu.dma_semaphore, #tpu.memory_space<semaphore_mem>>
        %dma_wait3A_703 = tpu.memref_squeeze %dma_wait3A_702 : memref<1x!tpu.dma_semaphore, #tpu.memory_space<semaphore_mem>> -> memref<!tpu.dma_semaphore, #tpu.memory_space<semaphore_mem>>
        tpu.wait_indirect_dma semaphore(%dma_wait3A_703 : memref<!tpu.dma_semaphore, #tpu.memory_space<semaphore_mem>>) src(%arg10 : memref<80x16xf32, #tpu.memory_space<vmem>>) dst(%dma_wait3A_701 : memref<10000x16xf32, #tpu.memory_space<vmem_shared>>)
      } else {
      }
      %mul3A_676 = arith.constant 10 : i32
      %mul3A_677 = arith.muli %scan3A_514, %mul3A_676 : i32
      %add3A_678 = arith.constant 9 : i32
      %add3A_679 = arith.addi %mul3A_677, %add3A_678 : i32
      %dma_start3A_680 = arith.constant 9 : i32
      %dma_start3A_681 = arith.constant 0 : i32
      %dma_start3A_682 = tpu.memref_slice %arg9[%add3A_679, %dma_start3A_681] : memref<250x80xi32, #tpu.memory_space<vmem>> -> memref<1x80xi32, #tpu.memory_space<vmem>>
      %dma_start3A_683 = tpu.memref_squeeze %dma_start3A_682 : memref<1x80xi32, #tpu.memory_space<vmem>> -> memref<80xi32, #tpu.memory_space<vmem>>
      %dma_start3A_684 = arith.constant 0 : i32
      %dma_start3A_685 = arith.constant 0 : i32
      %dma_start3A_686 = tpu.memref_slice %arg15[%dma_start3A_684, %dma_start3A_685] : memref<10000x16xf32, #tpu.memory_space<vmem_shared>> -> memref<10000x16xf32, #tpu.memory_space<vmem_shared>>
      %dma_start3A_687 = tpu.memref_slice %arg18[%dma_start3A_680] : memref<10x!tpu.dma_semaphore, #tpu.memory_space<semaphore_mem>> -> memref<1x!tpu.dma_semaphore, #tpu.memory_space<semaphore_mem>>
      %dma_start3A_688 = tpu.memref_squeeze %dma_start3A_687 : memref<1x!tpu.dma_semaphore, #tpu.memory_space<semaphore_mem>> -> memref<!tpu.dma_semaphore, #tpu.memory_space<semaphore_mem>>
      tpu.enqueue_indirect_dma source(%arg10 : memref<80x16xf32, #tpu.memory_space<vmem>>) target(%dma_start3A_686 : memref<10000x16xf32, #tpu.memory_space<vmem_shared>>) offsets(%dma_start3A_683 : memref<80xi32, #tpu.memory_space<vmem>>) semaphore(%dma_start3A_688 : memref<!tpu.dma_semaphore, #tpu.memory_space<semaphore_mem>>) {add = true}
      %ge3A_689 = arith.constant 1 : i32
      %ge3A_690 = arith.cmpi sge, %scan3A_514, %ge3A_689 : i32
      %convert_element_type3A_691 = arith.extui %ge3A_690 : i1 to i32
      %cond3A_692 = arith.constant 0 : i32
      %cond3A_693 = arith.cmpi ne, %convert_element_type3A_691, %cond3A_692 : i32
      scf.if %cond3A_693 {
        %sub3A = arith.constant 10 : i32
        %sub3A_694 = arith.subi %add3A_679, %sub3A : i32
        %dma_wait3A_695 = arith.constant 9 : i32
        %dma_wait3A_696 = arith.constant 0 : i32
        %dma_wait3A_697 = tpu.memref_slice %arg9[%sub3A_694, %dma_wait3A_696] : memref<250x80xi32, #tpu.memory_space<vmem>> -> memref<1x80xi32, #tpu.memory_space<vmem>>
        %dma_wait3A_698 = tpu.memref_squeeze %dma_wait3A_697 : memref<1x80xi32, #tpu.memory_space<vmem>> -> memref<80xi32, #tpu.memory_space<vmem>>
        %dma_wait3A_699 = arith.constant 0 : i32
        %dma_wait3A_700 = arith.constant 0 : i32
        %dma_wait3A_701 = tpu.memref_slice %arg15[%dma_wait3A_699, %dma_wait3A_700] : memref<10000x16xf32, #tpu.memory_space<vmem_shared>> -> memref<10000x16xf32, #tpu.memory_space<vmem_shared>>
        %dma_wait3A_702 = tpu.memref_slice %arg18[%dma_wait3A_695] : memref<10x!tpu.dma_semaphore, #tpu.memory_space<semaphore_mem>> -> memref<1x!tpu.dma_semaphore, #tpu.memory_space<semaphore_mem>>
        %dma_wait3A_703 = tpu.memref_squeeze %dma_wait3A_702 : memref<1x!tpu.dma_semaphore, #tpu.memory_space<semaphore_mem>> -> memref<!tpu.dma_semaphore, #tpu.memory_space<semaphore_mem>>
        tpu.wait_indirect_dma semaphore(%dma_wait3A_703 : memref<!tpu.dma_semaphore, #tpu.memory_space<semaphore_mem>>) src(%arg10 : memref<80x16xf32, #tpu.memory_space<vmem>>) dst(%dma_wait3A_701 : memref<10000x16xf32, #tpu.memory_space<vmem_shared>>)
      } else {
      }
    }
    %scan3A_5 = arith.constant 25 : i32
    %dma_wait3A = arith.constant 240 : i32
    %dma_wait3A_6 = arith.constant 0 : i32
    %dma_wait3A_7 = arith.constant 0 : i32
    %dma_wait3A_8 = tpu.memref_slice %arg9[%dma_wait3A, %dma_wait3A_7] : memref<250x80xi32, #tpu.memory_space<vmem>> -> memref<1x80xi32, #tpu.memory_space<vmem>>
    %dma_wait3A_9 = tpu.memref_squeeze %dma_wait3A_8 : memref<1x80xi32, #tpu.memory_space<vmem>> -> memref<80xi32, #tpu.memory_space<vmem>>
    %dma_wait3A_10 = arith.constant 0 : i32
    %dma_wait3A_11 = arith.constant 0 : i32
    %dma_wait3A_12 = tpu.memref_slice %arg15[%dma_wait3A_10, %dma_wait3A_11] : memref<10000x16xf32, #tpu.memory_space<vmem_shared>> -> memref<10000x16xf32, #tpu.memory_space<vmem_shared>>
    %dma_wait3A_13 = tpu.memref_slice %arg18[%dma_wait3A_6] : memref<10x!tpu.dma_semaphore, #tpu.memory_space<semaphore_mem>> -> memref<1x!tpu.dma_semaphore, #tpu.memory_space<semaphore_mem>>
    %dma_wait3A_14 = tpu.memref_squeeze %dma_wait3A_13 : memref<1x!tpu.dma_semaphore, #tpu.memory_space<semaphore_mem>> -> memref<!tpu.dma_semaphore, #tpu.memory_space<semaphore_mem>>
    tpu.wait_indirect_dma semaphore(%dma_wait3A_14 : memref<!tpu.dma_semaphore, #tpu.memory_space<semaphore_mem>>) src(%arg10 : memref<80x16xf32, #tpu.memory_space<vmem>>) dst(%dma_wait3A_12 : memref<10000x16xf32, #tpu.memory_space<vmem_shared>>)
    %dma_wait3A_15 = arith.constant 241 : i32
    %dma_wait3A_16 = arith.constant 1 : i32
    %dma_wait3A_17 = arith.constant 0 : i32
    %dma_wait3A_18 = tpu.memref_slice %arg9[%dma_wait3A_15, %dma_wait3A_17] : memref<250x80xi32, #tpu.memory_space<vmem>> -> memref<1x80xi32, #tpu.memory_space<vmem>>
    %dma_wait3A_19 = tpu.memref_squeeze %dma_wait3A_18 : memref<1x80xi32, #tpu.memory_space<vmem>> -> memref<80xi32, #tpu.memory_space<vmem>>
    %dma_wait3A_20 = arith.constant 0 : i32
    %dma_wait3A_21 = arith.constant 0 : i32
    %dma_wait3A_22 = tpu.memref_slice %arg15[%dma_wait3A_20, %dma_wait3A_21] : memref<10000x16xf32, #tpu.memory_space<vmem_shared>> -> memref<10000x16xf32, #tpu.memory_space<vmem_shared>>
    %dma_wait3A_23 = tpu.memref_slice %arg18[%dma_wait3A_16] : memref<10x!tpu.dma_semaphore, #tpu.memory_space<semaphore_mem>> -> memref<1x!tpu.dma_semaphore, #tpu.memory_space<semaphore_mem>>
    %dma_wait3A_24 = tpu.memref_squeeze %dma_wait3A_23 : memref<1x!tpu.dma_semaphore, #tpu.memory_space<semaphore_mem>> -> memref<!tpu.dma_semaphore, #tpu.memory_space<semaphore_mem>>
    tpu.wait_indirect_dma semaphore(%dma_wait3A_24 : memref<!tpu.dma_semaphore, #tpu.memory_space<semaphore_mem>>) src(%arg10 : memref<80x16xf32, #tpu.memory_space<vmem>>) dst(%dma_wait3A_22 : memref<10000x16xf32, #tpu.memory_space<vmem_shared>>)
    %dma_wait3A_25 = arith.constant 242 : i32
    %dma_wait3A_26 = arith.constant 2 : i32
    %dma_wait3A_27 = arith.constant 0 : i32
    %dma_wait3A_28 = tpu.memref_slice %arg9[%dma_wait3A_25, %dma_wait3A_27] : memref<250x80xi32, #tpu.memory_space<vmem>> -> memref<1x80xi32, #tpu.memory_space<vmem>>
    %dma_wait3A_29 = tpu.memref_squeeze %dma_wait3A_28 : memref<1x80xi32, #tpu.memory_space<vmem>> -> memref<80xi32, #tpu.memory_space<vmem>>
    %dma_wait3A_30 = arith.constant 0 : i32
    %dma_wait3A_31 = arith.constant 0 : i32
    %dma_wait3A_32 = tpu.memref_slice %arg15[%dma_wait3A_30, %dma_wait3A_31] : memref<10000x16xf32, #tpu.memory_space<vmem_shared>> -> memref<10000x16xf32, #tpu.memory_space<vmem_shared>>
    %dma_wait3A_33 = tpu.memref_slice %arg18[%dma_wait3A_26] : memref<10x!tpu.dma_semaphore, #tpu.memory_space<semaphore_mem>> -> memref<1x!tpu.dma_semaphore, #tpu.memory_space<semaphore_mem>>
    %dma_wait3A_34 = tpu.memref_squeeze %dma_wait3A_33 : memref<1x!tpu.dma_semaphore, #tpu.memory_space<semaphore_mem>> -> memref<!tpu.dma_semaphore, #tpu.memory_space<semaphore_mem>>
    tpu.wait_indirect_dma semaphore(%dma_wait3A_34 : memref<!tpu.dma_semaphore, #tpu.memory_space<semaphore_mem>>) src(%arg10 : memref<80x16xf32, #tpu.memory_space<vmem>>) dst(%dma_wait3A_32 : memref<10000x16xf32, #tpu.memory_space<vmem_shared>>)
    %dma_wait3A_35 = arith.constant 243 : i32
    %dma_wait3A_36 = arith.constant 3 : i32
    %dma_wait3A_37 = arith.constant 0 : i32
    %dma_wait3A_38 = tpu.memref_slice %arg9[%dma_wait3A_35, %dma_wait3A_37] : memref<250x80xi32, #tpu.memory_space<vmem>> -> memref<1x80xi32, #tpu.memory_space<vmem>>
    %dma_wait3A_39 = tpu.memref_squeeze %dma_wait3A_38 : memref<1x80xi32, #tpu.memory_space<vmem>> -> memref<80xi32, #tpu.memory_space<vmem>>
    %dma_wait3A_40 = arith.constant 0 : i32
    %dma_wait3A_41 = arith.constant 0 : i32
    %dma_wait3A_42 = tpu.memref_slice %arg15[%dma_wait3A_40, %dma_wait3A_41] : memref<10000x16xf32, #tpu.memory_space<vmem_shared>> -> memref<10000x16xf32, #tpu.memory_space<vmem_shared>>
    %dma_wait3A_43 = tpu.memref_slice %arg18[%dma_wait3A_36] : memref<10x!tpu.dma_semaphore, #tpu.memory_space<semaphore_mem>> -> memref<1x!tpu.dma_semaphore, #tpu.memory_space<semaphore_mem>>
    %dma_wait3A_44 = tpu.memref_squeeze %dma_wait3A_43 : memref<1x!tpu.dma_semaphore, #tpu.memory_space<semaphore_mem>> -> memref<!tpu.dma_semaphore, #tpu.memory_space<semaphore_mem>>
    tpu.wait_indirect_dma semaphore(%dma_wait3A_44 : memref<!tpu.dma_semaphore, #tpu.memory_space<semaphore_mem>>) src(%arg10 : memref<80x16xf32, #tpu.memory_space<vmem>>) dst(%dma_wait3A_42 : memref<10000x16xf32, #tpu.memory_space<vmem_shared>>)
    %dma_wait3A_45 = arith.constant 244 : i32
    %dma_wait3A_46 = arith.constant 4 : i32
    %dma_wait3A_47 = arith.constant 0 : i32
    %dma_wait3A_48 = tpu.memref_slice %arg9[%dma_wait3A_45, %dma_wait3A_47] : memref<250x80xi32, #tpu.memory_space<vmem>> -> memref<1x80xi32, #tpu.memory_space<vmem>>
    %dma_wait3A_49 = tpu.memref_squeeze %dma_wait3A_48 : memref<1x80xi32, #tpu.memory_space<vmem>> -> memref<80xi32, #tpu.memory_space<vmem>>
    %dma_wait3A_50 = arith.constant 0 : i32
    %dma_wait3A_51 = arith.constant 0 : i32
    %dma_wait3A_52 = tpu.memref_slice %arg15[%dma_wait3A_50, %dma_wait3A_51] : memref<10000x16xf32, #tpu.memory_space<vmem_shared>> -> memref<10000x16xf32, #tpu.memory_space<vmem_shared>>
    %dma_wait3A_53 = tpu.memref_slice %arg18[%dma_wait3A_46] : memref<10x!tpu.dma_semaphore, #tpu.memory_space<semaphore_mem>> -> memref<1x!tpu.dma_semaphore, #tpu.memory_space<semaphore_mem>>
    %dma_wait3A_54 = tpu.memref_squeeze %dma_wait3A_53 : memref<1x!tpu.dma_semaphore, #tpu.memory_space<semaphore_mem>> -> memref<!tpu.dma_semaphore, #tpu.memory_space<semaphore_mem>>
    tpu.wait_indirect_dma semaphore(%dma_wait3A_54 : memref<!tpu.dma_semaphore, #tpu.memory_space<semaphore_mem>>) src(%arg10 : memref<80x16xf32, #tpu.memory_space<vmem>>) dst(%dma_wait3A_52 : memref<10000x16xf32, #tpu.memory_space<vmem_shared>>)
    %dma_wait3A_55 = arith.constant 245 : i32
    %dma_wait3A_56 = arith.constant 5 : i32
    %dma_wait3A_57 = arith.constant 0 : i32
    %dma_wait3A_58 = tpu.memref_slice %arg9[%dma_wait3A_55, %dma_wait3A_57] : memref<250x80xi32, #tpu.memory_space<vmem>> -> memref<1x80xi32, #tpu.memory_space<vmem>>
    %dma_wait3A_59 = tpu.memref_squeeze %dma_wait3A_58 : memref<1x80xi32, #tpu.memory_space<vmem>> -> memref<80xi32, #tpu.memory_space<vmem>>
    %dma_wait3A_60 = arith.constant 0 : i32
    %dma_wait3A_61 = arith.constant 0 : i32
    %dma_wait3A_62 = tpu.memref_slice %arg15[%dma_wait3A_60, %dma_wait3A_61] : memref<10000x16xf32, #tpu.memory_space<vmem_shared>> -> memref<10000x16xf32, #tpu.memory_space<vmem_shared>>
    %dma_wait3A_63 = tpu.memref_slice %arg18[%dma_wait3A_56] : memref<10x!tpu.dma_semaphore, #tpu.memory_space<semaphore_mem>> -> memref<1x!tpu.dma_semaphore, #tpu.memory_space<semaphore_mem>>
    %dma_wait3A_64 = tpu.memref_squeeze %dma_wait3A_63 : memref<1x!tpu.dma_semaphore, #tpu.memory_space<semaphore_mem>> -> memref<!tpu.dma_semaphore, #tpu.memory_space<semaphore_mem>>
    tpu.wait_indirect_dma semaphore(%dma_wait3A_64 : memref<!tpu.dma_semaphore, #tpu.memory_space<semaphore_mem>>) src(%arg10 : memref<80x16xf32, #tpu.memory_space<vmem>>) dst(%dma_wait3A_62 : memref<10000x16xf32, #tpu.memory_space<vmem_shared>>)
    %dma_wait3A_65 = arith.constant 246 : i32
    %dma_wait3A_66 = arith.constant 6 : i32
    %dma_wait3A_67 = arith.constant 0 : i32
    %dma_wait3A_68 = tpu.memref_slice %arg9[%dma_wait3A_65, %dma_wait3A_67] : memref<250x80xi32, #tpu.memory_space<vmem>> -> memref<1x80xi32, #tpu.memory_space<vmem>>
    %dma_wait3A_69 = tpu.memref_squeeze %dma_wait3A_68 : memref<1x80xi32, #tpu.memory_space<vmem>> -> memref<80xi32, #tpu.memory_space<vmem>>
    %dma_wait3A_70 = arith.constant 0 : i32
    %dma_wait3A_71 = arith.constant 0 : i32
    %dma_wait3A_72 = tpu.memref_slice %arg15[%dma_wait3A_70, %dma_wait3A_71] : memref<10000x16xf32, #tpu.memory_space<vmem_shared>> -> memref<10000x16xf32, #tpu.memory_space<vmem_shared>>
    %dma_wait3A_73 = tpu.memref_slice %arg18[%dma_wait3A_66] : memref<10x!tpu.dma_semaphore, #tpu.memory_space<semaphore_mem>> -> memref<1x!tpu.dma_semaphore, #tpu.memory_space<semaphore_mem>>
    %dma_wait3A_74 = tpu.memref_squeeze %dma_wait3A_73 : memref<1x!tpu.dma_semaphore, #tpu.memory_space<semaphore_mem>> -> memref<!tpu.dma_semaphore, #tpu.memory_space<semaphore_mem>>
    tpu.wait_indirect_dma semaphore(%dma_wait3A_74 : memref<!tpu.dma_semaphore, #tpu.memory_space<semaphore_mem>>) src(%arg10 : memref<80x16xf32, #tpu.memory_space<vmem>>) dst(%dma_wait3A_72 : memref<10000x16xf32, #tpu.memory_space<vmem_shared>>)
    %dma_wait3A_75 = arith.constant 247 : i32
    %dma_wait3A_76 = arith.constant 7 : i32
    %dma_wait3A_77 = arith.constant 0 : i32
    %dma_wait3A_78 = tpu.memref_slice %arg9[%dma_wait3A_75, %dma_wait3A_77] : memref<250x80xi32, #tpu.memory_space<vmem>> -> memref<1x80xi32, #tpu.memory_space<vmem>>
    %dma_wait3A_79 = tpu.memref_squeeze %dma_wait3A_78 : memref<1x80xi32, #tpu.memory_space<vmem>> -> memref<80xi32, #tpu.memory_space<vmem>>
    %dma_wait3A_80 = arith.constant 0 : i32
    %dma_wait3A_81 = arith.constant 0 : i32
    %dma_wait3A_82 = tpu.memref_slice %arg15[%dma_wait3A_80, %dma_wait3A_81] : memref<10000x16xf32, #tpu.memory_space<vmem_shared>> -> memref<10000x16xf32, #tpu.memory_space<vmem_shared>>
    %dma_wait3A_83 = tpu.memref_slice %arg18[%dma_wait3A_76] : memref<10x!tpu.dma_semaphore, #tpu.memory_space<semaphore_mem>> -> memref<1x!tpu.dma_semaphore, #tpu.memory_space<semaphore_mem>>
    %dma_wait3A_84 = tpu.memref_squeeze %dma_wait3A_83 : memref<1x!tpu.dma_semaphore, #tpu.memory_space<semaphore_mem>> -> memref<!tpu.dma_semaphore, #tpu.memory_space<semaphore_mem>>
    tpu.wait_indirect_dma semaphore(%dma_wait3A_84 : memref<!tpu.dma_semaphore, #tpu.memory_space<semaphore_mem>>) src(%arg10 : memref<80x16xf32, #tpu.memory_space<vmem>>) dst(%dma_wait3A_82 : memref<10000x16xf32, #tpu.memory_space<vmem_shared>>)
    %dma_wait3A_85 = arith.constant 248 : i32
    %dma_wait3A_86 = arith.constant 8 : i32
    %dma_wait3A_87 = arith.constant 0 : i32
    %dma_wait3A_88 = tpu.memref_slice %arg9[%dma_wait3A_85, %dma_wait3A_87] : memref<250x80xi32, #tpu.memory_space<vmem>> -> memref<1x80xi32, #tpu.memory_space<vmem>>
    %dma_wait3A_89 = tpu.memref_squeeze %dma_wait3A_88 : memref<1x80xi32, #tpu.memory_space<vmem>> -> memref<80xi32, #tpu.memory_space<vmem>>
    %dma_wait3A_90 = arith.constant 0 : i32
    %dma_wait3A_91 = arith.constant 0 : i32
    %dma_wait3A_92 = tpu.memref_slice %arg15[%dma_wait3A_90, %dma_wait3A_91] : memref<10000x16xf32, #tpu.memory_space<vmem_shared>> -> memref<10000x16xf32, #tpu.memory_space<vmem_shared>>
    %dma_wait3A_93 = tpu.memref_slice %arg18[%dma_wait3A_86] : memref<10x!tpu.dma_semaphore, #tpu.memory_space<semaphore_mem>> -> memref<1x!tpu.dma_semaphore, #tpu.memory_space<semaphore_mem>>
    %dma_wait3A_94 = tpu.memref_squeeze %dma_wait3A_93 : memref<1x!tpu.dma_semaphore, #tpu.memory_space<semaphore_mem>> -> memref<!tpu.dma_semaphore, #tpu.memory_space<semaphore_mem>>
    tpu.wait_indirect_dma semaphore(%dma_wait3A_94 : memref<!tpu.dma_semaphore, #tpu.memory_space<semaphore_mem>>) src(%arg10 : memref<80x16xf32, #tpu.memory_space<vmem>>) dst(%dma_wait3A_92 : memref<10000x16xf32, #tpu.memory_space<vmem_shared>>)
    %dma_wait3A_95 = arith.constant 249 : i32
    %dma_wait3A_96 = arith.constant 9 : i32
    %dma_wait3A_97 = arith.constant 0 : i32
    %dma_wait3A_98 = tpu.memref_slice %arg9[%dma_wait3A_95, %dma_wait3A_97] : memref<250x80xi32, #tpu.memory_space<vmem>> -> memref<1x80xi32, #tpu.memory_space<vmem>>
    %dma_wait3A_99 = tpu.memref_squeeze %dma_wait3A_98 : memref<1x80xi32, #tpu.memory_space<vmem>> -> memref<80xi32, #tpu.memory_space<vmem>>
    %dma_wait3A_100 = arith.constant 0 : i32
    %dma_wait3A_101 = arith.constant 0 : i32
    %dma_wait3A_102 = tpu.memref_slice %arg15[%dma_wait3A_100, %dma_wait3A_101] : memref<10000x16xf32, #tpu.memory_space<vmem_shared>> -> memref<10000x16xf32, #tpu.memory_space<vmem_shared>>
    %dma_wait3A_103 = tpu.memref_slice %arg18[%dma_wait3A_96] : memref<10x!tpu.dma_semaphore, #tpu.memory_space<semaphore_mem>> -> memref<1x!tpu.dma_semaphore, #tpu.memory_space<semaphore_mem>>
    %dma_wait3A_104 = tpu.memref_squeeze %dma_wait3A_103 : memref<1x!tpu.dma_semaphore, #tpu.memory_space<semaphore_mem>> -> memref<!tpu.dma_semaphore, #tpu.memory_space<semaphore_mem>>
    tpu.wait_indirect_dma semaphore(%dma_wait3A_104 : memref<!tpu.dma_semaphore, #tpu.memory_space<semaphore_mem>>) src(%arg10 : memref<80x16xf32, #tpu.memory_space<vmem>>) dst(%dma_wait3A_102 : memref<10000x16xf32, #tpu.memory_space<vmem_shared>>)
    %barrier3A_105 = arith.constant 0 : index
    tpu.barrier barrier_id(%barrier3A_105)
    "tpu.region"() ({
      %run_scoped3A_514 = tpu.sem_alloc : memref<!tpu.dma_semaphore, #tpu.memory_space<semaphore_mem>>
      %dma_start3A_515 = arith.constant 0 : i32
      %dma_start3A_516 = tpu.memref_slice %arg15[%mul3A_0, %dma_start3A_515] : memref<10000x16xf32, #tpu.memory_space<vmem_shared>> -> memref<625x16xf32, #tpu.memory_space<vmem_shared>>
      %dma_start3A_517 = arith.constant 0 : i32
      %dma_start3A_518 = tpu.memref_slice %arg15[%mul3A_0, %dma_start3A_517] : memref<10000x16xf32, #tpu.memory_space<vmem_shared>> -> memref<625x16xf32, #tpu.memory_space<vmem_shared>>
      tpu.enqueue_dma source(%dma_start3A_518 : memref<625x16xf32, #tpu.memory_space<vmem_shared>>) target(%arg12 : memref<625x16xf32, #tpu.memory_space<vmem>>) target_semaphore(%run_scoped3A_514 : memref<!tpu.dma_semaphore, #tpu.memory_space<semaphore_mem>>)
      %dma_wait3A_519 = arith.constant 0 : i32
      %dma_wait3A_520 = tpu.memref_slice %arg15[%mul3A_0, %dma_wait3A_519] : memref<10000x16xf32, #tpu.memory_space<vmem_shared>> -> memref<625x16xf32, #tpu.memory_space<vmem_shared>>
      %dma_wait3A_521 = arith.constant 0 : i32
      %dma_wait3A_522 = tpu.memref_slice %arg15[%mul3A_0, %dma_wait3A_521] : memref<10000x16xf32, #tpu.memory_space<vmem_shared>> -> memref<625x16xf32, #tpu.memory_space<vmem_shared>>
      tpu.wait_dma2 semaphore(%run_scoped3A_514 : memref<!tpu.dma_semaphore, #tpu.memory_space<semaphore_mem>>) src(%dma_wait3A_522 : memref<625x16xf32, #tpu.memory_space<vmem_shared>>) dst(%arg12 : memref<625x16xf32, #tpu.memory_space<vmem>>)
      tpu.yield
    }) : () -> ()
    "tpu.region"() ({
      %run_scoped3A_514 = tpu.sem_alloc : memref<!tpu.dma_semaphore, #tpu.memory_space<semaphore_mem>>
      %dma_start3A_515 = arith.constant 0 : i32
      %dma_start3A_516 = tpu.memref_slice %arg2[%mul3A_0, %dma_start3A_515] : memref<10000x16xf32, #tpu.memory_space<hbm>> -> memref<625x16xf32, #tpu.memory_space<hbm>>
      %dma_start3A_517 = arith.constant 0 : i32
      %dma_start3A_518 = tpu.memref_slice %arg2[%mul3A_0, %dma_start3A_517] : memref<10000x16xf32, #tpu.memory_space<hbm>> -> memref<625x16xf32, #tpu.memory_space<hbm>>
      tpu.enqueue_dma source(%dma_start3A_518 : memref<625x16xf32, #tpu.memory_space<hbm>>) target(%arg13 : memref<625x16xf32, #tpu.memory_space<vmem>>) target_semaphore(%run_scoped3A_514 : memref<!tpu.dma_semaphore, #tpu.memory_space<semaphore_mem>>)
      %dma_wait3A_519 = arith.constant 0 : i32
      %dma_wait3A_520 = tpu.memref_slice %arg2[%mul3A_0, %dma_wait3A_519] : memref<10000x16xf32, #tpu.memory_space<hbm>> -> memref<625x16xf32, #tpu.memory_space<hbm>>
      %dma_wait3A_521 = arith.constant 0 : i32
      %dma_wait3A_522 = tpu.memref_slice %arg2[%mul3A_0, %dma_wait3A_521] : memref<10000x16xf32, #tpu.memory_space<hbm>> -> memref<625x16xf32, #tpu.memory_space<hbm>>
      tpu.wait_dma2 semaphore(%run_scoped3A_514 : memref<!tpu.dma_semaphore, #tpu.memory_space<semaphore_mem>>) src(%dma_wait3A_522 : memref<625x16xf32, #tpu.memory_space<hbm>>) dst(%arg13 : memref<625x16xf32, #tpu.memory_space<vmem>>)
      tpu.yield
    }) : () -> ()
    %scan3A_106 = arith.constant 0 : i32
    %scan3A_107 = arith.constant 625 : i32
    %scan3A_108 = arith.addi %scan3A_106, %scan3A_107 : i32
    %scan3A_109 = arith.constant 1 : i32
    scf.for %scan3A_514 = %scan3A_106 to %scan3A_108 step %scan3A_109  : i32 {
      %get3A = arith.index_cast %scan3A_514 : i32 to index
      %get3A_515 = arith.constant 0 : index
      %get3A_516 = tpu.vector_load %arg12[%get3A, %get3A_515] {strides = array<i32>} : memref<625x16xf32, #tpu.memory_space<vmem>>, vector<16xf32>,
      %add3A_517 = arith.constant 1.000000e+00 : f32
      %add3A_518 = vector.broadcast %add3A_517 : f32 to vector<16xf32>
      %add3A_519 = arith.addf %get3A_516, %add3A_518 : vector<16xf32>
      %bitcast3A = vector.bitcast %add3A_519 : vector<16xf32> to vector<16xi32>
      %shift_right_logical3A = arith.constant 1 : i32
      %shift_right_logical3A_520 = vector.broadcast %shift_right_logical3A : i32 to vector<16xi32>
      %shift_right_logical3A_521 = arith.shrui %bitcast3A, %shift_right_logical3A_520 : vector<16xi32>
      %sub3A = arith.constant 1597463007 : i32
      %sub3A_522 = vector.broadcast %sub3A : i32 to vector<16xi32>
      %sub3A_523 = arith.subi %sub3A_522, %shift_right_logical3A_521 : vector<16xi32>
      %bitcast3A_524 = vector.bitcast %sub3A_523 : vector<16xi32> to vector<16xf32>
      %mul3A_525 = arith.constant 5.000000e-01 : f32
      %mul3A_526 = vector.broadcast %mul3A_525 : f32 to vector<16xf32>
      %mul3A_527 = arith.mulf %mul3A_526, %add3A_519 : vector<16xf32>
      %mul3A_528 = arith.mulf %mul3A_527, %bitcast3A_524 : vector<16xf32>
      %mul3A_529 = arith.mulf %mul3A_528, %bitcast3A_524 : vector<16xf32>
      %sub3A_530 = arith.constant 1.500000e+00 : f32
      %sub3A_531 = vector.broadcast %sub3A_530 : f32 to vector<16xf32>
      %sub3A_532 = arith.subf %sub3A_531, %mul3A_529 : vector<16xf32>
      %mul3A_533 = arith.mulf %bitcast3A_524, %sub3A_532 : vector<16xf32>
      %mul3A_534 = arith.mulf %mul3A_527, %mul3A_533 : vector<16xf32>
      %mul3A_535 = arith.mulf %mul3A_534, %mul3A_533 : vector<16xf32>
      %sub3A_536 = arith.constant 1.500000e+00 : f32
      %sub3A_537 = vector.broadcast %sub3A_536 : f32 to vector<16xf32>
      %sub3A_538 = arith.subf %sub3A_537, %mul3A_535 : vector<16xf32>
      %mul3A_539 = arith.mulf %mul3A_533, %sub3A_538 : vector<16xf32>
      %mul3A_540 = arith.mulf %mul3A_527, %mul3A_539 : vector<16xf32>
      %mul3A_541 = arith.mulf %mul3A_540, %mul3A_539 : vector<16xf32>
      %sub3A_542 = arith.constant 1.500000e+00 : f32
      %sub3A_543 = vector.broadcast %sub3A_542 : f32 to vector<16xf32>
      %sub3A_544 = arith.subf %sub3A_543, %mul3A_541 : vector<16xf32>
      %mul3A_545 = arith.mulf %mul3A_539, %sub3A_544 : vector<16xf32>
      %swap3A = arith.index_cast %scan3A_514 : i32 to index
      %swap3A_546 = arith.constant 0 : index
      %swap3A_547 = tpu.vector_load %arg12[%swap3A, %swap3A_546] {strides = array<i32>} : memref<625x16xf32, #tpu.memory_space<vmem>>, vector<16xf32>,
      tpu.vector_store %arg12[%swap3A, %swap3A_546], %mul3A_545 {strides = array<i32>} : memref<625x16xf32, #tpu.memory_space<vmem>>, vector<16xf32>,
      %get3A_548 = arith.index_cast %scan3A_514 : i32 to index
      %get3A_549 = arith.constant 0 : index
      %get3A_550 = tpu.vector_load %arg13[%get3A_548, %get3A_549] {strides = array<i32>} : memref<625x16xf32, #tpu.memory_space<vmem>>, vector<16xf32>,
      %mul3A_551 = arith.mulf %mul3A_545, %get3A_550 : vector<16xf32>
      %swap3A_552 = arith.index_cast %scan3A_514 : i32 to index
      %swap3A_553 = arith.constant 0 : index
      %swap3A_554 = tpu.vector_load %arg13[%swap3A_552, %swap3A_553] {strides = array<i32>} : memref<625x16xf32, #tpu.memory_space<vmem>>, vector<16xf32>,
      tpu.vector_store %arg13[%swap3A_552, %swap3A_553], %mul3A_551 {strides = array<i32>} : memref<625x16xf32, #tpu.memory_space<vmem>>, vector<16xf32>,
    }
    %scan3A_110 = arith.constant 625 : i32
    "tpu.region"() ({
      %run_scoped3A_514 = tpu.sem_alloc : memref<!tpu.dma_semaphore, #tpu.memory_space<semaphore_mem>>
      %dma_start3A_515 = arith.constant 0 : i32
      %dma_start3A_516 = tpu.memref_slice %arg7[%arg0, %mul3A_0, %dma_start3A_515] : memref<2x10000x16xf32, #tpu.memory_space<hbm>> -> memref<1x625x16xf32, #tpu.memory_space<hbm>>
      %dma_start3A_517 = tpu.memref_squeeze %dma_start3A_516 : memref<1x625x16xf32, #tpu.memory_space<hbm>> -> memref<625x16xf32, #tpu.memory_space<hbm>>
      %dma_start3A_518 = arith.constant 0 : i32
      %dma_start3A_519 = tpu.memref_slice %arg7[%arg0, %mul3A_0, %dma_start3A_518] : memref<2x10000x16xf32, #tpu.memory_space<hbm>> -> memref<1x625x16xf32, #tpu.memory_space<hbm>>
      %dma_start3A_520 = tpu.memref_squeeze %dma_start3A_519 : memref<1x625x16xf32, #tpu.memory_space<hbm>> -> memref<625x16xf32, #tpu.memory_space<hbm>>
      tpu.enqueue_dma source(%arg12 : memref<625x16xf32, #tpu.memory_space<vmem>>) target(%dma_start3A_520 : memref<625x16xf32, #tpu.memory_space<hbm>>) target_semaphore(%run_scoped3A_514 : memref<!tpu.dma_semaphore, #tpu.memory_space<semaphore_mem>>)
      %dma_wait3A_521 = arith.constant 0 : i32
      %dma_wait3A_522 = tpu.memref_slice %arg7[%arg0, %mul3A_0, %dma_wait3A_521] : memref<2x10000x16xf32, #tpu.memory_space<hbm>> -> memref<1x625x16xf32, #tpu.memory_space<hbm>>
      %dma_wait3A_523 = tpu.memref_squeeze %dma_wait3A_522 : memref<1x625x16xf32, #tpu.memory_space<hbm>> -> memref<625x16xf32, #tpu.memory_space<hbm>>
      %dma_wait3A_524 = arith.constant 0 : i32
      %dma_wait3A_525 = tpu.memref_slice %arg7[%arg0, %mul3A_0, %dma_wait3A_524] : memref<2x10000x16xf32, #tpu.memory_space<hbm>> -> memref<1x625x16xf32, #tpu.memory_space<hbm>>
      %dma_wait3A_526 = tpu.memref_squeeze %dma_wait3A_525 : memref<1x625x16xf32, #tpu.memory_space<hbm>> -> memref<625x16xf32, #tpu.memory_space<hbm>>
      tpu.wait_dma2 semaphore(%run_scoped3A_514 : memref<!tpu.dma_semaphore, #tpu.memory_space<semaphore_mem>>) src(%arg12 : memref<625x16xf32, #tpu.memory_space<vmem>>) dst(%dma_wait3A_526 : memref<625x16xf32, #tpu.memory_space<hbm>>)
      tpu.yield
    }) : () -> ()
    "tpu.region"() ({
      %run_scoped3A_514 = tpu.sem_alloc : memref<!tpu.dma_semaphore, #tpu.memory_space<semaphore_mem>>
      %dma_start3A_515 = arith.constant 0 : i32
      %dma_start3A_516 = tpu.memref_slice %arg16[%mul3A_0, %dma_start3A_515] : memref<10000x16xf32, #tpu.memory_space<vmem_shared>> -> memref<625x16xf32, #tpu.memory_space<vmem_shared>>
      %dma_start3A_517 = arith.constant 0 : i32
      %dma_start3A_518 = tpu.memref_slice %arg16[%mul3A_0, %dma_start3A_517] : memref<10000x16xf32, #tpu.memory_space<vmem_shared>> -> memref<625x16xf32, #tpu.memory_space<vmem_shared>>
      tpu.enqueue_dma source(%arg13 : memref<625x16xf32, #tpu.memory_space<vmem>>) target(%dma_start3A_518 : memref<625x16xf32, #tpu.memory_space<vmem_shared>>) target_semaphore(%run_scoped3A_514 : memref<!tpu.dma_semaphore, #tpu.memory_space<semaphore_mem>>)
      %dma_wait3A_519 = arith.constant 0 : i32
      %dma_wait3A_520 = tpu.memref_slice %arg16[%mul3A_0, %dma_wait3A_519] : memref<10000x16xf32, #tpu.memory_space<vmem_shared>> -> memref<625x16xf32, #tpu.memory_space<vmem_shared>>
      %dma_wait3A_521 = arith.constant 0 : i32
      %dma_wait3A_522 = tpu.memref_slice %arg16[%mul3A_0, %dma_wait3A_521] : memref<10000x16xf32, #tpu.memory_space<vmem_shared>> -> memref<625x16xf32, #tpu.memory_space<vmem_shared>>
      tpu.wait_dma2 semaphore(%run_scoped3A_514 : memref<!tpu.dma_semaphore, #tpu.memory_space<semaphore_mem>>) src(%arg13 : memref<625x16xf32, #tpu.memory_space<vmem>>) dst(%dma_wait3A_522 : memref<625x16xf32, #tpu.memory_space<vmem_shared>>)
      tpu.yield
    }) : () -> ()
    %eq3A = arith.constant 0 : i32
    %eq3A_111 = arith.cmpi eq, %arg0, %eq3A : i32
    %convert_element_type3A = arith.extui %eq3A_111 : i1 to i32
    %cond3A = arith.constant 0 : i32
    %cond3A_112 = arith.cmpi ne, %convert_element_type3A, %cond3A : i32
    scf.if %cond3A_112 {
      "tpu.region"() ({
        %run_scoped3A_514 = tpu.sem_alloc : memref<!tpu.dma_semaphore, #tpu.memory_space<semaphore_mem>>
        %dma_start3A_515 = arith.constant 0 : i32
        %dma_start3A_516 = tpu.memref_slice %arg15[%mul3A_0, %dma_start3A_515] : memref<10000x16xf32, #tpu.memory_space<vmem_shared>> -> memref<625x16xf32, #tpu.memory_space<vmem_shared>>
        %dma_start3A_517 = arith.constant 0 : i32
        %dma_start3A_518 = tpu.memref_slice %arg15[%mul3A_0, %dma_start3A_517] : memref<10000x16xf32, #tpu.memory_space<vmem_shared>> -> memref<625x16xf32, #tpu.memory_space<vmem_shared>>
        tpu.enqueue_dma source(%arg13 : memref<625x16xf32, #tpu.memory_space<vmem>>) target(%dma_start3A_518 : memref<625x16xf32, #tpu.memory_space<vmem_shared>>) target_semaphore(%run_scoped3A_514 : memref<!tpu.dma_semaphore, #tpu.memory_space<semaphore_mem>>)
        %dma_wait3A_519 = arith.constant 0 : i32
        %dma_wait3A_520 = tpu.memref_slice %arg15[%mul3A_0, %dma_wait3A_519] : memref<10000x16xf32, #tpu.memory_space<vmem_shared>> -> memref<625x16xf32, #tpu.memory_space<vmem_shared>>
        %dma_wait3A_521 = arith.constant 0 : i32
        %dma_wait3A_522 = tpu.memref_slice %arg15[%mul3A_0, %dma_wait3A_521] : memref<10000x16xf32, #tpu.memory_space<vmem_shared>> -> memref<625x16xf32, #tpu.memory_space<vmem_shared>>
        tpu.wait_dma2 semaphore(%run_scoped3A_514 : memref<!tpu.dma_semaphore, #tpu.memory_space<semaphore_mem>>) src(%arg13 : memref<625x16xf32, #tpu.memory_space<vmem>>) dst(%dma_wait3A_522 : memref<625x16xf32, #tpu.memory_space<vmem_shared>>)
        tpu.yield
      }) : () -> ()
    } else {
    }
    %ne3A = arith.constant 0 : i32
    %ne3A_113 = arith.cmpi ne, %arg0, %ne3A : i32
    %convert_element_type3A_114 = arith.extui %ne3A_113 : i1 to i32
    %cond3A_115 = arith.constant 0 : i32
    %cond3A_116 = arith.cmpi ne, %convert_element_type3A_114, %cond3A_115 : i32
    scf.if %cond3A_116 {
      "tpu.region"() ({
        %run_scoped3A_514 = tpu.sem_alloc : memref<!tpu.dma_semaphore, #tpu.memory_space<semaphore_mem>>
        %dma_start3A_515 = arith.constant 0 : i32
        %dma_start3A_516 = tpu.memref_slice %arg15[%mul3A_0, %dma_start3A_515] : memref<10000x16xf32, #tpu.memory_space<vmem_shared>> -> memref<625x16xf32, #tpu.memory_space<vmem_shared>>
        %dma_start3A_517 = arith.constant 0 : i32
        %dma_start3A_518 = tpu.memref_slice %arg15[%mul3A_0, %dma_start3A_517] : memref<10000x16xf32, #tpu.memory_space<vmem_shared>> -> memref<625x16xf32, #tpu.memory_space<vmem_shared>>
        tpu.enqueue_dma source(%arg11 : memref<625x16xf32, #tpu.memory_space<vmem>>) target(%dma_start3A_518 : memref<625x16xf32, #tpu.memory_space<vmem_shared>>) target_semaphore(%run_scoped3A_514 : memref<!tpu.dma_semaphore, #tpu.memory_space<semaphore_mem>>)
        %dma_wait3A_519 = arith.constant 0 : i32
        %dma_wait3A_520 = tpu.memref_slice %arg15[%mul3A_0, %dma_wait3A_519] : memref<10000x16xf32, #tpu.memory_space<vmem_shared>> -> memref<625x16xf32, #tpu.memory_space<vmem_shared>>
        %dma_wait3A_521 = arith.constant 0 : i32
        %dma_wait3A_522 = tpu.memref_slice %arg15[%mul3A_0, %dma_wait3A_521] : memref<10000x16xf32, #tpu.memory_space<vmem_shared>> -> memref<625x16xf32, #tpu.memory_space<vmem_shared>>
        tpu.wait_dma2 semaphore(%run_scoped3A_514 : memref<!tpu.dma_semaphore, #tpu.memory_space<semaphore_mem>>) src(%arg11 : memref<625x16xf32, #tpu.memory_space<vmem>>) dst(%dma_wait3A_522 : memref<625x16xf32, #tpu.memory_space<vmem_shared>>)
        tpu.yield
      }) : () -> ()
    } else {
    }
    %barrier3A_117 = arith.constant 0 : index
    tpu.barrier barrier_id(%barrier3A_117)
    %mul3A_118 = arith.constant 125 : i32
    %mul3A_119 = arith.muli %arg0, %mul3A_118 : i32
    %add3A = arith.constant 0 : i32
    %add3A_120 = arith.addi %mul3A_119, %add3A : i32
    %dma_start3A = arith.constant 0 : i32
    %dma_start3A_121 = arith.constant 0 : i32
    %dma_start3A_122 = arith.constant 0 : i32
    %dma_start3A_123 = arith.constant 0 : i32
    %dma_start3A_124 = tpu.memref_slice %arg14[%dma_start3A, %dma_start3A_122, %dma_start3A_123] : memref<10x80x16xf32, #tpu.memory_space<vmem>> -> memref<1x80x16xf32, #tpu.memory_space<vmem>>
    %dma_start3A_125 = tpu.memref_squeeze %dma_start3A_124 : memref<1x80x16xf32, #tpu.memory_space<vmem>> -> memref<80x16xf32, #tpu.memory_space<vmem>>
    %dma_start3A_126 = arith.constant 0 : i32
    %dma_start3A_127 = tpu.memref_slice %arg8[%add3A_120, %dma_start3A_126] : memref<250x80xi32, #tpu.memory_space<vmem>> -> memref<1x80xi32, #tpu.memory_space<vmem>>
    %dma_start3A_128 = tpu.memref_squeeze %dma_start3A_127 : memref<1x80xi32, #tpu.memory_space<vmem>> -> memref<80xi32, #tpu.memory_space<vmem>>
    %dma_start3A_129 = arith.constant 0 : i32
    %dma_start3A_130 = arith.constant 0 : i32
    %dma_start3A_131 = tpu.memref_slice %arg16[%dma_start3A_129, %dma_start3A_130] : memref<10000x16xf32, #tpu.memory_space<vmem_shared>> -> memref<10000x16xf32, #tpu.memory_space<vmem_shared>>
    %dma_start3A_132 = tpu.memref_slice %arg17[%dma_start3A_121] : memref<10x!tpu.dma_semaphore, #tpu.memory_space<semaphore_mem>> -> memref<1x!tpu.dma_semaphore, #tpu.memory_space<semaphore_mem>>
    %dma_start3A_133 = tpu.memref_squeeze %dma_start3A_132 : memref<1x!tpu.dma_semaphore, #tpu.memory_space<semaphore_mem>> -> memref<!tpu.dma_semaphore, #tpu.memory_space<semaphore_mem>>
    tpu.enqueue_indirect_dma source(%dma_start3A_131 : memref<10000x16xf32, #tpu.memory_space<vmem_shared>>) target(%dma_start3A_125 : memref<80x16xf32, #tpu.memory_space<vmem>>) offsets(%dma_start3A_128 : memref<80xi32, #tpu.memory_space<vmem>>) semaphore(%dma_start3A_133 : memref<!tpu.dma_semaphore, #tpu.memory_space<semaphore_mem>>)
    %add3A_134 = arith.constant 1 : i32
    %add3A_135 = arith.addi %mul3A_119, %add3A_134 : i32
    %dma_start3A_136 = arith.constant 1 : i32
    %dma_start3A_137 = arith.constant 1 : i32
    %dma_start3A_138 = arith.constant 0 : i32
    %dma_start3A_139 = arith.constant 0 : i32
    %dma_start3A_140 = tpu.memref_slice %arg14[%dma_start3A_136, %dma_start3A_138, %dma_start3A_139] : memref<10x80x16xf32, #tpu.memory_space<vmem>> -> memref<1x80x16xf32, #tpu.memory_space<vmem>>
    %dma_start3A_141 = tpu.memref_squeeze %dma_start3A_140 : memref<1x80x16xf32, #tpu.memory_space<vmem>> -> memref<80x16xf32, #tpu.memory_space<vmem>>
    %dma_start3A_142 = arith.constant 0 : i32
    %dma_start3A_143 = tpu.memref_slice %arg8[%add3A_135, %dma_start3A_142] : memref<250x80xi32, #tpu.memory_space<vmem>> -> memref<1x80xi32, #tpu.memory_space<vmem>>
    %dma_start3A_144 = tpu.memref_squeeze %dma_start3A_143 : memref<1x80xi32, #tpu.memory_space<vmem>> -> memref<80xi32, #tpu.memory_space<vmem>>
    %dma_start3A_145 = arith.constant 0 : i32
    %dma_start3A_146 = arith.constant 0 : i32
    %dma_start3A_147 = tpu.memref_slice %arg16[%dma_start3A_145, %dma_start3A_146] : memref<10000x16xf32, #tpu.memory_space<vmem_shared>> -> memref<10000x16xf32, #tpu.memory_space<vmem_shared>>
    %dma_start3A_148 = tpu.memref_slice %arg17[%dma_start3A_137] : memref<10x!tpu.dma_semaphore, #tpu.memory_space<semaphore_mem>> -> memref<1x!tpu.dma_semaphore, #tpu.memory_space<semaphore_mem>>
    %dma_start3A_149 = tpu.memref_squeeze %dma_start3A_148 : memref<1x!tpu.dma_semaphore, #tpu.memory_space<semaphore_mem>> -> memref<!tpu.dma_semaphore, #tpu.memory_space<semaphore_mem>>
    tpu.enqueue_indirect_dma source(%dma_start3A_147 : memref<10000x16xf32, #tpu.memory_space<vmem_shared>>) target(%dma_start3A_141 : memref<80x16xf32, #tpu.memory_space<vmem>>) offsets(%dma_start3A_144 : memref<80xi32, #tpu.memory_space<vmem>>) semaphore(%dma_start3A_149 : memref<!tpu.dma_semaphore, #tpu.memory_space<semaphore_mem>>)
    %add3A_150 = arith.constant 2 : i32
    %add3A_151 = arith.addi %mul3A_119, %add3A_150 : i32
    %dma_start3A_152 = arith.constant 2 : i32
    %dma_start3A_153 = arith.constant 2 : i32
    %dma_start3A_154 = arith.constant 0 : i32
    %dma_start3A_155 = arith.constant 0 : i32
    %dma_start3A_156 = tpu.memref_slice %arg14[%dma_start3A_152, %dma_start3A_154, %dma_start3A_155] : memref<10x80x16xf32, #tpu.memory_space<vmem>> -> memref<1x80x16xf32, #tpu.memory_space<vmem>>
    %dma_start3A_157 = tpu.memref_squeeze %dma_start3A_156 : memref<1x80x16xf32, #tpu.memory_space<vmem>> -> memref<80x16xf32, #tpu.memory_space<vmem>>
    %dma_start3A_158 = arith.constant 0 : i32
    %dma_start3A_159 = tpu.memref_slice %arg8[%add3A_151, %dma_start3A_158] : memref<250x80xi32, #tpu.memory_space<vmem>> -> memref<1x80xi32, #tpu.memory_space<vmem>>
    %dma_start3A_160 = tpu.memref_squeeze %dma_start3A_159 : memref<1x80xi32, #tpu.memory_space<vmem>> -> memref<80xi32, #tpu.memory_space<vmem>>
    %dma_start3A_161 = arith.constant 0 : i32
    %dma_start3A_162 = arith.constant 0 : i32
    %dma_start3A_163 = tpu.memref_slice %arg16[%dma_start3A_161, %dma_start3A_162] : memref<10000x16xf32, #tpu.memory_space<vmem_shared>> -> memref<10000x16xf32, #tpu.memory_space<vmem_shared>>
    %dma_start3A_164 = tpu.memref_slice %arg17[%dma_start3A_153] : memref<10x!tpu.dma_semaphore, #tpu.memory_space<semaphore_mem>> -> memref<1x!tpu.dma_semaphore, #tpu.memory_space<semaphore_mem>>
    %dma_start3A_165 = tpu.memref_squeeze %dma_start3A_164 : memref<1x!tpu.dma_semaphore, #tpu.memory_space<semaphore_mem>> -> memref<!tpu.dma_semaphore, #tpu.memory_space<semaphore_mem>>
    tpu.enqueue_indirect_dma source(%dma_start3A_163 : memref<10000x16xf32, #tpu.memory_space<vmem_shared>>) target(%dma_start3A_157 : memref<80x16xf32, #tpu.memory_space<vmem>>) offsets(%dma_start3A_160 : memref<80xi32, #tpu.memory_space<vmem>>) semaphore(%dma_start3A_165 : memref<!tpu.dma_semaphore, #tpu.memory_space<semaphore_mem>>)
    %add3A_166 = arith.constant 3 : i32
    %add3A_167 = arith.addi %mul3A_119, %add3A_166 : i32
    %dma_start3A_168 = arith.constant 3 : i32
    %dma_start3A_169 = arith.constant 3 : i32
    %dma_start3A_170 = arith.constant 0 : i32
    %dma_start3A_171 = arith.constant 0 : i32
    %dma_start3A_172 = tpu.memref_slice %arg14[%dma_start3A_168, %dma_start3A_170, %dma_start3A_171] : memref<10x80x16xf32, #tpu.memory_space<vmem>> -> memref<1x80x16xf32, #tpu.memory_space<vmem>>
    %dma_start3A_173 = tpu.memref_squeeze %dma_start3A_172 : memref<1x80x16xf32, #tpu.memory_space<vmem>> -> memref<80x16xf32, #tpu.memory_space<vmem>>
    %dma_start3A_174 = arith.constant 0 : i32
    %dma_start3A_175 = tpu.memref_slice %arg8[%add3A_167, %dma_start3A_174] : memref<250x80xi32, #tpu.memory_space<vmem>> -> memref<1x80xi32, #tpu.memory_space<vmem>>
    %dma_start3A_176 = tpu.memref_squeeze %dma_start3A_175 : memref<1x80xi32, #tpu.memory_space<vmem>> -> memref<80xi32, #tpu.memory_space<vmem>>
    %dma_start3A_177 = arith.constant 0 : i32
    %dma_start3A_178 = arith.constant 0 : i32
    %dma_start3A_179 = tpu.memref_slice %arg16[%dma_start3A_177, %dma_start3A_178] : memref<10000x16xf32, #tpu.memory_space<vmem_shared>> -> memref<10000x16xf32, #tpu.memory_space<vmem_shared>>
    %dma_start3A_180 = tpu.memref_slice %arg17[%dma_start3A_169] : memref<10x!tpu.dma_semaphore, #tpu.memory_space<semaphore_mem>> -> memref<1x!tpu.dma_semaphore, #tpu.memory_space<semaphore_mem>>
    %dma_start3A_181 = tpu.memref_squeeze %dma_start3A_180 : memref<1x!tpu.dma_semaphore, #tpu.memory_space<semaphore_mem>> -> memref<!tpu.dma_semaphore, #tpu.memory_space<semaphore_mem>>
    tpu.enqueue_indirect_dma source(%dma_start3A_179 : memref<10000x16xf32, #tpu.memory_space<vmem_shared>>) target(%dma_start3A_173 : memref<80x16xf32, #tpu.memory_space<vmem>>) offsets(%dma_start3A_176 : memref<80xi32, #tpu.memory_space<vmem>>) semaphore(%dma_start3A_181 : memref<!tpu.dma_semaphore, #tpu.memory_space<semaphore_mem>>)
    %add3A_182 = arith.constant 4 : i32
    %add3A_183 = arith.addi %mul3A_119, %add3A_182 : i32
    %dma_start3A_184 = arith.constant 4 : i32
    %dma_start3A_185 = arith.constant 4 : i32
    %dma_start3A_186 = arith.constant 0 : i32
    %dma_start3A_187 = arith.constant 0 : i32
    %dma_start3A_188 = tpu.memref_slice %arg14[%dma_start3A_184, %dma_start3A_186, %dma_start3A_187] : memref<10x80x16xf32, #tpu.memory_space<vmem>> -> memref<1x80x16xf32, #tpu.memory_space<vmem>>
    %dma_start3A_189 = tpu.memref_squeeze %dma_start3A_188 : memref<1x80x16xf32, #tpu.memory_space<vmem>> -> memref<80x16xf32, #tpu.memory_space<vmem>>
    %dma_start3A_190 = arith.constant 0 : i32
    %dma_start3A_191 = tpu.memref_slice %arg8[%add3A_183, %dma_start3A_190] : memref<250x80xi32, #tpu.memory_space<vmem>> -> memref<1x80xi32, #tpu.memory_space<vmem>>
    %dma_start3A_192 = tpu.memref_squeeze %dma_start3A_191 : memref<1x80xi32, #tpu.memory_space<vmem>> -> memref<80xi32, #tpu.memory_space<vmem>>
    %dma_start3A_193 = arith.constant 0 : i32
    %dma_start3A_194 = arith.constant 0 : i32
    %dma_start3A_195 = tpu.memref_slice %arg16[%dma_start3A_193, %dma_start3A_194] : memref<10000x16xf32, #tpu.memory_space<vmem_shared>> -> memref<10000x16xf32, #tpu.memory_space<vmem_shared>>
    %dma_start3A_196 = tpu.memref_slice %arg17[%dma_start3A_185] : memref<10x!tpu.dma_semaphore, #tpu.memory_space<semaphore_mem>> -> memref<1x!tpu.dma_semaphore, #tpu.memory_space<semaphore_mem>>
    %dma_start3A_197 = tpu.memref_squeeze %dma_start3A_196 : memref<1x!tpu.dma_semaphore, #tpu.memory_space<semaphore_mem>> -> memref<!tpu.dma_semaphore, #tpu.memory_space<semaphore_mem>>
    tpu.enqueue_indirect_dma source(%dma_start3A_195 : memref<10000x16xf32, #tpu.memory_space<vmem_shared>>) target(%dma_start3A_189 : memref<80x16xf32, #tpu.memory_space<vmem>>) offsets(%dma_start3A_192 : memref<80xi32, #tpu.memory_space<vmem>>) semaphore(%dma_start3A_197 : memref<!tpu.dma_semaphore, #tpu.memory_space<semaphore_mem>>)
    %scan3A_198 = arith.constant 0 : i32
    %scan3A_199 = arith.constant 12 : i32
    %scan3A_200 = arith.addi %scan3A_198, %scan3A_199 : i32
    %scan3A_201 = arith.constant 1 : i32
    scf.for %scan3A_514 = %scan3A_198 to %scan3A_200 step %scan3A_201  : i32 {
      %mul3A_515 = arith.constant 10 : i32
      %mul3A_516 = arith.muli %scan3A_514, %mul3A_515 : i32
      %add3A_517 = arith.constant 0 : i32
      %add3A_518 = arith.addi %mul3A_516, %add3A_517 : i32
      %add3A_519 = arith.addi %mul3A_119, %add3A_518 : i32
      %dma_wait3A_520 = arith.constant 0 : i32
      %dma_wait3A_521 = arith.constant 0 : i32
      %dma_wait3A_522 = arith.constant 0 : i32
      %dma_wait3A_523 = arith.constant 0 : i32
      %dma_wait3A_524 = tpu.memref_slice %arg14[%dma_wait3A_520, %dma_wait3A_522, %dma_wait3A_523] : memref<10x80x16xf32, #tpu.memory_space<vmem>> -> memref<1x80x16xf32, #tpu.memory_space<vmem>>
      %dma_wait3A_525 = tpu.memref_squeeze %dma_wait3A_524 : memref<1x80x16xf32, #tpu.memory_space<vmem>> -> memref<80x16xf32, #tpu.memory_space<vmem>>
      %dma_wait3A_526 = arith.constant 0 : i32
      %dma_wait3A_527 = tpu.memref_slice %arg8[%add3A_519, %dma_wait3A_526] : memref<250x80xi32, #tpu.memory_space<vmem>> -> memref<1x80xi32, #tpu.memory_space<vmem>>
      %dma_wait3A_528 = tpu.memref_squeeze %dma_wait3A_527 : memref<1x80xi32, #tpu.memory_space<vmem>> -> memref<80xi32, #tpu.memory_space<vmem>>
      %dma_wait3A_529 = arith.constant 0 : i32
      %dma_wait3A_530 = arith.constant 0 : i32
      %dma_wait3A_531 = tpu.memref_slice %arg16[%dma_wait3A_529, %dma_wait3A_530] : memref<10000x16xf32, #tpu.memory_space<vmem_shared>> -> memref<10000x16xf32, #tpu.memory_space<vmem_shared>>
      %dma_wait3A_532 = tpu.memref_slice %arg17[%dma_wait3A_521] : memref<10x!tpu.dma_semaphore, #tpu.memory_space<semaphore_mem>> -> memref<1x!tpu.dma_semaphore, #tpu.memory_space<semaphore_mem>>
      %dma_wait3A_533 = tpu.memref_squeeze %dma_wait3A_532 : memref<1x!tpu.dma_semaphore, #tpu.memory_space<semaphore_mem>> -> memref<!tpu.dma_semaphore, #tpu.memory_space<semaphore_mem>>
      tpu.wait_indirect_dma semaphore(%dma_wait3A_533 : memref<!tpu.dma_semaphore, #tpu.memory_space<semaphore_mem>>) src(%dma_wait3A_531 : memref<10000x16xf32, #tpu.memory_space<vmem_shared>>) dst(%dma_wait3A_525 : memref<80x16xf32, #tpu.memory_space<vmem>>)
      %dma_start3A_534 = arith.constant 0 : i32
      %dma_start3A_535 = arith.constant 0 : i32
      %dma_start3A_536 = arith.constant 0 : i32
      %dma_start3A_537 = arith.constant 0 : i32
      %dma_start3A_538 = tpu.memref_slice %arg14[%dma_start3A_534, %dma_start3A_536, %dma_start3A_537] : memref<10x80x16xf32, #tpu.memory_space<vmem>> -> memref<1x80x16xf32, #tpu.memory_space<vmem>>
      %dma_start3A_539 = tpu.memref_squeeze %dma_start3A_538 : memref<1x80x16xf32, #tpu.memory_space<vmem>> -> memref<80x16xf32, #tpu.memory_space<vmem>>
      %dma_start3A_540 = arith.constant 0 : i32
      %dma_start3A_541 = tpu.memref_slice %arg9[%add3A_519, %dma_start3A_540] : memref<250x80xi32, #tpu.memory_space<vmem>> -> memref<1x80xi32, #tpu.memory_space<vmem>>
      %dma_start3A_542 = tpu.memref_squeeze %dma_start3A_541 : memref<1x80xi32, #tpu.memory_space<vmem>> -> memref<80xi32, #tpu.memory_space<vmem>>
      %dma_start3A_543 = arith.constant 0 : i32
      %dma_start3A_544 = arith.constant 0 : i32
      %dma_start3A_545 = tpu.memref_slice %arg15[%dma_start3A_543, %dma_start3A_544] : memref<10000x16xf32, #tpu.memory_space<vmem_shared>> -> memref<10000x16xf32, #tpu.memory_space<vmem_shared>>
      %dma_start3A_546 = tpu.memref_slice %arg18[%dma_start3A_535] : memref<10x!tpu.dma_semaphore, #tpu.memory_space<semaphore_mem>> -> memref<1x!tpu.dma_semaphore, #tpu.memory_space<semaphore_mem>>
      %dma_start3A_547 = tpu.memref_squeeze %dma_start3A_546 : memref<1x!tpu.dma_semaphore, #tpu.memory_space<semaphore_mem>> -> memref<!tpu.dma_semaphore, #tpu.memory_space<semaphore_mem>>
      tpu.enqueue_indirect_dma source(%dma_start3A_539 : memref<80x16xf32, #tpu.memory_space<vmem>>) target(%dma_start3A_545 : memref<10000x16xf32, #tpu.memory_space<vmem_shared>>) offsets(%dma_start3A_542 : memref<80xi32, #tpu.memory_space<vmem>>) semaphore(%dma_start3A_547 : memref<!tpu.dma_semaphore, #tpu.memory_space<semaphore_mem>>) {add = true}
      %add3A_548 = arith.constant 5 : i32
      %add3A_549 = arith.addi %add3A_518, %add3A_548 : i32
      %lt3A = arith.constant 125 : i32
      %lt3A_550 = arith.cmpi slt, %add3A_549, %lt3A : i32
      %convert_element_type3A_551 = arith.extui %lt3A_550 : i1 to i32
      %cond3A_552 = arith.constant 0 : i32
      %cond3A_553 = arith.cmpi ne, %convert_element_type3A_551, %cond3A_552 : i32
      scf.if %cond3A_553 {
        %ge3A = arith.constant 5 : i32
        %ge3A_914 = arith.cmpi sge, %add3A_518, %ge3A : i32
        %convert_element_type3A_915 = arith.extui %ge3A_914 : i1 to i32
        %cond3A_916 = arith.constant 0 : i32
        %cond3A_917 = arith.cmpi ne, %convert_element_type3A_915, %cond3A_916 : i32
        scf.if %cond3A_917 {
          %sub3A = arith.constant 5 : i32
          %sub3A_934 = arith.subi %add3A_519, %sub3A : i32
          %dma_wait3A_935 = arith.constant 5 : i32
          %dma_wait3A_936 = arith.constant 5 : i32
          %dma_wait3A_937 = arith.constant 0 : i32
          %dma_wait3A_938 = arith.constant 0 : i32
          %dma_wait3A_939 = tpu.memref_slice %arg14[%dma_wait3A_935, %dma_wait3A_937, %dma_wait3A_938] : memref<10x80x16xf32, #tpu.memory_space<vmem>> -> memref<1x80x16xf32, #tpu.memory_space<vmem>>
          %dma_wait3A_940 = tpu.memref_squeeze %dma_wait3A_939 : memref<1x80x16xf32, #tpu.memory_space<vmem>> -> memref<80x16xf32, #tpu.memory_space<vmem>>
          %dma_wait3A_941 = arith.constant 0 : i32
          %dma_wait3A_942 = tpu.memref_slice %arg9[%sub3A_934, %dma_wait3A_941] : memref<250x80xi32, #tpu.memory_space<vmem>> -> memref<1x80xi32, #tpu.memory_space<vmem>>
          %dma_wait3A_943 = tpu.memref_squeeze %dma_wait3A_942 : memref<1x80xi32, #tpu.memory_space<vmem>> -> memref<80xi32, #tpu.memory_space<vmem>>
          %dma_wait3A_944 = arith.constant 0 : i32
          %dma_wait3A_945 = arith.constant 0 : i32
          %dma_wait3A_946 = tpu.memref_slice %arg15[%dma_wait3A_944, %dma_wait3A_945] : memref<10000x16xf32, #tpu.memory_space<vmem_shared>> -> memref<10000x16xf32, #tpu.memory_space<vmem_shared>>
          %dma_wait3A_947 = tpu.memref_slice %arg18[%dma_wait3A_936] : memref<10x!tpu.dma_semaphore, #tpu.memory_space<semaphore_mem>> -> memref<1x!tpu.dma_semaphore, #tpu.memory_space<semaphore_mem>>
          %dma_wait3A_948 = tpu.memref_squeeze %dma_wait3A_947 : memref<1x!tpu.dma_semaphore, #tpu.memory_space<semaphore_mem>> -> memref<!tpu.dma_semaphore, #tpu.memory_space<semaphore_mem>>
          tpu.wait_indirect_dma semaphore(%dma_wait3A_948 : memref<!tpu.dma_semaphore, #tpu.memory_space<semaphore_mem>>) src(%dma_wait3A_940 : memref<80x16xf32, #tpu.memory_space<vmem>>) dst(%dma_wait3A_946 : memref<10000x16xf32, #tpu.memory_space<vmem_shared>>)
        } else {
        }
        %add3A_918 = arith.constant 5 : i32
        %add3A_919 = arith.addi %add3A_519, %add3A_918 : i32
        %dma_start3A_920 = arith.constant 5 : i32
        %dma_start3A_921 = arith.constant 5 : i32
        %dma_start3A_922 = arith.constant 0 : i32
        %dma_start3A_923 = arith.constant 0 : i32
        %dma_start3A_924 = tpu.memref_slice %arg14[%dma_start3A_920, %dma_start3A_922, %dma_start3A_923] : memref<10x80x16xf32, #tpu.memory_space<vmem>> -> memref<1x80x16xf32, #tpu.memory_space<vmem>>
        %dma_start3A_925 = tpu.memref_squeeze %dma_start3A_924 : memref<1x80x16xf32, #tpu.memory_space<vmem>> -> memref<80x16xf32, #tpu.memory_space<vmem>>
        %dma_start3A_926 = arith.constant 0 : i32
        %dma_start3A_927 = tpu.memref_slice %arg8[%add3A_919, %dma_start3A_926] : memref<250x80xi32, #tpu.memory_space<vmem>> -> memref<1x80xi32, #tpu.memory_space<vmem>>
        %dma_start3A_928 = tpu.memref_squeeze %dma_start3A_927 : memref<1x80xi32, #tpu.memory_space<vmem>> -> memref<80xi32, #tpu.memory_space<vmem>>
        %dma_start3A_929 = arith.constant 0 : i32
        %dma_start3A_930 = arith.constant 0 : i32
        %dma_start3A_931 = tpu.memref_slice %arg16[%dma_start3A_929, %dma_start3A_930] : memref<10000x16xf32, #tpu.memory_space<vmem_shared>> -> memref<10000x16xf32, #tpu.memory_space<vmem_shared>>
        %dma_start3A_932 = tpu.memref_slice %arg17[%dma_start3A_921] : memref<10x!tpu.dma_semaphore, #tpu.memory_space<semaphore_mem>> -> memref<1x!tpu.dma_semaphore, #tpu.memory_space<semaphore_mem>>
        %dma_start3A_933 = tpu.memref_squeeze %dma_start3A_932 : memref<1x!tpu.dma_semaphore, #tpu.memory_space<semaphore_mem>> -> memref<!tpu.dma_semaphore, #tpu.memory_space<semaphore_mem>>
        tpu.enqueue_indirect_dma source(%dma_start3A_931 : memref<10000x16xf32, #tpu.memory_space<vmem_shared>>) target(%dma_start3A_925 : memref<80x16xf32, #tpu.memory_space<vmem>>) offsets(%dma_start3A_928 : memref<80xi32, #tpu.memory_space<vmem>>) semaphore(%dma_start3A_933 : memref<!tpu.dma_semaphore, #tpu.memory_space<semaphore_mem>>)
      } else {
      }
      %mul3A_554 = arith.constant 10 : i32
      %mul3A_555 = arith.muli %scan3A_514, %mul3A_554 : i32
      %add3A_556 = arith.constant 1 : i32
      %add3A_557 = arith.addi %mul3A_555, %add3A_556 : i32
      %add3A_558 = arith.addi %mul3A_119, %add3A_557 : i32
      %dma_wait3A_559 = arith.constant 1 : i32
      %dma_wait3A_560 = arith.constant 1 : i32
      %dma_wait3A_561 = arith.constant 0 : i32
      %dma_wait3A_562 = arith.constant 0 : i32
      %dma_wait3A_563 = tpu.memref_slice %arg14[%dma_wait3A_559, %dma_wait3A_561, %dma_wait3A_562] : memref<10x80x16xf32, #tpu.memory_space<vmem>> -> memref<1x80x16xf32, #tpu.memory_space<vmem>>
      %dma_wait3A_564 = tpu.memref_squeeze %dma_wait3A_563 : memref<1x80x16xf32, #tpu.memory_space<vmem>> -> memref<80x16xf32, #tpu.memory_space<vmem>>
      %dma_wait3A_565 = arith.constant 0 : i32
      %dma_wait3A_566 = tpu.memref_slice %arg8[%add3A_558, %dma_wait3A_565] : memref<250x80xi32, #tpu.memory_space<vmem>> -> memref<1x80xi32, #tpu.memory_space<vmem>>
      %dma_wait3A_567 = tpu.memref_squeeze %dma_wait3A_566 : memref<1x80xi32, #tpu.memory_space<vmem>> -> memref<80xi32, #tpu.memory_space<vmem>>
      %dma_wait3A_568 = arith.constant 0 : i32
      %dma_wait3A_569 = arith.constant 0 : i32
      %dma_wait3A_570 = tpu.memref_slice %arg16[%dma_wait3A_568, %dma_wait3A_569] : memref<10000x16xf32, #tpu.memory_space<vmem_shared>> -> memref<10000x16xf32, #tpu.memory_space<vmem_shared>>
      %dma_wait3A_571 = tpu.memref_slice %arg17[%dma_wait3A_560] : memref<10x!tpu.dma_semaphore, #tpu.memory_space<semaphore_mem>> -> memref<1x!tpu.dma_semaphore, #tpu.memory_space<semaphore_mem>>
      %dma_wait3A_572 = tpu.memref_squeeze %dma_wait3A_571 : memref<1x!tpu.dma_semaphore, #tpu.memory_space<semaphore_mem>> -> memref<!tpu.dma_semaphore, #tpu.memory_space<semaphore_mem>>
      tpu.wait_indirect_dma semaphore(%dma_wait3A_572 : memref<!tpu.dma_semaphore, #tpu.memory_space<semaphore_mem>>) src(%dma_wait3A_570 : memref<10000x16xf32, #tpu.memory_space<vmem_shared>>) dst(%dma_wait3A_564 : memref<80x16xf32, #tpu.memory_space<vmem>>)
      %dma_start3A_573 = arith.constant 1 : i32
      %dma_start3A_574 = arith.constant 1 : i32
      %dma_start3A_575 = arith.constant 0 : i32
      %dma_start3A_576 = arith.constant 0 : i32
      %dma_start3A_577 = tpu.memref_slice %arg14[%dma_start3A_573, %dma_start3A_575, %dma_start3A_576] : memref<10x80x16xf32, #tpu.memory_space<vmem>> -> memref<1x80x16xf32, #tpu.memory_space<vmem>>
      %dma_start3A_578 = tpu.memref_squeeze %dma_start3A_577 : memref<1x80x16xf32, #tpu.memory_space<vmem>> -> memref<80x16xf32, #tpu.memory_space<vmem>>
      %dma_start3A_579 = arith.constant 0 : i32
      %dma_start3A_580 = tpu.memref_slice %arg9[%add3A_558, %dma_start3A_579] : memref<250x80xi32, #tpu.memory_space<vmem>> -> memref<1x80xi32, #tpu.memory_space<vmem>>
      %dma_start3A_581 = tpu.memref_squeeze %dma_start3A_580 : memref<1x80xi32, #tpu.memory_space<vmem>> -> memref<80xi32, #tpu.memory_space<vmem>>
      %dma_start3A_582 = arith.constant 0 : i32
      %dma_start3A_583 = arith.constant 0 : i32
      %dma_start3A_584 = tpu.memref_slice %arg15[%dma_start3A_582, %dma_start3A_583] : memref<10000x16xf32, #tpu.memory_space<vmem_shared>> -> memref<10000x16xf32, #tpu.memory_space<vmem_shared>>
      %dma_start3A_585 = tpu.memref_slice %arg18[%dma_start3A_574] : memref<10x!tpu.dma_semaphore, #tpu.memory_space<semaphore_mem>> -> memref<1x!tpu.dma_semaphore, #tpu.memory_space<semaphore_mem>>
      %dma_start3A_586 = tpu.memref_squeeze %dma_start3A_585 : memref<1x!tpu.dma_semaphore, #tpu.memory_space<semaphore_mem>> -> memref<!tpu.dma_semaphore, #tpu.memory_space<semaphore_mem>>
      tpu.enqueue_indirect_dma source(%dma_start3A_578 : memref<80x16xf32, #tpu.memory_space<vmem>>) target(%dma_start3A_584 : memref<10000x16xf32, #tpu.memory_space<vmem_shared>>) offsets(%dma_start3A_581 : memref<80xi32, #tpu.memory_space<vmem>>) semaphore(%dma_start3A_586 : memref<!tpu.dma_semaphore, #tpu.memory_space<semaphore_mem>>) {add = true}
      %add3A_587 = arith.constant 5 : i32
      %add3A_588 = arith.addi %add3A_557, %add3A_587 : i32
      %lt3A_589 = arith.constant 125 : i32
      %lt3A_590 = arith.cmpi slt, %add3A_588, %lt3A_589 : i32
      %convert_element_type3A_591 = arith.extui %lt3A_590 : i1 to i32
      %cond3A_592 = arith.constant 0 : i32
      %cond3A_593 = arith.cmpi ne, %convert_element_type3A_591, %cond3A_592 : i32
      scf.if %cond3A_593 {
        %ge3A = arith.constant 5 : i32
        %ge3A_914 = arith.cmpi sge, %add3A_557, %ge3A : i32
        %convert_element_type3A_915 = arith.extui %ge3A_914 : i1 to i32
        %cond3A_916 = arith.constant 0 : i32
        %cond3A_917 = arith.cmpi ne, %convert_element_type3A_915, %cond3A_916 : i32
        scf.if %cond3A_917 {
          %sub3A = arith.constant 5 : i32
          %sub3A_934 = arith.subi %add3A_558, %sub3A : i32
          %dma_wait3A_935 = arith.constant 6 : i32
          %dma_wait3A_936 = arith.constant 6 : i32
          %dma_wait3A_937 = arith.constant 0 : i32
          %dma_wait3A_938 = arith.constant 0 : i32
          %dma_wait3A_939 = tpu.memref_slice %arg14[%dma_wait3A_935, %dma_wait3A_937, %dma_wait3A_938] : memref<10x80x16xf32, #tpu.memory_space<vmem>> -> memref<1x80x16xf32, #tpu.memory_space<vmem>>
          %dma_wait3A_940 = tpu.memref_squeeze %dma_wait3A_939 : memref<1x80x16xf32, #tpu.memory_space<vmem>> -> memref<80x16xf32, #tpu.memory_space<vmem>>
          %dma_wait3A_941 = arith.constant 0 : i32
          %dma_wait3A_942 = tpu.memref_slice %arg9[%sub3A_934, %dma_wait3A_941] : memref<250x80xi32, #tpu.memory_space<vmem>> -> memref<1x80xi32, #tpu.memory_space<vmem>>
          %dma_wait3A_943 = tpu.memref_squeeze %dma_wait3A_942 : memref<1x80xi32, #tpu.memory_space<vmem>> -> memref<80xi32, #tpu.memory_space<vmem>>
          %dma_wait3A_944 = arith.constant 0 : i32
          %dma_wait3A_945 = arith.constant 0 : i32
          %dma_wait3A_946 = tpu.memref_slice %arg15[%dma_wait3A_944, %dma_wait3A_945] : memref<10000x16xf32, #tpu.memory_space<vmem_shared>> -> memref<10000x16xf32, #tpu.memory_space<vmem_shared>>
          %dma_wait3A_947 = tpu.memref_slice %arg18[%dma_wait3A_936] : memref<10x!tpu.dma_semaphore, #tpu.memory_space<semaphore_mem>> -> memref<1x!tpu.dma_semaphore, #tpu.memory_space<semaphore_mem>>
          %dma_wait3A_948 = tpu.memref_squeeze %dma_wait3A_947 : memref<1x!tpu.dma_semaphore, #tpu.memory_space<semaphore_mem>> -> memref<!tpu.dma_semaphore, #tpu.memory_space<semaphore_mem>>
          tpu.wait_indirect_dma semaphore(%dma_wait3A_948 : memref<!tpu.dma_semaphore, #tpu.memory_space<semaphore_mem>>) src(%dma_wait3A_940 : memref<80x16xf32, #tpu.memory_space<vmem>>) dst(%dma_wait3A_946 : memref<10000x16xf32, #tpu.memory_space<vmem_shared>>)
        } else {
        }
        %add3A_918 = arith.constant 5 : i32
        %add3A_919 = arith.addi %add3A_558, %add3A_918 : i32
        %dma_start3A_920 = arith.constant 6 : i32
        %dma_start3A_921 = arith.constant 6 : i32
        %dma_start3A_922 = arith.constant 0 : i32
        %dma_start3A_923 = arith.constant 0 : i32
        %dma_start3A_924 = tpu.memref_slice %arg14[%dma_start3A_920, %dma_start3A_922, %dma_start3A_923] : memref<10x80x16xf32, #tpu.memory_space<vmem>> -> memref<1x80x16xf32, #tpu.memory_space<vmem>>
        %dma_start3A_925 = tpu.memref_squeeze %dma_start3A_924 : memref<1x80x16xf32, #tpu.memory_space<vmem>> -> memref<80x16xf32, #tpu.memory_space<vmem>>
        %dma_start3A_926 = arith.constant 0 : i32
        %dma_start3A_927 = tpu.memref_slice %arg8[%add3A_919, %dma_start3A_926] : memref<250x80xi32, #tpu.memory_space<vmem>> -> memref<1x80xi32, #tpu.memory_space<vmem>>
        %dma_start3A_928 = tpu.memref_squeeze %dma_start3A_927 : memref<1x80xi32, #tpu.memory_space<vmem>> -> memref<80xi32, #tpu.memory_space<vmem>>
        %dma_start3A_929 = arith.constant 0 : i32
        %dma_start3A_930 = arith.constant 0 : i32
        %dma_start3A_931 = tpu.memref_slice %arg16[%dma_start3A_929, %dma_start3A_930] : memref<10000x16xf32, #tpu.memory_space<vmem_shared>> -> memref<10000x16xf32, #tpu.memory_space<vmem_shared>>
        %dma_start3A_932 = tpu.memref_slice %arg17[%dma_start3A_921] : memref<10x!tpu.dma_semaphore, #tpu.memory_space<semaphore_mem>> -> memref<1x!tpu.dma_semaphore, #tpu.memory_space<semaphore_mem>>
        %dma_start3A_933 = tpu.memref_squeeze %dma_start3A_932 : memref<1x!tpu.dma_semaphore, #tpu.memory_space<semaphore_mem>> -> memref<!tpu.dma_semaphore, #tpu.memory_space<semaphore_mem>>
        tpu.enqueue_indirect_dma source(%dma_start3A_931 : memref<10000x16xf32, #tpu.memory_space<vmem_shared>>) target(%dma_start3A_925 : memref<80x16xf32, #tpu.memory_space<vmem>>) offsets(%dma_start3A_928 : memref<80xi32, #tpu.memory_space<vmem>>) semaphore(%dma_start3A_933 : memref<!tpu.dma_semaphore, #tpu.memory_space<semaphore_mem>>)
      } else {
      }
      %mul3A_594 = arith.constant 10 : i32
      %mul3A_595 = arith.muli %scan3A_514, %mul3A_594 : i32
      %add3A_596 = arith.constant 2 : i32
      %add3A_597 = arith.addi %mul3A_595, %add3A_596 : i32
      %add3A_598 = arith.addi %mul3A_119, %add3A_597 : i32
      %dma_wait3A_599 = arith.constant 2 : i32
      %dma_wait3A_600 = arith.constant 2 : i32
      %dma_wait3A_601 = arith.constant 0 : i32
      %dma_wait3A_602 = arith.constant 0 : i32
      %dma_wait3A_603 = tpu.memref_slice %arg14[%dma_wait3A_599, %dma_wait3A_601, %dma_wait3A_602] : memref<10x80x16xf32, #tpu.memory_space<vmem>> -> memref<1x80x16xf32, #tpu.memory_space<vmem>>
      %dma_wait3A_604 = tpu.memref_squeeze %dma_wait3A_603 : memref<1x80x16xf32, #tpu.memory_space<vmem>> -> memref<80x16xf32, #tpu.memory_space<vmem>>
      %dma_wait3A_605 = arith.constant 0 : i32
      %dma_wait3A_606 = tpu.memref_slice %arg8[%add3A_598, %dma_wait3A_605] : memref<250x80xi32, #tpu.memory_space<vmem>> -> memref<1x80xi32, #tpu.memory_space<vmem>>
      %dma_wait3A_607 = tpu.memref_squeeze %dma_wait3A_606 : memref<1x80xi32, #tpu.memory_space<vmem>> -> memref<80xi32, #tpu.memory_space<vmem>>
      %dma_wait3A_608 = arith.constant 0 : i32
      %dma_wait3A_609 = arith.constant 0 : i32
      %dma_wait3A_610 = tpu.memref_slice %arg16[%dma_wait3A_608, %dma_wait3A_609] : memref<10000x16xf32, #tpu.memory_space<vmem_shared>> -> memref<10000x16xf32, #tpu.memory_space<vmem_shared>>
      %dma_wait3A_611 = tpu.memref_slice %arg17[%dma_wait3A_600] : memref<10x!tpu.dma_semaphore, #tpu.memory_space<semaphore_mem>> -> memref<1x!tpu.dma_semaphore, #tpu.memory_space<semaphore_mem>>
      %dma_wait3A_612 = tpu.memref_squeeze %dma_wait3A_611 : memref<1x!tpu.dma_semaphore, #tpu.memory_space<semaphore_mem>> -> memref<!tpu.dma_semaphore, #tpu.memory_space<semaphore_mem>>
      tpu.wait_indirect_dma semaphore(%dma_wait3A_612 : memref<!tpu.dma_semaphore, #tpu.memory_space<semaphore_mem>>) src(%dma_wait3A_610 : memref<10000x16xf32, #tpu.memory_space<vmem_shared>>) dst(%dma_wait3A_604 : memref<80x16xf32, #tpu.memory_space<vmem>>)
      %dma_start3A_613 = arith.constant 2 : i32
      %dma_start3A_614 = arith.constant 2 : i32
      %dma_start3A_615 = arith.constant 0 : i32
      %dma_start3A_616 = arith.constant 0 : i32
      %dma_start3A_617 = tpu.memref_slice %arg14[%dma_start3A_613, %dma_start3A_615, %dma_start3A_616] : memref<10x80x16xf32, #tpu.memory_space<vmem>> -> memref<1x80x16xf32, #tpu.memory_space<vmem>>
      %dma_start3A_618 = tpu.memref_squeeze %dma_start3A_617 : memref<1x80x16xf32, #tpu.memory_space<vmem>> -> memref<80x16xf32, #tpu.memory_space<vmem>>
      %dma_start3A_619 = arith.constant 0 : i32
      %dma_start3A_620 = tpu.memref_slice %arg9[%add3A_598, %dma_start3A_619] : memref<250x80xi32, #tpu.memory_space<vmem>> -> memref<1x80xi32, #tpu.memory_space<vmem>>
      %dma_start3A_621 = tpu.memref_squeeze %dma_start3A_620 : memref<1x80xi32, #tpu.memory_space<vmem>> -> memref<80xi32, #tpu.memory_space<vmem>>
      %dma_start3A_622 = arith.constant 0 : i32
      %dma_start3A_623 = arith.constant 0 : i32
      %dma_start3A_624 = tpu.memref_slice %arg15[%dma_start3A_622, %dma_start3A_623] : memref<10000x16xf32, #tpu.memory_space<vmem_shared>> -> memref<10000x16xf32, #tpu.memory_space<vmem_shared>>
      %dma_start3A_625 = tpu.memref_slice %arg18[%dma_start3A_614] : memref<10x!tpu.dma_semaphore, #tpu.memory_space<semaphore_mem>> -> memref<1x!tpu.dma_semaphore, #tpu.memory_space<semaphore_mem>>
      %dma_start3A_626 = tpu.memref_squeeze %dma_start3A_625 : memref<1x!tpu.dma_semaphore, #tpu.memory_space<semaphore_mem>> -> memref<!tpu.dma_semaphore, #tpu.memory_space<semaphore_mem>>
      tpu.enqueue_indirect_dma source(%dma_start3A_618 : memref<80x16xf32, #tpu.memory_space<vmem>>) target(%dma_start3A_624 : memref<10000x16xf32, #tpu.memory_space<vmem_shared>>) offsets(%dma_start3A_621 : memref<80xi32, #tpu.memory_space<vmem>>) semaphore(%dma_start3A_626 : memref<!tpu.dma_semaphore, #tpu.memory_space<semaphore_mem>>) {add = true}
      %add3A_627 = arith.constant 5 : i32
      %add3A_628 = arith.addi %add3A_597, %add3A_627 : i32
      %lt3A_629 = arith.constant 125 : i32
      %lt3A_630 = arith.cmpi slt, %add3A_628, %lt3A_629 : i32
      %convert_element_type3A_631 = arith.extui %lt3A_630 : i1 to i32
      %cond3A_632 = arith.constant 0 : i32
      %cond3A_633 = arith.cmpi ne, %convert_element_type3A_631, %cond3A_632 : i32
      scf.if %cond3A_633 {
        %ge3A = arith.constant 5 : i32
        %ge3A_914 = arith.cmpi sge, %add3A_597, %ge3A : i32
        %convert_element_type3A_915 = arith.extui %ge3A_914 : i1 to i32
        %cond3A_916 = arith.constant 0 : i32
        %cond3A_917 = arith.cmpi ne, %convert_element_type3A_915, %cond3A_916 : i32
        scf.if %cond3A_917 {
          %sub3A = arith.constant 5 : i32
          %sub3A_934 = arith.subi %add3A_598, %sub3A : i32
          %dma_wait3A_935 = arith.constant 7 : i32
          %dma_wait3A_936 = arith.constant 7 : i32
          %dma_wait3A_937 = arith.constant 0 : i32
          %dma_wait3A_938 = arith.constant 0 : i32
          %dma_wait3A_939 = tpu.memref_slice %arg14[%dma_wait3A_935, %dma_wait3A_937, %dma_wait3A_938] : memref<10x80x16xf32, #tpu.memory_space<vmem>> -> memref<1x80x16xf32, #tpu.memory_space<vmem>>
          %dma_wait3A_940 = tpu.memref_squeeze %dma_wait3A_939 : memref<1x80x16xf32, #tpu.memory_space<vmem>> -> memref<80x16xf32, #tpu.memory_space<vmem>>
          %dma_wait3A_941 = arith.constant 0 : i32
          %dma_wait3A_942 = tpu.memref_slice %arg9[%sub3A_934, %dma_wait3A_941] : memref<250x80xi32, #tpu.memory_space<vmem>> -> memref<1x80xi32, #tpu.memory_space<vmem>>
          %dma_wait3A_943 = tpu.memref_squeeze %dma_wait3A_942 : memref<1x80xi32, #tpu.memory_space<vmem>> -> memref<80xi32, #tpu.memory_space<vmem>>
          %dma_wait3A_944 = arith.constant 0 : i32
          %dma_wait3A_945 = arith.constant 0 : i32
          %dma_wait3A_946 = tpu.memref_slice %arg15[%dma_wait3A_944, %dma_wait3A_945] : memref<10000x16xf32, #tpu.memory_space<vmem_shared>> -> memref<10000x16xf32, #tpu.memory_space<vmem_shared>>
          %dma_wait3A_947 = tpu.memref_slice %arg18[%dma_wait3A_936] : memref<10x!tpu.dma_semaphore, #tpu.memory_space<semaphore_mem>> -> memref<1x!tpu.dma_semaphore, #tpu.memory_space<semaphore_mem>>
          %dma_wait3A_948 = tpu.memref_squeeze %dma_wait3A_947 : memref<1x!tpu.dma_semaphore, #tpu.memory_space<semaphore_mem>> -> memref<!tpu.dma_semaphore, #tpu.memory_space<semaphore_mem>>
          tpu.wait_indirect_dma semaphore(%dma_wait3A_948 : memref<!tpu.dma_semaphore, #tpu.memory_space<semaphore_mem>>) src(%dma_wait3A_940 : memref<80x16xf32, #tpu.memory_space<vmem>>) dst(%dma_wait3A_946 : memref<10000x16xf32, #tpu.memory_space<vmem_shared>>)
        } else {
        }
        %add3A_918 = arith.constant 5 : i32
        %add3A_919 = arith.addi %add3A_598, %add3A_918 : i32
        %dma_start3A_920 = arith.constant 7 : i32
        %dma_start3A_921 = arith.constant 7 : i32
        %dma_start3A_922 = arith.constant 0 : i32
        %dma_start3A_923 = arith.constant 0 : i32
        %dma_start3A_924 = tpu.memref_slice %arg14[%dma_start3A_920, %dma_start3A_922, %dma_start3A_923] : memref<10x80x16xf32, #tpu.memory_space<vmem>> -> memref<1x80x16xf32, #tpu.memory_space<vmem>>
        %dma_start3A_925 = tpu.memref_squeeze %dma_start3A_924 : memref<1x80x16xf32, #tpu.memory_space<vmem>> -> memref<80x16xf32, #tpu.memory_space<vmem>>
        %dma_start3A_926 = arith.constant 0 : i32
        %dma_start3A_927 = tpu.memref_slice %arg8[%add3A_919, %dma_start3A_926] : memref<250x80xi32, #tpu.memory_space<vmem>> -> memref<1x80xi32, #tpu.memory_space<vmem>>
        %dma_start3A_928 = tpu.memref_squeeze %dma_start3A_927 : memref<1x80xi32, #tpu.memory_space<vmem>> -> memref<80xi32, #tpu.memory_space<vmem>>
        %dma_start3A_929 = arith.constant 0 : i32
        %dma_start3A_930 = arith.constant 0 : i32
        %dma_start3A_931 = tpu.memref_slice %arg16[%dma_start3A_929, %dma_start3A_930] : memref<10000x16xf32, #tpu.memory_space<vmem_shared>> -> memref<10000x16xf32, #tpu.memory_space<vmem_shared>>
        %dma_start3A_932 = tpu.memref_slice %arg17[%dma_start3A_921] : memref<10x!tpu.dma_semaphore, #tpu.memory_space<semaphore_mem>> -> memref<1x!tpu.dma_semaphore, #tpu.memory_space<semaphore_mem>>
        %dma_start3A_933 = tpu.memref_squeeze %dma_start3A_932 : memref<1x!tpu.dma_semaphore, #tpu.memory_space<semaphore_mem>> -> memref<!tpu.dma_semaphore, #tpu.memory_space<semaphore_mem>>
        tpu.enqueue_indirect_dma source(%dma_start3A_931 : memref<10000x16xf32, #tpu.memory_space<vmem_shared>>) target(%dma_start3A_925 : memref<80x16xf32, #tpu.memory_space<vmem>>) offsets(%dma_start3A_928 : memref<80xi32, #tpu.memory_space<vmem>>) semaphore(%dma_start3A_933 : memref<!tpu.dma_semaphore, #tpu.memory_space<semaphore_mem>>)
      } else {
      }
      %mul3A_634 = arith.constant 10 : i32
      %mul3A_635 = arith.muli %scan3A_514, %mul3A_634 : i32
      %add3A_636 = arith.constant 3 : i32
      %add3A_637 = arith.addi %mul3A_635, %add3A_636 : i32
      %add3A_638 = arith.addi %mul3A_119, %add3A_637 : i32
      %dma_wait3A_639 = arith.constant 3 : i32
      %dma_wait3A_640 = arith.constant 3 : i32
      %dma_wait3A_641 = arith.constant 0 : i32
      %dma_wait3A_642 = arith.constant 0 : i32
      %dma_wait3A_643 = tpu.memref_slice %arg14[%dma_wait3A_639, %dma_wait3A_641, %dma_wait3A_642] : memref<10x80x16xf32, #tpu.memory_space<vmem>> -> memref<1x80x16xf32, #tpu.memory_space<vmem>>
      %dma_wait3A_644 = tpu.memref_squeeze %dma_wait3A_643 : memref<1x80x16xf32, #tpu.memory_space<vmem>> -> memref<80x16xf32, #tpu.memory_space<vmem>>
      %dma_wait3A_645 = arith.constant 0 : i32
      %dma_wait3A_646 = tpu.memref_slice %arg8[%add3A_638, %dma_wait3A_645] : memref<250x80xi32, #tpu.memory_space<vmem>> -> memref<1x80xi32, #tpu.memory_space<vmem>>
      %dma_wait3A_647 = tpu.memref_squeeze %dma_wait3A_646 : memref<1x80xi32, #tpu.memory_space<vmem>> -> memref<80xi32, #tpu.memory_space<vmem>>
      %dma_wait3A_648 = arith.constant 0 : i32
      %dma_wait3A_649 = arith.constant 0 : i32
      %dma_wait3A_650 = tpu.memref_slice %arg16[%dma_wait3A_648, %dma_wait3A_649] : memref<10000x16xf32, #tpu.memory_space<vmem_shared>> -> memref<10000x16xf32, #tpu.memory_space<vmem_shared>>
      %dma_wait3A_651 = tpu.memref_slice %arg17[%dma_wait3A_640] : memref<10x!tpu.dma_semaphore, #tpu.memory_space<semaphore_mem>> -> memref<1x!tpu.dma_semaphore, #tpu.memory_space<semaphore_mem>>
      %dma_wait3A_652 = tpu.memref_squeeze %dma_wait3A_651 : memref<1x!tpu.dma_semaphore, #tpu.memory_space<semaphore_mem>> -> memref<!tpu.dma_semaphore, #tpu.memory_space<semaphore_mem>>
      tpu.wait_indirect_dma semaphore(%dma_wait3A_652 : memref<!tpu.dma_semaphore, #tpu.memory_space<semaphore_mem>>) src(%dma_wait3A_650 : memref<10000x16xf32, #tpu.memory_space<vmem_shared>>) dst(%dma_wait3A_644 : memref<80x16xf32, #tpu.memory_space<vmem>>)
      %dma_start3A_653 = arith.constant 3 : i32
      %dma_start3A_654 = arith.constant 3 : i32
      %dma_start3A_655 = arith.constant 0 : i32
      %dma_start3A_656 = arith.constant 0 : i32
      %dma_start3A_657 = tpu.memref_slice %arg14[%dma_start3A_653, %dma_start3A_655, %dma_start3A_656] : memref<10x80x16xf32, #tpu.memory_space<vmem>> -> memref<1x80x16xf32, #tpu.memory_space<vmem>>
      %dma_start3A_658 = tpu.memref_squeeze %dma_start3A_657 : memref<1x80x16xf32, #tpu.memory_space<vmem>> -> memref<80x16xf32, #tpu.memory_space<vmem>>
      %dma_start3A_659 = arith.constant 0 : i32
      %dma_start3A_660 = tpu.memref_slice %arg9[%add3A_638, %dma_start3A_659] : memref<250x80xi32, #tpu.memory_space<vmem>> -> memref<1x80xi32, #tpu.memory_space<vmem>>
      %dma_start3A_661 = tpu.memref_squeeze %dma_start3A_660 : memref<1x80xi32, #tpu.memory_space<vmem>> -> memref<80xi32, #tpu.memory_space<vmem>>
      %dma_start3A_662 = arith.constant 0 : i32
      %dma_start3A_663 = arith.constant 0 : i32
      %dma_start3A_664 = tpu.memref_slice %arg15[%dma_start3A_662, %dma_start3A_663] : memref<10000x16xf32, #tpu.memory_space<vmem_shared>> -> memref<10000x16xf32, #tpu.memory_space<vmem_shared>>
      %dma_start3A_665 = tpu.memref_slice %arg18[%dma_start3A_654] : memref<10x!tpu.dma_semaphore, #tpu.memory_space<semaphore_mem>> -> memref<1x!tpu.dma_semaphore, #tpu.memory_space<semaphore_mem>>
      %dma_start3A_666 = tpu.memref_squeeze %dma_start3A_665 : memref<1x!tpu.dma_semaphore, #tpu.memory_space<semaphore_mem>> -> memref<!tpu.dma_semaphore, #tpu.memory_space<semaphore_mem>>
      tpu.enqueue_indirect_dma source(%dma_start3A_658 : memref<80x16xf32, #tpu.memory_space<vmem>>) target(%dma_start3A_664 : memref<10000x16xf32, #tpu.memory_space<vmem_shared>>) offsets(%dma_start3A_661 : memref<80xi32, #tpu.memory_space<vmem>>) semaphore(%dma_start3A_666 : memref<!tpu.dma_semaphore, #tpu.memory_space<semaphore_mem>>) {add = true}
      %add3A_667 = arith.constant 5 : i32
      %add3A_668 = arith.addi %add3A_637, %add3A_667 : i32
      %lt3A_669 = arith.constant 125 : i32
      %lt3A_670 = arith.cmpi slt, %add3A_668, %lt3A_669 : i32
      %convert_element_type3A_671 = arith.extui %lt3A_670 : i1 to i32
      %cond3A_672 = arith.constant 0 : i32
      %cond3A_673 = arith.cmpi ne, %convert_element_type3A_671, %cond3A_672 : i32
      scf.if %cond3A_673 {
        %ge3A = arith.constant 5 : i32
        %ge3A_914 = arith.cmpi sge, %add3A_637, %ge3A : i32
        %convert_element_type3A_915 = arith.extui %ge3A_914 : i1 to i32
        %cond3A_916 = arith.constant 0 : i32
        %cond3A_917 = arith.cmpi ne, %convert_element_type3A_915, %cond3A_916 : i32
        scf.if %cond3A_917 {
          %sub3A = arith.constant 5 : i32
          %sub3A_934 = arith.subi %add3A_638, %sub3A : i32
          %dma_wait3A_935 = arith.constant 8 : i32
          %dma_wait3A_936 = arith.constant 8 : i32
          %dma_wait3A_937 = arith.constant 0 : i32
          %dma_wait3A_938 = arith.constant 0 : i32
          %dma_wait3A_939 = tpu.memref_slice %arg14[%dma_wait3A_935, %dma_wait3A_937, %dma_wait3A_938] : memref<10x80x16xf32, #tpu.memory_space<vmem>> -> memref<1x80x16xf32, #tpu.memory_space<vmem>>
          %dma_wait3A_940 = tpu.memref_squeeze %dma_wait3A_939 : memref<1x80x16xf32, #tpu.memory_space<vmem>> -> memref<80x16xf32, #tpu.memory_space<vmem>>
          %dma_wait3A_941 = arith.constant 0 : i32
          %dma_wait3A_942 = tpu.memref_slice %arg9[%sub3A_934, %dma_wait3A_941] : memref<250x80xi32, #tpu.memory_space<vmem>> -> memref<1x80xi32, #tpu.memory_space<vmem>>
          %dma_wait3A_943 = tpu.memref_squeeze %dma_wait3A_942 : memref<1x80xi32, #tpu.memory_space<vmem>> -> memref<80xi32, #tpu.memory_space<vmem>>
          %dma_wait3A_944 = arith.constant 0 : i32
          %dma_wait3A_945 = arith.constant 0 : i32
          %dma_wait3A_946 = tpu.memref_slice %arg15[%dma_wait3A_944, %dma_wait3A_945] : memref<10000x16xf32, #tpu.memory_space<vmem_shared>> -> memref<10000x16xf32, #tpu.memory_space<vmem_shared>>
          %dma_wait3A_947 = tpu.memref_slice %arg18[%dma_wait3A_936] : memref<10x!tpu.dma_semaphore, #tpu.memory_space<semaphore_mem>> -> memref<1x!tpu.dma_semaphore, #tpu.memory_space<semaphore_mem>>
          %dma_wait3A_948 = tpu.memref_squeeze %dma_wait3A_947 : memref<1x!tpu.dma_semaphore, #tpu.memory_space<semaphore_mem>> -> memref<!tpu.dma_semaphore, #tpu.memory_space<semaphore_mem>>
          tpu.wait_indirect_dma semaphore(%dma_wait3A_948 : memref<!tpu.dma_semaphore, #tpu.memory_space<semaphore_mem>>) src(%dma_wait3A_940 : memref<80x16xf32, #tpu.memory_space<vmem>>) dst(%dma_wait3A_946 : memref<10000x16xf32, #tpu.memory_space<vmem_shared>>)
        } else {
        }
        %add3A_918 = arith.constant 5 : i32
        %add3A_919 = arith.addi %add3A_638, %add3A_918 : i32
        %dma_start3A_920 = arith.constant 8 : i32
        %dma_start3A_921 = arith.constant 8 : i32
        %dma_start3A_922 = arith.constant 0 : i32
        %dma_start3A_923 = arith.constant 0 : i32
        %dma_start3A_924 = tpu.memref_slice %arg14[%dma_start3A_920, %dma_start3A_922, %dma_start3A_923] : memref<10x80x16xf32, #tpu.memory_space<vmem>> -> memref<1x80x16xf32, #tpu.memory_space<vmem>>
        %dma_start3A_925 = tpu.memref_squeeze %dma_start3A_924 : memref<1x80x16xf32, #tpu.memory_space<vmem>> -> memref<80x16xf32, #tpu.memory_space<vmem>>
        %dma_start3A_926 = arith.constant 0 : i32
        %dma_start3A_927 = tpu.memref_slice %arg8[%add3A_919, %dma_start3A_926] : memref<250x80xi32, #tpu.memory_space<vmem>> -> memref<1x80xi32, #tpu.memory_space<vmem>>
        %dma_start3A_928 = tpu.memref_squeeze %dma_start3A_927 : memref<1x80xi32, #tpu.memory_space<vmem>> -> memref<80xi32, #tpu.memory_space<vmem>>
        %dma_start3A_929 = arith.constant 0 : i32
        %dma_start3A_930 = arith.constant 0 : i32
        %dma_start3A_931 = tpu.memref_slice %arg16[%dma_start3A_929, %dma_start3A_930] : memref<10000x16xf32, #tpu.memory_space<vmem_shared>> -> memref<10000x16xf32, #tpu.memory_space<vmem_shared>>
        %dma_start3A_932 = tpu.memref_slice %arg17[%dma_start3A_921] : memref<10x!tpu.dma_semaphore, #tpu.memory_space<semaphore_mem>> -> memref<1x!tpu.dma_semaphore, #tpu.memory_space<semaphore_mem>>
        %dma_start3A_933 = tpu.memref_squeeze %dma_start3A_932 : memref<1x!tpu.dma_semaphore, #tpu.memory_space<semaphore_mem>> -> memref<!tpu.dma_semaphore, #tpu.memory_space<semaphore_mem>>
        tpu.enqueue_indirect_dma source(%dma_start3A_931 : memref<10000x16xf32, #tpu.memory_space<vmem_shared>>) target(%dma_start3A_925 : memref<80x16xf32, #tpu.memory_space<vmem>>) offsets(%dma_start3A_928 : memref<80xi32, #tpu.memory_space<vmem>>) semaphore(%dma_start3A_933 : memref<!tpu.dma_semaphore, #tpu.memory_space<semaphore_mem>>)
      } else {
      }
      %mul3A_674 = arith.constant 10 : i32
      %mul3A_675 = arith.muli %scan3A_514, %mul3A_674 : i32
      %add3A_676 = arith.constant 4 : i32
      %add3A_677 = arith.addi %mul3A_675, %add3A_676 : i32
      %add3A_678 = arith.addi %mul3A_119, %add3A_677 : i32
      %dma_wait3A_679 = arith.constant 4 : i32
      %dma_wait3A_680 = arith.constant 4 : i32
      %dma_wait3A_681 = arith.constant 0 : i32
      %dma_wait3A_682 = arith.constant 0 : i32
      %dma_wait3A_683 = tpu.memref_slice %arg14[%dma_wait3A_679, %dma_wait3A_681, %dma_wait3A_682] : memref<10x80x16xf32, #tpu.memory_space<vmem>> -> memref<1x80x16xf32, #tpu.memory_space<vmem>>
      %dma_wait3A_684 = tpu.memref_squeeze %dma_wait3A_683 : memref<1x80x16xf32, #tpu.memory_space<vmem>> -> memref<80x16xf32, #tpu.memory_space<vmem>>
      %dma_wait3A_685 = arith.constant 0 : i32
      %dma_wait3A_686 = tpu.memref_slice %arg8[%add3A_678, %dma_wait3A_685] : memref<250x80xi32, #tpu.memory_space<vmem>> -> memref<1x80xi32, #tpu.memory_space<vmem>>
      %dma_wait3A_687 = tpu.memref_squeeze %dma_wait3A_686 : memref<1x80xi32, #tpu.memory_space<vmem>> -> memref<80xi32, #tpu.memory_space<vmem>>
      %dma_wait3A_688 = arith.constant 0 : i32
      %dma_wait3A_689 = arith.constant 0 : i32
      %dma_wait3A_690 = tpu.memref_slice %arg16[%dma_wait3A_688, %dma_wait3A_689] : memref<10000x16xf32, #tpu.memory_space<vmem_shared>> -> memref<10000x16xf32, #tpu.memory_space<vmem_shared>>
      %dma_wait3A_691 = tpu.memref_slice %arg17[%dma_wait3A_680] : memref<10x!tpu.dma_semaphore, #tpu.memory_space<semaphore_mem>> -> memref<1x!tpu.dma_semaphore, #tpu.memory_space<semaphore_mem>>
      %dma_wait3A_692 = tpu.memref_squeeze %dma_wait3A_691 : memref<1x!tpu.dma_semaphore, #tpu.memory_space<semaphore_mem>> -> memref<!tpu.dma_semaphore, #tpu.memory_space<semaphore_mem>>
      tpu.wait_indirect_dma semaphore(%dma_wait3A_692 : memref<!tpu.dma_semaphore, #tpu.memory_space<semaphore_mem>>) src(%dma_wait3A_690 : memref<10000x16xf32, #tpu.memory_space<vmem_shared>>) dst(%dma_wait3A_684 : memref<80x16xf32, #tpu.memory_space<vmem>>)
      %dma_start3A_693 = arith.constant 4 : i32
      %dma_start3A_694 = arith.constant 4 : i32
      %dma_start3A_695 = arith.constant 0 : i32
      %dma_start3A_696 = arith.constant 0 : i32
      %dma_start3A_697 = tpu.memref_slice %arg14[%dma_start3A_693, %dma_start3A_695, %dma_start3A_696] : memref<10x80x16xf32, #tpu.memory_space<vmem>> -> memref<1x80x16xf32, #tpu.memory_space<vmem>>
      %dma_start3A_698 = tpu.memref_squeeze %dma_start3A_697 : memref<1x80x16xf32, #tpu.memory_space<vmem>> -> memref<80x16xf32, #tpu.memory_space<vmem>>
      %dma_start3A_699 = arith.constant 0 : i32
      %dma_start3A_700 = tpu.memref_slice %arg9[%add3A_678, %dma_start3A_699] : memref<250x80xi32, #tpu.memory_space<vmem>> -> memref<1x80xi32, #tpu.memory_space<vmem>>
      %dma_start3A_701 = tpu.memref_squeeze %dma_start3A_700 : memref<1x80xi32, #tpu.memory_space<vmem>> -> memref<80xi32, #tpu.memory_space<vmem>>
      %dma_start3A_702 = arith.constant 0 : i32
      %dma_start3A_703 = arith.constant 0 : i32
      %dma_start3A_704 = tpu.memref_slice %arg15[%dma_start3A_702, %dma_start3A_703] : memref<10000x16xf32, #tpu.memory_space<vmem_shared>> -> memref<10000x16xf32, #tpu.memory_space<vmem_shared>>
      %dma_start3A_705 = tpu.memref_slice %arg18[%dma_start3A_694] : memref<10x!tpu.dma_semaphore, #tpu.memory_space<semaphore_mem>> -> memref<1x!tpu.dma_semaphore, #tpu.memory_space<semaphore_mem>>
      %dma_start3A_706 = tpu.memref_squeeze %dma_start3A_705 : memref<1x!tpu.dma_semaphore, #tpu.memory_space<semaphore_mem>> -> memref<!tpu.dma_semaphore, #tpu.memory_space<semaphore_mem>>
      tpu.enqueue_indirect_dma source(%dma_start3A_698 : memref<80x16xf32, #tpu.memory_space<vmem>>) target(%dma_start3A_704 : memref<10000x16xf32, #tpu.memory_space<vmem_shared>>) offsets(%dma_start3A_701 : memref<80xi32, #tpu.memory_space<vmem>>) semaphore(%dma_start3A_706 : memref<!tpu.dma_semaphore, #tpu.memory_space<semaphore_mem>>) {add = true}
      %add3A_707 = arith.constant 5 : i32
      %add3A_708 = arith.addi %add3A_677, %add3A_707 : i32
      %lt3A_709 = arith.constant 125 : i32
      %lt3A_710 = arith.cmpi slt, %add3A_708, %lt3A_709 : i32
      %convert_element_type3A_711 = arith.extui %lt3A_710 : i1 to i32
      %cond3A_712 = arith.constant 0 : i32
      %cond3A_713 = arith.cmpi ne, %convert_element_type3A_711, %cond3A_712 : i32
      scf.if %cond3A_713 {
        %ge3A = arith.constant 5 : i32
        %ge3A_914 = arith.cmpi sge, %add3A_677, %ge3A : i32
        %convert_element_type3A_915 = arith.extui %ge3A_914 : i1 to i32
        %cond3A_916 = arith.constant 0 : i32
        %cond3A_917 = arith.cmpi ne, %convert_element_type3A_915, %cond3A_916 : i32
        scf.if %cond3A_917 {
          %sub3A = arith.constant 5 : i32
          %sub3A_934 = arith.subi %add3A_678, %sub3A : i32
          %dma_wait3A_935 = arith.constant 9 : i32
          %dma_wait3A_936 = arith.constant 9 : i32
          %dma_wait3A_937 = arith.constant 0 : i32
          %dma_wait3A_938 = arith.constant 0 : i32
          %dma_wait3A_939 = tpu.memref_slice %arg14[%dma_wait3A_935, %dma_wait3A_937, %dma_wait3A_938] : memref<10x80x16xf32, #tpu.memory_space<vmem>> -> memref<1x80x16xf32, #tpu.memory_space<vmem>>
          %dma_wait3A_940 = tpu.memref_squeeze %dma_wait3A_939 : memref<1x80x16xf32, #tpu.memory_space<vmem>> -> memref<80x16xf32, #tpu.memory_space<vmem>>
          %dma_wait3A_941 = arith.constant 0 : i32
          %dma_wait3A_942 = tpu.memref_slice %arg9[%sub3A_934, %dma_wait3A_941] : memref<250x80xi32, #tpu.memory_space<vmem>> -> memref<1x80xi32, #tpu.memory_space<vmem>>
          %dma_wait3A_943 = tpu.memref_squeeze %dma_wait3A_942 : memref<1x80xi32, #tpu.memory_space<vmem>> -> memref<80xi32, #tpu.memory_space<vmem>>
          %dma_wait3A_944 = arith.constant 0 : i32
          %dma_wait3A_945 = arith.constant 0 : i32
          %dma_wait3A_946 = tpu.memref_slice %arg15[%dma_wait3A_944, %dma_wait3A_945] : memref<10000x16xf32, #tpu.memory_space<vmem_shared>> -> memref<10000x16xf32, #tpu.memory_space<vmem_shared>>
          %dma_wait3A_947 = tpu.memref_slice %arg18[%dma_wait3A_936] : memref<10x!tpu.dma_semaphore, #tpu.memory_space<semaphore_mem>> -> memref<1x!tpu.dma_semaphore, #tpu.memory_space<semaphore_mem>>
          %dma_wait3A_948 = tpu.memref_squeeze %dma_wait3A_947 : memref<1x!tpu.dma_semaphore, #tpu.memory_space<semaphore_mem>> -> memref<!tpu.dma_semaphore, #tpu.memory_space<semaphore_mem>>
          tpu.wait_indirect_dma semaphore(%dma_wait3A_948 : memref<!tpu.dma_semaphore, #tpu.memory_space<semaphore_mem>>) src(%dma_wait3A_940 : memref<80x16xf32, #tpu.memory_space<vmem>>) dst(%dma_wait3A_946 : memref<10000x16xf32, #tpu.memory_space<vmem_shared>>)
        } else {
        }
        %add3A_918 = arith.constant 5 : i32
        %add3A_919 = arith.addi %add3A_678, %add3A_918 : i32
        %dma_start3A_920 = arith.constant 9 : i32
        %dma_start3A_921 = arith.constant 9 : i32
        %dma_start3A_922 = arith.constant 0 : i32
        %dma_start3A_923 = arith.constant 0 : i32
        %dma_start3A_924 = tpu.memref_slice %arg14[%dma_start3A_920, %dma_start3A_922, %dma_start3A_923] : memref<10x80x16xf32, #tpu.memory_space<vmem>> -> memref<1x80x16xf32, #tpu.memory_space<vmem>>
        %dma_start3A_925 = tpu.memref_squeeze %dma_start3A_924 : memref<1x80x16xf32, #tpu.memory_space<vmem>> -> memref<80x16xf32, #tpu.memory_space<vmem>>
        %dma_start3A_926 = arith.constant 0 : i32
        %dma_start3A_927 = tpu.memref_slice %arg8[%add3A_919, %dma_start3A_926] : memref<250x80xi32, #tpu.memory_space<vmem>> -> memref<1x80xi32, #tpu.memory_space<vmem>>
        %dma_start3A_928 = tpu.memref_squeeze %dma_start3A_927 : memref<1x80xi32, #tpu.memory_space<vmem>> -> memref<80xi32, #tpu.memory_space<vmem>>
        %dma_start3A_929 = arith.constant 0 : i32
        %dma_start3A_930 = arith.constant 0 : i32
        %dma_start3A_931 = tpu.memref_slice %arg16[%dma_start3A_929, %dma_start3A_930] : memref<10000x16xf32, #tpu.memory_space<vmem_shared>> -> memref<10000x16xf32, #tpu.memory_space<vmem_shared>>
        %dma_start3A_932 = tpu.memref_slice %arg17[%dma_start3A_921] : memref<10x!tpu.dma_semaphore, #tpu.memory_space<semaphore_mem>> -> memref<1x!tpu.dma_semaphore, #tpu.memory_space<semaphore_mem>>
        %dma_start3A_933 = tpu.memref_squeeze %dma_start3A_932 : memref<1x!tpu.dma_semaphore, #tpu.memory_space<semaphore_mem>> -> memref<!tpu.dma_semaphore, #tpu.memory_space<semaphore_mem>>
        tpu.enqueue_indirect_dma source(%dma_start3A_931 : memref<10000x16xf32, #tpu.memory_space<vmem_shared>>) target(%dma_start3A_925 : memref<80x16xf32, #tpu.memory_space<vmem>>) offsets(%dma_start3A_928 : memref<80xi32, #tpu.memory_space<vmem>>) semaphore(%dma_start3A_933 : memref<!tpu.dma_semaphore, #tpu.memory_space<semaphore_mem>>)
      } else {
      }
      %mul3A_714 = arith.constant 10 : i32
      %mul3A_715 = arith.muli %scan3A_514, %mul3A_714 : i32
      %add3A_716 = arith.constant 5 : i32
      %add3A_717 = arith.addi %mul3A_715, %add3A_716 : i32
      %add3A_718 = arith.addi %mul3A_119, %add3A_717 : i32
      %dma_wait3A_719 = arith.constant 5 : i32
      %dma_wait3A_720 = arith.constant 5 : i32
      %dma_wait3A_721 = arith.constant 0 : i32
      %dma_wait3A_722 = arith.constant 0 : i32
      %dma_wait3A_723 = tpu.memref_slice %arg14[%dma_wait3A_719, %dma_wait3A_721, %dma_wait3A_722] : memref<10x80x16xf32, #tpu.memory_space<vmem>> -> memref<1x80x16xf32, #tpu.memory_space<vmem>>
      %dma_wait3A_724 = tpu.memref_squeeze %dma_wait3A_723 : memref<1x80x16xf32, #tpu.memory_space<vmem>> -> memref<80x16xf32, #tpu.memory_space<vmem>>
      %dma_wait3A_725 = arith.constant 0 : i32
      %dma_wait3A_726 = tpu.memref_slice %arg8[%add3A_718, %dma_wait3A_725] : memref<250x80xi32, #tpu.memory_space<vmem>> -> memref<1x80xi32, #tpu.memory_space<vmem>>
      %dma_wait3A_727 = tpu.memref_squeeze %dma_wait3A_726 : memref<1x80xi32, #tpu.memory_space<vmem>> -> memref<80xi32, #tpu.memory_space<vmem>>
      %dma_wait3A_728 = arith.constant 0 : i32
      %dma_wait3A_729 = arith.constant 0 : i32
      %dma_wait3A_730 = tpu.memref_slice %arg16[%dma_wait3A_728, %dma_wait3A_729] : memref<10000x16xf32, #tpu.memory_space<vmem_shared>> -> memref<10000x16xf32, #tpu.memory_space<vmem_shared>>
      %dma_wait3A_731 = tpu.memref_slice %arg17[%dma_wait3A_720] : memref<10x!tpu.dma_semaphore, #tpu.memory_space<semaphore_mem>> -> memref<1x!tpu.dma_semaphore, #tpu.memory_space<semaphore_mem>>
      %dma_wait3A_732 = tpu.memref_squeeze %dma_wait3A_731 : memref<1x!tpu.dma_semaphore, #tpu.memory_space<semaphore_mem>> -> memref<!tpu.dma_semaphore, #tpu.memory_space<semaphore_mem>>
      tpu.wait_indirect_dma semaphore(%dma_wait3A_732 : memref<!tpu.dma_semaphore, #tpu.memory_space<semaphore_mem>>) src(%dma_wait3A_730 : memref<10000x16xf32, #tpu.memory_space<vmem_shared>>) dst(%dma_wait3A_724 : memref<80x16xf32, #tpu.memory_space<vmem>>)
      %dma_start3A_733 = arith.constant 5 : i32
      %dma_start3A_734 = arith.constant 5 : i32
      %dma_start3A_735 = arith.constant 0 : i32
      %dma_start3A_736 = arith.constant 0 : i32
      %dma_start3A_737 = tpu.memref_slice %arg14[%dma_start3A_733, %dma_start3A_735, %dma_start3A_736] : memref<10x80x16xf32, #tpu.memory_space<vmem>> -> memref<1x80x16xf32, #tpu.memory_space<vmem>>
      %dma_start3A_738 = tpu.memref_squeeze %dma_start3A_737 : memref<1x80x16xf32, #tpu.memory_space<vmem>> -> memref<80x16xf32, #tpu.memory_space<vmem>>
      %dma_start3A_739 = arith.constant 0 : i32
      %dma_start3A_740 = tpu.memref_slice %arg9[%add3A_718, %dma_start3A_739] : memref<250x80xi32, #tpu.memory_space<vmem>> -> memref<1x80xi32, #tpu.memory_space<vmem>>
      %dma_start3A_741 = tpu.memref_squeeze %dma_start3A_740 : memref<1x80xi32, #tpu.memory_space<vmem>> -> memref<80xi32, #tpu.memory_space<vmem>>
      %dma_start3A_742 = arith.constant 0 : i32
      %dma_start3A_743 = arith.constant 0 : i32
      %dma_start3A_744 = tpu.memref_slice %arg15[%dma_start3A_742, %dma_start3A_743] : memref<10000x16xf32, #tpu.memory_space<vmem_shared>> -> memref<10000x16xf32, #tpu.memory_space<vmem_shared>>
      %dma_start3A_745 = tpu.memref_slice %arg18[%dma_start3A_734] : memref<10x!tpu.dma_semaphore, #tpu.memory_space<semaphore_mem>> -> memref<1x!tpu.dma_semaphore, #tpu.memory_space<semaphore_mem>>
      %dma_start3A_746 = tpu.memref_squeeze %dma_start3A_745 : memref<1x!tpu.dma_semaphore, #tpu.memory_space<semaphore_mem>> -> memref<!tpu.dma_semaphore, #tpu.memory_space<semaphore_mem>>
      tpu.enqueue_indirect_dma source(%dma_start3A_738 : memref<80x16xf32, #tpu.memory_space<vmem>>) target(%dma_start3A_744 : memref<10000x16xf32, #tpu.memory_space<vmem_shared>>) offsets(%dma_start3A_741 : memref<80xi32, #tpu.memory_space<vmem>>) semaphore(%dma_start3A_746 : memref<!tpu.dma_semaphore, #tpu.memory_space<semaphore_mem>>) {add = true}
      %add3A_747 = arith.constant 5 : i32
      %add3A_748 = arith.addi %add3A_717, %add3A_747 : i32
      %lt3A_749 = arith.constant 125 : i32
      %lt3A_750 = arith.cmpi slt, %add3A_748, %lt3A_749 : i32
      %convert_element_type3A_751 = arith.extui %lt3A_750 : i1 to i32
      %cond3A_752 = arith.constant 0 : i32
      %cond3A_753 = arith.cmpi ne, %convert_element_type3A_751, %cond3A_752 : i32
      scf.if %cond3A_753 {
        %ge3A = arith.constant 5 : i32
        %ge3A_914 = arith.cmpi sge, %add3A_717, %ge3A : i32
        %convert_element_type3A_915 = arith.extui %ge3A_914 : i1 to i32
        %cond3A_916 = arith.constant 0 : i32
        %cond3A_917 = arith.cmpi ne, %convert_element_type3A_915, %cond3A_916 : i32
        scf.if %cond3A_917 {
          %sub3A = arith.constant 5 : i32
          %sub3A_934 = arith.subi %add3A_718, %sub3A : i32
          %dma_wait3A_935 = arith.constant 0 : i32
          %dma_wait3A_936 = arith.constant 0 : i32
          %dma_wait3A_937 = arith.constant 0 : i32
          %dma_wait3A_938 = arith.constant 0 : i32
          %dma_wait3A_939 = tpu.memref_slice %arg14[%dma_wait3A_935, %dma_wait3A_937, %dma_wait3A_938] : memref<10x80x16xf32, #tpu.memory_space<vmem>> -> memref<1x80x16xf32, #tpu.memory_space<vmem>>
          %dma_wait3A_940 = tpu.memref_squeeze %dma_wait3A_939 : memref<1x80x16xf32, #tpu.memory_space<vmem>> -> memref<80x16xf32, #tpu.memory_space<vmem>>
          %dma_wait3A_941 = arith.constant 0 : i32
          %dma_wait3A_942 = tpu.memref_slice %arg9[%sub3A_934, %dma_wait3A_941] : memref<250x80xi32, #tpu.memory_space<vmem>> -> memref<1x80xi32, #tpu.memory_space<vmem>>
          %dma_wait3A_943 = tpu.memref_squeeze %dma_wait3A_942 : memref<1x80xi32, #tpu.memory_space<vmem>> -> memref<80xi32, #tpu.memory_space<vmem>>
          %dma_wait3A_944 = arith.constant 0 : i32
          %dma_wait3A_945 = arith.constant 0 : i32
          %dma_wait3A_946 = tpu.memref_slice %arg15[%dma_wait3A_944, %dma_wait3A_945] : memref<10000x16xf32, #tpu.memory_space<vmem_shared>> -> memref<10000x16xf32, #tpu.memory_space<vmem_shared>>
          %dma_wait3A_947 = tpu.memref_slice %arg18[%dma_wait3A_936] : memref<10x!tpu.dma_semaphore, #tpu.memory_space<semaphore_mem>> -> memref<1x!tpu.dma_semaphore, #tpu.memory_space<semaphore_mem>>
          %dma_wait3A_948 = tpu.memref_squeeze %dma_wait3A_947 : memref<1x!tpu.dma_semaphore, #tpu.memory_space<semaphore_mem>> -> memref<!tpu.dma_semaphore, #tpu.memory_space<semaphore_mem>>
          tpu.wait_indirect_dma semaphore(%dma_wait3A_948 : memref<!tpu.dma_semaphore, #tpu.memory_space<semaphore_mem>>) src(%dma_wait3A_940 : memref<80x16xf32, #tpu.memory_space<vmem>>) dst(%dma_wait3A_946 : memref<10000x16xf32, #tpu.memory_space<vmem_shared>>)
        } else {
        }
        %add3A_918 = arith.constant 5 : i32
        %add3A_919 = arith.addi %add3A_718, %add3A_918 : i32
        %dma_start3A_920 = arith.constant 0 : i32
        %dma_start3A_921 = arith.constant 0 : i32
        %dma_start3A_922 = arith.constant 0 : i32
        %dma_start3A_923 = arith.constant 0 : i32
        %dma_start3A_924 = tpu.memref_slice %arg14[%dma_start3A_920, %dma_start3A_922, %dma_start3A_923] : memref<10x80x16xf32, #tpu.memory_space<vmem>> -> memref<1x80x16xf32, #tpu.memory_space<vmem>>
        %dma_start3A_925 = tpu.memref_squeeze %dma_start3A_924 : memref<1x80x16xf32, #tpu.memory_space<vmem>> -> memref<80x16xf32, #tpu.memory_space<vmem>>
        %dma_start3A_926 = arith.constant 0 : i32
        %dma_start3A_927 = tpu.memref_slice %arg8[%add3A_919, %dma_start3A_926] : memref<250x80xi32, #tpu.memory_space<vmem>> -> memref<1x80xi32, #tpu.memory_space<vmem>>
        %dma_start3A_928 = tpu.memref_squeeze %dma_start3A_927 : memref<1x80xi32, #tpu.memory_space<vmem>> -> memref<80xi32, #tpu.memory_space<vmem>>
        %dma_start3A_929 = arith.constant 0 : i32
        %dma_start3A_930 = arith.constant 0 : i32
        %dma_start3A_931 = tpu.memref_slice %arg16[%dma_start3A_929, %dma_start3A_930] : memref<10000x16xf32, #tpu.memory_space<vmem_shared>> -> memref<10000x16xf32, #tpu.memory_space<vmem_shared>>
        %dma_start3A_932 = tpu.memref_slice %arg17[%dma_start3A_921] : memref<10x!tpu.dma_semaphore, #tpu.memory_space<semaphore_mem>> -> memref<1x!tpu.dma_semaphore, #tpu.memory_space<semaphore_mem>>
        %dma_start3A_933 = tpu.memref_squeeze %dma_start3A_932 : memref<1x!tpu.dma_semaphore, #tpu.memory_space<semaphore_mem>> -> memref<!tpu.dma_semaphore, #tpu.memory_space<semaphore_mem>>
        tpu.enqueue_indirect_dma source(%dma_start3A_931 : memref<10000x16xf32, #tpu.memory_space<vmem_shared>>) target(%dma_start3A_925 : memref<80x16xf32, #tpu.memory_space<vmem>>) offsets(%dma_start3A_928 : memref<80xi32, #tpu.memory_space<vmem>>) semaphore(%dma_start3A_933 : memref<!tpu.dma_semaphore, #tpu.memory_space<semaphore_mem>>)
      } else {
      }
      %mul3A_754 = arith.constant 10 : i32
      %mul3A_755 = arith.muli %scan3A_514, %mul3A_754 : i32
      %add3A_756 = arith.constant 6 : i32
      %add3A_757 = arith.addi %mul3A_755, %add3A_756 : i32
      %add3A_758 = arith.addi %mul3A_119, %add3A_757 : i32
      %dma_wait3A_759 = arith.constant 6 : i32
      %dma_wait3A_760 = arith.constant 6 : i32
      %dma_wait3A_761 = arith.constant 0 : i32
      %dma_wait3A_762 = arith.constant 0 : i32
      %dma_wait3A_763 = tpu.memref_slice %arg14[%dma_wait3A_759, %dma_wait3A_761, %dma_wait3A_762] : memref<10x80x16xf32, #tpu.memory_space<vmem>> -> memref<1x80x16xf32, #tpu.memory_space<vmem>>
      %dma_wait3A_764 = tpu.memref_squeeze %dma_wait3A_763 : memref<1x80x16xf32, #tpu.memory_space<vmem>> -> memref<80x16xf32, #tpu.memory_space<vmem>>
      %dma_wait3A_765 = arith.constant 0 : i32
      %dma_wait3A_766 = tpu.memref_slice %arg8[%add3A_758, %dma_wait3A_765] : memref<250x80xi32, #tpu.memory_space<vmem>> -> memref<1x80xi32, #tpu.memory_space<vmem>>
      %dma_wait3A_767 = tpu.memref_squeeze %dma_wait3A_766 : memref<1x80xi32, #tpu.memory_space<vmem>> -> memref<80xi32, #tpu.memory_space<vmem>>
      %dma_wait3A_768 = arith.constant 0 : i32
      %dma_wait3A_769 = arith.constant 0 : i32
      %dma_wait3A_770 = tpu.memref_slice %arg16[%dma_wait3A_768, %dma_wait3A_769] : memref<10000x16xf32, #tpu.memory_space<vmem_shared>> -> memref<10000x16xf32, #tpu.memory_space<vmem_shared>>
      %dma_wait3A_771 = tpu.memref_slice %arg17[%dma_wait3A_760] : memref<10x!tpu.dma_semaphore, #tpu.memory_space<semaphore_mem>> -> memref<1x!tpu.dma_semaphore, #tpu.memory_space<semaphore_mem>>
      %dma_wait3A_772 = tpu.memref_squeeze %dma_wait3A_771 : memref<1x!tpu.dma_semaphore, #tpu.memory_space<semaphore_mem>> -> memref<!tpu.dma_semaphore, #tpu.memory_space<semaphore_mem>>
      tpu.wait_indirect_dma semaphore(%dma_wait3A_772 : memref<!tpu.dma_semaphore, #tpu.memory_space<semaphore_mem>>) src(%dma_wait3A_770 : memref<10000x16xf32, #tpu.memory_space<vmem_shared>>) dst(%dma_wait3A_764 : memref<80x16xf32, #tpu.memory_space<vmem>>)
      %dma_start3A_773 = arith.constant 6 : i32
      %dma_start3A_774 = arith.constant 6 : i32
      %dma_start3A_775 = arith.constant 0 : i32
      %dma_start3A_776 = arith.constant 0 : i32
      %dma_start3A_777 = tpu.memref_slice %arg14[%dma_start3A_773, %dma_start3A_775, %dma_start3A_776] : memref<10x80x16xf32, #tpu.memory_space<vmem>> -> memref<1x80x16xf32, #tpu.memory_space<vmem>>
      %dma_start3A_778 = tpu.memref_squeeze %dma_start3A_777 : memref<1x80x16xf32, #tpu.memory_space<vmem>> -> memref<80x16xf32, #tpu.memory_space<vmem>>
      %dma_start3A_779 = arith.constant 0 : i32
      %dma_start3A_780 = tpu.memref_slice %arg9[%add3A_758, %dma_start3A_779] : memref<250x80xi32, #tpu.memory_space<vmem>> -> memref<1x80xi32, #tpu.memory_space<vmem>>
      %dma_start3A_781 = tpu.memref_squeeze %dma_start3A_780 : memref<1x80xi32, #tpu.memory_space<vmem>> -> memref<80xi32, #tpu.memory_space<vmem>>
      %dma_start3A_782 = arith.constant 0 : i32
      %dma_start3A_783 = arith.constant 0 : i32
      %dma_start3A_784 = tpu.memref_slice %arg15[%dma_start3A_782, %dma_start3A_783] : memref<10000x16xf32, #tpu.memory_space<vmem_shared>> -> memref<10000x16xf32, #tpu.memory_space<vmem_shared>>
      %dma_start3A_785 = tpu.memref_slice %arg18[%dma_start3A_774] : memref<10x!tpu.dma_semaphore, #tpu.memory_space<semaphore_mem>> -> memref<1x!tpu.dma_semaphore, #tpu.memory_space<semaphore_mem>>
      %dma_start3A_786 = tpu.memref_squeeze %dma_start3A_785 : memref<1x!tpu.dma_semaphore, #tpu.memory_space<semaphore_mem>> -> memref<!tpu.dma_semaphore, #tpu.memory_space<semaphore_mem>>
      tpu.enqueue_indirect_dma source(%dma_start3A_778 : memref<80x16xf32, #tpu.memory_space<vmem>>) target(%dma_start3A_784 : memref<10000x16xf32, #tpu.memory_space<vmem_shared>>) offsets(%dma_start3A_781 : memref<80xi32, #tpu.memory_space<vmem>>) semaphore(%dma_start3A_786 : memref<!tpu.dma_semaphore, #tpu.memory_space<semaphore_mem>>) {add = true}
      %add3A_787 = arith.constant 5 : i32
      %add3A_788 = arith.addi %add3A_757, %add3A_787 : i32
      %lt3A_789 = arith.constant 125 : i32
      %lt3A_790 = arith.cmpi slt, %add3A_788, %lt3A_789 : i32
      %convert_element_type3A_791 = arith.extui %lt3A_790 : i1 to i32
      %cond3A_792 = arith.constant 0 : i32
      %cond3A_793 = arith.cmpi ne, %convert_element_type3A_791, %cond3A_792 : i32
      scf.if %cond3A_793 {
        %ge3A = arith.constant 5 : i32
        %ge3A_914 = arith.cmpi sge, %add3A_757, %ge3A : i32
        %convert_element_type3A_915 = arith.extui %ge3A_914 : i1 to i32
        %cond3A_916 = arith.constant 0 : i32
        %cond3A_917 = arith.cmpi ne, %convert_element_type3A_915, %cond3A_916 : i32
        scf.if %cond3A_917 {
          %sub3A = arith.constant 5 : i32
          %sub3A_934 = arith.subi %add3A_758, %sub3A : i32
          %dma_wait3A_935 = arith.constant 1 : i32
          %dma_wait3A_936 = arith.constant 1 : i32
          %dma_wait3A_937 = arith.constant 0 : i32
          %dma_wait3A_938 = arith.constant 0 : i32
          %dma_wait3A_939 = tpu.memref_slice %arg14[%dma_wait3A_935, %dma_wait3A_937, %dma_wait3A_938] : memref<10x80x16xf32, #tpu.memory_space<vmem>> -> memref<1x80x16xf32, #tpu.memory_space<vmem>>
          %dma_wait3A_940 = tpu.memref_squeeze %dma_wait3A_939 : memref<1x80x16xf32, #tpu.memory_space<vmem>> -> memref<80x16xf32, #tpu.memory_space<vmem>>
          %dma_wait3A_941 = arith.constant 0 : i32
          %dma_wait3A_942 = tpu.memref_slice %arg9[%sub3A_934, %dma_wait3A_941] : memref<250x80xi32, #tpu.memory_space<vmem>> -> memref<1x80xi32, #tpu.memory_space<vmem>>
          %dma_wait3A_943 = tpu.memref_squeeze %dma_wait3A_942 : memref<1x80xi32, #tpu.memory_space<vmem>> -> memref<80xi32, #tpu.memory_space<vmem>>
          %dma_wait3A_944 = arith.constant 0 : i32
          %dma_wait3A_945 = arith.constant 0 : i32
          %dma_wait3A_946 = tpu.memref_slice %arg15[%dma_wait3A_944, %dma_wait3A_945] : memref<10000x16xf32, #tpu.memory_space<vmem_shared>> -> memref<10000x16xf32, #tpu.memory_space<vmem_shared>>
          %dma_wait3A_947 = tpu.memref_slice %arg18[%dma_wait3A_936] : memref<10x!tpu.dma_semaphore, #tpu.memory_space<semaphore_mem>> -> memref<1x!tpu.dma_semaphore, #tpu.memory_space<semaphore_mem>>
          %dma_wait3A_948 = tpu.memref_squeeze %dma_wait3A_947 : memref<1x!tpu.dma_semaphore, #tpu.memory_space<semaphore_mem>> -> memref<!tpu.dma_semaphore, #tpu.memory_space<semaphore_mem>>
          tpu.wait_indirect_dma semaphore(%dma_wait3A_948 : memref<!tpu.dma_semaphore, #tpu.memory_space<semaphore_mem>>) src(%dma_wait3A_940 : memref<80x16xf32, #tpu.memory_space<vmem>>) dst(%dma_wait3A_946 : memref<10000x16xf32, #tpu.memory_space<vmem_shared>>)
        } else {
        }
        %add3A_918 = arith.constant 5 : i32
        %add3A_919 = arith.addi %add3A_758, %add3A_918 : i32
        %dma_start3A_920 = arith.constant 1 : i32
        %dma_start3A_921 = arith.constant 1 : i32
        %dma_start3A_922 = arith.constant 0 : i32
        %dma_start3A_923 = arith.constant 0 : i32
        %dma_start3A_924 = tpu.memref_slice %arg14[%dma_start3A_920, %dma_start3A_922, %dma_start3A_923] : memref<10x80x16xf32, #tpu.memory_space<vmem>> -> memref<1x80x16xf32, #tpu.memory_space<vmem>>
        %dma_start3A_925 = tpu.memref_squeeze %dma_start3A_924 : memref<1x80x16xf32, #tpu.memory_space<vmem>> -> memref<80x16xf32, #tpu.memory_space<vmem>>
        %dma_start3A_926 = arith.constant 0 : i32
        %dma_start3A_927 = tpu.memref_slice %arg8[%add3A_919, %dma_start3A_926] : memref<250x80xi32, #tpu.memory_space<vmem>> -> memref<1x80xi32, #tpu.memory_space<vmem>>
        %dma_start3A_928 = tpu.memref_squeeze %dma_start3A_927 : memref<1x80xi32, #tpu.memory_space<vmem>> -> memref<80xi32, #tpu.memory_space<vmem>>
        %dma_start3A_929 = arith.constant 0 : i32
        %dma_start3A_930 = arith.constant 0 : i32
        %dma_start3A_931 = tpu.memref_slice %arg16[%dma_start3A_929, %dma_start3A_930] : memref<10000x16xf32, #tpu.memory_space<vmem_shared>> -> memref<10000x16xf32, #tpu.memory_space<vmem_shared>>
        %dma_start3A_932 = tpu.memref_slice %arg17[%dma_start3A_921] : memref<10x!tpu.dma_semaphore, #tpu.memory_space<semaphore_mem>> -> memref<1x!tpu.dma_semaphore, #tpu.memory_space<semaphore_mem>>
        %dma_start3A_933 = tpu.memref_squeeze %dma_start3A_932 : memref<1x!tpu.dma_semaphore, #tpu.memory_space<semaphore_mem>> -> memref<!tpu.dma_semaphore, #tpu.memory_space<semaphore_mem>>
        tpu.enqueue_indirect_dma source(%dma_start3A_931 : memref<10000x16xf32, #tpu.memory_space<vmem_shared>>) target(%dma_start3A_925 : memref<80x16xf32, #tpu.memory_space<vmem>>) offsets(%dma_start3A_928 : memref<80xi32, #tpu.memory_space<vmem>>) semaphore(%dma_start3A_933 : memref<!tpu.dma_semaphore, #tpu.memory_space<semaphore_mem>>)
      } else {
      }
      %mul3A_794 = arith.constant 10 : i32
      %mul3A_795 = arith.muli %scan3A_514, %mul3A_794 : i32
      %add3A_796 = arith.constant 7 : i32
      %add3A_797 = arith.addi %mul3A_795, %add3A_796 : i32
      %add3A_798 = arith.addi %mul3A_119, %add3A_797 : i32
      %dma_wait3A_799 = arith.constant 7 : i32
      %dma_wait3A_800 = arith.constant 7 : i32
      %dma_wait3A_801 = arith.constant 0 : i32
      %dma_wait3A_802 = arith.constant 0 : i32
      %dma_wait3A_803 = tpu.memref_slice %arg14[%dma_wait3A_799, %dma_wait3A_801, %dma_wait3A_802] : memref<10x80x16xf32, #tpu.memory_space<vmem>> -> memref<1x80x16xf32, #tpu.memory_space<vmem>>
      %dma_wait3A_804 = tpu.memref_squeeze %dma_wait3A_803 : memref<1x80x16xf32, #tpu.memory_space<vmem>> -> memref<80x16xf32, #tpu.memory_space<vmem>>
      %dma_wait3A_805 = arith.constant 0 : i32
      %dma_wait3A_806 = tpu.memref_slice %arg8[%add3A_798, %dma_wait3A_805] : memref<250x80xi32, #tpu.memory_space<vmem>> -> memref<1x80xi32, #tpu.memory_space<vmem>>
      %dma_wait3A_807 = tpu.memref_squeeze %dma_wait3A_806 : memref<1x80xi32, #tpu.memory_space<vmem>> -> memref<80xi32, #tpu.memory_space<vmem>>
      %dma_wait3A_808 = arith.constant 0 : i32
      %dma_wait3A_809 = arith.constant 0 : i32
      %dma_wait3A_810 = tpu.memref_slice %arg16[%dma_wait3A_808, %dma_wait3A_809] : memref<10000x16xf32, #tpu.memory_space<vmem_shared>> -> memref<10000x16xf32, #tpu.memory_space<vmem_shared>>
      %dma_wait3A_811 = tpu.memref_slice %arg17[%dma_wait3A_800] : memref<10x!tpu.dma_semaphore, #tpu.memory_space<semaphore_mem>> -> memref<1x!tpu.dma_semaphore, #tpu.memory_space<semaphore_mem>>
      %dma_wait3A_812 = tpu.memref_squeeze %dma_wait3A_811 : memref<1x!tpu.dma_semaphore, #tpu.memory_space<semaphore_mem>> -> memref<!tpu.dma_semaphore, #tpu.memory_space<semaphore_mem>>
      tpu.wait_indirect_dma semaphore(%dma_wait3A_812 : memref<!tpu.dma_semaphore, #tpu.memory_space<semaphore_mem>>) src(%dma_wait3A_810 : memref<10000x16xf32, #tpu.memory_space<vmem_shared>>) dst(%dma_wait3A_804 : memref<80x16xf32, #tpu.memory_space<vmem>>)
      %dma_start3A_813 = arith.constant 7 : i32
      %dma_start3A_814 = arith.constant 7 : i32
      %dma_start3A_815 = arith.constant 0 : i32
      %dma_start3A_816 = arith.constant 0 : i32
      %dma_start3A_817 = tpu.memref_slice %arg14[%dma_start3A_813, %dma_start3A_815, %dma_start3A_816] : memref<10x80x16xf32, #tpu.memory_space<vmem>> -> memref<1x80x16xf32, #tpu.memory_space<vmem>>
      %dma_start3A_818 = tpu.memref_squeeze %dma_start3A_817 : memref<1x80x16xf32, #tpu.memory_space<vmem>> -> memref<80x16xf32, #tpu.memory_space<vmem>>
      %dma_start3A_819 = arith.constant 0 : i32
      %dma_start3A_820 = tpu.memref_slice %arg9[%add3A_798, %dma_start3A_819] : memref<250x80xi32, #tpu.memory_space<vmem>> -> memref<1x80xi32, #tpu.memory_space<vmem>>
      %dma_start3A_821 = tpu.memref_squeeze %dma_start3A_820 : memref<1x80xi32, #tpu.memory_space<vmem>> -> memref<80xi32, #tpu.memory_space<vmem>>
      %dma_start3A_822 = arith.constant 0 : i32
      %dma_start3A_823 = arith.constant 0 : i32
      %dma_start3A_824 = tpu.memref_slice %arg15[%dma_start3A_822, %dma_start3A_823] : memref<10000x16xf32, #tpu.memory_space<vmem_shared>> -> memref<10000x16xf32, #tpu.memory_space<vmem_shared>>
      %dma_start3A_825 = tpu.memref_slice %arg18[%dma_start3A_814] : memref<10x!tpu.dma_semaphore, #tpu.memory_space<semaphore_mem>> -> memref<1x!tpu.dma_semaphore, #tpu.memory_space<semaphore_mem>>
      %dma_start3A_826 = tpu.memref_squeeze %dma_start3A_825 : memref<1x!tpu.dma_semaphore, #tpu.memory_space<semaphore_mem>> -> memref<!tpu.dma_semaphore, #tpu.memory_space<semaphore_mem>>
      tpu.enqueue_indirect_dma source(%dma_start3A_818 : memref<80x16xf32, #tpu.memory_space<vmem>>) target(%dma_start3A_824 : memref<10000x16xf32, #tpu.memory_space<vmem_shared>>) offsets(%dma_start3A_821 : memref<80xi32, #tpu.memory_space<vmem>>) semaphore(%dma_start3A_826 : memref<!tpu.dma_semaphore, #tpu.memory_space<semaphore_mem>>) {add = true}
      %add3A_827 = arith.constant 5 : i32
      %add3A_828 = arith.addi %add3A_797, %add3A_827 : i32
      %lt3A_829 = arith.constant 125 : i32
      %lt3A_830 = arith.cmpi slt, %add3A_828, %lt3A_829 : i32
      %convert_element_type3A_831 = arith.extui %lt3A_830 : i1 to i32
      %cond3A_832 = arith.constant 0 : i32
      %cond3A_833 = arith.cmpi ne, %convert_element_type3A_831, %cond3A_832 : i32
      scf.if %cond3A_833 {
        %ge3A = arith.constant 5 : i32
        %ge3A_914 = arith.cmpi sge, %add3A_797, %ge3A : i32
        %convert_element_type3A_915 = arith.extui %ge3A_914 : i1 to i32
        %cond3A_916 = arith.constant 0 : i32
        %cond3A_917 = arith.cmpi ne, %convert_element_type3A_915, %cond3A_916 : i32
        scf.if %cond3A_917 {
          %sub3A = arith.constant 5 : i32
          %sub3A_934 = arith.subi %add3A_798, %sub3A : i32
          %dma_wait3A_935 = arith.constant 2 : i32
          %dma_wait3A_936 = arith.constant 2 : i32
          %dma_wait3A_937 = arith.constant 0 : i32
          %dma_wait3A_938 = arith.constant 0 : i32
          %dma_wait3A_939 = tpu.memref_slice %arg14[%dma_wait3A_935, %dma_wait3A_937, %dma_wait3A_938] : memref<10x80x16xf32, #tpu.memory_space<vmem>> -> memref<1x80x16xf32, #tpu.memory_space<vmem>>
          %dma_wait3A_940 = tpu.memref_squeeze %dma_wait3A_939 : memref<1x80x16xf32, #tpu.memory_space<vmem>> -> memref<80x16xf32, #tpu.memory_space<vmem>>
          %dma_wait3A_941 = arith.constant 0 : i32
          %dma_wait3A_942 = tpu.memref_slice %arg9[%sub3A_934, %dma_wait3A_941] : memref<250x80xi32, #tpu.memory_space<vmem>> -> memref<1x80xi32, #tpu.memory_space<vmem>>
          %dma_wait3A_943 = tpu.memref_squeeze %dma_wait3A_942 : memref<1x80xi32, #tpu.memory_space<vmem>> -> memref<80xi32, #tpu.memory_space<vmem>>
          %dma_wait3A_944 = arith.constant 0 : i32
          %dma_wait3A_945 = arith.constant 0 : i32
          %dma_wait3A_946 = tpu.memref_slice %arg15[%dma_wait3A_944, %dma_wait3A_945] : memref<10000x16xf32, #tpu.memory_space<vmem_shared>> -> memref<10000x16xf32, #tpu.memory_space<vmem_shared>>
          %dma_wait3A_947 = tpu.memref_slice %arg18[%dma_wait3A_936] : memref<10x!tpu.dma_semaphore, #tpu.memory_space<semaphore_mem>> -> memref<1x!tpu.dma_semaphore, #tpu.memory_space<semaphore_mem>>
          %dma_wait3A_948 = tpu.memref_squeeze %dma_wait3A_947 : memref<1x!tpu.dma_semaphore, #tpu.memory_space<semaphore_mem>> -> memref<!tpu.dma_semaphore, #tpu.memory_space<semaphore_mem>>
          tpu.wait_indirect_dma semaphore(%dma_wait3A_948 : memref<!tpu.dma_semaphore, #tpu.memory_space<semaphore_mem>>) src(%dma_wait3A_940 : memref<80x16xf32, #tpu.memory_space<vmem>>) dst(%dma_wait3A_946 : memref<10000x16xf32, #tpu.memory_space<vmem_shared>>)
        } else {
        }
        %add3A_918 = arith.constant 5 : i32
        %add3A_919 = arith.addi %add3A_798, %add3A_918 : i32
        %dma_start3A_920 = arith.constant 2 : i32
        %dma_start3A_921 = arith.constant 2 : i32
        %dma_start3A_922 = arith.constant 0 : i32
        %dma_start3A_923 = arith.constant 0 : i32
        %dma_start3A_924 = tpu.memref_slice %arg14[%dma_start3A_920, %dma_start3A_922, %dma_start3A_923] : memref<10x80x16xf32, #tpu.memory_space<vmem>> -> memref<1x80x16xf32, #tpu.memory_space<vmem>>
        %dma_start3A_925 = tpu.memref_squeeze %dma_start3A_924 : memref<1x80x16xf32, #tpu.memory_space<vmem>> -> memref<80x16xf32, #tpu.memory_space<vmem>>
        %dma_start3A_926 = arith.constant 0 : i32
        %dma_start3A_927 = tpu.memref_slice %arg8[%add3A_919, %dma_start3A_926] : memref<250x80xi32, #tpu.memory_space<vmem>> -> memref<1x80xi32, #tpu.memory_space<vmem>>
        %dma_start3A_928 = tpu.memref_squeeze %dma_start3A_927 : memref<1x80xi32, #tpu.memory_space<vmem>> -> memref<80xi32, #tpu.memory_space<vmem>>
        %dma_start3A_929 = arith.constant 0 : i32
        %dma_start3A_930 = arith.constant 0 : i32
        %dma_start3A_931 = tpu.memref_slice %arg16[%dma_start3A_929, %dma_start3A_930] : memref<10000x16xf32, #tpu.memory_space<vmem_shared>> -> memref<10000x16xf32, #tpu.memory_space<vmem_shared>>
        %dma_start3A_932 = tpu.memref_slice %arg17[%dma_start3A_921] : memref<10x!tpu.dma_semaphore, #tpu.memory_space<semaphore_mem>> -> memref<1x!tpu.dma_semaphore, #tpu.memory_space<semaphore_mem>>
        %dma_start3A_933 = tpu.memref_squeeze %dma_start3A_932 : memref<1x!tpu.dma_semaphore, #tpu.memory_space<semaphore_mem>> -> memref<!tpu.dma_semaphore, #tpu.memory_space<semaphore_mem>>
        tpu.enqueue_indirect_dma source(%dma_start3A_931 : memref<10000x16xf32, #tpu.memory_space<vmem_shared>>) target(%dma_start3A_925 : memref<80x16xf32, #tpu.memory_space<vmem>>) offsets(%dma_start3A_928 : memref<80xi32, #tpu.memory_space<vmem>>) semaphore(%dma_start3A_933 : memref<!tpu.dma_semaphore, #tpu.memory_space<semaphore_mem>>)
      } else {
      }
      %mul3A_834 = arith.constant 10 : i32
      %mul3A_835 = arith.muli %scan3A_514, %mul3A_834 : i32
      %add3A_836 = arith.constant 8 : i32
      %add3A_837 = arith.addi %mul3A_835, %add3A_836 : i32
      %add3A_838 = arith.addi %mul3A_119, %add3A_837 : i32
      %dma_wait3A_839 = arith.constant 8 : i32
      %dma_wait3A_840 = arith.constant 8 : i32
      %dma_wait3A_841 = arith.constant 0 : i32
      %dma_wait3A_842 = arith.constant 0 : i32
      %dma_wait3A_843 = tpu.memref_slice %arg14[%dma_wait3A_839, %dma_wait3A_841, %dma_wait3A_842] : memref<10x80x16xf32, #tpu.memory_space<vmem>> -> memref<1x80x16xf32, #tpu.memory_space<vmem>>
      %dma_wait3A_844 = tpu.memref_squeeze %dma_wait3A_843 : memref<1x80x16xf32, #tpu.memory_space<vmem>> -> memref<80x16xf32, #tpu.memory_space<vmem>>
      %dma_wait3A_845 = arith.constant 0 : i32
      %dma_wait3A_846 = tpu.memref_slice %arg8[%add3A_838, %dma_wait3A_845] : memref<250x80xi32, #tpu.memory_space<vmem>> -> memref<1x80xi32, #tpu.memory_space<vmem>>
      %dma_wait3A_847 = tpu.memref_squeeze %dma_wait3A_846 : memref<1x80xi32, #tpu.memory_space<vmem>> -> memref<80xi32, #tpu.memory_space<vmem>>
      %dma_wait3A_848 = arith.constant 0 : i32
      %dma_wait3A_849 = arith.constant 0 : i32
      %dma_wait3A_850 = tpu.memref_slice %arg16[%dma_wait3A_848, %dma_wait3A_849] : memref<10000x16xf32, #tpu.memory_space<vmem_shared>> -> memref<10000x16xf32, #tpu.memory_space<vmem_shared>>
      %dma_wait3A_851 = tpu.memref_slice %arg17[%dma_wait3A_840] : memref<10x!tpu.dma_semaphore, #tpu.memory_space<semaphore_mem>> -> memref<1x!tpu.dma_semaphore, #tpu.memory_space<semaphore_mem>>
      %dma_wait3A_852 = tpu.memref_squeeze %dma_wait3A_851 : memref<1x!tpu.dma_semaphore, #tpu.memory_space<semaphore_mem>> -> memref<!tpu.dma_semaphore, #tpu.memory_space<semaphore_mem>>
      tpu.wait_indirect_dma semaphore(%dma_wait3A_852 : memref<!tpu.dma_semaphore, #tpu.memory_space<semaphore_mem>>) src(%dma_wait3A_850 : memref<10000x16xf32, #tpu.memory_space<vmem_shared>>) dst(%dma_wait3A_844 : memref<80x16xf32, #tpu.memory_space<vmem>>)
      %dma_start3A_853 = arith.constant 8 : i32
      %dma_start3A_854 = arith.constant 8 : i32
      %dma_start3A_855 = arith.constant 0 : i32
      %dma_start3A_856 = arith.constant 0 : i32
      %dma_start3A_857 = tpu.memref_slice %arg14[%dma_start3A_853, %dma_start3A_855, %dma_start3A_856] : memref<10x80x16xf32, #tpu.memory_space<vmem>> -> memref<1x80x16xf32, #tpu.memory_space<vmem>>
      %dma_start3A_858 = tpu.memref_squeeze %dma_start3A_857 : memref<1x80x16xf32, #tpu.memory_space<vmem>> -> memref<80x16xf32, #tpu.memory_space<vmem>>
      %dma_start3A_859 = arith.constant 0 : i32
      %dma_start3A_860 = tpu.memref_slice %arg9[%add3A_838, %dma_start3A_859] : memref<250x80xi32, #tpu.memory_space<vmem>> -> memref<1x80xi32, #tpu.memory_space<vmem>>
      %dma_start3A_861 = tpu.memref_squeeze %dma_start3A_860 : memref<1x80xi32, #tpu.memory_space<vmem>> -> memref<80xi32, #tpu.memory_space<vmem>>
      %dma_start3A_862 = arith.constant 0 : i32
      %dma_start3A_863 = arith.constant 0 : i32
      %dma_start3A_864 = tpu.memref_slice %arg15[%dma_start3A_862, %dma_start3A_863] : memref<10000x16xf32, #tpu.memory_space<vmem_shared>> -> memref<10000x16xf32, #tpu.memory_space<vmem_shared>>
      %dma_start3A_865 = tpu.memref_slice %arg18[%dma_start3A_854] : memref<10x!tpu.dma_semaphore, #tpu.memory_space<semaphore_mem>> -> memref<1x!tpu.dma_semaphore, #tpu.memory_space<semaphore_mem>>
      %dma_start3A_866 = tpu.memref_squeeze %dma_start3A_865 : memref<1x!tpu.dma_semaphore, #tpu.memory_space<semaphore_mem>> -> memref<!tpu.dma_semaphore, #tpu.memory_space<semaphore_mem>>
      tpu.enqueue_indirect_dma source(%dma_start3A_858 : memref<80x16xf32, #tpu.memory_space<vmem>>) target(%dma_start3A_864 : memref<10000x16xf32, #tpu.memory_space<vmem_shared>>) offsets(%dma_start3A_861 : memref<80xi32, #tpu.memory_space<vmem>>) semaphore(%dma_start3A_866 : memref<!tpu.dma_semaphore, #tpu.memory_space<semaphore_mem>>) {add = true}
      %add3A_867 = arith.constant 5 : i32
      %add3A_868 = arith.addi %add3A_837, %add3A_867 : i32
      %lt3A_869 = arith.constant 125 : i32
      %lt3A_870 = arith.cmpi slt, %add3A_868, %lt3A_869 : i32
      %convert_element_type3A_871 = arith.extui %lt3A_870 : i1 to i32
      %cond3A_872 = arith.constant 0 : i32
      %cond3A_873 = arith.cmpi ne, %convert_element_type3A_871, %cond3A_872 : i32
      scf.if %cond3A_873 {
        %ge3A = arith.constant 5 : i32
        %ge3A_914 = arith.cmpi sge, %add3A_837, %ge3A : i32
        %convert_element_type3A_915 = arith.extui %ge3A_914 : i1 to i32
        %cond3A_916 = arith.constant 0 : i32
        %cond3A_917 = arith.cmpi ne, %convert_element_type3A_915, %cond3A_916 : i32
        scf.if %cond3A_917 {
          %sub3A = arith.constant 5 : i32
          %sub3A_934 = arith.subi %add3A_838, %sub3A : i32
          %dma_wait3A_935 = arith.constant 3 : i32
          %dma_wait3A_936 = arith.constant 3 : i32
          %dma_wait3A_937 = arith.constant 0 : i32
          %dma_wait3A_938 = arith.constant 0 : i32
          %dma_wait3A_939 = tpu.memref_slice %arg14[%dma_wait3A_935, %dma_wait3A_937, %dma_wait3A_938] : memref<10x80x16xf32, #tpu.memory_space<vmem>> -> memref<1x80x16xf32, #tpu.memory_space<vmem>>
          %dma_wait3A_940 = tpu.memref_squeeze %dma_wait3A_939 : memref<1x80x16xf32, #tpu.memory_space<vmem>> -> memref<80x16xf32, #tpu.memory_space<vmem>>
          %dma_wait3A_941 = arith.constant 0 : i32
          %dma_wait3A_942 = tpu.memref_slice %arg9[%sub3A_934, %dma_wait3A_941] : memref<250x80xi32, #tpu.memory_space<vmem>> -> memref<1x80xi32, #tpu.memory_space<vmem>>
          %dma_wait3A_943 = tpu.memref_squeeze %dma_wait3A_942 : memref<1x80xi32, #tpu.memory_space<vmem>> -> memref<80xi32, #tpu.memory_space<vmem>>
          %dma_wait3A_944 = arith.constant 0 : i32
          %dma_wait3A_945 = arith.constant 0 : i32
          %dma_wait3A_946 = tpu.memref_slice %arg15[%dma_wait3A_944, %dma_wait3A_945] : memref<10000x16xf32, #tpu.memory_space<vmem_shared>> -> memref<10000x16xf32, #tpu.memory_space<vmem_shared>>
          %dma_wait3A_947 = tpu.memref_slice %arg18[%dma_wait3A_936] : memref<10x!tpu.dma_semaphore, #tpu.memory_space<semaphore_mem>> -> memref<1x!tpu.dma_semaphore, #tpu.memory_space<semaphore_mem>>
          %dma_wait3A_948 = tpu.memref_squeeze %dma_wait3A_947 : memref<1x!tpu.dma_semaphore, #tpu.memory_space<semaphore_mem>> -> memref<!tpu.dma_semaphore, #tpu.memory_space<semaphore_mem>>
          tpu.wait_indirect_dma semaphore(%dma_wait3A_948 : memref<!tpu.dma_semaphore, #tpu.memory_space<semaphore_mem>>) src(%dma_wait3A_940 : memref<80x16xf32, #tpu.memory_space<vmem>>) dst(%dma_wait3A_946 : memref<10000x16xf32, #tpu.memory_space<vmem_shared>>)
        } else {
        }
        %add3A_918 = arith.constant 5 : i32
        %add3A_919 = arith.addi %add3A_838, %add3A_918 : i32
        %dma_start3A_920 = arith.constant 3 : i32
        %dma_start3A_921 = arith.constant 3 : i32
        %dma_start3A_922 = arith.constant 0 : i32
        %dma_start3A_923 = arith.constant 0 : i32
        %dma_start3A_924 = tpu.memref_slice %arg14[%dma_start3A_920, %dma_start3A_922, %dma_start3A_923] : memref<10x80x16xf32, #tpu.memory_space<vmem>> -> memref<1x80x16xf32, #tpu.memory_space<vmem>>
        %dma_start3A_925 = tpu.memref_squeeze %dma_start3A_924 : memref<1x80x16xf32, #tpu.memory_space<vmem>> -> memref<80x16xf32, #tpu.memory_space<vmem>>
        %dma_start3A_926 = arith.constant 0 : i32
        %dma_start3A_927 = tpu.memref_slice %arg8[%add3A_919, %dma_start3A_926] : memref<250x80xi32, #tpu.memory_space<vmem>> -> memref<1x80xi32, #tpu.memory_space<vmem>>
        %dma_start3A_928 = tpu.memref_squeeze %dma_start3A_927 : memref<1x80xi32, #tpu.memory_space<vmem>> -> memref<80xi32, #tpu.memory_space<vmem>>
        %dma_start3A_929 = arith.constant 0 : i32
        %dma_start3A_930 = arith.constant 0 : i32
        %dma_start3A_931 = tpu.memref_slice %arg16[%dma_start3A_929, %dma_start3A_930] : memref<10000x16xf32, #tpu.memory_space<vmem_shared>> -> memref<10000x16xf32, #tpu.memory_space<vmem_shared>>
        %dma_start3A_932 = tpu.memref_slice %arg17[%dma_start3A_921] : memref<10x!tpu.dma_semaphore, #tpu.memory_space<semaphore_mem>> -> memref<1x!tpu.dma_semaphore, #tpu.memory_space<semaphore_mem>>
        %dma_start3A_933 = tpu.memref_squeeze %dma_start3A_932 : memref<1x!tpu.dma_semaphore, #tpu.memory_space<semaphore_mem>> -> memref<!tpu.dma_semaphore, #tpu.memory_space<semaphore_mem>>
        tpu.enqueue_indirect_dma source(%dma_start3A_931 : memref<10000x16xf32, #tpu.memory_space<vmem_shared>>) target(%dma_start3A_925 : memref<80x16xf32, #tpu.memory_space<vmem>>) offsets(%dma_start3A_928 : memref<80xi32, #tpu.memory_space<vmem>>) semaphore(%dma_start3A_933 : memref<!tpu.dma_semaphore, #tpu.memory_space<semaphore_mem>>)
      } else {
      }
      %mul3A_874 = arith.constant 10 : i32
      %mul3A_875 = arith.muli %scan3A_514, %mul3A_874 : i32
      %add3A_876 = arith.constant 9 : i32
      %add3A_877 = arith.addi %mul3A_875, %add3A_876 : i32
      %add3A_878 = arith.addi %mul3A_119, %add3A_877 : i32
      %dma_wait3A_879 = arith.constant 9 : i32
      %dma_wait3A_880 = arith.constant 9 : i32
      %dma_wait3A_881 = arith.constant 0 : i32
      %dma_wait3A_882 = arith.constant 0 : i32
      %dma_wait3A_883 = tpu.memref_slice %arg14[%dma_wait3A_879, %dma_wait3A_881, %dma_wait3A_882] : memref<10x80x16xf32, #tpu.memory_space<vmem>> -> memref<1x80x16xf32, #tpu.memory_space<vmem>>
      %dma_wait3A_884 = tpu.memref_squeeze %dma_wait3A_883 : memref<1x80x16xf32, #tpu.memory_space<vmem>> -> memref<80x16xf32, #tpu.memory_space<vmem>>
      %dma_wait3A_885 = arith.constant 0 : i32
      %dma_wait3A_886 = tpu.memref_slice %arg8[%add3A_878, %dma_wait3A_885] : memref<250x80xi32, #tpu.memory_space<vmem>> -> memref<1x80xi32, #tpu.memory_space<vmem>>
      %dma_wait3A_887 = tpu.memref_squeeze %dma_wait3A_886 : memref<1x80xi32, #tpu.memory_space<vmem>> -> memref<80xi32, #tpu.memory_space<vmem>>
      %dma_wait3A_888 = arith.constant 0 : i32
      %dma_wait3A_889 = arith.constant 0 : i32
      %dma_wait3A_890 = tpu.memref_slice %arg16[%dma_wait3A_888, %dma_wait3A_889] : memref<10000x16xf32, #tpu.memory_space<vmem_shared>> -> memref<10000x16xf32, #tpu.memory_space<vmem_shared>>
      %dma_wait3A_891 = tpu.memref_slice %arg17[%dma_wait3A_880] : memref<10x!tpu.dma_semaphore, #tpu.memory_space<semaphore_mem>> -> memref<1x!tpu.dma_semaphore, #tpu.memory_space<semaphore_mem>>
      %dma_wait3A_892 = tpu.memref_squeeze %dma_wait3A_891 : memref<1x!tpu.dma_semaphore, #tpu.memory_space<semaphore_mem>> -> memref<!tpu.dma_semaphore, #tpu.memory_space<semaphore_mem>>
      tpu.wait_indirect_dma semaphore(%dma_wait3A_892 : memref<!tpu.dma_semaphore, #tpu.memory_space<semaphore_mem>>) src(%dma_wait3A_890 : memref<10000x16xf32, #tpu.memory_space<vmem_shared>>) dst(%dma_wait3A_884 : memref<80x16xf32, #tpu.memory_space<vmem>>)
      %dma_start3A_893 = arith.constant 9 : i32
      %dma_start3A_894 = arith.constant 9 : i32
      %dma_start3A_895 = arith.constant 0 : i32
      %dma_start3A_896 = arith.constant 0 : i32
      %dma_start3A_897 = tpu.memref_slice %arg14[%dma_start3A_893, %dma_start3A_895, %dma_start3A_896] : memref<10x80x16xf32, #tpu.memory_space<vmem>> -> memref<1x80x16xf32, #tpu.memory_space<vmem>>
      %dma_start3A_898 = tpu.memref_squeeze %dma_start3A_897 : memref<1x80x16xf32, #tpu.memory_space<vmem>> -> memref<80x16xf32, #tpu.memory_space<vmem>>
      %dma_start3A_899 = arith.constant 0 : i32
      %dma_start3A_900 = tpu.memref_slice %arg9[%add3A_878, %dma_start3A_899] : memref<250x80xi32, #tpu.memory_space<vmem>> -> memref<1x80xi32, #tpu.memory_space<vmem>>
      %dma_start3A_901 = tpu.memref_squeeze %dma_start3A_900 : memref<1x80xi32, #tpu.memory_space<vmem>> -> memref<80xi32, #tpu.memory_space<vmem>>
      %dma_start3A_902 = arith.constant 0 : i32
      %dma_start3A_903 = arith.constant 0 : i32
      %dma_start3A_904 = tpu.memref_slice %arg15[%dma_start3A_902, %dma_start3A_903] : memref<10000x16xf32, #tpu.memory_space<vmem_shared>> -> memref<10000x16xf32, #tpu.memory_space<vmem_shared>>
      %dma_start3A_905 = tpu.memref_slice %arg18[%dma_start3A_894] : memref<10x!tpu.dma_semaphore, #tpu.memory_space<semaphore_mem>> -> memref<1x!tpu.dma_semaphore, #tpu.memory_space<semaphore_mem>>
      %dma_start3A_906 = tpu.memref_squeeze %dma_start3A_905 : memref<1x!tpu.dma_semaphore, #tpu.memory_space<semaphore_mem>> -> memref<!tpu.dma_semaphore, #tpu.memory_space<semaphore_mem>>
      tpu.enqueue_indirect_dma source(%dma_start3A_898 : memref<80x16xf32, #tpu.memory_space<vmem>>) target(%dma_start3A_904 : memref<10000x16xf32, #tpu.memory_space<vmem_shared>>) offsets(%dma_start3A_901 : memref<80xi32, #tpu.memory_space<vmem>>) semaphore(%dma_start3A_906 : memref<!tpu.dma_semaphore, #tpu.memory_space<semaphore_mem>>) {add = true}
      %add3A_907 = arith.constant 5 : i32
      %add3A_908 = arith.addi %add3A_877, %add3A_907 : i32
      %lt3A_909 = arith.constant 125 : i32
      %lt3A_910 = arith.cmpi slt, %add3A_908, %lt3A_909 : i32
      %convert_element_type3A_911 = arith.extui %lt3A_910 : i1 to i32
      %cond3A_912 = arith.constant 0 : i32
      %cond3A_913 = arith.cmpi ne, %convert_element_type3A_911, %cond3A_912 : i32
      scf.if %cond3A_913 {
        %ge3A = arith.constant 5 : i32
        %ge3A_914 = arith.cmpi sge, %add3A_877, %ge3A : i32
        %convert_element_type3A_915 = arith.extui %ge3A_914 : i1 to i32
        %cond3A_916 = arith.constant 0 : i32
        %cond3A_917 = arith.cmpi ne, %convert_element_type3A_915, %cond3A_916 : i32
        scf.if %cond3A_917 {
          %sub3A = arith.constant 5 : i32
          %sub3A_934 = arith.subi %add3A_878, %sub3A : i32
          %dma_wait3A_935 = arith.constant 4 : i32
          %dma_wait3A_936 = arith.constant 4 : i32
          %dma_wait3A_937 = arith.constant 0 : i32
          %dma_wait3A_938 = arith.constant 0 : i32
          %dma_wait3A_939 = tpu.memref_slice %arg14[%dma_wait3A_935, %dma_wait3A_937, %dma_wait3A_938] : memref<10x80x16xf32, #tpu.memory_space<vmem>> -> memref<1x80x16xf32, #tpu.memory_space<vmem>>
          %dma_wait3A_940 = tpu.memref_squeeze %dma_wait3A_939 : memref<1x80x16xf32, #tpu.memory_space<vmem>> -> memref<80x16xf32, #tpu.memory_space<vmem>>
          %dma_wait3A_941 = arith.constant 0 : i32
          %dma_wait3A_942 = tpu.memref_slice %arg9[%sub3A_934, %dma_wait3A_941] : memref<250x80xi32, #tpu.memory_space<vmem>> -> memref<1x80xi32, #tpu.memory_space<vmem>>
          %dma_wait3A_943 = tpu.memref_squeeze %dma_wait3A_942 : memref<1x80xi32, #tpu.memory_space<vmem>> -> memref<80xi32, #tpu.memory_space<vmem>>
          %dma_wait3A_944 = arith.constant 0 : i32
          %dma_wait3A_945 = arith.constant 0 : i32
          %dma_wait3A_946 = tpu.memref_slice %arg15[%dma_wait3A_944, %dma_wait3A_945] : memref<10000x16xf32, #tpu.memory_space<vmem_shared>> -> memref<10000x16xf32, #tpu.memory_space<vmem_shared>>
          %dma_wait3A_947 = tpu.memref_slice %arg18[%dma_wait3A_936] : memref<10x!tpu.dma_semaphore, #tpu.memory_space<semaphore_mem>> -> memref<1x!tpu.dma_semaphore, #tpu.memory_space<semaphore_mem>>
          %dma_wait3A_948 = tpu.memref_squeeze %dma_wait3A_947 : memref<1x!tpu.dma_semaphore, #tpu.memory_space<semaphore_mem>> -> memref<!tpu.dma_semaphore, #tpu.memory_space<semaphore_mem>>
          tpu.wait_indirect_dma semaphore(%dma_wait3A_948 : memref<!tpu.dma_semaphore, #tpu.memory_space<semaphore_mem>>) src(%dma_wait3A_940 : memref<80x16xf32, #tpu.memory_space<vmem>>) dst(%dma_wait3A_946 : memref<10000x16xf32, #tpu.memory_space<vmem_shared>>)
        } else {
        }
        %add3A_918 = arith.constant 5 : i32
        %add3A_919 = arith.addi %add3A_878, %add3A_918 : i32
        %dma_start3A_920 = arith.constant 4 : i32
        %dma_start3A_921 = arith.constant 4 : i32
        %dma_start3A_922 = arith.constant 0 : i32
        %dma_start3A_923 = arith.constant 0 : i32
        %dma_start3A_924 = tpu.memref_slice %arg14[%dma_start3A_920, %dma_start3A_922, %dma_start3A_923] : memref<10x80x16xf32, #tpu.memory_space<vmem>> -> memref<1x80x16xf32, #tpu.memory_space<vmem>>
        %dma_start3A_925 = tpu.memref_squeeze %dma_start3A_924 : memref<1x80x16xf32, #tpu.memory_space<vmem>> -> memref<80x16xf32, #tpu.memory_space<vmem>>
        %dma_start3A_926 = arith.constant 0 : i32
        %dma_start3A_927 = tpu.memref_slice %arg8[%add3A_919, %dma_start3A_926] : memref<250x80xi32, #tpu.memory_space<vmem>> -> memref<1x80xi32, #tpu.memory_space<vmem>>
        %dma_start3A_928 = tpu.memref_squeeze %dma_start3A_927 : memref<1x80xi32, #tpu.memory_space<vmem>> -> memref<80xi32, #tpu.memory_space<vmem>>
        %dma_start3A_929 = arith.constant 0 : i32
        %dma_start3A_930 = arith.constant 0 : i32
        %dma_start3A_931 = tpu.memref_slice %arg16[%dma_start3A_929, %dma_start3A_930] : memref<10000x16xf32, #tpu.memory_space<vmem_shared>> -> memref<10000x16xf32, #tpu.memory_space<vmem_shared>>
        %dma_start3A_932 = tpu.memref_slice %arg17[%dma_start3A_921] : memref<10x!tpu.dma_semaphore, #tpu.memory_space<semaphore_mem>> -> memref<1x!tpu.dma_semaphore, #tpu.memory_space<semaphore_mem>>
        %dma_start3A_933 = tpu.memref_squeeze %dma_start3A_932 : memref<1x!tpu.dma_semaphore, #tpu.memory_space<semaphore_mem>> -> memref<!tpu.dma_semaphore, #tpu.memory_space<semaphore_mem>>
        tpu.enqueue_indirect_dma source(%dma_start3A_931 : memref<10000x16xf32, #tpu.memory_space<vmem_shared>>) target(%dma_start3A_925 : memref<80x16xf32, #tpu.memory_space<vmem>>) offsets(%dma_start3A_928 : memref<80xi32, #tpu.memory_space<vmem>>) semaphore(%dma_start3A_933 : memref<!tpu.dma_semaphore, #tpu.memory_space<semaphore_mem>>)
      } else {
      }
    }
    %scan3A_202 = arith.constant 12 : i32
    %add3A_203 = arith.constant 120 : i32
    %add3A_204 = arith.addi %mul3A_119, %add3A_203 : i32
    %dma_wait3A_205 = arith.constant 0 : i32
    %dma_wait3A_206 = arith.constant 0 : i32
    %dma_wait3A_207 = arith.constant 0 : i32
    %dma_wait3A_208 = arith.constant 0 : i32
    %dma_wait3A_209 = tpu.memref_slice %arg14[%dma_wait3A_205, %dma_wait3A_207, %dma_wait3A_208] : memref<10x80x16xf32, #tpu.memory_space<vmem>> -> memref<1x80x16xf32, #tpu.memory_space<vmem>>
    %dma_wait3A_210 = tpu.memref_squeeze %dma_wait3A_209 : memref<1x80x16xf32, #tpu.memory_space<vmem>> -> memref<80x16xf32, #tpu.memory_space<vmem>>
    %dma_wait3A_211 = arith.constant 0 : i32
    %dma_wait3A_212 = tpu.memref_slice %arg8[%add3A_204, %dma_wait3A_211] : memref<250x80xi32, #tpu.memory_space<vmem>> -> memref<1x80xi32, #tpu.memory_space<vmem>>
    %dma_wait3A_213 = tpu.memref_squeeze %dma_wait3A_212 : memref<1x80xi32, #tpu.memory_space<vmem>> -> memref<80xi32, #tpu.memory_space<vmem>>
    %dma_wait3A_214 = arith.constant 0 : i32
    %dma_wait3A_215 = arith.constant 0 : i32
    %dma_wait3A_216 = tpu.memref_slice %arg16[%dma_wait3A_214, %dma_wait3A_215] : memref<10000x16xf32, #tpu.memory_space<vmem_shared>> -> memref<10000x16xf32, #tpu.memory_space<vmem_shared>>
    %dma_wait3A_217 = tpu.memref_slice %arg17[%dma_wait3A_206] : memref<10x!tpu.dma_semaphore, #tpu.memory_space<semaphore_mem>> -> memref<1x!tpu.dma_semaphore, #tpu.memory_space<semaphore_mem>>
    %dma_wait3A_218 = tpu.memref_squeeze %dma_wait3A_217 : memref<1x!tpu.dma_semaphore, #tpu.memory_space<semaphore_mem>> -> memref<!tpu.dma_semaphore, #tpu.memory_space<semaphore_mem>>
    tpu.wait_indirect_dma semaphore(%dma_wait3A_218 : memref<!tpu.dma_semaphore, #tpu.memory_space<semaphore_mem>>) src(%dma_wait3A_216 : memref<10000x16xf32, #tpu.memory_space<vmem_shared>>) dst(%dma_wait3A_210 : memref<80x16xf32, #tpu.memory_space<vmem>>)
    %dma_start3A_219 = arith.constant 0 : i32
    %dma_start3A_220 = arith.constant 0 : i32
    %dma_start3A_221 = arith.constant 0 : i32
    %dma_start3A_222 = arith.constant 0 : i32
    %dma_start3A_223 = tpu.memref_slice %arg14[%dma_start3A_219, %dma_start3A_221, %dma_start3A_222] : memref<10x80x16xf32, #tpu.memory_space<vmem>> -> memref<1x80x16xf32, #tpu.memory_space<vmem>>
    %dma_start3A_224 = tpu.memref_squeeze %dma_start3A_223 : memref<1x80x16xf32, #tpu.memory_space<vmem>> -> memref<80x16xf32, #tpu.memory_space<vmem>>
    %dma_start3A_225 = arith.constant 0 : i32
    %dma_start3A_226 = tpu.memref_slice %arg9[%add3A_204, %dma_start3A_225] : memref<250x80xi32, #tpu.memory_space<vmem>> -> memref<1x80xi32, #tpu.memory_space<vmem>>
    %dma_start3A_227 = tpu.memref_squeeze %dma_start3A_226 : memref<1x80xi32, #tpu.memory_space<vmem>> -> memref<80xi32, #tpu.memory_space<vmem>>
    %dma_start3A_228 = arith.constant 0 : i32
    %dma_start3A_229 = arith.constant 0 : i32
    %dma_start3A_230 = tpu.memref_slice %arg15[%dma_start3A_228, %dma_start3A_229] : memref<10000x16xf32, #tpu.memory_space<vmem_shared>> -> memref<10000x16xf32, #tpu.memory_space<vmem_shared>>
    %dma_start3A_231 = tpu.memref_slice %arg18[%dma_start3A_220] : memref<10x!tpu.dma_semaphore, #tpu.memory_space<semaphore_mem>> -> memref<1x!tpu.dma_semaphore, #tpu.memory_space<semaphore_mem>>
    %dma_start3A_232 = tpu.memref_squeeze %dma_start3A_231 : memref<1x!tpu.dma_semaphore, #tpu.memory_space<semaphore_mem>> -> memref<!tpu.dma_semaphore, #tpu.memory_space<semaphore_mem>>
    tpu.enqueue_indirect_dma source(%dma_start3A_224 : memref<80x16xf32, #tpu.memory_space<vmem>>) target(%dma_start3A_230 : memref<10000x16xf32, #tpu.memory_space<vmem_shared>>) offsets(%dma_start3A_227 : memref<80xi32, #tpu.memory_space<vmem>>) semaphore(%dma_start3A_232 : memref<!tpu.dma_semaphore, #tpu.memory_space<semaphore_mem>>) {add = true}
    %add3A_233 = arith.constant 121 : i32
    %add3A_234 = arith.addi %mul3A_119, %add3A_233 : i32
    %dma_wait3A_235 = arith.constant 1 : i32
    %dma_wait3A_236 = arith.constant 1 : i32
    %dma_wait3A_237 = arith.constant 0 : i32
    %dma_wait3A_238 = arith.constant 0 : i32
    %dma_wait3A_239 = tpu.memref_slice %arg14[%dma_wait3A_235, %dma_wait3A_237, %dma_wait3A_238] : memref<10x80x16xf32, #tpu.memory_space<vmem>> -> memref<1x80x16xf32, #tpu.memory_space<vmem>>
    %dma_wait3A_240 = tpu.memref_squeeze %dma_wait3A_239 : memref<1x80x16xf32, #tpu.memory_space<vmem>> -> memref<80x16xf32, #tpu.memory_space<vmem>>
    %dma_wait3A_241 = arith.constant 0 : i32
    %dma_wait3A_242 = tpu.memref_slice %arg8[%add3A_234, %dma_wait3A_241] : memref<250x80xi32, #tpu.memory_space<vmem>> -> memref<1x80xi32, #tpu.memory_space<vmem>>
    %dma_wait3A_243 = tpu.memref_squeeze %dma_wait3A_242 : memref<1x80xi32, #tpu.memory_space<vmem>> -> memref<80xi32, #tpu.memory_space<vmem>>
    %dma_wait3A_244 = arith.constant 0 : i32
    %dma_wait3A_245 = arith.constant 0 : i32
    %dma_wait3A_246 = tpu.memref_slice %arg16[%dma_wait3A_244, %dma_wait3A_245] : memref<10000x16xf32, #tpu.memory_space<vmem_shared>> -> memref<10000x16xf32, #tpu.memory_space<vmem_shared>>
    %dma_wait3A_247 = tpu.memref_slice %arg17[%dma_wait3A_236] : memref<10x!tpu.dma_semaphore, #tpu.memory_space<semaphore_mem>> -> memref<1x!tpu.dma_semaphore, #tpu.memory_space<semaphore_mem>>
    %dma_wait3A_248 = tpu.memref_squeeze %dma_wait3A_247 : memref<1x!tpu.dma_semaphore, #tpu.memory_space<semaphore_mem>> -> memref<!tpu.dma_semaphore, #tpu.memory_space<semaphore_mem>>
    tpu.wait_indirect_dma semaphore(%dma_wait3A_248 : memref<!tpu.dma_semaphore, #tpu.memory_space<semaphore_mem>>) src(%dma_wait3A_246 : memref<10000x16xf32, #tpu.memory_space<vmem_shared>>) dst(%dma_wait3A_240 : memref<80x16xf32, #tpu.memory_space<vmem>>)
    %dma_start3A_249 = arith.constant 1 : i32
    %dma_start3A_250 = arith.constant 1 : i32
    %dma_start3A_251 = arith.constant 0 : i32
    %dma_start3A_252 = arith.constant 0 : i32
    %dma_start3A_253 = tpu.memref_slice %arg14[%dma_start3A_249, %dma_start3A_251, %dma_start3A_252] : memref<10x80x16xf32, #tpu.memory_space<vmem>> -> memref<1x80x16xf32, #tpu.memory_space<vmem>>
    %dma_start3A_254 = tpu.memref_squeeze %dma_start3A_253 : memref<1x80x16xf32, #tpu.memory_space<vmem>> -> memref<80x16xf32, #tpu.memory_space<vmem>>
    %dma_start3A_255 = arith.constant 0 : i32
    %dma_start3A_256 = tpu.memref_slice %arg9[%add3A_234, %dma_start3A_255] : memref<250x80xi32, #tpu.memory_space<vmem>> -> memref<1x80xi32, #tpu.memory_space<vmem>>
    %dma_start3A_257 = tpu.memref_squeeze %dma_start3A_256 : memref<1x80xi32, #tpu.memory_space<vmem>> -> memref<80xi32, #tpu.memory_space<vmem>>
    %dma_start3A_258 = arith.constant 0 : i32
    %dma_start3A_259 = arith.constant 0 : i32
    %dma_start3A_260 = tpu.memref_slice %arg15[%dma_start3A_258, %dma_start3A_259] : memref<10000x16xf32, #tpu.memory_space<vmem_shared>> -> memref<10000x16xf32, #tpu.memory_space<vmem_shared>>
    %dma_start3A_261 = tpu.memref_slice %arg18[%dma_start3A_250] : memref<10x!tpu.dma_semaphore, #tpu.memory_space<semaphore_mem>> -> memref<1x!tpu.dma_semaphore, #tpu.memory_space<semaphore_mem>>
    %dma_start3A_262 = tpu.memref_squeeze %dma_start3A_261 : memref<1x!tpu.dma_semaphore, #tpu.memory_space<semaphore_mem>> -> memref<!tpu.dma_semaphore, #tpu.memory_space<semaphore_mem>>
    tpu.enqueue_indirect_dma source(%dma_start3A_254 : memref<80x16xf32, #tpu.memory_space<vmem>>) target(%dma_start3A_260 : memref<10000x16xf32, #tpu.memory_space<vmem_shared>>) offsets(%dma_start3A_257 : memref<80xi32, #tpu.memory_space<vmem>>) semaphore(%dma_start3A_262 : memref<!tpu.dma_semaphore, #tpu.memory_space<semaphore_mem>>) {add = true}
    %add3A_263 = arith.constant 122 : i32
    %add3A_264 = arith.addi %mul3A_119, %add3A_263 : i32
    %dma_wait3A_265 = arith.constant 2 : i32
    %dma_wait3A_266 = arith.constant 2 : i32
    %dma_wait3A_267 = arith.constant 0 : i32
    %dma_wait3A_268 = arith.constant 0 : i32
    %dma_wait3A_269 = tpu.memref_slice %arg14[%dma_wait3A_265, %dma_wait3A_267, %dma_wait3A_268] : memref<10x80x16xf32, #tpu.memory_space<vmem>> -> memref<1x80x16xf32, #tpu.memory_space<vmem>>
    %dma_wait3A_270 = tpu.memref_squeeze %dma_wait3A_269 : memref<1x80x16xf32, #tpu.memory_space<vmem>> -> memref<80x16xf32, #tpu.memory_space<vmem>>
    %dma_wait3A_271 = arith.constant 0 : i32
    %dma_wait3A_272 = tpu.memref_slice %arg8[%add3A_264, %dma_wait3A_271] : memref<250x80xi32, #tpu.memory_space<vmem>> -> memref<1x80xi32, #tpu.memory_space<vmem>>
    %dma_wait3A_273 = tpu.memref_squeeze %dma_wait3A_272 : memref<1x80xi32, #tpu.memory_space<vmem>> -> memref<80xi32, #tpu.memory_space<vmem>>
    %dma_wait3A_274 = arith.constant 0 : i32
    %dma_wait3A_275 = arith.constant 0 : i32
    %dma_wait3A_276 = tpu.memref_slice %arg16[%dma_wait3A_274, %dma_wait3A_275] : memref<10000x16xf32, #tpu.memory_space<vmem_shared>> -> memref<10000x16xf32, #tpu.memory_space<vmem_shared>>
    %dma_wait3A_277 = tpu.memref_slice %arg17[%dma_wait3A_266] : memref<10x!tpu.dma_semaphore, #tpu.memory_space<semaphore_mem>> -> memref<1x!tpu.dma_semaphore, #tpu.memory_space<semaphore_mem>>
    %dma_wait3A_278 = tpu.memref_squeeze %dma_wait3A_277 : memref<1x!tpu.dma_semaphore, #tpu.memory_space<semaphore_mem>> -> memref<!tpu.dma_semaphore, #tpu.memory_space<semaphore_mem>>
    tpu.wait_indirect_dma semaphore(%dma_wait3A_278 : memref<!tpu.dma_semaphore, #tpu.memory_space<semaphore_mem>>) src(%dma_wait3A_276 : memref<10000x16xf32, #tpu.memory_space<vmem_shared>>) dst(%dma_wait3A_270 : memref<80x16xf32, #tpu.memory_space<vmem>>)
    %dma_start3A_279 = arith.constant 2 : i32
    %dma_start3A_280 = arith.constant 2 : i32
    %dma_start3A_281 = arith.constant 0 : i32
    %dma_start3A_282 = arith.constant 0 : i32
    %dma_start3A_283 = tpu.memref_slice %arg14[%dma_start3A_279, %dma_start3A_281, %dma_start3A_282] : memref<10x80x16xf32, #tpu.memory_space<vmem>> -> memref<1x80x16xf32, #tpu.memory_space<vmem>>
    %dma_start3A_284 = tpu.memref_squeeze %dma_start3A_283 : memref<1x80x16xf32, #tpu.memory_space<vmem>> -> memref<80x16xf32, #tpu.memory_space<vmem>>
    %dma_start3A_285 = arith.constant 0 : i32
    %dma_start3A_286 = tpu.memref_slice %arg9[%add3A_264, %dma_start3A_285] : memref<250x80xi32, #tpu.memory_space<vmem>> -> memref<1x80xi32, #tpu.memory_space<vmem>>
    %dma_start3A_287 = tpu.memref_squeeze %dma_start3A_286 : memref<1x80xi32, #tpu.memory_space<vmem>> -> memref<80xi32, #tpu.memory_space<vmem>>
    %dma_start3A_288 = arith.constant 0 : i32
    %dma_start3A_289 = arith.constant 0 : i32
    %dma_start3A_290 = tpu.memref_slice %arg15[%dma_start3A_288, %dma_start3A_289] : memref<10000x16xf32, #tpu.memory_space<vmem_shared>> -> memref<10000x16xf32, #tpu.memory_space<vmem_shared>>
    %dma_start3A_291 = tpu.memref_slice %arg18[%dma_start3A_280] : memref<10x!tpu.dma_semaphore, #tpu.memory_space<semaphore_mem>> -> memref<1x!tpu.dma_semaphore, #tpu.memory_space<semaphore_mem>>
    %dma_start3A_292 = tpu.memref_squeeze %dma_start3A_291 : memref<1x!tpu.dma_semaphore, #tpu.memory_space<semaphore_mem>> -> memref<!tpu.dma_semaphore, #tpu.memory_space<semaphore_mem>>
    tpu.enqueue_indirect_dma source(%dma_start3A_284 : memref<80x16xf32, #tpu.memory_space<vmem>>) target(%dma_start3A_290 : memref<10000x16xf32, #tpu.memory_space<vmem_shared>>) offsets(%dma_start3A_287 : memref<80xi32, #tpu.memory_space<vmem>>) semaphore(%dma_start3A_292 : memref<!tpu.dma_semaphore, #tpu.memory_space<semaphore_mem>>) {add = true}
    %add3A_293 = arith.constant 123 : i32
    %add3A_294 = arith.addi %mul3A_119, %add3A_293 : i32
    %dma_wait3A_295 = arith.constant 3 : i32
    %dma_wait3A_296 = arith.constant 3 : i32
    %dma_wait3A_297 = arith.constant 0 : i32
    %dma_wait3A_298 = arith.constant 0 : i32
    %dma_wait3A_299 = tpu.memref_slice %arg14[%dma_wait3A_295, %dma_wait3A_297, %dma_wait3A_298] : memref<10x80x16xf32, #tpu.memory_space<vmem>> -> memref<1x80x16xf32, #tpu.memory_space<vmem>>
    %dma_wait3A_300 = tpu.memref_squeeze %dma_wait3A_299 : memref<1x80x16xf32, #tpu.memory_space<vmem>> -> memref<80x16xf32, #tpu.memory_space<vmem>>
    %dma_wait3A_301 = arith.constant 0 : i32
    %dma_wait3A_302 = tpu.memref_slice %arg8[%add3A_294, %dma_wait3A_301] : memref<250x80xi32, #tpu.memory_space<vmem>> -> memref<1x80xi32, #tpu.memory_space<vmem>>
    %dma_wait3A_303 = tpu.memref_squeeze %dma_wait3A_302 : memref<1x80xi32, #tpu.memory_space<vmem>> -> memref<80xi32, #tpu.memory_space<vmem>>
    %dma_wait3A_304 = arith.constant 0 : i32
    %dma_wait3A_305 = arith.constant 0 : i32
    %dma_wait3A_306 = tpu.memref_slice %arg16[%dma_wait3A_304, %dma_wait3A_305] : memref<10000x16xf32, #tpu.memory_space<vmem_shared>> -> memref<10000x16xf32, #tpu.memory_space<vmem_shared>>
    %dma_wait3A_307 = tpu.memref_slice %arg17[%dma_wait3A_296] : memref<10x!tpu.dma_semaphore, #tpu.memory_space<semaphore_mem>> -> memref<1x!tpu.dma_semaphore, #tpu.memory_space<semaphore_mem>>
    %dma_wait3A_308 = tpu.memref_squeeze %dma_wait3A_307 : memref<1x!tpu.dma_semaphore, #tpu.memory_space<semaphore_mem>> -> memref<!tpu.dma_semaphore, #tpu.memory_space<semaphore_mem>>
    tpu.wait_indirect_dma semaphore(%dma_wait3A_308 : memref<!tpu.dma_semaphore, #tpu.memory_space<semaphore_mem>>) src(%dma_wait3A_306 : memref<10000x16xf32, #tpu.memory_space<vmem_shared>>) dst(%dma_wait3A_300 : memref<80x16xf32, #tpu.memory_space<vmem>>)
    %dma_start3A_309 = arith.constant 3 : i32
    %dma_start3A_310 = arith.constant 3 : i32
    %dma_start3A_311 = arith.constant 0 : i32
    %dma_start3A_312 = arith.constant 0 : i32
    %dma_start3A_313 = tpu.memref_slice %arg14[%dma_start3A_309, %dma_start3A_311, %dma_start3A_312] : memref<10x80x16xf32, #tpu.memory_space<vmem>> -> memref<1x80x16xf32, #tpu.memory_space<vmem>>
    %dma_start3A_314 = tpu.memref_squeeze %dma_start3A_313 : memref<1x80x16xf32, #tpu.memory_space<vmem>> -> memref<80x16xf32, #tpu.memory_space<vmem>>
    %dma_start3A_315 = arith.constant 0 : i32
    %dma_start3A_316 = tpu.memref_slice %arg9[%add3A_294, %dma_start3A_315] : memref<250x80xi32, #tpu.memory_space<vmem>> -> memref<1x80xi32, #tpu.memory_space<vmem>>
    %dma_start3A_317 = tpu.memref_squeeze %dma_start3A_316 : memref<1x80xi32, #tpu.memory_space<vmem>> -> memref<80xi32, #tpu.memory_space<vmem>>
    %dma_start3A_318 = arith.constant 0 : i32
    %dma_start3A_319 = arith.constant 0 : i32
    %dma_start3A_320 = tpu.memref_slice %arg15[%dma_start3A_318, %dma_start3A_319] : memref<10000x16xf32, #tpu.memory_space<vmem_shared>> -> memref<10000x16xf32, #tpu.memory_space<vmem_shared>>
    %dma_start3A_321 = tpu.memref_slice %arg18[%dma_start3A_310] : memref<10x!tpu.dma_semaphore, #tpu.memory_space<semaphore_mem>> -> memref<1x!tpu.dma_semaphore, #tpu.memory_space<semaphore_mem>>
    %dma_start3A_322 = tpu.memref_squeeze %dma_start3A_321 : memref<1x!tpu.dma_semaphore, #tpu.memory_space<semaphore_mem>> -> memref<!tpu.dma_semaphore, #tpu.memory_space<semaphore_mem>>
    tpu.enqueue_indirect_dma source(%dma_start3A_314 : memref<80x16xf32, #tpu.memory_space<vmem>>) target(%dma_start3A_320 : memref<10000x16xf32, #tpu.memory_space<vmem_shared>>) offsets(%dma_start3A_317 : memref<80xi32, #tpu.memory_space<vmem>>) semaphore(%dma_start3A_322 : memref<!tpu.dma_semaphore, #tpu.memory_space<semaphore_mem>>) {add = true}
    %add3A_323 = arith.constant 124 : i32
    %add3A_324 = arith.addi %mul3A_119, %add3A_323 : i32
    %dma_wait3A_325 = arith.constant 4 : i32
    %dma_wait3A_326 = arith.constant 4 : i32
    %dma_wait3A_327 = arith.constant 0 : i32
    %dma_wait3A_328 = arith.constant 0 : i32
    %dma_wait3A_329 = tpu.memref_slice %arg14[%dma_wait3A_325, %dma_wait3A_327, %dma_wait3A_328] : memref<10x80x16xf32, #tpu.memory_space<vmem>> -> memref<1x80x16xf32, #tpu.memory_space<vmem>>
    %dma_wait3A_330 = tpu.memref_squeeze %dma_wait3A_329 : memref<1x80x16xf32, #tpu.memory_space<vmem>> -> memref<80x16xf32, #tpu.memory_space<vmem>>
    %dma_wait3A_331 = arith.constant 0 : i32
    %dma_wait3A_332 = tpu.memref_slice %arg8[%add3A_324, %dma_wait3A_331] : memref<250x80xi32, #tpu.memory_space<vmem>> -> memref<1x80xi32, #tpu.memory_space<vmem>>
    %dma_wait3A_333 = tpu.memref_squeeze %dma_wait3A_332 : memref<1x80xi32, #tpu.memory_space<vmem>> -> memref<80xi32, #tpu.memory_space<vmem>>
    %dma_wait3A_334 = arith.constant 0 : i32
    %dma_wait3A_335 = arith.constant 0 : i32
    %dma_wait3A_336 = tpu.memref_slice %arg16[%dma_wait3A_334, %dma_wait3A_335] : memref<10000x16xf32, #tpu.memory_space<vmem_shared>> -> memref<10000x16xf32, #tpu.memory_space<vmem_shared>>
    %dma_wait3A_337 = tpu.memref_slice %arg17[%dma_wait3A_326] : memref<10x!tpu.dma_semaphore, #tpu.memory_space<semaphore_mem>> -> memref<1x!tpu.dma_semaphore, #tpu.memory_space<semaphore_mem>>
    %dma_wait3A_338 = tpu.memref_squeeze %dma_wait3A_337 : memref<1x!tpu.dma_semaphore, #tpu.memory_space<semaphore_mem>> -> memref<!tpu.dma_semaphore, #tpu.memory_space<semaphore_mem>>
    tpu.wait_indirect_dma semaphore(%dma_wait3A_338 : memref<!tpu.dma_semaphore, #tpu.memory_space<semaphore_mem>>) src(%dma_wait3A_336 : memref<10000x16xf32, #tpu.memory_space<vmem_shared>>) dst(%dma_wait3A_330 : memref<80x16xf32, #tpu.memory_space<vmem>>)
    %dma_start3A_339 = arith.constant 4 : i32
    %dma_start3A_340 = arith.constant 4 : i32
    %dma_start3A_341 = arith.constant 0 : i32
    %dma_start3A_342 = arith.constant 0 : i32
    %dma_start3A_343 = tpu.memref_slice %arg14[%dma_start3A_339, %dma_start3A_341, %dma_start3A_342] : memref<10x80x16xf32, #tpu.memory_space<vmem>> -> memref<1x80x16xf32, #tpu.memory_space<vmem>>
    %dma_start3A_344 = tpu.memref_squeeze %dma_start3A_343 : memref<1x80x16xf32, #tpu.memory_space<vmem>> -> memref<80x16xf32, #tpu.memory_space<vmem>>
    %dma_start3A_345 = arith.constant 0 : i32
    %dma_start3A_346 = tpu.memref_slice %arg9[%add3A_324, %dma_start3A_345] : memref<250x80xi32, #tpu.memory_space<vmem>> -> memref<1x80xi32, #tpu.memory_space<vmem>>
    %dma_start3A_347 = tpu.memref_squeeze %dma_start3A_346 : memref<1x80xi32, #tpu.memory_space<vmem>> -> memref<80xi32, #tpu.memory_space<vmem>>
    %dma_start3A_348 = arith.constant 0 : i32
    %dma_start3A_349 = arith.constant 0 : i32
    %dma_start3A_350 = tpu.memref_slice %arg15[%dma_start3A_348, %dma_start3A_349] : memref<10000x16xf32, #tpu.memory_space<vmem_shared>> -> memref<10000x16xf32, #tpu.memory_space<vmem_shared>>
    %dma_start3A_351 = tpu.memref_slice %arg18[%dma_start3A_340] : memref<10x!tpu.dma_semaphore, #tpu.memory_space<semaphore_mem>> -> memref<1x!tpu.dma_semaphore, #tpu.memory_space<semaphore_mem>>
    %dma_start3A_352 = tpu.memref_squeeze %dma_start3A_351 : memref<1x!tpu.dma_semaphore, #tpu.memory_space<semaphore_mem>> -> memref<!tpu.dma_semaphore, #tpu.memory_space<semaphore_mem>>
    tpu.enqueue_indirect_dma source(%dma_start3A_344 : memref<80x16xf32, #tpu.memory_space<vmem>>) target(%dma_start3A_350 : memref<10000x16xf32, #tpu.memory_space<vmem_shared>>) offsets(%dma_start3A_347 : memref<80xi32, #tpu.memory_space<vmem>>) semaphore(%dma_start3A_352 : memref<!tpu.dma_semaphore, #tpu.memory_space<semaphore_mem>>) {add = true}
    %add3A_353 = arith.constant 115 : i32
    %add3A_354 = arith.addi %mul3A_119, %add3A_353 : i32
    %dma_wait3A_355 = arith.constant 0 : i32
    %dma_wait3A_356 = arith.constant 0 : i32
    %dma_wait3A_357 = arith.constant 0 : i32
    %dma_wait3A_358 = arith.constant 0 : i32
    %dma_wait3A_359 = tpu.memref_slice %arg14[%dma_wait3A_355, %dma_wait3A_357, %dma_wait3A_358] : memref<10x80x16xf32, #tpu.memory_space<vmem>> -> memref<1x80x16xf32, #tpu.memory_space<vmem>>
    %dma_wait3A_360 = tpu.memref_squeeze %dma_wait3A_359 : memref<1x80x16xf32, #tpu.memory_space<vmem>> -> memref<80x16xf32, #tpu.memory_space<vmem>>
    %dma_wait3A_361 = arith.constant 0 : i32
    %dma_wait3A_362 = tpu.memref_slice %arg9[%add3A_354, %dma_wait3A_361] : memref<250x80xi32, #tpu.memory_space<vmem>> -> memref<1x80xi32, #tpu.memory_space<vmem>>
    %dma_wait3A_363 = tpu.memref_squeeze %dma_wait3A_362 : memref<1x80xi32, #tpu.memory_space<vmem>> -> memref<80xi32, #tpu.memory_space<vmem>>
    %dma_wait3A_364 = arith.constant 0 : i32
    %dma_wait3A_365 = arith.constant 0 : i32
    %dma_wait3A_366 = tpu.memref_slice %arg15[%dma_wait3A_364, %dma_wait3A_365] : memref<10000x16xf32, #tpu.memory_space<vmem_shared>> -> memref<10000x16xf32, #tpu.memory_space<vmem_shared>>
    %dma_wait3A_367 = tpu.memref_slice %arg18[%dma_wait3A_356] : memref<10x!tpu.dma_semaphore, #tpu.memory_space<semaphore_mem>> -> memref<1x!tpu.dma_semaphore, #tpu.memory_space<semaphore_mem>>
    %dma_wait3A_368 = tpu.memref_squeeze %dma_wait3A_367 : memref<1x!tpu.dma_semaphore, #tpu.memory_space<semaphore_mem>> -> memref<!tpu.dma_semaphore, #tpu.memory_space<semaphore_mem>>
    tpu.wait_indirect_dma semaphore(%dma_wait3A_368 : memref<!tpu.dma_semaphore, #tpu.memory_space<semaphore_mem>>) src(%dma_wait3A_360 : memref<80x16xf32, #tpu.memory_space<vmem>>) dst(%dma_wait3A_366 : memref<10000x16xf32, #tpu.memory_space<vmem_shared>>)
    %add3A_369 = arith.constant 116 : i32
    %add3A_370 = arith.addi %mul3A_119, %add3A_369 : i32
    %dma_wait3A_371 = arith.constant 1 : i32
    %dma_wait3A_372 = arith.constant 1 : i32
    %dma_wait3A_373 = arith.constant 0 : i32
    %dma_wait3A_374 = arith.constant 0 : i32
    %dma_wait3A_375 = tpu.memref_slice %arg14[%dma_wait3A_371, %dma_wait3A_373, %dma_wait3A_374] : memref<10x80x16xf32, #tpu.memory_space<vmem>> -> memref<1x80x16xf32, #tpu.memory_space<vmem>>
    %dma_wait3A_376 = tpu.memref_squeeze %dma_wait3A_375 : memref<1x80x16xf32, #tpu.memory_space<vmem>> -> memref<80x16xf32, #tpu.memory_space<vmem>>
    %dma_wait3A_377 = arith.constant 0 : i32
    %dma_wait3A_378 = tpu.memref_slice %arg9[%add3A_370, %dma_wait3A_377] : memref<250x80xi32, #tpu.memory_space<vmem>> -> memref<1x80xi32, #tpu.memory_space<vmem>>
    %dma_wait3A_379 = tpu.memref_squeeze %dma_wait3A_378 : memref<1x80xi32, #tpu.memory_space<vmem>> -> memref<80xi32, #tpu.memory_space<vmem>>
    %dma_wait3A_380 = arith.constant 0 : i32
    %dma_wait3A_381 = arith.constant 0 : i32
    %dma_wait3A_382 = tpu.memref_slice %arg15[%dma_wait3A_380, %dma_wait3A_381] : memref<10000x16xf32, #tpu.memory_space<vmem_shared>> -> memref<10000x16xf32, #tpu.memory_space<vmem_shared>>
    %dma_wait3A_383 = tpu.memref_slice %arg18[%dma_wait3A_372] : memref<10x!tpu.dma_semaphore, #tpu.memory_space<semaphore_mem>> -> memref<1x!tpu.dma_semaphore, #tpu.memory_space<semaphore_mem>>
    %dma_wait3A_384 = tpu.memref_squeeze %dma_wait3A_383 : memref<1x!tpu.dma_semaphore, #tpu.memory_space<semaphore_mem>> -> memref<!tpu.dma_semaphore, #tpu.memory_space<semaphore_mem>>
    tpu.wait_indirect_dma semaphore(%dma_wait3A_384 : memref<!tpu.dma_semaphore, #tpu.memory_space<semaphore_mem>>) src(%dma_wait3A_376 : memref<80x16xf32, #tpu.memory_space<vmem>>) dst(%dma_wait3A_382 : memref<10000x16xf32, #tpu.memory_space<vmem_shared>>)
    %add3A_385 = arith.constant 117 : i32
    %add3A_386 = arith.addi %mul3A_119, %add3A_385 : i32
    %dma_wait3A_387 = arith.constant 2 : i32
    %dma_wait3A_388 = arith.constant 2 : i32
    %dma_wait3A_389 = arith.constant 0 : i32
    %dma_wait3A_390 = arith.constant 0 : i32
    %dma_wait3A_391 = tpu.memref_slice %arg14[%dma_wait3A_387, %dma_wait3A_389, %dma_wait3A_390] : memref<10x80x16xf32, #tpu.memory_space<vmem>> -> memref<1x80x16xf32, #tpu.memory_space<vmem>>
    %dma_wait3A_392 = tpu.memref_squeeze %dma_wait3A_391 : memref<1x80x16xf32, #tpu.memory_space<vmem>> -> memref<80x16xf32, #tpu.memory_space<vmem>>
    %dma_wait3A_393 = arith.constant 0 : i32
    %dma_wait3A_394 = tpu.memref_slice %arg9[%add3A_386, %dma_wait3A_393] : memref<250x80xi32, #tpu.memory_space<vmem>> -> memref<1x80xi32, #tpu.memory_space<vmem>>
    %dma_wait3A_395 = tpu.memref_squeeze %dma_wait3A_394 : memref<1x80xi32, #tpu.memory_space<vmem>> -> memref<80xi32, #tpu.memory_space<vmem>>
    %dma_wait3A_396 = arith.constant 0 : i32
    %dma_wait3A_397 = arith.constant 0 : i32
    %dma_wait3A_398 = tpu.memref_slice %arg15[%dma_wait3A_396, %dma_wait3A_397] : memref<10000x16xf32, #tpu.memory_space<vmem_shared>> -> memref<10000x16xf32, #tpu.memory_space<vmem_shared>>
    %dma_wait3A_399 = tpu.memref_slice %arg18[%dma_wait3A_388] : memref<10x!tpu.dma_semaphore, #tpu.memory_space<semaphore_mem>> -> memref<1x!tpu.dma_semaphore, #tpu.memory_space<semaphore_mem>>
    %dma_wait3A_400 = tpu.memref_squeeze %dma_wait3A_399 : memref<1x!tpu.dma_semaphore, #tpu.memory_space<semaphore_mem>> -> memref<!tpu.dma_semaphore, #tpu.memory_space<semaphore_mem>>
    tpu.wait_indirect_dma semaphore(%dma_wait3A_400 : memref<!tpu.dma_semaphore, #tpu.memory_space<semaphore_mem>>) src(%dma_wait3A_392 : memref<80x16xf32, #tpu.memory_space<vmem>>) dst(%dma_wait3A_398 : memref<10000x16xf32, #tpu.memory_space<vmem_shared>>)
    %add3A_401 = arith.constant 118 : i32
    %add3A_402 = arith.addi %mul3A_119, %add3A_401 : i32
    %dma_wait3A_403 = arith.constant 3 : i32
    %dma_wait3A_404 = arith.constant 3 : i32
    %dma_wait3A_405 = arith.constant 0 : i32
    %dma_wait3A_406 = arith.constant 0 : i32
    %dma_wait3A_407 = tpu.memref_slice %arg14[%dma_wait3A_403, %dma_wait3A_405, %dma_wait3A_406] : memref<10x80x16xf32, #tpu.memory_space<vmem>> -> memref<1x80x16xf32, #tpu.memory_space<vmem>>
    %dma_wait3A_408 = tpu.memref_squeeze %dma_wait3A_407 : memref<1x80x16xf32, #tpu.memory_space<vmem>> -> memref<80x16xf32, #tpu.memory_space<vmem>>
    %dma_wait3A_409 = arith.constant 0 : i32
    %dma_wait3A_410 = tpu.memref_slice %arg9[%add3A_402, %dma_wait3A_409] : memref<250x80xi32, #tpu.memory_space<vmem>> -> memref<1x80xi32, #tpu.memory_space<vmem>>
    %dma_wait3A_411 = tpu.memref_squeeze %dma_wait3A_410 : memref<1x80xi32, #tpu.memory_space<vmem>> -> memref<80xi32, #tpu.memory_space<vmem>>
    %dma_wait3A_412 = arith.constant 0 : i32
    %dma_wait3A_413 = arith.constant 0 : i32
    %dma_wait3A_414 = tpu.memref_slice %arg15[%dma_wait3A_412, %dma_wait3A_413] : memref<10000x16xf32, #tpu.memory_space<vmem_shared>> -> memref<10000x16xf32, #tpu.memory_space<vmem_shared>>
    %dma_wait3A_415 = tpu.memref_slice %arg18[%dma_wait3A_404] : memref<10x!tpu.dma_semaphore, #tpu.memory_space<semaphore_mem>> -> memref<1x!tpu.dma_semaphore, #tpu.memory_space<semaphore_mem>>
    %dma_wait3A_416 = tpu.memref_squeeze %dma_wait3A_415 : memref<1x!tpu.dma_semaphore, #tpu.memory_space<semaphore_mem>> -> memref<!tpu.dma_semaphore, #tpu.memory_space<semaphore_mem>>
    tpu.wait_indirect_dma semaphore(%dma_wait3A_416 : memref<!tpu.dma_semaphore, #tpu.memory_space<semaphore_mem>>) src(%dma_wait3A_408 : memref<80x16xf32, #tpu.memory_space<vmem>>) dst(%dma_wait3A_414 : memref<10000x16xf32, #tpu.memory_space<vmem_shared>>)
    %add3A_417 = arith.constant 119 : i32
    %add3A_418 = arith.addi %mul3A_119, %add3A_417 : i32
    %dma_wait3A_419 = arith.constant 4 : i32
    %dma_wait3A_420 = arith.constant 4 : i32
    %dma_wait3A_421 = arith.constant 0 : i32
    %dma_wait3A_422 = arith.constant 0 : i32
    %dma_wait3A_423 = tpu.memref_slice %arg14[%dma_wait3A_419, %dma_wait3A_421, %dma_wait3A_422] : memref<10x80x16xf32, #tpu.memory_space<vmem>> -> memref<1x80x16xf32, #tpu.memory_space<vmem>>
    %dma_wait3A_424 = tpu.memref_squeeze %dma_wait3A_423 : memref<1x80x16xf32, #tpu.memory_space<vmem>> -> memref<80x16xf32, #tpu.memory_space<vmem>>
    %dma_wait3A_425 = arith.constant 0 : i32
    %dma_wait3A_426 = tpu.memref_slice %arg9[%add3A_418, %dma_wait3A_425] : memref<250x80xi32, #tpu.memory_space<vmem>> -> memref<1x80xi32, #tpu.memory_space<vmem>>
    %dma_wait3A_427 = tpu.memref_squeeze %dma_wait3A_426 : memref<1x80xi32, #tpu.memory_space<vmem>> -> memref<80xi32, #tpu.memory_space<vmem>>
    %dma_wait3A_428 = arith.constant 0 : i32
    %dma_wait3A_429 = arith.constant 0 : i32
    %dma_wait3A_430 = tpu.memref_slice %arg15[%dma_wait3A_428, %dma_wait3A_429] : memref<10000x16xf32, #tpu.memory_space<vmem_shared>> -> memref<10000x16xf32, #tpu.memory_space<vmem_shared>>
    %dma_wait3A_431 = tpu.memref_slice %arg18[%dma_wait3A_420] : memref<10x!tpu.dma_semaphore, #tpu.memory_space<semaphore_mem>> -> memref<1x!tpu.dma_semaphore, #tpu.memory_space<semaphore_mem>>
    %dma_wait3A_432 = tpu.memref_squeeze %dma_wait3A_431 : memref<1x!tpu.dma_semaphore, #tpu.memory_space<semaphore_mem>> -> memref<!tpu.dma_semaphore, #tpu.memory_space<semaphore_mem>>
    tpu.wait_indirect_dma semaphore(%dma_wait3A_432 : memref<!tpu.dma_semaphore, #tpu.memory_space<semaphore_mem>>) src(%dma_wait3A_424 : memref<80x16xf32, #tpu.memory_space<vmem>>) dst(%dma_wait3A_430 : memref<10000x16xf32, #tpu.memory_space<vmem_shared>>)
    %add3A_433 = arith.constant 120 : i32
    %add3A_434 = arith.addi %mul3A_119, %add3A_433 : i32
    %dma_wait3A_435 = arith.constant 5 : i32
    %dma_wait3A_436 = arith.constant 5 : i32
    %dma_wait3A_437 = arith.constant 0 : i32
    %dma_wait3A_438 = arith.constant 0 : i32
    %dma_wait3A_439 = tpu.memref_slice %arg14[%dma_wait3A_435, %dma_wait3A_437, %dma_wait3A_438] : memref<10x80x16xf32, #tpu.memory_space<vmem>> -> memref<1x80x16xf32, #tpu.memory_space<vmem>>
    %dma_wait3A_440 = tpu.memref_squeeze %dma_wait3A_439 : memref<1x80x16xf32, #tpu.memory_space<vmem>> -> memref<80x16xf32, #tpu.memory_space<vmem>>
    %dma_wait3A_441 = arith.constant 0 : i32
    %dma_wait3A_442 = tpu.memref_slice %arg9[%add3A_434, %dma_wait3A_441] : memref<250x80xi32, #tpu.memory_space<vmem>> -> memref<1x80xi32, #tpu.memory_space<vmem>>
    %dma_wait3A_443 = tpu.memref_squeeze %dma_wait3A_442 : memref<1x80xi32, #tpu.memory_space<vmem>> -> memref<80xi32, #tpu.memory_space<vmem>>
    %dma_wait3A_444 = arith.constant 0 : i32
    %dma_wait3A_445 = arith.constant 0 : i32
    %dma_wait3A_446 = tpu.memref_slice %arg15[%dma_wait3A_444, %dma_wait3A_445] : memref<10000x16xf32, #tpu.memory_space<vmem_shared>> -> memref<10000x16xf32, #tpu.memory_space<vmem_shared>>
    %dma_wait3A_447 = tpu.memref_slice %arg18[%dma_wait3A_436] : memref<10x!tpu.dma_semaphore, #tpu.memory_space<semaphore_mem>> -> memref<1x!tpu.dma_semaphore, #tpu.memory_space<semaphore_mem>>
    %dma_wait3A_448 = tpu.memref_squeeze %dma_wait3A_447 : memref<1x!tpu.dma_semaphore, #tpu.memory_space<semaphore_mem>> -> memref<!tpu.dma_semaphore, #tpu.memory_space<semaphore_mem>>
    tpu.wait_indirect_dma semaphore(%dma_wait3A_448 : memref<!tpu.dma_semaphore, #tpu.memory_space<semaphore_mem>>) src(%dma_wait3A_440 : memref<80x16xf32, #tpu.memory_space<vmem>>) dst(%dma_wait3A_446 : memref<10000x16xf32, #tpu.memory_space<vmem_shared>>)
    %add3A_449 = arith.constant 121 : i32
    %add3A_450 = arith.addi %mul3A_119, %add3A_449 : i32
    %dma_wait3A_451 = arith.constant 6 : i32
    %dma_wait3A_452 = arith.constant 6 : i32
    %dma_wait3A_453 = arith.constant 0 : i32
    %dma_wait3A_454 = arith.constant 0 : i32
    %dma_wait3A_455 = tpu.memref_slice %arg14[%dma_wait3A_451, %dma_wait3A_453, %dma_wait3A_454] : memref<10x80x16xf32, #tpu.memory_space<vmem>> -> memref<1x80x16xf32, #tpu.memory_space<vmem>>
    %dma_wait3A_456 = tpu.memref_squeeze %dma_wait3A_455 : memref<1x80x16xf32, #tpu.memory_space<vmem>> -> memref<80x16xf32, #tpu.memory_space<vmem>>
    %dma_wait3A_457 = arith.constant 0 : i32
    %dma_wait3A_458 = tpu.memref_slice %arg9[%add3A_450, %dma_wait3A_457] : memref<250x80xi32, #tpu.memory_space<vmem>> -> memref<1x80xi32, #tpu.memory_space<vmem>>
    %dma_wait3A_459 = tpu.memref_squeeze %dma_wait3A_458 : memref<1x80xi32, #tpu.memory_space<vmem>> -> memref<80xi32, #tpu.memory_space<vmem>>
    %dma_wait3A_460 = arith.constant 0 : i32
    %dma_wait3A_461 = arith.constant 0 : i32
    %dma_wait3A_462 = tpu.memref_slice %arg15[%dma_wait3A_460, %dma_wait3A_461] : memref<10000x16xf32, #tpu.memory_space<vmem_shared>> -> memref<10000x16xf32, #tpu.memory_space<vmem_shared>>
    %dma_wait3A_463 = tpu.memref_slice %arg18[%dma_wait3A_452] : memref<10x!tpu.dma_semaphore, #tpu.memory_space<semaphore_mem>> -> memref<1x!tpu.dma_semaphore, #tpu.memory_space<semaphore_mem>>
    %dma_wait3A_464 = tpu.memref_squeeze %dma_wait3A_463 : memref<1x!tpu.dma_semaphore, #tpu.memory_space<semaphore_mem>> -> memref<!tpu.dma_semaphore, #tpu.memory_space<semaphore_mem>>
    tpu.wait_indirect_dma semaphore(%dma_wait3A_464 : memref<!tpu.dma_semaphore, #tpu.memory_space<semaphore_mem>>) src(%dma_wait3A_456 : memref<80x16xf32, #tpu.memory_space<vmem>>) dst(%dma_wait3A_462 : memref<10000x16xf32, #tpu.memory_space<vmem_shared>>)
    %add3A_465 = arith.constant 122 : i32
    %add3A_466 = arith.addi %mul3A_119, %add3A_465 : i32
    %dma_wait3A_467 = arith.constant 7 : i32
    %dma_wait3A_468 = arith.constant 7 : i32
    %dma_wait3A_469 = arith.constant 0 : i32
    %dma_wait3A_470 = arith.constant 0 : i32
    %dma_wait3A_471 = tpu.memref_slice %arg14[%dma_wait3A_467, %dma_wait3A_469, %dma_wait3A_470] : memref<10x80x16xf32, #tpu.memory_space<vmem>> -> memref<1x80x16xf32, #tpu.memory_space<vmem>>
    %dma_wait3A_472 = tpu.memref_squeeze %dma_wait3A_471 : memref<1x80x16xf32, #tpu.memory_space<vmem>> -> memref<80x16xf32, #tpu.memory_space<vmem>>
    %dma_wait3A_473 = arith.constant 0 : i32
    %dma_wait3A_474 = tpu.memref_slice %arg9[%add3A_466, %dma_wait3A_473] : memref<250x80xi32, #tpu.memory_space<vmem>> -> memref<1x80xi32, #tpu.memory_space<vmem>>
    %dma_wait3A_475 = tpu.memref_squeeze %dma_wait3A_474 : memref<1x80xi32, #tpu.memory_space<vmem>> -> memref<80xi32, #tpu.memory_space<vmem>>
    %dma_wait3A_476 = arith.constant 0 : i32
    %dma_wait3A_477 = arith.constant 0 : i32
    %dma_wait3A_478 = tpu.memref_slice %arg15[%dma_wait3A_476, %dma_wait3A_477] : memref<10000x16xf32, #tpu.memory_space<vmem_shared>> -> memref<10000x16xf32, #tpu.memory_space<vmem_shared>>
    %dma_wait3A_479 = tpu.memref_slice %arg18[%dma_wait3A_468] : memref<10x!tpu.dma_semaphore, #tpu.memory_space<semaphore_mem>> -> memref<1x!tpu.dma_semaphore, #tpu.memory_space<semaphore_mem>>
    %dma_wait3A_480 = tpu.memref_squeeze %dma_wait3A_479 : memref<1x!tpu.dma_semaphore, #tpu.memory_space<semaphore_mem>> -> memref<!tpu.dma_semaphore, #tpu.memory_space<semaphore_mem>>
    tpu.wait_indirect_dma semaphore(%dma_wait3A_480 : memref<!tpu.dma_semaphore, #tpu.memory_space<semaphore_mem>>) src(%dma_wait3A_472 : memref<80x16xf32, #tpu.memory_space<vmem>>) dst(%dma_wait3A_478 : memref<10000x16xf32, #tpu.memory_space<vmem_shared>>)
    %add3A_481 = arith.constant 123 : i32
    %add3A_482 = arith.addi %mul3A_119, %add3A_481 : i32
    %dma_wait3A_483 = arith.constant 8 : i32
    %dma_wait3A_484 = arith.constant 8 : i32
    %dma_wait3A_485 = arith.constant 0 : i32
    %dma_wait3A_486 = arith.constant 0 : i32
    %dma_wait3A_487 = tpu.memref_slice %arg14[%dma_wait3A_483, %dma_wait3A_485, %dma_wait3A_486] : memref<10x80x16xf32, #tpu.memory_space<vmem>> -> memref<1x80x16xf32, #tpu.memory_space<vmem>>
    %dma_wait3A_488 = tpu.memref_squeeze %dma_wait3A_487 : memref<1x80x16xf32, #tpu.memory_space<vmem>> -> memref<80x16xf32, #tpu.memory_space<vmem>>
    %dma_wait3A_489 = arith.constant 0 : i32
    %dma_wait3A_490 = tpu.memref_slice %arg9[%add3A_482, %dma_wait3A_489] : memref<250x80xi32, #tpu.memory_space<vmem>> -> memref<1x80xi32, #tpu.memory_space<vmem>>
    %dma_wait3A_491 = tpu.memref_squeeze %dma_wait3A_490 : memref<1x80xi32, #tpu.memory_space<vmem>> -> memref<80xi32, #tpu.memory_space<vmem>>
    %dma_wait3A_492 = arith.constant 0 : i32
    %dma_wait3A_493 = arith.constant 0 : i32
    %dma_wait3A_494 = tpu.memref_slice %arg15[%dma_wait3A_492, %dma_wait3A_493] : memref<10000x16xf32, #tpu.memory_space<vmem_shared>> -> memref<10000x16xf32, #tpu.memory_space<vmem_shared>>
    %dma_wait3A_495 = tpu.memref_slice %arg18[%dma_wait3A_484] : memref<10x!tpu.dma_semaphore, #tpu.memory_space<semaphore_mem>> -> memref<1x!tpu.dma_semaphore, #tpu.memory_space<semaphore_mem>>
    %dma_wait3A_496 = tpu.memref_squeeze %dma_wait3A_495 : memref<1x!tpu.dma_semaphore, #tpu.memory_space<semaphore_mem>> -> memref<!tpu.dma_semaphore, #tpu.memory_space<semaphore_mem>>
    tpu.wait_indirect_dma semaphore(%dma_wait3A_496 : memref<!tpu.dma_semaphore, #tpu.memory_space<semaphore_mem>>) src(%dma_wait3A_488 : memref<80x16xf32, #tpu.memory_space<vmem>>) dst(%dma_wait3A_494 : memref<10000x16xf32, #tpu.memory_space<vmem_shared>>)
    %add3A_497 = arith.constant 124 : i32
    %add3A_498 = arith.addi %mul3A_119, %add3A_497 : i32
    %dma_wait3A_499 = arith.constant 9 : i32
    %dma_wait3A_500 = arith.constant 9 : i32
    %dma_wait3A_501 = arith.constant 0 : i32
    %dma_wait3A_502 = arith.constant 0 : i32
    %dma_wait3A_503 = tpu.memref_slice %arg14[%dma_wait3A_499, %dma_wait3A_501, %dma_wait3A_502] : memref<10x80x16xf32, #tpu.memory_space<vmem>> -> memref<1x80x16xf32, #tpu.memory_space<vmem>>
    %dma_wait3A_504 = tpu.memref_squeeze %dma_wait3A_503 : memref<1x80x16xf32, #tpu.memory_space<vmem>> -> memref<80x16xf32, #tpu.memory_space<vmem>>
    %dma_wait3A_505 = arith.constant 0 : i32
    %dma_wait3A_506 = tpu.memref_slice %arg9[%add3A_498, %dma_wait3A_505] : memref<250x80xi32, #tpu.memory_space<vmem>> -> memref<1x80xi32, #tpu.memory_space<vmem>>
    %dma_wait3A_507 = tpu.memref_squeeze %dma_wait3A_506 : memref<1x80xi32, #tpu.memory_space<vmem>> -> memref<80xi32, #tpu.memory_space<vmem>>
    %dma_wait3A_508 = arith.constant 0 : i32
    %dma_wait3A_509 = arith.constant 0 : i32
    %dma_wait3A_510 = tpu.memref_slice %arg15[%dma_wait3A_508, %dma_wait3A_509] : memref<10000x16xf32, #tpu.memory_space<vmem_shared>> -> memref<10000x16xf32, #tpu.memory_space<vmem_shared>>
    %dma_wait3A_511 = tpu.memref_slice %arg18[%dma_wait3A_500] : memref<10x!tpu.dma_semaphore, #tpu.memory_space<semaphore_mem>> -> memref<1x!tpu.dma_semaphore, #tpu.memory_space<semaphore_mem>>
    %dma_wait3A_512 = tpu.memref_squeeze %dma_wait3A_511 : memref<1x!tpu.dma_semaphore, #tpu.memory_space<semaphore_mem>> -> memref<!tpu.dma_semaphore, #tpu.memory_space<semaphore_mem>>
    tpu.wait_indirect_dma semaphore(%dma_wait3A_512 : memref<!tpu.dma_semaphore, #tpu.memory_space<semaphore_mem>>) src(%dma_wait3A_504 : memref<80x16xf32, #tpu.memory_space<vmem>>) dst(%dma_wait3A_510 : memref<10000x16xf32, #tpu.memory_space<vmem_shared>>)
    %barrier3A_513 = arith.constant 0 : index
    tpu.barrier barrier_id(%barrier3A_513)
    "tpu.region"() ({
      %run_scoped3A_514 = tpu.sem_alloc : memref<!tpu.dma_semaphore, #tpu.memory_space<semaphore_mem>>
      %dma_start3A_515 = arith.constant 0 : i32
      %dma_start3A_516 = tpu.memref_slice %arg15[%mul3A_0, %dma_start3A_515] : memref<10000x16xf32, #tpu.memory_space<vmem_shared>> -> memref<625x16xf32, #tpu.memory_space<vmem_shared>>
      %dma_start3A_517 = arith.constant 0 : i32
      %dma_start3A_518 = tpu.memref_slice %arg15[%mul3A_0, %dma_start3A_517] : memref<10000x16xf32, #tpu.memory_space<vmem_shared>> -> memref<625x16xf32, #tpu.memory_space<vmem_shared>>
      tpu.enqueue_dma source(%dma_start3A_518 : memref<625x16xf32, #tpu.memory_space<vmem_shared>>) target(%arg12 : memref<625x16xf32, #tpu.memory_space<vmem>>) target_semaphore(%run_scoped3A_514 : memref<!tpu.dma_semaphore, #tpu.memory_space<semaphore_mem>>)
      %dma_wait3A_519 = arith.constant 0 : i32
      %dma_wait3A_520 = tpu.memref_slice %arg15[%mul3A_0, %dma_wait3A_519] : memref<10000x16xf32, #tpu.memory_space<vmem_shared>> -> memref<625x16xf32, #tpu.memory_space<vmem_shared>>
      %dma_wait3A_521 = arith.constant 0 : i32
      %dma_wait3A_522 = tpu.memref_slice %arg15[%mul3A_0, %dma_wait3A_521] : memref<10000x16xf32, #tpu.memory_space<vmem_shared>> -> memref<625x16xf32, #tpu.memory_space<vmem_shared>>
      tpu.wait_dma2 semaphore(%run_scoped3A_514 : memref<!tpu.dma_semaphore, #tpu.memory_space<semaphore_mem>>) src(%dma_wait3A_522 : memref<625x16xf32, #tpu.memory_space<vmem_shared>>) dst(%arg12 : memref<625x16xf32, #tpu.memory_space<vmem>>)
      tpu.yield
    }) : () -> ()
    "tpu.region"() ({
      %run_scoped3A_514 = tpu.sem_alloc : memref<!tpu.dma_semaphore, #tpu.memory_space<semaphore_mem>>
      %dma_start3A_515 = arith.constant 0 : i32
      %dma_start3A_516 = tpu.memref_slice %arg6[%arg0, %mul3A_0, %dma_start3A_515] : memref<2x10000x16xf32, #tpu.memory_space<hbm>> -> memref<1x625x16xf32, #tpu.memory_space<hbm>>
      %dma_start3A_517 = tpu.memref_squeeze %dma_start3A_516 : memref<1x625x16xf32, #tpu.memory_space<hbm>> -> memref<625x16xf32, #tpu.memory_space<hbm>>
      %dma_start3A_518 = arith.constant 0 : i32
      %dma_start3A_519 = tpu.memref_slice %arg6[%arg0, %mul3A_0, %dma_start3A_518] : memref<2x10000x16xf32, #tpu.memory_space<hbm>> -> memref<1x625x16xf32, #tpu.memory_space<hbm>>
      %dma_start3A_520 = tpu.memref_squeeze %dma_start3A_519 : memref<1x625x16xf32, #tpu.memory_space<hbm>> -> memref<625x16xf32, #tpu.memory_space<hbm>>
      tpu.enqueue_dma source(%arg12 : memref<625x16xf32, #tpu.memory_space<vmem>>) target(%dma_start3A_520 : memref<625x16xf32, #tpu.memory_space<hbm>>) target_semaphore(%run_scoped3A_514 : memref<!tpu.dma_semaphore, #tpu.memory_space<semaphore_mem>>)
      %dma_wait3A_521 = arith.constant 0 : i32
      %dma_wait3A_522 = tpu.memref_slice %arg6[%arg0, %mul3A_0, %dma_wait3A_521] : memref<2x10000x16xf32, #tpu.memory_space<hbm>> -> memref<1x625x16xf32, #tpu.memory_space<hbm>>
      %dma_wait3A_523 = tpu.memref_squeeze %dma_wait3A_522 : memref<1x625x16xf32, #tpu.memory_space<hbm>> -> memref<625x16xf32, #tpu.memory_space<hbm>>
      %dma_wait3A_524 = arith.constant 0 : i32
      %dma_wait3A_525 = tpu.memref_slice %arg6[%arg0, %mul3A_0, %dma_wait3A_524] : memref<2x10000x16xf32, #tpu.memory_space<hbm>> -> memref<1x625x16xf32, #tpu.memory_space<hbm>>
      %dma_wait3A_526 = tpu.memref_squeeze %dma_wait3A_525 : memref<1x625x16xf32, #tpu.memory_space<hbm>> -> memref<625x16xf32, #tpu.memory_space<hbm>>
      tpu.wait_dma2 semaphore(%run_scoped3A_514 : memref<!tpu.dma_semaphore, #tpu.memory_space<semaphore_mem>>) src(%arg12 : memref<625x16xf32, #tpu.memory_space<vmem>>) dst(%dma_wait3A_526 : memref<625x16xf32, #tpu.memory_space<hbm>>)
      tpu.yield
    }) : () -> ()
    return
  }
}

#map = affine_map<(d0, d1) -> (0, 0, 0)>
#map1 = affine_map<(d0, d1) -> (0, 0)>
#map2 = affine_map<(d0, d1) -> (0, 0, 0, 0)>
module attributes {stable_mosaic.version = 14 : i64} {
  func.func @sc_b(%arg0: i32, %arg1: i32, %arg2: memref<2x10000x16xf32, #tpu.memory_space<hbm>>, %arg3: memref<2x10000x16xf32, #tpu.memory_space<hbm>>, %arg4: memref<16x16xf32, #tpu.memory_space<hbm>>, %arg5: memref<2x16x250x80xi32, #tpu.memory_space<hbm>>, %arg6: memref<625x16xf32, #tpu.memory_space<hbm>>, %arg7: memref<2x10000x16xf32, #tpu.memory_space<hbm>>, %arg8: memref<250x80xi32, #tpu.memory_space<vmem>>, %arg9: memref<250x80xi32, #tpu.memory_space<vmem>>, %arg10: memref<16x16xf32, #tpu.memory_space<vmem>>, %arg11: memref<625x16xf32, #tpu.memory_space<vmem>>, %arg12: memref<625x16xf32, #tpu.memory_space<vmem>>, %arg13: memref<625x16xf32, #tpu.memory_space<vmem>>, %arg14: memref<625x16xf32, #tpu.memory_space<vmem>>, %arg15: memref<10x80x16xf32, #tpu.memory_space<vmem>>, %arg16: memref<10000x16xf32, #tpu.memory_space<vmem_shared>>, %arg17: memref<10000x16xf32, #tpu.memory_space<vmem_shared>>, %arg18: memref<10x!tpu.dma_semaphore, #tpu.memory_space<semaphore_mem>>, %arg19: memref<10x!tpu.dma_semaphore, #tpu.memory_space<semaphore_mem>>) attributes {dimension_semantics = [#tpu.dimension_semantics<core_parallel>, #tpu.dimension_semantics<subcore_parallel>], iteration_bounds = array<i64: 2, 16>, scalar_prefetch = 0 : i64, scratch_operands = 12 : i64, tpu.core_type = #tpu.core_type<sc_vector_subcore>, window_params = [{transform_indices = #map}, {transform_indices = #map}, {transform_indices = #map1}, {transform_indices = #map2}, {transform_indices = #map1}, {transform_indices = #map}]} {
    %mul3A = arith.constant 625 : i32
    %mul3A_0 = arith.muli %arg1, %mul3A : i32
    "tpu.region"() ({
      %run_scoped3A_414 = tpu.sem_alloc : memref<!tpu.dma_semaphore, #tpu.memory_space<semaphore_mem>>
      tpu.enqueue_dma source(%arg6 : memref<625x16xf32, #tpu.memory_space<hbm>>) target(%arg11 : memref<625x16xf32, #tpu.memory_space<vmem>>) target_semaphore(%run_scoped3A_414 : memref<!tpu.dma_semaphore, #tpu.memory_space<semaphore_mem>>)
      tpu.wait_dma2 semaphore(%run_scoped3A_414 : memref<!tpu.dma_semaphore, #tpu.memory_space<semaphore_mem>>) src(%arg6 : memref<625x16xf32, #tpu.memory_space<hbm>>) dst(%arg11 : memref<625x16xf32, #tpu.memory_space<vmem>>)
      tpu.yield
    }) : () -> ()
    %run_scoped3A = arith.constant 0 : i32
    "tpu.region"() ({
      %run_scoped3A_414 = tpu.sem_alloc : memref<!tpu.dma_semaphore, #tpu.memory_space<semaphore_mem>>
      %dma_start3A_415 = arith.constant 0 : i32
      %dma_start3A_416 = arith.constant 0 : i32
      %dma_start3A_417 = tpu.memref_slice %arg5[%run_scoped3A, %arg1, %dma_start3A_415, %dma_start3A_416] : memref<2x16x250x80xi32, #tpu.memory_space<hbm>> -> memref<1x1x250x80xi32, #tpu.memory_space<hbm>>
      %dma_start3A_418 = tpu.memref_squeeze %dma_start3A_417 : memref<1x1x250x80xi32, #tpu.memory_space<hbm>> -> memref<250x80xi32, #tpu.memory_space<hbm>>
      %dma_start3A_419 = arith.constant 0 : i32
      %dma_start3A_420 = arith.constant 0 : i32
      %dma_start3A_421 = tpu.memref_slice %arg5[%run_scoped3A, %arg1, %dma_start3A_419, %dma_start3A_420] : memref<2x16x250x80xi32, #tpu.memory_space<hbm>> -> memref<1x1x250x80xi32, #tpu.memory_space<hbm>>
      %dma_start3A_422 = tpu.memref_squeeze %dma_start3A_421 : memref<1x1x250x80xi32, #tpu.memory_space<hbm>> -> memref<250x80xi32, #tpu.memory_space<hbm>>
      tpu.enqueue_dma source(%dma_start3A_422 : memref<250x80xi32, #tpu.memory_space<hbm>>) target(%arg8 : memref<250x80xi32, #tpu.memory_space<vmem>>) target_semaphore(%run_scoped3A_414 : memref<!tpu.dma_semaphore, #tpu.memory_space<semaphore_mem>>)
      %dma_wait3A_423 = arith.constant 0 : i32
      %dma_wait3A_424 = arith.constant 0 : i32
      %dma_wait3A_425 = tpu.memref_slice %arg5[%run_scoped3A, %arg1, %dma_wait3A_423, %dma_wait3A_424] : memref<2x16x250x80xi32, #tpu.memory_space<hbm>> -> memref<1x1x250x80xi32, #tpu.memory_space<hbm>>
      %dma_wait3A_426 = tpu.memref_squeeze %dma_wait3A_425 : memref<1x1x250x80xi32, #tpu.memory_space<hbm>> -> memref<250x80xi32, #tpu.memory_space<hbm>>
      %dma_wait3A_427 = arith.constant 0 : i32
      %dma_wait3A_428 = arith.constant 0 : i32
      %dma_wait3A_429 = tpu.memref_slice %arg5[%run_scoped3A, %arg1, %dma_wait3A_427, %dma_wait3A_428] : memref<2x16x250x80xi32, #tpu.memory_space<hbm>> -> memref<1x1x250x80xi32, #tpu.memory_space<hbm>>
      %dma_wait3A_430 = tpu.memref_squeeze %dma_wait3A_429 : memref<1x1x250x80xi32, #tpu.memory_space<hbm>> -> memref<250x80xi32, #tpu.memory_space<hbm>>
      tpu.wait_dma2 semaphore(%run_scoped3A_414 : memref<!tpu.dma_semaphore, #tpu.memory_space<semaphore_mem>>) src(%dma_wait3A_430 : memref<250x80xi32, #tpu.memory_space<hbm>>) dst(%arg8 : memref<250x80xi32, #tpu.memory_space<vmem>>)
      tpu.yield
    }) : () -> ()
    %run_scoped3A_1 = arith.constant 1 : i32
    "tpu.region"() ({
      %run_scoped3A_414 = tpu.sem_alloc : memref<!tpu.dma_semaphore, #tpu.memory_space<semaphore_mem>>
      %dma_start3A_415 = arith.constant 0 : i32
      %dma_start3A_416 = arith.constant 0 : i32
      %dma_start3A_417 = tpu.memref_slice %arg5[%run_scoped3A_1, %arg1, %dma_start3A_415, %dma_start3A_416] : memref<2x16x250x80xi32, #tpu.memory_space<hbm>> -> memref<1x1x250x80xi32, #tpu.memory_space<hbm>>
      %dma_start3A_418 = tpu.memref_squeeze %dma_start3A_417 : memref<1x1x250x80xi32, #tpu.memory_space<hbm>> -> memref<250x80xi32, #tpu.memory_space<hbm>>
      %dma_start3A_419 = arith.constant 0 : i32
      %dma_start3A_420 = arith.constant 0 : i32
      %dma_start3A_421 = tpu.memref_slice %arg5[%run_scoped3A_1, %arg1, %dma_start3A_419, %dma_start3A_420] : memref<2x16x250x80xi32, #tpu.memory_space<hbm>> -> memref<1x1x250x80xi32, #tpu.memory_space<hbm>>
      %dma_start3A_422 = tpu.memref_squeeze %dma_start3A_421 : memref<1x1x250x80xi32, #tpu.memory_space<hbm>> -> memref<250x80xi32, #tpu.memory_space<hbm>>
      tpu.enqueue_dma source(%dma_start3A_422 : memref<250x80xi32, #tpu.memory_space<hbm>>) target(%arg9 : memref<250x80xi32, #tpu.memory_space<vmem>>) target_semaphore(%run_scoped3A_414 : memref<!tpu.dma_semaphore, #tpu.memory_space<semaphore_mem>>)
      %dma_wait3A_423 = arith.constant 0 : i32
      %dma_wait3A_424 = arith.constant 0 : i32
      %dma_wait3A_425 = tpu.memref_slice %arg5[%run_scoped3A_1, %arg1, %dma_wait3A_423, %dma_wait3A_424] : memref<2x16x250x80xi32, #tpu.memory_space<hbm>> -> memref<1x1x250x80xi32, #tpu.memory_space<hbm>>
      %dma_wait3A_426 = tpu.memref_squeeze %dma_wait3A_425 : memref<1x1x250x80xi32, #tpu.memory_space<hbm>> -> memref<250x80xi32, #tpu.memory_space<hbm>>
      %dma_wait3A_427 = arith.constant 0 : i32
      %dma_wait3A_428 = arith.constant 0 : i32
      %dma_wait3A_429 = tpu.memref_slice %arg5[%run_scoped3A_1, %arg1, %dma_wait3A_427, %dma_wait3A_428] : memref<2x16x250x80xi32, #tpu.memory_space<hbm>> -> memref<1x1x250x80xi32, #tpu.memory_space<hbm>>
      %dma_wait3A_430 = tpu.memref_squeeze %dma_wait3A_429 : memref<1x1x250x80xi32, #tpu.memory_space<hbm>> -> memref<250x80xi32, #tpu.memory_space<hbm>>
      tpu.wait_dma2 semaphore(%run_scoped3A_414 : memref<!tpu.dma_semaphore, #tpu.memory_space<semaphore_mem>>) src(%dma_wait3A_430 : memref<250x80xi32, #tpu.memory_space<hbm>>) dst(%arg9 : memref<250x80xi32, #tpu.memory_space<vmem>>)
      tpu.yield
    }) : () -> ()
    "tpu.region"() ({
      %run_scoped3A_414 = tpu.sem_alloc : memref<!tpu.dma_semaphore, #tpu.memory_space<semaphore_mem>>
      tpu.enqueue_dma source(%arg4 : memref<16x16xf32, #tpu.memory_space<hbm>>) target(%arg10 : memref<16x16xf32, #tpu.memory_space<vmem>>) target_semaphore(%run_scoped3A_414 : memref<!tpu.dma_semaphore, #tpu.memory_space<semaphore_mem>>)
      tpu.wait_dma2 semaphore(%run_scoped3A_414 : memref<!tpu.dma_semaphore, #tpu.memory_space<semaphore_mem>>) src(%arg4 : memref<16x16xf32, #tpu.memory_space<hbm>>) dst(%arg10 : memref<16x16xf32, #tpu.memory_space<vmem>>)
      tpu.yield
    }) : () -> ()
    %run_scoped3A_2 = arith.constant 0 : i32
    "tpu.region"() ({
      %run_scoped3A_414 = tpu.sem_alloc : memref<!tpu.dma_semaphore, #tpu.memory_space<semaphore_mem>>
      %dma_start3A_415 = arith.constant 0 : i32
      %dma_start3A_416 = tpu.memref_slice %arg2[%run_scoped3A_2, %mul3A_0, %dma_start3A_415] : memref<2x10000x16xf32, #tpu.memory_space<hbm>> -> memref<1x625x16xf32, #tpu.memory_space<hbm>>
      %dma_start3A_417 = tpu.memref_squeeze %dma_start3A_416 : memref<1x625x16xf32, #tpu.memory_space<hbm>> -> memref<625x16xf32, #tpu.memory_space<hbm>>
      %dma_start3A_418 = arith.constant 0 : i32
      %dma_start3A_419 = tpu.memref_slice %arg2[%run_scoped3A_2, %mul3A_0, %dma_start3A_418] : memref<2x10000x16xf32, #tpu.memory_space<hbm>> -> memref<1x625x16xf32, #tpu.memory_space<hbm>>
      %dma_start3A_420 = tpu.memref_squeeze %dma_start3A_419 : memref<1x625x16xf32, #tpu.memory_space<hbm>> -> memref<625x16xf32, #tpu.memory_space<hbm>>
      tpu.enqueue_dma source(%dma_start3A_420 : memref<625x16xf32, #tpu.memory_space<hbm>>) target(%arg12 : memref<625x16xf32, #tpu.memory_space<vmem>>) target_semaphore(%run_scoped3A_414 : memref<!tpu.dma_semaphore, #tpu.memory_space<semaphore_mem>>)
      %dma_wait3A_421 = arith.constant 0 : i32
      %dma_wait3A_422 = tpu.memref_slice %arg2[%run_scoped3A_2, %mul3A_0, %dma_wait3A_421] : memref<2x10000x16xf32, #tpu.memory_space<hbm>> -> memref<1x625x16xf32, #tpu.memory_space<hbm>>
      %dma_wait3A_423 = tpu.memref_squeeze %dma_wait3A_422 : memref<1x625x16xf32, #tpu.memory_space<hbm>> -> memref<625x16xf32, #tpu.memory_space<hbm>>
      %dma_wait3A_424 = arith.constant 0 : i32
      %dma_wait3A_425 = tpu.memref_slice %arg2[%run_scoped3A_2, %mul3A_0, %dma_wait3A_424] : memref<2x10000x16xf32, #tpu.memory_space<hbm>> -> memref<1x625x16xf32, #tpu.memory_space<hbm>>
      %dma_wait3A_426 = tpu.memref_squeeze %dma_wait3A_425 : memref<1x625x16xf32, #tpu.memory_space<hbm>> -> memref<625x16xf32, #tpu.memory_space<hbm>>
      tpu.wait_dma2 semaphore(%run_scoped3A_414 : memref<!tpu.dma_semaphore, #tpu.memory_space<semaphore_mem>>) src(%dma_wait3A_426 : memref<625x16xf32, #tpu.memory_space<hbm>>) dst(%arg12 : memref<625x16xf32, #tpu.memory_space<vmem>>)
      tpu.yield
    }) : () -> ()
    %run_scoped3A_3 = arith.constant 1 : i32
    "tpu.region"() ({
      %run_scoped3A_414 = tpu.sem_alloc : memref<!tpu.dma_semaphore, #tpu.memory_space<semaphore_mem>>
      %dma_start3A_415 = arith.constant 0 : i32
      %dma_start3A_416 = tpu.memref_slice %arg2[%run_scoped3A_3, %mul3A_0, %dma_start3A_415] : memref<2x10000x16xf32, #tpu.memory_space<hbm>> -> memref<1x625x16xf32, #tpu.memory_space<hbm>>
      %dma_start3A_417 = tpu.memref_squeeze %dma_start3A_416 : memref<1x625x16xf32, #tpu.memory_space<hbm>> -> memref<625x16xf32, #tpu.memory_space<hbm>>
      %dma_start3A_418 = arith.constant 0 : i32
      %dma_start3A_419 = tpu.memref_slice %arg2[%run_scoped3A_3, %mul3A_0, %dma_start3A_418] : memref<2x10000x16xf32, #tpu.memory_space<hbm>> -> memref<1x625x16xf32, #tpu.memory_space<hbm>>
      %dma_start3A_420 = tpu.memref_squeeze %dma_start3A_419 : memref<1x625x16xf32, #tpu.memory_space<hbm>> -> memref<625x16xf32, #tpu.memory_space<hbm>>
      tpu.enqueue_dma source(%dma_start3A_420 : memref<625x16xf32, #tpu.memory_space<hbm>>) target(%arg14 : memref<625x16xf32, #tpu.memory_space<vmem>>) target_semaphore(%run_scoped3A_414 : memref<!tpu.dma_semaphore, #tpu.memory_space<semaphore_mem>>)
      %dma_wait3A_421 = arith.constant 0 : i32
      %dma_wait3A_422 = tpu.memref_slice %arg2[%run_scoped3A_3, %mul3A_0, %dma_wait3A_421] : memref<2x10000x16xf32, #tpu.memory_space<hbm>> -> memref<1x625x16xf32, #tpu.memory_space<hbm>>
      %dma_wait3A_423 = tpu.memref_squeeze %dma_wait3A_422 : memref<1x625x16xf32, #tpu.memory_space<hbm>> -> memref<625x16xf32, #tpu.memory_space<hbm>>
      %dma_wait3A_424 = arith.constant 0 : i32
      %dma_wait3A_425 = tpu.memref_slice %arg2[%run_scoped3A_3, %mul3A_0, %dma_wait3A_424] : memref<2x10000x16xf32, #tpu.memory_space<hbm>> -> memref<1x625x16xf32, #tpu.memory_space<hbm>>
      %dma_wait3A_426 = tpu.memref_squeeze %dma_wait3A_425 : memref<1x625x16xf32, #tpu.memory_space<hbm>> -> memref<625x16xf32, #tpu.memory_space<hbm>>
      tpu.wait_dma2 semaphore(%run_scoped3A_414 : memref<!tpu.dma_semaphore, #tpu.memory_space<semaphore_mem>>) src(%dma_wait3A_426 : memref<625x16xf32, #tpu.memory_space<hbm>>) dst(%arg14 : memref<625x16xf32, #tpu.memory_space<vmem>>)
      tpu.yield
    }) : () -> ()
    "tpu.region"() ({
      %run_scoped3A_414 = tpu.sem_alloc : memref<!tpu.dma_semaphore, #tpu.memory_space<semaphore_mem>>
      %dma_start3A_415 = arith.constant 0 : i32
      %dma_start3A_416 = tpu.memref_slice %arg3[%arg0, %mul3A_0, %dma_start3A_415] : memref<2x10000x16xf32, #tpu.memory_space<hbm>> -> memref<1x625x16xf32, #tpu.memory_space<hbm>>
      %dma_start3A_417 = tpu.memref_squeeze %dma_start3A_416 : memref<1x625x16xf32, #tpu.memory_space<hbm>> -> memref<625x16xf32, #tpu.memory_space<hbm>>
      %dma_start3A_418 = arith.constant 0 : i32
      %dma_start3A_419 = tpu.memref_slice %arg3[%arg0, %mul3A_0, %dma_start3A_418] : memref<2x10000x16xf32, #tpu.memory_space<hbm>> -> memref<1x625x16xf32, #tpu.memory_space<hbm>>
      %dma_start3A_420 = tpu.memref_squeeze %dma_start3A_419 : memref<1x625x16xf32, #tpu.memory_space<hbm>> -> memref<625x16xf32, #tpu.memory_space<hbm>>
      tpu.enqueue_dma source(%dma_start3A_420 : memref<625x16xf32, #tpu.memory_space<hbm>>) target(%arg13 : memref<625x16xf32, #tpu.memory_space<vmem>>) target_semaphore(%run_scoped3A_414 : memref<!tpu.dma_semaphore, #tpu.memory_space<semaphore_mem>>)
      %dma_wait3A_421 = arith.constant 0 : i32
      %dma_wait3A_422 = tpu.memref_slice %arg3[%arg0, %mul3A_0, %dma_wait3A_421] : memref<2x10000x16xf32, #tpu.memory_space<hbm>> -> memref<1x625x16xf32, #tpu.memory_space<hbm>>
      %dma_wait3A_423 = tpu.memref_squeeze %dma_wait3A_422 : memref<1x625x16xf32, #tpu.memory_space<hbm>> -> memref<625x16xf32, #tpu.memory_space<hbm>>
      %dma_wait3A_424 = arith.constant 0 : i32
      %dma_wait3A_425 = tpu.memref_slice %arg3[%arg0, %mul3A_0, %dma_wait3A_424] : memref<2x10000x16xf32, #tpu.memory_space<hbm>> -> memref<1x625x16xf32, #tpu.memory_space<hbm>>
      %dma_wait3A_426 = tpu.memref_squeeze %dma_wait3A_425 : memref<1x625x16xf32, #tpu.memory_space<hbm>> -> memref<625x16xf32, #tpu.memory_space<hbm>>
      tpu.wait_dma2 semaphore(%run_scoped3A_414 : memref<!tpu.dma_semaphore, #tpu.memory_space<semaphore_mem>>) src(%dma_wait3A_426 : memref<625x16xf32, #tpu.memory_space<hbm>>) dst(%arg13 : memref<625x16xf32, #tpu.memory_space<vmem>>)
      tpu.yield
    }) : () -> ()
    %scan3A = arith.constant 0 : i32
    %scan3A_4 = arith.constant 625 : i32
    %scan3A_5 = arith.addi %scan3A, %scan3A_4 : i32
    %scan3A_6 = arith.constant 1 : i32
    scf.for %scan3A_414 = %scan3A to %scan3A_5 step %scan3A_6  : i32 {
      %get3A = arith.index_cast %scan3A_414 : i32 to index
      %get3A_415 = arith.constant 0 : index
      %get3A_416 = tpu.vector_load %arg13[%get3A, %get3A_415] {strides = array<i32>} : memref<625x16xf32, #tpu.memory_space<vmem>>, vector<16xf32>,
      %get3A_417 = arith.index_cast %scan3A_414 : i32 to index
      %get3A_418 = arith.constant 0 : index
      %get3A_419 = tpu.vector_load %arg12[%get3A_417, %get3A_418] {strides = array<i32>} : memref<625x16xf32, #tpu.memory_space<vmem>>, vector<16xf32>,
      %get3A_420 = arith.index_cast %scan3A_414 : i32 to index
      %get3A_421 = arith.constant 0 : index
      %get3A_422 = tpu.vector_load %arg14[%get3A_420, %get3A_421] {strides = array<i32>} : memref<625x16xf32, #tpu.memory_space<vmem>>, vector<16xf32>,
      %add3A_423 = arith.addf %get3A_419, %get3A_422 : vector<16xf32>
      %mul3A_424 = arith.mulf %get3A_416, %add3A_423 : vector<16xf32>
      %get3A_425 = arith.constant 0 : i32
      %get3A_426 = arith.index_cast %get3A_425 : i32 to index
      %get3A_427 = arith.constant 0 : index
      %get3A_428 = tpu.vector_load %arg10[%get3A_426, %get3A_427] {strides = array<i32>} : memref<16x16xf32, #tpu.memory_space<vmem>>, vector<16xf32>,
      %add3A_429 = arith.addf %mul3A_424, %get3A_428 : vector<16xf32>
      %get3A_430 = arith.index_cast %scan3A_414 : i32 to index
      %get3A_431 = arith.constant 0 : index
      %get3A_432 = tpu.vector_load %arg13[%get3A_430, %get3A_431] {strides = array<i32>} : memref<625x16xf32, #tpu.memory_space<vmem>>, vector<16xf32>,
      %max3A = arith.constant 0.000000e+00 : f32
      %max3A_433 = vector.broadcast %max3A : f32 to vector<16xf32>
      %max3A_434 = arith.maximumf %add3A_429, %max3A_433 : vector<16xf32>
      %mul3A_435 = arith.mulf %get3A_432, %max3A_434 : vector<16xf32>
      %swap3A = arith.index_cast %scan3A_414 : i32 to index
      %swap3A_436 = arith.constant 0 : index
      %swap3A_437 = tpu.vector_load %arg12[%swap3A, %swap3A_436] {strides = array<i32>} : memref<625x16xf32, #tpu.memory_space<vmem>>, vector<16xf32>,
      tpu.vector_store %arg12[%swap3A, %swap3A_436], %mul3A_435 {strides = array<i32>} : memref<625x16xf32, #tpu.memory_space<vmem>>, vector<16xf32>,
    }
    %scan3A_7 = arith.constant 625 : i32
    "tpu.region"() ({
      %run_scoped3A_414 = tpu.sem_alloc : memref<!tpu.dma_semaphore, #tpu.memory_space<semaphore_mem>>
      %dma_start3A_415 = arith.constant 0 : i32
      %dma_start3A_416 = tpu.memref_slice %arg17[%mul3A_0, %dma_start3A_415] : memref<10000x16xf32, #tpu.memory_space<vmem_shared>> -> memref<625x16xf32, #tpu.memory_space<vmem_shared>>
      %dma_start3A_417 = arith.constant 0 : i32
      %dma_start3A_418 = tpu.memref_slice %arg17[%mul3A_0, %dma_start3A_417] : memref<10000x16xf32, #tpu.memory_space<vmem_shared>> -> memref<625x16xf32, #tpu.memory_space<vmem_shared>>
      tpu.enqueue_dma source(%arg12 : memref<625x16xf32, #tpu.memory_space<vmem>>) target(%dma_start3A_418 : memref<625x16xf32, #tpu.memory_space<vmem_shared>>) target_semaphore(%run_scoped3A_414 : memref<!tpu.dma_semaphore, #tpu.memory_space<semaphore_mem>>)
      %dma_wait3A_419 = arith.constant 0 : i32
      %dma_wait3A_420 = tpu.memref_slice %arg17[%mul3A_0, %dma_wait3A_419] : memref<10000x16xf32, #tpu.memory_space<vmem_shared>> -> memref<625x16xf32, #tpu.memory_space<vmem_shared>>
      %dma_wait3A_421 = arith.constant 0 : i32
      %dma_wait3A_422 = tpu.memref_slice %arg17[%mul3A_0, %dma_wait3A_421] : memref<10000x16xf32, #tpu.memory_space<vmem_shared>> -> memref<625x16xf32, #tpu.memory_space<vmem_shared>>
      tpu.wait_dma2 semaphore(%run_scoped3A_414 : memref<!tpu.dma_semaphore, #tpu.memory_space<semaphore_mem>>) src(%arg12 : memref<625x16xf32, #tpu.memory_space<vmem>>) dst(%dma_wait3A_422 : memref<625x16xf32, #tpu.memory_space<vmem_shared>>)
      tpu.yield
    }) : () -> ()
    %eq3A = arith.constant 0 : i32
    %eq3A_8 = arith.cmpi eq, %arg0, %eq3A : i32
    %convert_element_type3A = arith.extui %eq3A_8 : i1 to i32
    %cond3A = arith.constant 0 : i32
    %cond3A_9 = arith.cmpi ne, %convert_element_type3A, %cond3A : i32
    scf.if %cond3A_9 {
      "tpu.region"() ({
        %run_scoped3A_414 = tpu.sem_alloc : memref<!tpu.dma_semaphore, #tpu.memory_space<semaphore_mem>>
        %dma_start3A_415 = arith.constant 0 : i32
        %dma_start3A_416 = tpu.memref_slice %arg16[%mul3A_0, %dma_start3A_415] : memref<10000x16xf32, #tpu.memory_space<vmem_shared>> -> memref<625x16xf32, #tpu.memory_space<vmem_shared>>
        %dma_start3A_417 = arith.constant 0 : i32
        %dma_start3A_418 = tpu.memref_slice %arg16[%mul3A_0, %dma_start3A_417] : memref<10000x16xf32, #tpu.memory_space<vmem_shared>> -> memref<625x16xf32, #tpu.memory_space<vmem_shared>>
        tpu.enqueue_dma source(%arg12 : memref<625x16xf32, #tpu.memory_space<vmem>>) target(%dma_start3A_418 : memref<625x16xf32, #tpu.memory_space<vmem_shared>>) target_semaphore(%run_scoped3A_414 : memref<!tpu.dma_semaphore, #tpu.memory_space<semaphore_mem>>)
        %dma_wait3A_419 = arith.constant 0 : i32
        %dma_wait3A_420 = tpu.memref_slice %arg16[%mul3A_0, %dma_wait3A_419] : memref<10000x16xf32, #tpu.memory_space<vmem_shared>> -> memref<625x16xf32, #tpu.memory_space<vmem_shared>>
        %dma_wait3A_421 = arith.constant 0 : i32
        %dma_wait3A_422 = tpu.memref_slice %arg16[%mul3A_0, %dma_wait3A_421] : memref<10000x16xf32, #tpu.memory_space<vmem_shared>> -> memref<625x16xf32, #tpu.memory_space<vmem_shared>>
        tpu.wait_dma2 semaphore(%run_scoped3A_414 : memref<!tpu.dma_semaphore, #tpu.memory_space<semaphore_mem>>) src(%arg12 : memref<625x16xf32, #tpu.memory_space<vmem>>) dst(%dma_wait3A_422 : memref<625x16xf32, #tpu.memory_space<vmem_shared>>)
        tpu.yield
      }) : () -> ()
    } else {
    }
    %ne3A = arith.constant 0 : i32
    %ne3A_10 = arith.cmpi ne, %arg0, %ne3A : i32
    %convert_element_type3A_11 = arith.extui %ne3A_10 : i1 to i32
    %cond3A_12 = arith.constant 0 : i32
    %cond3A_13 = arith.cmpi ne, %convert_element_type3A_11, %cond3A_12 : i32
    scf.if %cond3A_13 {
      "tpu.region"() ({
        %run_scoped3A_414 = tpu.sem_alloc : memref<!tpu.dma_semaphore, #tpu.memory_space<semaphore_mem>>
        %dma_start3A_415 = arith.constant 0 : i32
        %dma_start3A_416 = tpu.memref_slice %arg16[%mul3A_0, %dma_start3A_415] : memref<10000x16xf32, #tpu.memory_space<vmem_shared>> -> memref<625x16xf32, #tpu.memory_space<vmem_shared>>
        %dma_start3A_417 = arith.constant 0 : i32
        %dma_start3A_418 = tpu.memref_slice %arg16[%mul3A_0, %dma_start3A_417] : memref<10000x16xf32, #tpu.memory_space<vmem_shared>> -> memref<625x16xf32, #tpu.memory_space<vmem_shared>>
        tpu.enqueue_dma source(%arg11 : memref<625x16xf32, #tpu.memory_space<vmem>>) target(%dma_start3A_418 : memref<625x16xf32, #tpu.memory_space<vmem_shared>>) target_semaphore(%run_scoped3A_414 : memref<!tpu.dma_semaphore, #tpu.memory_space<semaphore_mem>>)
        %dma_wait3A_419 = arith.constant 0 : i32
        %dma_wait3A_420 = tpu.memref_slice %arg16[%mul3A_0, %dma_wait3A_419] : memref<10000x16xf32, #tpu.memory_space<vmem_shared>> -> memref<625x16xf32, #tpu.memory_space<vmem_shared>>
        %dma_wait3A_421 = arith.constant 0 : i32
        %dma_wait3A_422 = tpu.memref_slice %arg16[%mul3A_0, %dma_wait3A_421] : memref<10000x16xf32, #tpu.memory_space<vmem_shared>> -> memref<625x16xf32, #tpu.memory_space<vmem_shared>>
        tpu.wait_dma2 semaphore(%run_scoped3A_414 : memref<!tpu.dma_semaphore, #tpu.memory_space<semaphore_mem>>) src(%arg11 : memref<625x16xf32, #tpu.memory_space<vmem>>) dst(%dma_wait3A_422 : memref<625x16xf32, #tpu.memory_space<vmem_shared>>)
        tpu.yield
      }) : () -> ()
    } else {
    }
    %barrier3A = arith.constant 0 : index
    tpu.barrier barrier_id(%barrier3A)
    %mul3A_14 = arith.constant 125 : i32
    %mul3A_15 = arith.muli %arg0, %mul3A_14 : i32
    %add3A = arith.constant 0 : i32
    %add3A_16 = arith.addi %mul3A_15, %add3A : i32
    %dma_start3A = arith.constant 0 : i32
    %dma_start3A_17 = arith.constant 0 : i32
    %dma_start3A_18 = arith.constant 0 : i32
    %dma_start3A_19 = arith.constant 0 : i32
    %dma_start3A_20 = tpu.memref_slice %arg15[%dma_start3A, %dma_start3A_18, %dma_start3A_19] : memref<10x80x16xf32, #tpu.memory_space<vmem>> -> memref<1x80x16xf32, #tpu.memory_space<vmem>>
    %dma_start3A_21 = tpu.memref_squeeze %dma_start3A_20 : memref<1x80x16xf32, #tpu.memory_space<vmem>> -> memref<80x16xf32, #tpu.memory_space<vmem>>
    %dma_start3A_22 = arith.constant 0 : i32
    %dma_start3A_23 = tpu.memref_slice %arg8[%add3A_16, %dma_start3A_22] : memref<250x80xi32, #tpu.memory_space<vmem>> -> memref<1x80xi32, #tpu.memory_space<vmem>>
    %dma_start3A_24 = tpu.memref_squeeze %dma_start3A_23 : memref<1x80xi32, #tpu.memory_space<vmem>> -> memref<80xi32, #tpu.memory_space<vmem>>
    %dma_start3A_25 = arith.constant 0 : i32
    %dma_start3A_26 = arith.constant 0 : i32
    %dma_start3A_27 = tpu.memref_slice %arg17[%dma_start3A_25, %dma_start3A_26] : memref<10000x16xf32, #tpu.memory_space<vmem_shared>> -> memref<10000x16xf32, #tpu.memory_space<vmem_shared>>
    %dma_start3A_28 = tpu.memref_slice %arg18[%dma_start3A_17] : memref<10x!tpu.dma_semaphore, #tpu.memory_space<semaphore_mem>> -> memref<1x!tpu.dma_semaphore, #tpu.memory_space<semaphore_mem>>
    %dma_start3A_29 = tpu.memref_squeeze %dma_start3A_28 : memref<1x!tpu.dma_semaphore, #tpu.memory_space<semaphore_mem>> -> memref<!tpu.dma_semaphore, #tpu.memory_space<semaphore_mem>>
    tpu.enqueue_indirect_dma source(%dma_start3A_27 : memref<10000x16xf32, #tpu.memory_space<vmem_shared>>) target(%dma_start3A_21 : memref<80x16xf32, #tpu.memory_space<vmem>>) offsets(%dma_start3A_24 : memref<80xi32, #tpu.memory_space<vmem>>) semaphore(%dma_start3A_29 : memref<!tpu.dma_semaphore, #tpu.memory_space<semaphore_mem>>)
    %add3A_30 = arith.constant 1 : i32
    %add3A_31 = arith.addi %mul3A_15, %add3A_30 : i32
    %dma_start3A_32 = arith.constant 1 : i32
    %dma_start3A_33 = arith.constant 1 : i32
    %dma_start3A_34 = arith.constant 0 : i32
    %dma_start3A_35 = arith.constant 0 : i32
    %dma_start3A_36 = tpu.memref_slice %arg15[%dma_start3A_32, %dma_start3A_34, %dma_start3A_35] : memref<10x80x16xf32, #tpu.memory_space<vmem>> -> memref<1x80x16xf32, #tpu.memory_space<vmem>>
    %dma_start3A_37 = tpu.memref_squeeze %dma_start3A_36 : memref<1x80x16xf32, #tpu.memory_space<vmem>> -> memref<80x16xf32, #tpu.memory_space<vmem>>
    %dma_start3A_38 = arith.constant 0 : i32
    %dma_start3A_39 = tpu.memref_slice %arg8[%add3A_31, %dma_start3A_38] : memref<250x80xi32, #tpu.memory_space<vmem>> -> memref<1x80xi32, #tpu.memory_space<vmem>>
    %dma_start3A_40 = tpu.memref_squeeze %dma_start3A_39 : memref<1x80xi32, #tpu.memory_space<vmem>> -> memref<80xi32, #tpu.memory_space<vmem>>
    %dma_start3A_41 = arith.constant 0 : i32
    %dma_start3A_42 = arith.constant 0 : i32
    %dma_start3A_43 = tpu.memref_slice %arg17[%dma_start3A_41, %dma_start3A_42] : memref<10000x16xf32, #tpu.memory_space<vmem_shared>> -> memref<10000x16xf32, #tpu.memory_space<vmem_shared>>
    %dma_start3A_44 = tpu.memref_slice %arg18[%dma_start3A_33] : memref<10x!tpu.dma_semaphore, #tpu.memory_space<semaphore_mem>> -> memref<1x!tpu.dma_semaphore, #tpu.memory_space<semaphore_mem>>
    %dma_start3A_45 = tpu.memref_squeeze %dma_start3A_44 : memref<1x!tpu.dma_semaphore, #tpu.memory_space<semaphore_mem>> -> memref<!tpu.dma_semaphore, #tpu.memory_space<semaphore_mem>>
    tpu.enqueue_indirect_dma source(%dma_start3A_43 : memref<10000x16xf32, #tpu.memory_space<vmem_shared>>) target(%dma_start3A_37 : memref<80x16xf32, #tpu.memory_space<vmem>>) offsets(%dma_start3A_40 : memref<80xi32, #tpu.memory_space<vmem>>) semaphore(%dma_start3A_45 : memref<!tpu.dma_semaphore, #tpu.memory_space<semaphore_mem>>)
    %add3A_46 = arith.constant 2 : i32
    %add3A_47 = arith.addi %mul3A_15, %add3A_46 : i32
    %dma_start3A_48 = arith.constant 2 : i32
    %dma_start3A_49 = arith.constant 2 : i32
    %dma_start3A_50 = arith.constant 0 : i32
    %dma_start3A_51 = arith.constant 0 : i32
    %dma_start3A_52 = tpu.memref_slice %arg15[%dma_start3A_48, %dma_start3A_50, %dma_start3A_51] : memref<10x80x16xf32, #tpu.memory_space<vmem>> -> memref<1x80x16xf32, #tpu.memory_space<vmem>>
    %dma_start3A_53 = tpu.memref_squeeze %dma_start3A_52 : memref<1x80x16xf32, #tpu.memory_space<vmem>> -> memref<80x16xf32, #tpu.memory_space<vmem>>
    %dma_start3A_54 = arith.constant 0 : i32
    %dma_start3A_55 = tpu.memref_slice %arg8[%add3A_47, %dma_start3A_54] : memref<250x80xi32, #tpu.memory_space<vmem>> -> memref<1x80xi32, #tpu.memory_space<vmem>>
    %dma_start3A_56 = tpu.memref_squeeze %dma_start3A_55 : memref<1x80xi32, #tpu.memory_space<vmem>> -> memref<80xi32, #tpu.memory_space<vmem>>
    %dma_start3A_57 = arith.constant 0 : i32
    %dma_start3A_58 = arith.constant 0 : i32
    %dma_start3A_59 = tpu.memref_slice %arg17[%dma_start3A_57, %dma_start3A_58] : memref<10000x16xf32, #tpu.memory_space<vmem_shared>> -> memref<10000x16xf32, #tpu.memory_space<vmem_shared>>
    %dma_start3A_60 = tpu.memref_slice %arg18[%dma_start3A_49] : memref<10x!tpu.dma_semaphore, #tpu.memory_space<semaphore_mem>> -> memref<1x!tpu.dma_semaphore, #tpu.memory_space<semaphore_mem>>
    %dma_start3A_61 = tpu.memref_squeeze %dma_start3A_60 : memref<1x!tpu.dma_semaphore, #tpu.memory_space<semaphore_mem>> -> memref<!tpu.dma_semaphore, #tpu.memory_space<semaphore_mem>>
    tpu.enqueue_indirect_dma source(%dma_start3A_59 : memref<10000x16xf32, #tpu.memory_space<vmem_shared>>) target(%dma_start3A_53 : memref<80x16xf32, #tpu.memory_space<vmem>>) offsets(%dma_start3A_56 : memref<80xi32, #tpu.memory_space<vmem>>) semaphore(%dma_start3A_61 : memref<!tpu.dma_semaphore, #tpu.memory_space<semaphore_mem>>)
    %add3A_62 = arith.constant 3 : i32
    %add3A_63 = arith.addi %mul3A_15, %add3A_62 : i32
    %dma_start3A_64 = arith.constant 3 : i32
    %dma_start3A_65 = arith.constant 3 : i32
    %dma_start3A_66 = arith.constant 0 : i32
    %dma_start3A_67 = arith.constant 0 : i32
    %dma_start3A_68 = tpu.memref_slice %arg15[%dma_start3A_64, %dma_start3A_66, %dma_start3A_67] : memref<10x80x16xf32, #tpu.memory_space<vmem>> -> memref<1x80x16xf32, #tpu.memory_space<vmem>>
    %dma_start3A_69 = tpu.memref_squeeze %dma_start3A_68 : memref<1x80x16xf32, #tpu.memory_space<vmem>> -> memref<80x16xf32, #tpu.memory_space<vmem>>
    %dma_start3A_70 = arith.constant 0 : i32
    %dma_start3A_71 = tpu.memref_slice %arg8[%add3A_63, %dma_start3A_70] : memref<250x80xi32, #tpu.memory_space<vmem>> -> memref<1x80xi32, #tpu.memory_space<vmem>>
    %dma_start3A_72 = tpu.memref_squeeze %dma_start3A_71 : memref<1x80xi32, #tpu.memory_space<vmem>> -> memref<80xi32, #tpu.memory_space<vmem>>
    %dma_start3A_73 = arith.constant 0 : i32
    %dma_start3A_74 = arith.constant 0 : i32
    %dma_start3A_75 = tpu.memref_slice %arg17[%dma_start3A_73, %dma_start3A_74] : memref<10000x16xf32, #tpu.memory_space<vmem_shared>> -> memref<10000x16xf32, #tpu.memory_space<vmem_shared>>
    %dma_start3A_76 = tpu.memref_slice %arg18[%dma_start3A_65] : memref<10x!tpu.dma_semaphore, #tpu.memory_space<semaphore_mem>> -> memref<1x!tpu.dma_semaphore, #tpu.memory_space<semaphore_mem>>
    %dma_start3A_77 = tpu.memref_squeeze %dma_start3A_76 : memref<1x!tpu.dma_semaphore, #tpu.memory_space<semaphore_mem>> -> memref<!tpu.dma_semaphore, #tpu.memory_space<semaphore_mem>>
    tpu.enqueue_indirect_dma source(%dma_start3A_75 : memref<10000x16xf32, #tpu.memory_space<vmem_shared>>) target(%dma_start3A_69 : memref<80x16xf32, #tpu.memory_space<vmem>>) offsets(%dma_start3A_72 : memref<80xi32, #tpu.memory_space<vmem>>) semaphore(%dma_start3A_77 : memref<!tpu.dma_semaphore, #tpu.memory_space<semaphore_mem>>)
    %add3A_78 = arith.constant 4 : i32
    %add3A_79 = arith.addi %mul3A_15, %add3A_78 : i32
    %dma_start3A_80 = arith.constant 4 : i32
    %dma_start3A_81 = arith.constant 4 : i32
    %dma_start3A_82 = arith.constant 0 : i32
    %dma_start3A_83 = arith.constant 0 : i32
    %dma_start3A_84 = tpu.memref_slice %arg15[%dma_start3A_80, %dma_start3A_82, %dma_start3A_83] : memref<10x80x16xf32, #tpu.memory_space<vmem>> -> memref<1x80x16xf32, #tpu.memory_space<vmem>>
    %dma_start3A_85 = tpu.memref_squeeze %dma_start3A_84 : memref<1x80x16xf32, #tpu.memory_space<vmem>> -> memref<80x16xf32, #tpu.memory_space<vmem>>
    %dma_start3A_86 = arith.constant 0 : i32
    %dma_start3A_87 = tpu.memref_slice %arg8[%add3A_79, %dma_start3A_86] : memref<250x80xi32, #tpu.memory_space<vmem>> -> memref<1x80xi32, #tpu.memory_space<vmem>>
    %dma_start3A_88 = tpu.memref_squeeze %dma_start3A_87 : memref<1x80xi32, #tpu.memory_space<vmem>> -> memref<80xi32, #tpu.memory_space<vmem>>
    %dma_start3A_89 = arith.constant 0 : i32
    %dma_start3A_90 = arith.constant 0 : i32
    %dma_start3A_91 = tpu.memref_slice %arg17[%dma_start3A_89, %dma_start3A_90] : memref<10000x16xf32, #tpu.memory_space<vmem_shared>> -> memref<10000x16xf32, #tpu.memory_space<vmem_shared>>
    %dma_start3A_92 = tpu.memref_slice %arg18[%dma_start3A_81] : memref<10x!tpu.dma_semaphore, #tpu.memory_space<semaphore_mem>> -> memref<1x!tpu.dma_semaphore, #tpu.memory_space<semaphore_mem>>
    %dma_start3A_93 = tpu.memref_squeeze %dma_start3A_92 : memref<1x!tpu.dma_semaphore, #tpu.memory_space<semaphore_mem>> -> memref<!tpu.dma_semaphore, #tpu.memory_space<semaphore_mem>>
    tpu.enqueue_indirect_dma source(%dma_start3A_91 : memref<10000x16xf32, #tpu.memory_space<vmem_shared>>) target(%dma_start3A_85 : memref<80x16xf32, #tpu.memory_space<vmem>>) offsets(%dma_start3A_88 : memref<80xi32, #tpu.memory_space<vmem>>) semaphore(%dma_start3A_93 : memref<!tpu.dma_semaphore, #tpu.memory_space<semaphore_mem>>)
    %scan3A_94 = arith.constant 0 : i32
    %scan3A_95 = arith.constant 12 : i32
    %scan3A_96 = arith.addi %scan3A_94, %scan3A_95 : i32
    %scan3A_97 = arith.constant 1 : i32
    scf.for %scan3A_414 = %scan3A_94 to %scan3A_96 step %scan3A_97  : i32 {
      %mul3A_415 = arith.constant 10 : i32
      %mul3A_416 = arith.muli %scan3A_414, %mul3A_415 : i32
      %add3A_417 = arith.constant 0 : i32
      %add3A_418 = arith.addi %mul3A_416, %add3A_417 : i32
      %add3A_419 = arith.addi %mul3A_15, %add3A_418 : i32
      %dma_wait3A_420 = arith.constant 0 : i32
      %dma_wait3A_421 = arith.constant 0 : i32
      %dma_wait3A_422 = arith.constant 0 : i32
      %dma_wait3A_423 = arith.constant 0 : i32
      %dma_wait3A_424 = tpu.memref_slice %arg15[%dma_wait3A_420, %dma_wait3A_422, %dma_wait3A_423] : memref<10x80x16xf32, #tpu.memory_space<vmem>> -> memref<1x80x16xf32, #tpu.memory_space<vmem>>
      %dma_wait3A_425 = tpu.memref_squeeze %dma_wait3A_424 : memref<1x80x16xf32, #tpu.memory_space<vmem>> -> memref<80x16xf32, #tpu.memory_space<vmem>>
      %dma_wait3A_426 = arith.constant 0 : i32
      %dma_wait3A_427 = tpu.memref_slice %arg8[%add3A_419, %dma_wait3A_426] : memref<250x80xi32, #tpu.memory_space<vmem>> -> memref<1x80xi32, #tpu.memory_space<vmem>>
      %dma_wait3A_428 = tpu.memref_squeeze %dma_wait3A_427 : memref<1x80xi32, #tpu.memory_space<vmem>> -> memref<80xi32, #tpu.memory_space<vmem>>
      %dma_wait3A_429 = arith.constant 0 : i32
      %dma_wait3A_430 = arith.constant 0 : i32
      %dma_wait3A_431 = tpu.memref_slice %arg17[%dma_wait3A_429, %dma_wait3A_430] : memref<10000x16xf32, #tpu.memory_space<vmem_shared>> -> memref<10000x16xf32, #tpu.memory_space<vmem_shared>>
      %dma_wait3A_432 = tpu.memref_slice %arg18[%dma_wait3A_421] : memref<10x!tpu.dma_semaphore, #tpu.memory_space<semaphore_mem>> -> memref<1x!tpu.dma_semaphore, #tpu.memory_space<semaphore_mem>>
      %dma_wait3A_433 = tpu.memref_squeeze %dma_wait3A_432 : memref<1x!tpu.dma_semaphore, #tpu.memory_space<semaphore_mem>> -> memref<!tpu.dma_semaphore, #tpu.memory_space<semaphore_mem>>
      tpu.wait_indirect_dma semaphore(%dma_wait3A_433 : memref<!tpu.dma_semaphore, #tpu.memory_space<semaphore_mem>>) src(%dma_wait3A_431 : memref<10000x16xf32, #tpu.memory_space<vmem_shared>>) dst(%dma_wait3A_425 : memref<80x16xf32, #tpu.memory_space<vmem>>)
      %dma_start3A_434 = arith.constant 0 : i32
      %dma_start3A_435 = arith.constant 0 : i32
      %dma_start3A_436 = arith.constant 0 : i32
      %dma_start3A_437 = arith.constant 0 : i32
      %dma_start3A_438 = tpu.memref_slice %arg15[%dma_start3A_434, %dma_start3A_436, %dma_start3A_437] : memref<10x80x16xf32, #tpu.memory_space<vmem>> -> memref<1x80x16xf32, #tpu.memory_space<vmem>>
      %dma_start3A_439 = tpu.memref_squeeze %dma_start3A_438 : memref<1x80x16xf32, #tpu.memory_space<vmem>> -> memref<80x16xf32, #tpu.memory_space<vmem>>
      %dma_start3A_440 = arith.constant 0 : i32
      %dma_start3A_441 = tpu.memref_slice %arg9[%add3A_419, %dma_start3A_440] : memref<250x80xi32, #tpu.memory_space<vmem>> -> memref<1x80xi32, #tpu.memory_space<vmem>>
      %dma_start3A_442 = tpu.memref_squeeze %dma_start3A_441 : memref<1x80xi32, #tpu.memory_space<vmem>> -> memref<80xi32, #tpu.memory_space<vmem>>
      %dma_start3A_443 = arith.constant 0 : i32
      %dma_start3A_444 = arith.constant 0 : i32
      %dma_start3A_445 = tpu.memref_slice %arg16[%dma_start3A_443, %dma_start3A_444] : memref<10000x16xf32, #tpu.memory_space<vmem_shared>> -> memref<10000x16xf32, #tpu.memory_space<vmem_shared>>
      %dma_start3A_446 = tpu.memref_slice %arg19[%dma_start3A_435] : memref<10x!tpu.dma_semaphore, #tpu.memory_space<semaphore_mem>> -> memref<1x!tpu.dma_semaphore, #tpu.memory_space<semaphore_mem>>
      %dma_start3A_447 = tpu.memref_squeeze %dma_start3A_446 : memref<1x!tpu.dma_semaphore, #tpu.memory_space<semaphore_mem>> -> memref<!tpu.dma_semaphore, #tpu.memory_space<semaphore_mem>>
      tpu.enqueue_indirect_dma source(%dma_start3A_439 : memref<80x16xf32, #tpu.memory_space<vmem>>) target(%dma_start3A_445 : memref<10000x16xf32, #tpu.memory_space<vmem_shared>>) offsets(%dma_start3A_442 : memref<80xi32, #tpu.memory_space<vmem>>) semaphore(%dma_start3A_447 : memref<!tpu.dma_semaphore, #tpu.memory_space<semaphore_mem>>) {add = true}
      %add3A_448 = arith.constant 5 : i32
      %add3A_449 = arith.addi %add3A_418, %add3A_448 : i32
      %lt3A = arith.constant 125 : i32
      %lt3A_450 = arith.cmpi slt, %add3A_449, %lt3A : i32
      %convert_element_type3A_451 = arith.extui %lt3A_450 : i1 to i32
      %cond3A_452 = arith.constant 0 : i32
      %cond3A_453 = arith.cmpi ne, %convert_element_type3A_451, %cond3A_452 : i32
      scf.if %cond3A_453 {
        %ge3A = arith.constant 5 : i32
        %ge3A_814 = arith.cmpi sge, %add3A_418, %ge3A : i32
        %convert_element_type3A_815 = arith.extui %ge3A_814 : i1 to i32
        %cond3A_816 = arith.constant 0 : i32
        %cond3A_817 = arith.cmpi ne, %convert_element_type3A_815, %cond3A_816 : i32
        scf.if %cond3A_817 {
          %sub3A = arith.constant 5 : i32
          %sub3A_834 = arith.subi %add3A_419, %sub3A : i32
          %dma_wait3A_835 = arith.constant 5 : i32
          %dma_wait3A_836 = arith.constant 5 : i32
          %dma_wait3A_837 = arith.constant 0 : i32
          %dma_wait3A_838 = arith.constant 0 : i32
          %dma_wait3A_839 = tpu.memref_slice %arg15[%dma_wait3A_835, %dma_wait3A_837, %dma_wait3A_838] : memref<10x80x16xf32, #tpu.memory_space<vmem>> -> memref<1x80x16xf32, #tpu.memory_space<vmem>>
          %dma_wait3A_840 = tpu.memref_squeeze %dma_wait3A_839 : memref<1x80x16xf32, #tpu.memory_space<vmem>> -> memref<80x16xf32, #tpu.memory_space<vmem>>
          %dma_wait3A_841 = arith.constant 0 : i32
          %dma_wait3A_842 = tpu.memref_slice %arg9[%sub3A_834, %dma_wait3A_841] : memref<250x80xi32, #tpu.memory_space<vmem>> -> memref<1x80xi32, #tpu.memory_space<vmem>>
          %dma_wait3A_843 = tpu.memref_squeeze %dma_wait3A_842 : memref<1x80xi32, #tpu.memory_space<vmem>> -> memref<80xi32, #tpu.memory_space<vmem>>
          %dma_wait3A_844 = arith.constant 0 : i32
          %dma_wait3A_845 = arith.constant 0 : i32
          %dma_wait3A_846 = tpu.memref_slice %arg16[%dma_wait3A_844, %dma_wait3A_845] : memref<10000x16xf32, #tpu.memory_space<vmem_shared>> -> memref<10000x16xf32, #tpu.memory_space<vmem_shared>>
          %dma_wait3A_847 = tpu.memref_slice %arg19[%dma_wait3A_836] : memref<10x!tpu.dma_semaphore, #tpu.memory_space<semaphore_mem>> -> memref<1x!tpu.dma_semaphore, #tpu.memory_space<semaphore_mem>>
          %dma_wait3A_848 = tpu.memref_squeeze %dma_wait3A_847 : memref<1x!tpu.dma_semaphore, #tpu.memory_space<semaphore_mem>> -> memref<!tpu.dma_semaphore, #tpu.memory_space<semaphore_mem>>
          tpu.wait_indirect_dma semaphore(%dma_wait3A_848 : memref<!tpu.dma_semaphore, #tpu.memory_space<semaphore_mem>>) src(%dma_wait3A_840 : memref<80x16xf32, #tpu.memory_space<vmem>>) dst(%dma_wait3A_846 : memref<10000x16xf32, #tpu.memory_space<vmem_shared>>)
        } else {
        }
        %add3A_818 = arith.constant 5 : i32
        %add3A_819 = arith.addi %add3A_419, %add3A_818 : i32
        %dma_start3A_820 = arith.constant 5 : i32
        %dma_start3A_821 = arith.constant 5 : i32
        %dma_start3A_822 = arith.constant 0 : i32
        %dma_start3A_823 = arith.constant 0 : i32
        %dma_start3A_824 = tpu.memref_slice %arg15[%dma_start3A_820, %dma_start3A_822, %dma_start3A_823] : memref<10x80x16xf32, #tpu.memory_space<vmem>> -> memref<1x80x16xf32, #tpu.memory_space<vmem>>
        %dma_start3A_825 = tpu.memref_squeeze %dma_start3A_824 : memref<1x80x16xf32, #tpu.memory_space<vmem>> -> memref<80x16xf32, #tpu.memory_space<vmem>>
        %dma_start3A_826 = arith.constant 0 : i32
        %dma_start3A_827 = tpu.memref_slice %arg8[%add3A_819, %dma_start3A_826] : memref<250x80xi32, #tpu.memory_space<vmem>> -> memref<1x80xi32, #tpu.memory_space<vmem>>
        %dma_start3A_828 = tpu.memref_squeeze %dma_start3A_827 : memref<1x80xi32, #tpu.memory_space<vmem>> -> memref<80xi32, #tpu.memory_space<vmem>>
        %dma_start3A_829 = arith.constant 0 : i32
        %dma_start3A_830 = arith.constant 0 : i32
        %dma_start3A_831 = tpu.memref_slice %arg17[%dma_start3A_829, %dma_start3A_830] : memref<10000x16xf32, #tpu.memory_space<vmem_shared>> -> memref<10000x16xf32, #tpu.memory_space<vmem_shared>>
        %dma_start3A_832 = tpu.memref_slice %arg18[%dma_start3A_821] : memref<10x!tpu.dma_semaphore, #tpu.memory_space<semaphore_mem>> -> memref<1x!tpu.dma_semaphore, #tpu.memory_space<semaphore_mem>>
        %dma_start3A_833 = tpu.memref_squeeze %dma_start3A_832 : memref<1x!tpu.dma_semaphore, #tpu.memory_space<semaphore_mem>> -> memref<!tpu.dma_semaphore, #tpu.memory_space<semaphore_mem>>
        tpu.enqueue_indirect_dma source(%dma_start3A_831 : memref<10000x16xf32, #tpu.memory_space<vmem_shared>>) target(%dma_start3A_825 : memref<80x16xf32, #tpu.memory_space<vmem>>) offsets(%dma_start3A_828 : memref<80xi32, #tpu.memory_space<vmem>>) semaphore(%dma_start3A_833 : memref<!tpu.dma_semaphore, #tpu.memory_space<semaphore_mem>>)
      } else {
      }
      %mul3A_454 = arith.constant 10 : i32
      %mul3A_455 = arith.muli %scan3A_414, %mul3A_454 : i32
      %add3A_456 = arith.constant 1 : i32
      %add3A_457 = arith.addi %mul3A_455, %add3A_456 : i32
      %add3A_458 = arith.addi %mul3A_15, %add3A_457 : i32
      %dma_wait3A_459 = arith.constant 1 : i32
      %dma_wait3A_460 = arith.constant 1 : i32
      %dma_wait3A_461 = arith.constant 0 : i32
      %dma_wait3A_462 = arith.constant 0 : i32
      %dma_wait3A_463 = tpu.memref_slice %arg15[%dma_wait3A_459, %dma_wait3A_461, %dma_wait3A_462] : memref<10x80x16xf32, #tpu.memory_space<vmem>> -> memref<1x80x16xf32, #tpu.memory_space<vmem>>
      %dma_wait3A_464 = tpu.memref_squeeze %dma_wait3A_463 : memref<1x80x16xf32, #tpu.memory_space<vmem>> -> memref<80x16xf32, #tpu.memory_space<vmem>>
      %dma_wait3A_465 = arith.constant 0 : i32
      %dma_wait3A_466 = tpu.memref_slice %arg8[%add3A_458, %dma_wait3A_465] : memref<250x80xi32, #tpu.memory_space<vmem>> -> memref<1x80xi32, #tpu.memory_space<vmem>>
      %dma_wait3A_467 = tpu.memref_squeeze %dma_wait3A_466 : memref<1x80xi32, #tpu.memory_space<vmem>> -> memref<80xi32, #tpu.memory_space<vmem>>
      %dma_wait3A_468 = arith.constant 0 : i32
      %dma_wait3A_469 = arith.constant 0 : i32
      %dma_wait3A_470 = tpu.memref_slice %arg17[%dma_wait3A_468, %dma_wait3A_469] : memref<10000x16xf32, #tpu.memory_space<vmem_shared>> -> memref<10000x16xf32, #tpu.memory_space<vmem_shared>>
      %dma_wait3A_471 = tpu.memref_slice %arg18[%dma_wait3A_460] : memref<10x!tpu.dma_semaphore, #tpu.memory_space<semaphore_mem>> -> memref<1x!tpu.dma_semaphore, #tpu.memory_space<semaphore_mem>>
      %dma_wait3A_472 = tpu.memref_squeeze %dma_wait3A_471 : memref<1x!tpu.dma_semaphore, #tpu.memory_space<semaphore_mem>> -> memref<!tpu.dma_semaphore, #tpu.memory_space<semaphore_mem>>
      tpu.wait_indirect_dma semaphore(%dma_wait3A_472 : memref<!tpu.dma_semaphore, #tpu.memory_space<semaphore_mem>>) src(%dma_wait3A_470 : memref<10000x16xf32, #tpu.memory_space<vmem_shared>>) dst(%dma_wait3A_464 : memref<80x16xf32, #tpu.memory_space<vmem>>)
      %dma_start3A_473 = arith.constant 1 : i32
      %dma_start3A_474 = arith.constant 1 : i32
      %dma_start3A_475 = arith.constant 0 : i32
      %dma_start3A_476 = arith.constant 0 : i32
      %dma_start3A_477 = tpu.memref_slice %arg15[%dma_start3A_473, %dma_start3A_475, %dma_start3A_476] : memref<10x80x16xf32, #tpu.memory_space<vmem>> -> memref<1x80x16xf32, #tpu.memory_space<vmem>>
      %dma_start3A_478 = tpu.memref_squeeze %dma_start3A_477 : memref<1x80x16xf32, #tpu.memory_space<vmem>> -> memref<80x16xf32, #tpu.memory_space<vmem>>
      %dma_start3A_479 = arith.constant 0 : i32
      %dma_start3A_480 = tpu.memref_slice %arg9[%add3A_458, %dma_start3A_479] : memref<250x80xi32, #tpu.memory_space<vmem>> -> memref<1x80xi32, #tpu.memory_space<vmem>>
      %dma_start3A_481 = tpu.memref_squeeze %dma_start3A_480 : memref<1x80xi32, #tpu.memory_space<vmem>> -> memref<80xi32, #tpu.memory_space<vmem>>
      %dma_start3A_482 = arith.constant 0 : i32
      %dma_start3A_483 = arith.constant 0 : i32
      %dma_start3A_484 = tpu.memref_slice %arg16[%dma_start3A_482, %dma_start3A_483] : memref<10000x16xf32, #tpu.memory_space<vmem_shared>> -> memref<10000x16xf32, #tpu.memory_space<vmem_shared>>
      %dma_start3A_485 = tpu.memref_slice %arg19[%dma_start3A_474] : memref<10x!tpu.dma_semaphore, #tpu.memory_space<semaphore_mem>> -> memref<1x!tpu.dma_semaphore, #tpu.memory_space<semaphore_mem>>
      %dma_start3A_486 = tpu.memref_squeeze %dma_start3A_485 : memref<1x!tpu.dma_semaphore, #tpu.memory_space<semaphore_mem>> -> memref<!tpu.dma_semaphore, #tpu.memory_space<semaphore_mem>>
      tpu.enqueue_indirect_dma source(%dma_start3A_478 : memref<80x16xf32, #tpu.memory_space<vmem>>) target(%dma_start3A_484 : memref<10000x16xf32, #tpu.memory_space<vmem_shared>>) offsets(%dma_start3A_481 : memref<80xi32, #tpu.memory_space<vmem>>) semaphore(%dma_start3A_486 : memref<!tpu.dma_semaphore, #tpu.memory_space<semaphore_mem>>) {add = true}
      %add3A_487 = arith.constant 5 : i32
      %add3A_488 = arith.addi %add3A_457, %add3A_487 : i32
      %lt3A_489 = arith.constant 125 : i32
      %lt3A_490 = arith.cmpi slt, %add3A_488, %lt3A_489 : i32
      %convert_element_type3A_491 = arith.extui %lt3A_490 : i1 to i32
      %cond3A_492 = arith.constant 0 : i32
      %cond3A_493 = arith.cmpi ne, %convert_element_type3A_491, %cond3A_492 : i32
      scf.if %cond3A_493 {
        %ge3A = arith.constant 5 : i32
        %ge3A_814 = arith.cmpi sge, %add3A_457, %ge3A : i32
        %convert_element_type3A_815 = arith.extui %ge3A_814 : i1 to i32
        %cond3A_816 = arith.constant 0 : i32
        %cond3A_817 = arith.cmpi ne, %convert_element_type3A_815, %cond3A_816 : i32
        scf.if %cond3A_817 {
          %sub3A = arith.constant 5 : i32
          %sub3A_834 = arith.subi %add3A_458, %sub3A : i32
          %dma_wait3A_835 = arith.constant 6 : i32
          %dma_wait3A_836 = arith.constant 6 : i32
          %dma_wait3A_837 = arith.constant 0 : i32
          %dma_wait3A_838 = arith.constant 0 : i32
          %dma_wait3A_839 = tpu.memref_slice %arg15[%dma_wait3A_835, %dma_wait3A_837, %dma_wait3A_838] : memref<10x80x16xf32, #tpu.memory_space<vmem>> -> memref<1x80x16xf32, #tpu.memory_space<vmem>>
          %dma_wait3A_840 = tpu.memref_squeeze %dma_wait3A_839 : memref<1x80x16xf32, #tpu.memory_space<vmem>> -> memref<80x16xf32, #tpu.memory_space<vmem>>
          %dma_wait3A_841 = arith.constant 0 : i32
          %dma_wait3A_842 = tpu.memref_slice %arg9[%sub3A_834, %dma_wait3A_841] : memref<250x80xi32, #tpu.memory_space<vmem>> -> memref<1x80xi32, #tpu.memory_space<vmem>>
          %dma_wait3A_843 = tpu.memref_squeeze %dma_wait3A_842 : memref<1x80xi32, #tpu.memory_space<vmem>> -> memref<80xi32, #tpu.memory_space<vmem>>
          %dma_wait3A_844 = arith.constant 0 : i32
          %dma_wait3A_845 = arith.constant 0 : i32
          %dma_wait3A_846 = tpu.memref_slice %arg16[%dma_wait3A_844, %dma_wait3A_845] : memref<10000x16xf32, #tpu.memory_space<vmem_shared>> -> memref<10000x16xf32, #tpu.memory_space<vmem_shared>>
          %dma_wait3A_847 = tpu.memref_slice %arg19[%dma_wait3A_836] : memref<10x!tpu.dma_semaphore, #tpu.memory_space<semaphore_mem>> -> memref<1x!tpu.dma_semaphore, #tpu.memory_space<semaphore_mem>>
          %dma_wait3A_848 = tpu.memref_squeeze %dma_wait3A_847 : memref<1x!tpu.dma_semaphore, #tpu.memory_space<semaphore_mem>> -> memref<!tpu.dma_semaphore, #tpu.memory_space<semaphore_mem>>
          tpu.wait_indirect_dma semaphore(%dma_wait3A_848 : memref<!tpu.dma_semaphore, #tpu.memory_space<semaphore_mem>>) src(%dma_wait3A_840 : memref<80x16xf32, #tpu.memory_space<vmem>>) dst(%dma_wait3A_846 : memref<10000x16xf32, #tpu.memory_space<vmem_shared>>)
        } else {
        }
        %add3A_818 = arith.constant 5 : i32
        %add3A_819 = arith.addi %add3A_458, %add3A_818 : i32
        %dma_start3A_820 = arith.constant 6 : i32
        %dma_start3A_821 = arith.constant 6 : i32
        %dma_start3A_822 = arith.constant 0 : i32
        %dma_start3A_823 = arith.constant 0 : i32
        %dma_start3A_824 = tpu.memref_slice %arg15[%dma_start3A_820, %dma_start3A_822, %dma_start3A_823] : memref<10x80x16xf32, #tpu.memory_space<vmem>> -> memref<1x80x16xf32, #tpu.memory_space<vmem>>
        %dma_start3A_825 = tpu.memref_squeeze %dma_start3A_824 : memref<1x80x16xf32, #tpu.memory_space<vmem>> -> memref<80x16xf32, #tpu.memory_space<vmem>>
        %dma_start3A_826 = arith.constant 0 : i32
        %dma_start3A_827 = tpu.memref_slice %arg8[%add3A_819, %dma_start3A_826] : memref<250x80xi32, #tpu.memory_space<vmem>> -> memref<1x80xi32, #tpu.memory_space<vmem>>
        %dma_start3A_828 = tpu.memref_squeeze %dma_start3A_827 : memref<1x80xi32, #tpu.memory_space<vmem>> -> memref<80xi32, #tpu.memory_space<vmem>>
        %dma_start3A_829 = arith.constant 0 : i32
        %dma_start3A_830 = arith.constant 0 : i32
        %dma_start3A_831 = tpu.memref_slice %arg17[%dma_start3A_829, %dma_start3A_830] : memref<10000x16xf32, #tpu.memory_space<vmem_shared>> -> memref<10000x16xf32, #tpu.memory_space<vmem_shared>>
        %dma_start3A_832 = tpu.memref_slice %arg18[%dma_start3A_821] : memref<10x!tpu.dma_semaphore, #tpu.memory_space<semaphore_mem>> -> memref<1x!tpu.dma_semaphore, #tpu.memory_space<semaphore_mem>>
        %dma_start3A_833 = tpu.memref_squeeze %dma_start3A_832 : memref<1x!tpu.dma_semaphore, #tpu.memory_space<semaphore_mem>> -> memref<!tpu.dma_semaphore, #tpu.memory_space<semaphore_mem>>
        tpu.enqueue_indirect_dma source(%dma_start3A_831 : memref<10000x16xf32, #tpu.memory_space<vmem_shared>>) target(%dma_start3A_825 : memref<80x16xf32, #tpu.memory_space<vmem>>) offsets(%dma_start3A_828 : memref<80xi32, #tpu.memory_space<vmem>>) semaphore(%dma_start3A_833 : memref<!tpu.dma_semaphore, #tpu.memory_space<semaphore_mem>>)
      } else {
      }
      %mul3A_494 = arith.constant 10 : i32
      %mul3A_495 = arith.muli %scan3A_414, %mul3A_494 : i32
      %add3A_496 = arith.constant 2 : i32
      %add3A_497 = arith.addi %mul3A_495, %add3A_496 : i32
      %add3A_498 = arith.addi %mul3A_15, %add3A_497 : i32
      %dma_wait3A_499 = arith.constant 2 : i32
      %dma_wait3A_500 = arith.constant 2 : i32
      %dma_wait3A_501 = arith.constant 0 : i32
      %dma_wait3A_502 = arith.constant 0 : i32
      %dma_wait3A_503 = tpu.memref_slice %arg15[%dma_wait3A_499, %dma_wait3A_501, %dma_wait3A_502] : memref<10x80x16xf32, #tpu.memory_space<vmem>> -> memref<1x80x16xf32, #tpu.memory_space<vmem>>
      %dma_wait3A_504 = tpu.memref_squeeze %dma_wait3A_503 : memref<1x80x16xf32, #tpu.memory_space<vmem>> -> memref<80x16xf32, #tpu.memory_space<vmem>>
      %dma_wait3A_505 = arith.constant 0 : i32
      %dma_wait3A_506 = tpu.memref_slice %arg8[%add3A_498, %dma_wait3A_505] : memref<250x80xi32, #tpu.memory_space<vmem>> -> memref<1x80xi32, #tpu.memory_space<vmem>>
      %dma_wait3A_507 = tpu.memref_squeeze %dma_wait3A_506 : memref<1x80xi32, #tpu.memory_space<vmem>> -> memref<80xi32, #tpu.memory_space<vmem>>
      %dma_wait3A_508 = arith.constant 0 : i32
      %dma_wait3A_509 = arith.constant 0 : i32
      %dma_wait3A_510 = tpu.memref_slice %arg17[%dma_wait3A_508, %dma_wait3A_509] : memref<10000x16xf32, #tpu.memory_space<vmem_shared>> -> memref<10000x16xf32, #tpu.memory_space<vmem_shared>>
      %dma_wait3A_511 = tpu.memref_slice %arg18[%dma_wait3A_500] : memref<10x!tpu.dma_semaphore, #tpu.memory_space<semaphore_mem>> -> memref<1x!tpu.dma_semaphore, #tpu.memory_space<semaphore_mem>>
      %dma_wait3A_512 = tpu.memref_squeeze %dma_wait3A_511 : memref<1x!tpu.dma_semaphore, #tpu.memory_space<semaphore_mem>> -> memref<!tpu.dma_semaphore, #tpu.memory_space<semaphore_mem>>
      tpu.wait_indirect_dma semaphore(%dma_wait3A_512 : memref<!tpu.dma_semaphore, #tpu.memory_space<semaphore_mem>>) src(%dma_wait3A_510 : memref<10000x16xf32, #tpu.memory_space<vmem_shared>>) dst(%dma_wait3A_504 : memref<80x16xf32, #tpu.memory_space<vmem>>)
      %dma_start3A_513 = arith.constant 2 : i32
      %dma_start3A_514 = arith.constant 2 : i32
      %dma_start3A_515 = arith.constant 0 : i32
      %dma_start3A_516 = arith.constant 0 : i32
      %dma_start3A_517 = tpu.memref_slice %arg15[%dma_start3A_513, %dma_start3A_515, %dma_start3A_516] : memref<10x80x16xf32, #tpu.memory_space<vmem>> -> memref<1x80x16xf32, #tpu.memory_space<vmem>>
      %dma_start3A_518 = tpu.memref_squeeze %dma_start3A_517 : memref<1x80x16xf32, #tpu.memory_space<vmem>> -> memref<80x16xf32, #tpu.memory_space<vmem>>
      %dma_start3A_519 = arith.constant 0 : i32
      %dma_start3A_520 = tpu.memref_slice %arg9[%add3A_498, %dma_start3A_519] : memref<250x80xi32, #tpu.memory_space<vmem>> -> memref<1x80xi32, #tpu.memory_space<vmem>>
      %dma_start3A_521 = tpu.memref_squeeze %dma_start3A_520 : memref<1x80xi32, #tpu.memory_space<vmem>> -> memref<80xi32, #tpu.memory_space<vmem>>
      %dma_start3A_522 = arith.constant 0 : i32
      %dma_start3A_523 = arith.constant 0 : i32
      %dma_start3A_524 = tpu.memref_slice %arg16[%dma_start3A_522, %dma_start3A_523] : memref<10000x16xf32, #tpu.memory_space<vmem_shared>> -> memref<10000x16xf32, #tpu.memory_space<vmem_shared>>
      %dma_start3A_525 = tpu.memref_slice %arg19[%dma_start3A_514] : memref<10x!tpu.dma_semaphore, #tpu.memory_space<semaphore_mem>> -> memref<1x!tpu.dma_semaphore, #tpu.memory_space<semaphore_mem>>
      %dma_start3A_526 = tpu.memref_squeeze %dma_start3A_525 : memref<1x!tpu.dma_semaphore, #tpu.memory_space<semaphore_mem>> -> memref<!tpu.dma_semaphore, #tpu.memory_space<semaphore_mem>>
      tpu.enqueue_indirect_dma source(%dma_start3A_518 : memref<80x16xf32, #tpu.memory_space<vmem>>) target(%dma_start3A_524 : memref<10000x16xf32, #tpu.memory_space<vmem_shared>>) offsets(%dma_start3A_521 : memref<80xi32, #tpu.memory_space<vmem>>) semaphore(%dma_start3A_526 : memref<!tpu.dma_semaphore, #tpu.memory_space<semaphore_mem>>) {add = true}
      %add3A_527 = arith.constant 5 : i32
      %add3A_528 = arith.addi %add3A_497, %add3A_527 : i32
      %lt3A_529 = arith.constant 125 : i32
      %lt3A_530 = arith.cmpi slt, %add3A_528, %lt3A_529 : i32
      %convert_element_type3A_531 = arith.extui %lt3A_530 : i1 to i32
      %cond3A_532 = arith.constant 0 : i32
      %cond3A_533 = arith.cmpi ne, %convert_element_type3A_531, %cond3A_532 : i32
      scf.if %cond3A_533 {
        %ge3A = arith.constant 5 : i32
        %ge3A_814 = arith.cmpi sge, %add3A_497, %ge3A : i32
        %convert_element_type3A_815 = arith.extui %ge3A_814 : i1 to i32
        %cond3A_816 = arith.constant 0 : i32
        %cond3A_817 = arith.cmpi ne, %convert_element_type3A_815, %cond3A_816 : i32
        scf.if %cond3A_817 {
          %sub3A = arith.constant 5 : i32
          %sub3A_834 = arith.subi %add3A_498, %sub3A : i32
          %dma_wait3A_835 = arith.constant 7 : i32
          %dma_wait3A_836 = arith.constant 7 : i32
          %dma_wait3A_837 = arith.constant 0 : i32
          %dma_wait3A_838 = arith.constant 0 : i32
          %dma_wait3A_839 = tpu.memref_slice %arg15[%dma_wait3A_835, %dma_wait3A_837, %dma_wait3A_838] : memref<10x80x16xf32, #tpu.memory_space<vmem>> -> memref<1x80x16xf32, #tpu.memory_space<vmem>>
          %dma_wait3A_840 = tpu.memref_squeeze %dma_wait3A_839 : memref<1x80x16xf32, #tpu.memory_space<vmem>> -> memref<80x16xf32, #tpu.memory_space<vmem>>
          %dma_wait3A_841 = arith.constant 0 : i32
          %dma_wait3A_842 = tpu.memref_slice %arg9[%sub3A_834, %dma_wait3A_841] : memref<250x80xi32, #tpu.memory_space<vmem>> -> memref<1x80xi32, #tpu.memory_space<vmem>>
          %dma_wait3A_843 = tpu.memref_squeeze %dma_wait3A_842 : memref<1x80xi32, #tpu.memory_space<vmem>> -> memref<80xi32, #tpu.memory_space<vmem>>
          %dma_wait3A_844 = arith.constant 0 : i32
          %dma_wait3A_845 = arith.constant 0 : i32
          %dma_wait3A_846 = tpu.memref_slice %arg16[%dma_wait3A_844, %dma_wait3A_845] : memref<10000x16xf32, #tpu.memory_space<vmem_shared>> -> memref<10000x16xf32, #tpu.memory_space<vmem_shared>>
          %dma_wait3A_847 = tpu.memref_slice %arg19[%dma_wait3A_836] : memref<10x!tpu.dma_semaphore, #tpu.memory_space<semaphore_mem>> -> memref<1x!tpu.dma_semaphore, #tpu.memory_space<semaphore_mem>>
          %dma_wait3A_848 = tpu.memref_squeeze %dma_wait3A_847 : memref<1x!tpu.dma_semaphore, #tpu.memory_space<semaphore_mem>> -> memref<!tpu.dma_semaphore, #tpu.memory_space<semaphore_mem>>
          tpu.wait_indirect_dma semaphore(%dma_wait3A_848 : memref<!tpu.dma_semaphore, #tpu.memory_space<semaphore_mem>>) src(%dma_wait3A_840 : memref<80x16xf32, #tpu.memory_space<vmem>>) dst(%dma_wait3A_846 : memref<10000x16xf32, #tpu.memory_space<vmem_shared>>)
        } else {
        }
        %add3A_818 = arith.constant 5 : i32
        %add3A_819 = arith.addi %add3A_498, %add3A_818 : i32
        %dma_start3A_820 = arith.constant 7 : i32
        %dma_start3A_821 = arith.constant 7 : i32
        %dma_start3A_822 = arith.constant 0 : i32
        %dma_start3A_823 = arith.constant 0 : i32
        %dma_start3A_824 = tpu.memref_slice %arg15[%dma_start3A_820, %dma_start3A_822, %dma_start3A_823] : memref<10x80x16xf32, #tpu.memory_space<vmem>> -> memref<1x80x16xf32, #tpu.memory_space<vmem>>
        %dma_start3A_825 = tpu.memref_squeeze %dma_start3A_824 : memref<1x80x16xf32, #tpu.memory_space<vmem>> -> memref<80x16xf32, #tpu.memory_space<vmem>>
        %dma_start3A_826 = arith.constant 0 : i32
        %dma_start3A_827 = tpu.memref_slice %arg8[%add3A_819, %dma_start3A_826] : memref<250x80xi32, #tpu.memory_space<vmem>> -> memref<1x80xi32, #tpu.memory_space<vmem>>
        %dma_start3A_828 = tpu.memref_squeeze %dma_start3A_827 : memref<1x80xi32, #tpu.memory_space<vmem>> -> memref<80xi32, #tpu.memory_space<vmem>>
        %dma_start3A_829 = arith.constant 0 : i32
        %dma_start3A_830 = arith.constant 0 : i32
        %dma_start3A_831 = tpu.memref_slice %arg17[%dma_start3A_829, %dma_start3A_830] : memref<10000x16xf32, #tpu.memory_space<vmem_shared>> -> memref<10000x16xf32, #tpu.memory_space<vmem_shared>>
        %dma_start3A_832 = tpu.memref_slice %arg18[%dma_start3A_821] : memref<10x!tpu.dma_semaphore, #tpu.memory_space<semaphore_mem>> -> memref<1x!tpu.dma_semaphore, #tpu.memory_space<semaphore_mem>>
        %dma_start3A_833 = tpu.memref_squeeze %dma_start3A_832 : memref<1x!tpu.dma_semaphore, #tpu.memory_space<semaphore_mem>> -> memref<!tpu.dma_semaphore, #tpu.memory_space<semaphore_mem>>
        tpu.enqueue_indirect_dma source(%dma_start3A_831 : memref<10000x16xf32, #tpu.memory_space<vmem_shared>>) target(%dma_start3A_825 : memref<80x16xf32, #tpu.memory_space<vmem>>) offsets(%dma_start3A_828 : memref<80xi32, #tpu.memory_space<vmem>>) semaphore(%dma_start3A_833 : memref<!tpu.dma_semaphore, #tpu.memory_space<semaphore_mem>>)
      } else {
      }
      %mul3A_534 = arith.constant 10 : i32
      %mul3A_535 = arith.muli %scan3A_414, %mul3A_534 : i32
      %add3A_536 = arith.constant 3 : i32
      %add3A_537 = arith.addi %mul3A_535, %add3A_536 : i32
      %add3A_538 = arith.addi %mul3A_15, %add3A_537 : i32
      %dma_wait3A_539 = arith.constant 3 : i32
      %dma_wait3A_540 = arith.constant 3 : i32
      %dma_wait3A_541 = arith.constant 0 : i32
      %dma_wait3A_542 = arith.constant 0 : i32
      %dma_wait3A_543 = tpu.memref_slice %arg15[%dma_wait3A_539, %dma_wait3A_541, %dma_wait3A_542] : memref<10x80x16xf32, #tpu.memory_space<vmem>> -> memref<1x80x16xf32, #tpu.memory_space<vmem>>
      %dma_wait3A_544 = tpu.memref_squeeze %dma_wait3A_543 : memref<1x80x16xf32, #tpu.memory_space<vmem>> -> memref<80x16xf32, #tpu.memory_space<vmem>>
      %dma_wait3A_545 = arith.constant 0 : i32
      %dma_wait3A_546 = tpu.memref_slice %arg8[%add3A_538, %dma_wait3A_545] : memref<250x80xi32, #tpu.memory_space<vmem>> -> memref<1x80xi32, #tpu.memory_space<vmem>>
      %dma_wait3A_547 = tpu.memref_squeeze %dma_wait3A_546 : memref<1x80xi32, #tpu.memory_space<vmem>> -> memref<80xi32, #tpu.memory_space<vmem>>
      %dma_wait3A_548 = arith.constant 0 : i32
      %dma_wait3A_549 = arith.constant 0 : i32
      %dma_wait3A_550 = tpu.memref_slice %arg17[%dma_wait3A_548, %dma_wait3A_549] : memref<10000x16xf32, #tpu.memory_space<vmem_shared>> -> memref<10000x16xf32, #tpu.memory_space<vmem_shared>>
      %dma_wait3A_551 = tpu.memref_slice %arg18[%dma_wait3A_540] : memref<10x!tpu.dma_semaphore, #tpu.memory_space<semaphore_mem>> -> memref<1x!tpu.dma_semaphore, #tpu.memory_space<semaphore_mem>>
      %dma_wait3A_552 = tpu.memref_squeeze %dma_wait3A_551 : memref<1x!tpu.dma_semaphore, #tpu.memory_space<semaphore_mem>> -> memref<!tpu.dma_semaphore, #tpu.memory_space<semaphore_mem>>
      tpu.wait_indirect_dma semaphore(%dma_wait3A_552 : memref<!tpu.dma_semaphore, #tpu.memory_space<semaphore_mem>>) src(%dma_wait3A_550 : memref<10000x16xf32, #tpu.memory_space<vmem_shared>>) dst(%dma_wait3A_544 : memref<80x16xf32, #tpu.memory_space<vmem>>)
      %dma_start3A_553 = arith.constant 3 : i32
      %dma_start3A_554 = arith.constant 3 : i32
      %dma_start3A_555 = arith.constant 0 : i32
      %dma_start3A_556 = arith.constant 0 : i32
      %dma_start3A_557 = tpu.memref_slice %arg15[%dma_start3A_553, %dma_start3A_555, %dma_start3A_556] : memref<10x80x16xf32, #tpu.memory_space<vmem>> -> memref<1x80x16xf32, #tpu.memory_space<vmem>>
      %dma_start3A_558 = tpu.memref_squeeze %dma_start3A_557 : memref<1x80x16xf32, #tpu.memory_space<vmem>> -> memref<80x16xf32, #tpu.memory_space<vmem>>
      %dma_start3A_559 = arith.constant 0 : i32
      %dma_start3A_560 = tpu.memref_slice %arg9[%add3A_538, %dma_start3A_559] : memref<250x80xi32, #tpu.memory_space<vmem>> -> memref<1x80xi32, #tpu.memory_space<vmem>>
      %dma_start3A_561 = tpu.memref_squeeze %dma_start3A_560 : memref<1x80xi32, #tpu.memory_space<vmem>> -> memref<80xi32, #tpu.memory_space<vmem>>
      %dma_start3A_562 = arith.constant 0 : i32
      %dma_start3A_563 = arith.constant 0 : i32
      %dma_start3A_564 = tpu.memref_slice %arg16[%dma_start3A_562, %dma_start3A_563] : memref<10000x16xf32, #tpu.memory_space<vmem_shared>> -> memref<10000x16xf32, #tpu.memory_space<vmem_shared>>
      %dma_start3A_565 = tpu.memref_slice %arg19[%dma_start3A_554] : memref<10x!tpu.dma_semaphore, #tpu.memory_space<semaphore_mem>> -> memref<1x!tpu.dma_semaphore, #tpu.memory_space<semaphore_mem>>
      %dma_start3A_566 = tpu.memref_squeeze %dma_start3A_565 : memref<1x!tpu.dma_semaphore, #tpu.memory_space<semaphore_mem>> -> memref<!tpu.dma_semaphore, #tpu.memory_space<semaphore_mem>>
      tpu.enqueue_indirect_dma source(%dma_start3A_558 : memref<80x16xf32, #tpu.memory_space<vmem>>) target(%dma_start3A_564 : memref<10000x16xf32, #tpu.memory_space<vmem_shared>>) offsets(%dma_start3A_561 : memref<80xi32, #tpu.memory_space<vmem>>) semaphore(%dma_start3A_566 : memref<!tpu.dma_semaphore, #tpu.memory_space<semaphore_mem>>) {add = true}
      %add3A_567 = arith.constant 5 : i32
      %add3A_568 = arith.addi %add3A_537, %add3A_567 : i32
      %lt3A_569 = arith.constant 125 : i32
      %lt3A_570 = arith.cmpi slt, %add3A_568, %lt3A_569 : i32
      %convert_element_type3A_571 = arith.extui %lt3A_570 : i1 to i32
      %cond3A_572 = arith.constant 0 : i32
      %cond3A_573 = arith.cmpi ne, %convert_element_type3A_571, %cond3A_572 : i32
      scf.if %cond3A_573 {
        %ge3A = arith.constant 5 : i32
        %ge3A_814 = arith.cmpi sge, %add3A_537, %ge3A : i32
        %convert_element_type3A_815 = arith.extui %ge3A_814 : i1 to i32
        %cond3A_816 = arith.constant 0 : i32
        %cond3A_817 = arith.cmpi ne, %convert_element_type3A_815, %cond3A_816 : i32
        scf.if %cond3A_817 {
          %sub3A = arith.constant 5 : i32
          %sub3A_834 = arith.subi %add3A_538, %sub3A : i32
          %dma_wait3A_835 = arith.constant 8 : i32
          %dma_wait3A_836 = arith.constant 8 : i32
          %dma_wait3A_837 = arith.constant 0 : i32
          %dma_wait3A_838 = arith.constant 0 : i32
          %dma_wait3A_839 = tpu.memref_slice %arg15[%dma_wait3A_835, %dma_wait3A_837, %dma_wait3A_838] : memref<10x80x16xf32, #tpu.memory_space<vmem>> -> memref<1x80x16xf32, #tpu.memory_space<vmem>>
          %dma_wait3A_840 = tpu.memref_squeeze %dma_wait3A_839 : memref<1x80x16xf32, #tpu.memory_space<vmem>> -> memref<80x16xf32, #tpu.memory_space<vmem>>
          %dma_wait3A_841 = arith.constant 0 : i32
          %dma_wait3A_842 = tpu.memref_slice %arg9[%sub3A_834, %dma_wait3A_841] : memref<250x80xi32, #tpu.memory_space<vmem>> -> memref<1x80xi32, #tpu.memory_space<vmem>>
          %dma_wait3A_843 = tpu.memref_squeeze %dma_wait3A_842 : memref<1x80xi32, #tpu.memory_space<vmem>> -> memref<80xi32, #tpu.memory_space<vmem>>
          %dma_wait3A_844 = arith.constant 0 : i32
          %dma_wait3A_845 = arith.constant 0 : i32
          %dma_wait3A_846 = tpu.memref_slice %arg16[%dma_wait3A_844, %dma_wait3A_845] : memref<10000x16xf32, #tpu.memory_space<vmem_shared>> -> memref<10000x16xf32, #tpu.memory_space<vmem_shared>>
          %dma_wait3A_847 = tpu.memref_slice %arg19[%dma_wait3A_836] : memref<10x!tpu.dma_semaphore, #tpu.memory_space<semaphore_mem>> -> memref<1x!tpu.dma_semaphore, #tpu.memory_space<semaphore_mem>>
          %dma_wait3A_848 = tpu.memref_squeeze %dma_wait3A_847 : memref<1x!tpu.dma_semaphore, #tpu.memory_space<semaphore_mem>> -> memref<!tpu.dma_semaphore, #tpu.memory_space<semaphore_mem>>
          tpu.wait_indirect_dma semaphore(%dma_wait3A_848 : memref<!tpu.dma_semaphore, #tpu.memory_space<semaphore_mem>>) src(%dma_wait3A_840 : memref<80x16xf32, #tpu.memory_space<vmem>>) dst(%dma_wait3A_846 : memref<10000x16xf32, #tpu.memory_space<vmem_shared>>)
        } else {
        }
        %add3A_818 = arith.constant 5 : i32
        %add3A_819 = arith.addi %add3A_538, %add3A_818 : i32
        %dma_start3A_820 = arith.constant 8 : i32
        %dma_start3A_821 = arith.constant 8 : i32
        %dma_start3A_822 = arith.constant 0 : i32
        %dma_start3A_823 = arith.constant 0 : i32
        %dma_start3A_824 = tpu.memref_slice %arg15[%dma_start3A_820, %dma_start3A_822, %dma_start3A_823] : memref<10x80x16xf32, #tpu.memory_space<vmem>> -> memref<1x80x16xf32, #tpu.memory_space<vmem>>
        %dma_start3A_825 = tpu.memref_squeeze %dma_start3A_824 : memref<1x80x16xf32, #tpu.memory_space<vmem>> -> memref<80x16xf32, #tpu.memory_space<vmem>>
        %dma_start3A_826 = arith.constant 0 : i32
        %dma_start3A_827 = tpu.memref_slice %arg8[%add3A_819, %dma_start3A_826] : memref<250x80xi32, #tpu.memory_space<vmem>> -> memref<1x80xi32, #tpu.memory_space<vmem>>
        %dma_start3A_828 = tpu.memref_squeeze %dma_start3A_827 : memref<1x80xi32, #tpu.memory_space<vmem>> -> memref<80xi32, #tpu.memory_space<vmem>>
        %dma_start3A_829 = arith.constant 0 : i32
        %dma_start3A_830 = arith.constant 0 : i32
        %dma_start3A_831 = tpu.memref_slice %arg17[%dma_start3A_829, %dma_start3A_830] : memref<10000x16xf32, #tpu.memory_space<vmem_shared>> -> memref<10000x16xf32, #tpu.memory_space<vmem_shared>>
        %dma_start3A_832 = tpu.memref_slice %arg18[%dma_start3A_821] : memref<10x!tpu.dma_semaphore, #tpu.memory_space<semaphore_mem>> -> memref<1x!tpu.dma_semaphore, #tpu.memory_space<semaphore_mem>>
        %dma_start3A_833 = tpu.memref_squeeze %dma_start3A_832 : memref<1x!tpu.dma_semaphore, #tpu.memory_space<semaphore_mem>> -> memref<!tpu.dma_semaphore, #tpu.memory_space<semaphore_mem>>
        tpu.enqueue_indirect_dma source(%dma_start3A_831 : memref<10000x16xf32, #tpu.memory_space<vmem_shared>>) target(%dma_start3A_825 : memref<80x16xf32, #tpu.memory_space<vmem>>) offsets(%dma_start3A_828 : memref<80xi32, #tpu.memory_space<vmem>>) semaphore(%dma_start3A_833 : memref<!tpu.dma_semaphore, #tpu.memory_space<semaphore_mem>>)
      } else {
      }
      %mul3A_574 = arith.constant 10 : i32
      %mul3A_575 = arith.muli %scan3A_414, %mul3A_574 : i32
      %add3A_576 = arith.constant 4 : i32
      %add3A_577 = arith.addi %mul3A_575, %add3A_576 : i32
      %add3A_578 = arith.addi %mul3A_15, %add3A_577 : i32
      %dma_wait3A_579 = arith.constant 4 : i32
      %dma_wait3A_580 = arith.constant 4 : i32
      %dma_wait3A_581 = arith.constant 0 : i32
      %dma_wait3A_582 = arith.constant 0 : i32
      %dma_wait3A_583 = tpu.memref_slice %arg15[%dma_wait3A_579, %dma_wait3A_581, %dma_wait3A_582] : memref<10x80x16xf32, #tpu.memory_space<vmem>> -> memref<1x80x16xf32, #tpu.memory_space<vmem>>
      %dma_wait3A_584 = tpu.memref_squeeze %dma_wait3A_583 : memref<1x80x16xf32, #tpu.memory_space<vmem>> -> memref<80x16xf32, #tpu.memory_space<vmem>>
      %dma_wait3A_585 = arith.constant 0 : i32
      %dma_wait3A_586 = tpu.memref_slice %arg8[%add3A_578, %dma_wait3A_585] : memref<250x80xi32, #tpu.memory_space<vmem>> -> memref<1x80xi32, #tpu.memory_space<vmem>>
      %dma_wait3A_587 = tpu.memref_squeeze %dma_wait3A_586 : memref<1x80xi32, #tpu.memory_space<vmem>> -> memref<80xi32, #tpu.memory_space<vmem>>
      %dma_wait3A_588 = arith.constant 0 : i32
      %dma_wait3A_589 = arith.constant 0 : i32
      %dma_wait3A_590 = tpu.memref_slice %arg17[%dma_wait3A_588, %dma_wait3A_589] : memref<10000x16xf32, #tpu.memory_space<vmem_shared>> -> memref<10000x16xf32, #tpu.memory_space<vmem_shared>>
      %dma_wait3A_591 = tpu.memref_slice %arg18[%dma_wait3A_580] : memref<10x!tpu.dma_semaphore, #tpu.memory_space<semaphore_mem>> -> memref<1x!tpu.dma_semaphore, #tpu.memory_space<semaphore_mem>>
      %dma_wait3A_592 = tpu.memref_squeeze %dma_wait3A_591 : memref<1x!tpu.dma_semaphore, #tpu.memory_space<semaphore_mem>> -> memref<!tpu.dma_semaphore, #tpu.memory_space<semaphore_mem>>
      tpu.wait_indirect_dma semaphore(%dma_wait3A_592 : memref<!tpu.dma_semaphore, #tpu.memory_space<semaphore_mem>>) src(%dma_wait3A_590 : memref<10000x16xf32, #tpu.memory_space<vmem_shared>>) dst(%dma_wait3A_584 : memref<80x16xf32, #tpu.memory_space<vmem>>)
      %dma_start3A_593 = arith.constant 4 : i32
      %dma_start3A_594 = arith.constant 4 : i32
      %dma_start3A_595 = arith.constant 0 : i32
      %dma_start3A_596 = arith.constant 0 : i32
      %dma_start3A_597 = tpu.memref_slice %arg15[%dma_start3A_593, %dma_start3A_595, %dma_start3A_596] : memref<10x80x16xf32, #tpu.memory_space<vmem>> -> memref<1x80x16xf32, #tpu.memory_space<vmem>>
      %dma_start3A_598 = tpu.memref_squeeze %dma_start3A_597 : memref<1x80x16xf32, #tpu.memory_space<vmem>> -> memref<80x16xf32, #tpu.memory_space<vmem>>
      %dma_start3A_599 = arith.constant 0 : i32
      %dma_start3A_600 = tpu.memref_slice %arg9[%add3A_578, %dma_start3A_599] : memref<250x80xi32, #tpu.memory_space<vmem>> -> memref<1x80xi32, #tpu.memory_space<vmem>>
      %dma_start3A_601 = tpu.memref_squeeze %dma_start3A_600 : memref<1x80xi32, #tpu.memory_space<vmem>> -> memref<80xi32, #tpu.memory_space<vmem>>
      %dma_start3A_602 = arith.constant 0 : i32
      %dma_start3A_603 = arith.constant 0 : i32
      %dma_start3A_604 = tpu.memref_slice %arg16[%dma_start3A_602, %dma_start3A_603] : memref<10000x16xf32, #tpu.memory_space<vmem_shared>> -> memref<10000x16xf32, #tpu.memory_space<vmem_shared>>
      %dma_start3A_605 = tpu.memref_slice %arg19[%dma_start3A_594] : memref<10x!tpu.dma_semaphore, #tpu.memory_space<semaphore_mem>> -> memref<1x!tpu.dma_semaphore, #tpu.memory_space<semaphore_mem>>
      %dma_start3A_606 = tpu.memref_squeeze %dma_start3A_605 : memref<1x!tpu.dma_semaphore, #tpu.memory_space<semaphore_mem>> -> memref<!tpu.dma_semaphore, #tpu.memory_space<semaphore_mem>>
      tpu.enqueue_indirect_dma source(%dma_start3A_598 : memref<80x16xf32, #tpu.memory_space<vmem>>) target(%dma_start3A_604 : memref<10000x16xf32, #tpu.memory_space<vmem_shared>>) offsets(%dma_start3A_601 : memref<80xi32, #tpu.memory_space<vmem>>) semaphore(%dma_start3A_606 : memref<!tpu.dma_semaphore, #tpu.memory_space<semaphore_mem>>) {add = true}
      %add3A_607 = arith.constant 5 : i32
      %add3A_608 = arith.addi %add3A_577, %add3A_607 : i32
      %lt3A_609 = arith.constant 125 : i32
      %lt3A_610 = arith.cmpi slt, %add3A_608, %lt3A_609 : i32
      %convert_element_type3A_611 = arith.extui %lt3A_610 : i1 to i32
      %cond3A_612 = arith.constant 0 : i32
      %cond3A_613 = arith.cmpi ne, %convert_element_type3A_611, %cond3A_612 : i32
      scf.if %cond3A_613 {
        %ge3A = arith.constant 5 : i32
        %ge3A_814 = arith.cmpi sge, %add3A_577, %ge3A : i32
        %convert_element_type3A_815 = arith.extui %ge3A_814 : i1 to i32
        %cond3A_816 = arith.constant 0 : i32
        %cond3A_817 = arith.cmpi ne, %convert_element_type3A_815, %cond3A_816 : i32
        scf.if %cond3A_817 {
          %sub3A = arith.constant 5 : i32
          %sub3A_834 = arith.subi %add3A_578, %sub3A : i32
          %dma_wait3A_835 = arith.constant 9 : i32
          %dma_wait3A_836 = arith.constant 9 : i32
          %dma_wait3A_837 = arith.constant 0 : i32
          %dma_wait3A_838 = arith.constant 0 : i32
          %dma_wait3A_839 = tpu.memref_slice %arg15[%dma_wait3A_835, %dma_wait3A_837, %dma_wait3A_838] : memref<10x80x16xf32, #tpu.memory_space<vmem>> -> memref<1x80x16xf32, #tpu.memory_space<vmem>>
          %dma_wait3A_840 = tpu.memref_squeeze %dma_wait3A_839 : memref<1x80x16xf32, #tpu.memory_space<vmem>> -> memref<80x16xf32, #tpu.memory_space<vmem>>
          %dma_wait3A_841 = arith.constant 0 : i32
          %dma_wait3A_842 = tpu.memref_slice %arg9[%sub3A_834, %dma_wait3A_841] : memref<250x80xi32, #tpu.memory_space<vmem>> -> memref<1x80xi32, #tpu.memory_space<vmem>>
          %dma_wait3A_843 = tpu.memref_squeeze %dma_wait3A_842 : memref<1x80xi32, #tpu.memory_space<vmem>> -> memref<80xi32, #tpu.memory_space<vmem>>
          %dma_wait3A_844 = arith.constant 0 : i32
          %dma_wait3A_845 = arith.constant 0 : i32
          %dma_wait3A_846 = tpu.memref_slice %arg16[%dma_wait3A_844, %dma_wait3A_845] : memref<10000x16xf32, #tpu.memory_space<vmem_shared>> -> memref<10000x16xf32, #tpu.memory_space<vmem_shared>>
          %dma_wait3A_847 = tpu.memref_slice %arg19[%dma_wait3A_836] : memref<10x!tpu.dma_semaphore, #tpu.memory_space<semaphore_mem>> -> memref<1x!tpu.dma_semaphore, #tpu.memory_space<semaphore_mem>>
          %dma_wait3A_848 = tpu.memref_squeeze %dma_wait3A_847 : memref<1x!tpu.dma_semaphore, #tpu.memory_space<semaphore_mem>> -> memref<!tpu.dma_semaphore, #tpu.memory_space<semaphore_mem>>
          tpu.wait_indirect_dma semaphore(%dma_wait3A_848 : memref<!tpu.dma_semaphore, #tpu.memory_space<semaphore_mem>>) src(%dma_wait3A_840 : memref<80x16xf32, #tpu.memory_space<vmem>>) dst(%dma_wait3A_846 : memref<10000x16xf32, #tpu.memory_space<vmem_shared>>)
        } else {
        }
        %add3A_818 = arith.constant 5 : i32
        %add3A_819 = arith.addi %add3A_578, %add3A_818 : i32
        %dma_start3A_820 = arith.constant 9 : i32
        %dma_start3A_821 = arith.constant 9 : i32
        %dma_start3A_822 = arith.constant 0 : i32
        %dma_start3A_823 = arith.constant 0 : i32
        %dma_start3A_824 = tpu.memref_slice %arg15[%dma_start3A_820, %dma_start3A_822, %dma_start3A_823] : memref<10x80x16xf32, #tpu.memory_space<vmem>> -> memref<1x80x16xf32, #tpu.memory_space<vmem>>
        %dma_start3A_825 = tpu.memref_squeeze %dma_start3A_824 : memref<1x80x16xf32, #tpu.memory_space<vmem>> -> memref<80x16xf32, #tpu.memory_space<vmem>>
        %dma_start3A_826 = arith.constant 0 : i32
        %dma_start3A_827 = tpu.memref_slice %arg8[%add3A_819, %dma_start3A_826] : memref<250x80xi32, #tpu.memory_space<vmem>> -> memref<1x80xi32, #tpu.memory_space<vmem>>
        %dma_start3A_828 = tpu.memref_squeeze %dma_start3A_827 : memref<1x80xi32, #tpu.memory_space<vmem>> -> memref<80xi32, #tpu.memory_space<vmem>>
        %dma_start3A_829 = arith.constant 0 : i32
        %dma_start3A_830 = arith.constant 0 : i32
        %dma_start3A_831 = tpu.memref_slice %arg17[%dma_start3A_829, %dma_start3A_830] : memref<10000x16xf32, #tpu.memory_space<vmem_shared>> -> memref<10000x16xf32, #tpu.memory_space<vmem_shared>>
        %dma_start3A_832 = tpu.memref_slice %arg18[%dma_start3A_821] : memref<10x!tpu.dma_semaphore, #tpu.memory_space<semaphore_mem>> -> memref<1x!tpu.dma_semaphore, #tpu.memory_space<semaphore_mem>>
        %dma_start3A_833 = tpu.memref_squeeze %dma_start3A_832 : memref<1x!tpu.dma_semaphore, #tpu.memory_space<semaphore_mem>> -> memref<!tpu.dma_semaphore, #tpu.memory_space<semaphore_mem>>
        tpu.enqueue_indirect_dma source(%dma_start3A_831 : memref<10000x16xf32, #tpu.memory_space<vmem_shared>>) target(%dma_start3A_825 : memref<80x16xf32, #tpu.memory_space<vmem>>) offsets(%dma_start3A_828 : memref<80xi32, #tpu.memory_space<vmem>>) semaphore(%dma_start3A_833 : memref<!tpu.dma_semaphore, #tpu.memory_space<semaphore_mem>>)
      } else {
      }
      %mul3A_614 = arith.constant 10 : i32
      %mul3A_615 = arith.muli %scan3A_414, %mul3A_614 : i32
      %add3A_616 = arith.constant 5 : i32
      %add3A_617 = arith.addi %mul3A_615, %add3A_616 : i32
      %add3A_618 = arith.addi %mul3A_15, %add3A_617 : i32
      %dma_wait3A_619 = arith.constant 5 : i32
      %dma_wait3A_620 = arith.constant 5 : i32
      %dma_wait3A_621 = arith.constant 0 : i32
      %dma_wait3A_622 = arith.constant 0 : i32
      %dma_wait3A_623 = tpu.memref_slice %arg15[%dma_wait3A_619, %dma_wait3A_621, %dma_wait3A_622] : memref<10x80x16xf32, #tpu.memory_space<vmem>> -> memref<1x80x16xf32, #tpu.memory_space<vmem>>
      %dma_wait3A_624 = tpu.memref_squeeze %dma_wait3A_623 : memref<1x80x16xf32, #tpu.memory_space<vmem>> -> memref<80x16xf32, #tpu.memory_space<vmem>>
      %dma_wait3A_625 = arith.constant 0 : i32
      %dma_wait3A_626 = tpu.memref_slice %arg8[%add3A_618, %dma_wait3A_625] : memref<250x80xi32, #tpu.memory_space<vmem>> -> memref<1x80xi32, #tpu.memory_space<vmem>>
      %dma_wait3A_627 = tpu.memref_squeeze %dma_wait3A_626 : memref<1x80xi32, #tpu.memory_space<vmem>> -> memref<80xi32, #tpu.memory_space<vmem>>
      %dma_wait3A_628 = arith.constant 0 : i32
      %dma_wait3A_629 = arith.constant 0 : i32
      %dma_wait3A_630 = tpu.memref_slice %arg17[%dma_wait3A_628, %dma_wait3A_629] : memref<10000x16xf32, #tpu.memory_space<vmem_shared>> -> memref<10000x16xf32, #tpu.memory_space<vmem_shared>>
      %dma_wait3A_631 = tpu.memref_slice %arg18[%dma_wait3A_620] : memref<10x!tpu.dma_semaphore, #tpu.memory_space<semaphore_mem>> -> memref<1x!tpu.dma_semaphore, #tpu.memory_space<semaphore_mem>>
      %dma_wait3A_632 = tpu.memref_squeeze %dma_wait3A_631 : memref<1x!tpu.dma_semaphore, #tpu.memory_space<semaphore_mem>> -> memref<!tpu.dma_semaphore, #tpu.memory_space<semaphore_mem>>
      tpu.wait_indirect_dma semaphore(%dma_wait3A_632 : memref<!tpu.dma_semaphore, #tpu.memory_space<semaphore_mem>>) src(%dma_wait3A_630 : memref<10000x16xf32, #tpu.memory_space<vmem_shared>>) dst(%dma_wait3A_624 : memref<80x16xf32, #tpu.memory_space<vmem>>)
      %dma_start3A_633 = arith.constant 5 : i32
      %dma_start3A_634 = arith.constant 5 : i32
      %dma_start3A_635 = arith.constant 0 : i32
      %dma_start3A_636 = arith.constant 0 : i32
      %dma_start3A_637 = tpu.memref_slice %arg15[%dma_start3A_633, %dma_start3A_635, %dma_start3A_636] : memref<10x80x16xf32, #tpu.memory_space<vmem>> -> memref<1x80x16xf32, #tpu.memory_space<vmem>>
      %dma_start3A_638 = tpu.memref_squeeze %dma_start3A_637 : memref<1x80x16xf32, #tpu.memory_space<vmem>> -> memref<80x16xf32, #tpu.memory_space<vmem>>
      %dma_start3A_639 = arith.constant 0 : i32
      %dma_start3A_640 = tpu.memref_slice %arg9[%add3A_618, %dma_start3A_639] : memref<250x80xi32, #tpu.memory_space<vmem>> -> memref<1x80xi32, #tpu.memory_space<vmem>>
      %dma_start3A_641 = tpu.memref_squeeze %dma_start3A_640 : memref<1x80xi32, #tpu.memory_space<vmem>> -> memref<80xi32, #tpu.memory_space<vmem>>
      %dma_start3A_642 = arith.constant 0 : i32
      %dma_start3A_643 = arith.constant 0 : i32
      %dma_start3A_644 = tpu.memref_slice %arg16[%dma_start3A_642, %dma_start3A_643] : memref<10000x16xf32, #tpu.memory_space<vmem_shared>> -> memref<10000x16xf32, #tpu.memory_space<vmem_shared>>
      %dma_start3A_645 = tpu.memref_slice %arg19[%dma_start3A_634] : memref<10x!tpu.dma_semaphore, #tpu.memory_space<semaphore_mem>> -> memref<1x!tpu.dma_semaphore, #tpu.memory_space<semaphore_mem>>
      %dma_start3A_646 = tpu.memref_squeeze %dma_start3A_645 : memref<1x!tpu.dma_semaphore, #tpu.memory_space<semaphore_mem>> -> memref<!tpu.dma_semaphore, #tpu.memory_space<semaphore_mem>>
      tpu.enqueue_indirect_dma source(%dma_start3A_638 : memref<80x16xf32, #tpu.memory_space<vmem>>) target(%dma_start3A_644 : memref<10000x16xf32, #tpu.memory_space<vmem_shared>>) offsets(%dma_start3A_641 : memref<80xi32, #tpu.memory_space<vmem>>) semaphore(%dma_start3A_646 : memref<!tpu.dma_semaphore, #tpu.memory_space<semaphore_mem>>) {add = true}
      %add3A_647 = arith.constant 5 : i32
      %add3A_648 = arith.addi %add3A_617, %add3A_647 : i32
      %lt3A_649 = arith.constant 125 : i32
      %lt3A_650 = arith.cmpi slt, %add3A_648, %lt3A_649 : i32
      %convert_element_type3A_651 = arith.extui %lt3A_650 : i1 to i32
      %cond3A_652 = arith.constant 0 : i32
      %cond3A_653 = arith.cmpi ne, %convert_element_type3A_651, %cond3A_652 : i32
      scf.if %cond3A_653 {
        %ge3A = arith.constant 5 : i32
        %ge3A_814 = arith.cmpi sge, %add3A_617, %ge3A : i32
        %convert_element_type3A_815 = arith.extui %ge3A_814 : i1 to i32
        %cond3A_816 = arith.constant 0 : i32
        %cond3A_817 = arith.cmpi ne, %convert_element_type3A_815, %cond3A_816 : i32
        scf.if %cond3A_817 {
          %sub3A = arith.constant 5 : i32
          %sub3A_834 = arith.subi %add3A_618, %sub3A : i32
          %dma_wait3A_835 = arith.constant 0 : i32
          %dma_wait3A_836 = arith.constant 0 : i32
          %dma_wait3A_837 = arith.constant 0 : i32
          %dma_wait3A_838 = arith.constant 0 : i32
          %dma_wait3A_839 = tpu.memref_slice %arg15[%dma_wait3A_835, %dma_wait3A_837, %dma_wait3A_838] : memref<10x80x16xf32, #tpu.memory_space<vmem>> -> memref<1x80x16xf32, #tpu.memory_space<vmem>>
          %dma_wait3A_840 = tpu.memref_squeeze %dma_wait3A_839 : memref<1x80x16xf32, #tpu.memory_space<vmem>> -> memref<80x16xf32, #tpu.memory_space<vmem>>
          %dma_wait3A_841 = arith.constant 0 : i32
          %dma_wait3A_842 = tpu.memref_slice %arg9[%sub3A_834, %dma_wait3A_841] : memref<250x80xi32, #tpu.memory_space<vmem>> -> memref<1x80xi32, #tpu.memory_space<vmem>>
          %dma_wait3A_843 = tpu.memref_squeeze %dma_wait3A_842 : memref<1x80xi32, #tpu.memory_space<vmem>> -> memref<80xi32, #tpu.memory_space<vmem>>
          %dma_wait3A_844 = arith.constant 0 : i32
          %dma_wait3A_845 = arith.constant 0 : i32
          %dma_wait3A_846 = tpu.memref_slice %arg16[%dma_wait3A_844, %dma_wait3A_845] : memref<10000x16xf32, #tpu.memory_space<vmem_shared>> -> memref<10000x16xf32, #tpu.memory_space<vmem_shared>>
          %dma_wait3A_847 = tpu.memref_slice %arg19[%dma_wait3A_836] : memref<10x!tpu.dma_semaphore, #tpu.memory_space<semaphore_mem>> -> memref<1x!tpu.dma_semaphore, #tpu.memory_space<semaphore_mem>>
          %dma_wait3A_848 = tpu.memref_squeeze %dma_wait3A_847 : memref<1x!tpu.dma_semaphore, #tpu.memory_space<semaphore_mem>> -> memref<!tpu.dma_semaphore, #tpu.memory_space<semaphore_mem>>
          tpu.wait_indirect_dma semaphore(%dma_wait3A_848 : memref<!tpu.dma_semaphore, #tpu.memory_space<semaphore_mem>>) src(%dma_wait3A_840 : memref<80x16xf32, #tpu.memory_space<vmem>>) dst(%dma_wait3A_846 : memref<10000x16xf32, #tpu.memory_space<vmem_shared>>)
        } else {
        }
        %add3A_818 = arith.constant 5 : i32
        %add3A_819 = arith.addi %add3A_618, %add3A_818 : i32
        %dma_start3A_820 = arith.constant 0 : i32
        %dma_start3A_821 = arith.constant 0 : i32
        %dma_start3A_822 = arith.constant 0 : i32
        %dma_start3A_823 = arith.constant 0 : i32
        %dma_start3A_824 = tpu.memref_slice %arg15[%dma_start3A_820, %dma_start3A_822, %dma_start3A_823] : memref<10x80x16xf32, #tpu.memory_space<vmem>> -> memref<1x80x16xf32, #tpu.memory_space<vmem>>
        %dma_start3A_825 = tpu.memref_squeeze %dma_start3A_824 : memref<1x80x16xf32, #tpu.memory_space<vmem>> -> memref<80x16xf32, #tpu.memory_space<vmem>>
        %dma_start3A_826 = arith.constant 0 : i32
        %dma_start3A_827 = tpu.memref_slice %arg8[%add3A_819, %dma_start3A_826] : memref<250x80xi32, #tpu.memory_space<vmem>> -> memref<1x80xi32, #tpu.memory_space<vmem>>
        %dma_start3A_828 = tpu.memref_squeeze %dma_start3A_827 : memref<1x80xi32, #tpu.memory_space<vmem>> -> memref<80xi32, #tpu.memory_space<vmem>>
        %dma_start3A_829 = arith.constant 0 : i32
        %dma_start3A_830 = arith.constant 0 : i32
        %dma_start3A_831 = tpu.memref_slice %arg17[%dma_start3A_829, %dma_start3A_830] : memref<10000x16xf32, #tpu.memory_space<vmem_shared>> -> memref<10000x16xf32, #tpu.memory_space<vmem_shared>>
        %dma_start3A_832 = tpu.memref_slice %arg18[%dma_start3A_821] : memref<10x!tpu.dma_semaphore, #tpu.memory_space<semaphore_mem>> -> memref<1x!tpu.dma_semaphore, #tpu.memory_space<semaphore_mem>>
        %dma_start3A_833 = tpu.memref_squeeze %dma_start3A_832 : memref<1x!tpu.dma_semaphore, #tpu.memory_space<semaphore_mem>> -> memref<!tpu.dma_semaphore, #tpu.memory_space<semaphore_mem>>
        tpu.enqueue_indirect_dma source(%dma_start3A_831 : memref<10000x16xf32, #tpu.memory_space<vmem_shared>>) target(%dma_start3A_825 : memref<80x16xf32, #tpu.memory_space<vmem>>) offsets(%dma_start3A_828 : memref<80xi32, #tpu.memory_space<vmem>>) semaphore(%dma_start3A_833 : memref<!tpu.dma_semaphore, #tpu.memory_space<semaphore_mem>>)
      } else {
      }
      %mul3A_654 = arith.constant 10 : i32
      %mul3A_655 = arith.muli %scan3A_414, %mul3A_654 : i32
      %add3A_656 = arith.constant 6 : i32
      %add3A_657 = arith.addi %mul3A_655, %add3A_656 : i32
      %add3A_658 = arith.addi %mul3A_15, %add3A_657 : i32
      %dma_wait3A_659 = arith.constant 6 : i32
      %dma_wait3A_660 = arith.constant 6 : i32
      %dma_wait3A_661 = arith.constant 0 : i32
      %dma_wait3A_662 = arith.constant 0 : i32
      %dma_wait3A_663 = tpu.memref_slice %arg15[%dma_wait3A_659, %dma_wait3A_661, %dma_wait3A_662] : memref<10x80x16xf32, #tpu.memory_space<vmem>> -> memref<1x80x16xf32, #tpu.memory_space<vmem>>
      %dma_wait3A_664 = tpu.memref_squeeze %dma_wait3A_663 : memref<1x80x16xf32, #tpu.memory_space<vmem>> -> memref<80x16xf32, #tpu.memory_space<vmem>>
      %dma_wait3A_665 = arith.constant 0 : i32
      %dma_wait3A_666 = tpu.memref_slice %arg8[%add3A_658, %dma_wait3A_665] : memref<250x80xi32, #tpu.memory_space<vmem>> -> memref<1x80xi32, #tpu.memory_space<vmem>>
      %dma_wait3A_667 = tpu.memref_squeeze %dma_wait3A_666 : memref<1x80xi32, #tpu.memory_space<vmem>> -> memref<80xi32, #tpu.memory_space<vmem>>
      %dma_wait3A_668 = arith.constant 0 : i32
      %dma_wait3A_669 = arith.constant 0 : i32
      %dma_wait3A_670 = tpu.memref_slice %arg17[%dma_wait3A_668, %dma_wait3A_669] : memref<10000x16xf32, #tpu.memory_space<vmem_shared>> -> memref<10000x16xf32, #tpu.memory_space<vmem_shared>>
      %dma_wait3A_671 = tpu.memref_slice %arg18[%dma_wait3A_660] : memref<10x!tpu.dma_semaphore, #tpu.memory_space<semaphore_mem>> -> memref<1x!tpu.dma_semaphore, #tpu.memory_space<semaphore_mem>>
      %dma_wait3A_672 = tpu.memref_squeeze %dma_wait3A_671 : memref<1x!tpu.dma_semaphore, #tpu.memory_space<semaphore_mem>> -> memref<!tpu.dma_semaphore, #tpu.memory_space<semaphore_mem>>
      tpu.wait_indirect_dma semaphore(%dma_wait3A_672 : memref<!tpu.dma_semaphore, #tpu.memory_space<semaphore_mem>>) src(%dma_wait3A_670 : memref<10000x16xf32, #tpu.memory_space<vmem_shared>>) dst(%dma_wait3A_664 : memref<80x16xf32, #tpu.memory_space<vmem>>)
      %dma_start3A_673 = arith.constant 6 : i32
      %dma_start3A_674 = arith.constant 6 : i32
      %dma_start3A_675 = arith.constant 0 : i32
      %dma_start3A_676 = arith.constant 0 : i32
      %dma_start3A_677 = tpu.memref_slice %arg15[%dma_start3A_673, %dma_start3A_675, %dma_start3A_676] : memref<10x80x16xf32, #tpu.memory_space<vmem>> -> memref<1x80x16xf32, #tpu.memory_space<vmem>>
      %dma_start3A_678 = tpu.memref_squeeze %dma_start3A_677 : memref<1x80x16xf32, #tpu.memory_space<vmem>> -> memref<80x16xf32, #tpu.memory_space<vmem>>
      %dma_start3A_679 = arith.constant 0 : i32
      %dma_start3A_680 = tpu.memref_slice %arg9[%add3A_658, %dma_start3A_679] : memref<250x80xi32, #tpu.memory_space<vmem>> -> memref<1x80xi32, #tpu.memory_space<vmem>>
      %dma_start3A_681 = tpu.memref_squeeze %dma_start3A_680 : memref<1x80xi32, #tpu.memory_space<vmem>> -> memref<80xi32, #tpu.memory_space<vmem>>
      %dma_start3A_682 = arith.constant 0 : i32
      %dma_start3A_683 = arith.constant 0 : i32
      %dma_start3A_684 = tpu.memref_slice %arg16[%dma_start3A_682, %dma_start3A_683] : memref<10000x16xf32, #tpu.memory_space<vmem_shared>> -> memref<10000x16xf32, #tpu.memory_space<vmem_shared>>
      %dma_start3A_685 = tpu.memref_slice %arg19[%dma_start3A_674] : memref<10x!tpu.dma_semaphore, #tpu.memory_space<semaphore_mem>> -> memref<1x!tpu.dma_semaphore, #tpu.memory_space<semaphore_mem>>
      %dma_start3A_686 = tpu.memref_squeeze %dma_start3A_685 : memref<1x!tpu.dma_semaphore, #tpu.memory_space<semaphore_mem>> -> memref<!tpu.dma_semaphore, #tpu.memory_space<semaphore_mem>>
      tpu.enqueue_indirect_dma source(%dma_start3A_678 : memref<80x16xf32, #tpu.memory_space<vmem>>) target(%dma_start3A_684 : memref<10000x16xf32, #tpu.memory_space<vmem_shared>>) offsets(%dma_start3A_681 : memref<80xi32, #tpu.memory_space<vmem>>) semaphore(%dma_start3A_686 : memref<!tpu.dma_semaphore, #tpu.memory_space<semaphore_mem>>) {add = true}
      %add3A_687 = arith.constant 5 : i32
      %add3A_688 = arith.addi %add3A_657, %add3A_687 : i32
      %lt3A_689 = arith.constant 125 : i32
      %lt3A_690 = arith.cmpi slt, %add3A_688, %lt3A_689 : i32
      %convert_element_type3A_691 = arith.extui %lt3A_690 : i1 to i32
      %cond3A_692 = arith.constant 0 : i32
      %cond3A_693 = arith.cmpi ne, %convert_element_type3A_691, %cond3A_692 : i32
      scf.if %cond3A_693 {
        %ge3A = arith.constant 5 : i32
        %ge3A_814 = arith.cmpi sge, %add3A_657, %ge3A : i32
        %convert_element_type3A_815 = arith.extui %ge3A_814 : i1 to i32
        %cond3A_816 = arith.constant 0 : i32
        %cond3A_817 = arith.cmpi ne, %convert_element_type3A_815, %cond3A_816 : i32
        scf.if %cond3A_817 {
          %sub3A = arith.constant 5 : i32
          %sub3A_834 = arith.subi %add3A_658, %sub3A : i32
          %dma_wait3A_835 = arith.constant 1 : i32
          %dma_wait3A_836 = arith.constant 1 : i32
          %dma_wait3A_837 = arith.constant 0 : i32
          %dma_wait3A_838 = arith.constant 0 : i32
          %dma_wait3A_839 = tpu.memref_slice %arg15[%dma_wait3A_835, %dma_wait3A_837, %dma_wait3A_838] : memref<10x80x16xf32, #tpu.memory_space<vmem>> -> memref<1x80x16xf32, #tpu.memory_space<vmem>>
          %dma_wait3A_840 = tpu.memref_squeeze %dma_wait3A_839 : memref<1x80x16xf32, #tpu.memory_space<vmem>> -> memref<80x16xf32, #tpu.memory_space<vmem>>
          %dma_wait3A_841 = arith.constant 0 : i32
          %dma_wait3A_842 = tpu.memref_slice %arg9[%sub3A_834, %dma_wait3A_841] : memref<250x80xi32, #tpu.memory_space<vmem>> -> memref<1x80xi32, #tpu.memory_space<vmem>>
          %dma_wait3A_843 = tpu.memref_squeeze %dma_wait3A_842 : memref<1x80xi32, #tpu.memory_space<vmem>> -> memref<80xi32, #tpu.memory_space<vmem>>
          %dma_wait3A_844 = arith.constant 0 : i32
          %dma_wait3A_845 = arith.constant 0 : i32
          %dma_wait3A_846 = tpu.memref_slice %arg16[%dma_wait3A_844, %dma_wait3A_845] : memref<10000x16xf32, #tpu.memory_space<vmem_shared>> -> memref<10000x16xf32, #tpu.memory_space<vmem_shared>>
          %dma_wait3A_847 = tpu.memref_slice %arg19[%dma_wait3A_836] : memref<10x!tpu.dma_semaphore, #tpu.memory_space<semaphore_mem>> -> memref<1x!tpu.dma_semaphore, #tpu.memory_space<semaphore_mem>>
          %dma_wait3A_848 = tpu.memref_squeeze %dma_wait3A_847 : memref<1x!tpu.dma_semaphore, #tpu.memory_space<semaphore_mem>> -> memref<!tpu.dma_semaphore, #tpu.memory_space<semaphore_mem>>
          tpu.wait_indirect_dma semaphore(%dma_wait3A_848 : memref<!tpu.dma_semaphore, #tpu.memory_space<semaphore_mem>>) src(%dma_wait3A_840 : memref<80x16xf32, #tpu.memory_space<vmem>>) dst(%dma_wait3A_846 : memref<10000x16xf32, #tpu.memory_space<vmem_shared>>)
        } else {
        }
        %add3A_818 = arith.constant 5 : i32
        %add3A_819 = arith.addi %add3A_658, %add3A_818 : i32
        %dma_start3A_820 = arith.constant 1 : i32
        %dma_start3A_821 = arith.constant 1 : i32
        %dma_start3A_822 = arith.constant 0 : i32
        %dma_start3A_823 = arith.constant 0 : i32
        %dma_start3A_824 = tpu.memref_slice %arg15[%dma_start3A_820, %dma_start3A_822, %dma_start3A_823] : memref<10x80x16xf32, #tpu.memory_space<vmem>> -> memref<1x80x16xf32, #tpu.memory_space<vmem>>
        %dma_start3A_825 = tpu.memref_squeeze %dma_start3A_824 : memref<1x80x16xf32, #tpu.memory_space<vmem>> -> memref<80x16xf32, #tpu.memory_space<vmem>>
        %dma_start3A_826 = arith.constant 0 : i32
        %dma_start3A_827 = tpu.memref_slice %arg8[%add3A_819, %dma_start3A_826] : memref<250x80xi32, #tpu.memory_space<vmem>> -> memref<1x80xi32, #tpu.memory_space<vmem>>
        %dma_start3A_828 = tpu.memref_squeeze %dma_start3A_827 : memref<1x80xi32, #tpu.memory_space<vmem>> -> memref<80xi32, #tpu.memory_space<vmem>>
        %dma_start3A_829 = arith.constant 0 : i32
        %dma_start3A_830 = arith.constant 0 : i32
        %dma_start3A_831 = tpu.memref_slice %arg17[%dma_start3A_829, %dma_start3A_830] : memref<10000x16xf32, #tpu.memory_space<vmem_shared>> -> memref<10000x16xf32, #tpu.memory_space<vmem_shared>>
        %dma_start3A_832 = tpu.memref_slice %arg18[%dma_start3A_821] : memref<10x!tpu.dma_semaphore, #tpu.memory_space<semaphore_mem>> -> memref<1x!tpu.dma_semaphore, #tpu.memory_space<semaphore_mem>>
        %dma_start3A_833 = tpu.memref_squeeze %dma_start3A_832 : memref<1x!tpu.dma_semaphore, #tpu.memory_space<semaphore_mem>> -> memref<!tpu.dma_semaphore, #tpu.memory_space<semaphore_mem>>
        tpu.enqueue_indirect_dma source(%dma_start3A_831 : memref<10000x16xf32, #tpu.memory_space<vmem_shared>>) target(%dma_start3A_825 : memref<80x16xf32, #tpu.memory_space<vmem>>) offsets(%dma_start3A_828 : memref<80xi32, #tpu.memory_space<vmem>>) semaphore(%dma_start3A_833 : memref<!tpu.dma_semaphore, #tpu.memory_space<semaphore_mem>>)
      } else {
      }
      %mul3A_694 = arith.constant 10 : i32
      %mul3A_695 = arith.muli %scan3A_414, %mul3A_694 : i32
      %add3A_696 = arith.constant 7 : i32
      %add3A_697 = arith.addi %mul3A_695, %add3A_696 : i32
      %add3A_698 = arith.addi %mul3A_15, %add3A_697 : i32
      %dma_wait3A_699 = arith.constant 7 : i32
      %dma_wait3A_700 = arith.constant 7 : i32
      %dma_wait3A_701 = arith.constant 0 : i32
      %dma_wait3A_702 = arith.constant 0 : i32
      %dma_wait3A_703 = tpu.memref_slice %arg15[%dma_wait3A_699, %dma_wait3A_701, %dma_wait3A_702] : memref<10x80x16xf32, #tpu.memory_space<vmem>> -> memref<1x80x16xf32, #tpu.memory_space<vmem>>
      %dma_wait3A_704 = tpu.memref_squeeze %dma_wait3A_703 : memref<1x80x16xf32, #tpu.memory_space<vmem>> -> memref<80x16xf32, #tpu.memory_space<vmem>>
      %dma_wait3A_705 = arith.constant 0 : i32
      %dma_wait3A_706 = tpu.memref_slice %arg8[%add3A_698, %dma_wait3A_705] : memref<250x80xi32, #tpu.memory_space<vmem>> -> memref<1x80xi32, #tpu.memory_space<vmem>>
      %dma_wait3A_707 = tpu.memref_squeeze %dma_wait3A_706 : memref<1x80xi32, #tpu.memory_space<vmem>> -> memref<80xi32, #tpu.memory_space<vmem>>
      %dma_wait3A_708 = arith.constant 0 : i32
      %dma_wait3A_709 = arith.constant 0 : i32
      %dma_wait3A_710 = tpu.memref_slice %arg17[%dma_wait3A_708, %dma_wait3A_709] : memref<10000x16xf32, #tpu.memory_space<vmem_shared>> -> memref<10000x16xf32, #tpu.memory_space<vmem_shared>>
      %dma_wait3A_711 = tpu.memref_slice %arg18[%dma_wait3A_700] : memref<10x!tpu.dma_semaphore, #tpu.memory_space<semaphore_mem>> -> memref<1x!tpu.dma_semaphore, #tpu.memory_space<semaphore_mem>>
      %dma_wait3A_712 = tpu.memref_squeeze %dma_wait3A_711 : memref<1x!tpu.dma_semaphore, #tpu.memory_space<semaphore_mem>> -> memref<!tpu.dma_semaphore, #tpu.memory_space<semaphore_mem>>
      tpu.wait_indirect_dma semaphore(%dma_wait3A_712 : memref<!tpu.dma_semaphore, #tpu.memory_space<semaphore_mem>>) src(%dma_wait3A_710 : memref<10000x16xf32, #tpu.memory_space<vmem_shared>>) dst(%dma_wait3A_704 : memref<80x16xf32, #tpu.memory_space<vmem>>)
      %dma_start3A_713 = arith.constant 7 : i32
      %dma_start3A_714 = arith.constant 7 : i32
      %dma_start3A_715 = arith.constant 0 : i32
      %dma_start3A_716 = arith.constant 0 : i32
      %dma_start3A_717 = tpu.memref_slice %arg15[%dma_start3A_713, %dma_start3A_715, %dma_start3A_716] : memref<10x80x16xf32, #tpu.memory_space<vmem>> -> memref<1x80x16xf32, #tpu.memory_space<vmem>>
      %dma_start3A_718 = tpu.memref_squeeze %dma_start3A_717 : memref<1x80x16xf32, #tpu.memory_space<vmem>> -> memref<80x16xf32, #tpu.memory_space<vmem>>
      %dma_start3A_719 = arith.constant 0 : i32
      %dma_start3A_720 = tpu.memref_slice %arg9[%add3A_698, %dma_start3A_719] : memref<250x80xi32, #tpu.memory_space<vmem>> -> memref<1x80xi32, #tpu.memory_space<vmem>>
      %dma_start3A_721 = tpu.memref_squeeze %dma_start3A_720 : memref<1x80xi32, #tpu.memory_space<vmem>> -> memref<80xi32, #tpu.memory_space<vmem>>
      %dma_start3A_722 = arith.constant 0 : i32
      %dma_start3A_723 = arith.constant 0 : i32
      %dma_start3A_724 = tpu.memref_slice %arg16[%dma_start3A_722, %dma_start3A_723] : memref<10000x16xf32, #tpu.memory_space<vmem_shared>> -> memref<10000x16xf32, #tpu.memory_space<vmem_shared>>
      %dma_start3A_725 = tpu.memref_slice %arg19[%dma_start3A_714] : memref<10x!tpu.dma_semaphore, #tpu.memory_space<semaphore_mem>> -> memref<1x!tpu.dma_semaphore, #tpu.memory_space<semaphore_mem>>
      %dma_start3A_726 = tpu.memref_squeeze %dma_start3A_725 : memref<1x!tpu.dma_semaphore, #tpu.memory_space<semaphore_mem>> -> memref<!tpu.dma_semaphore, #tpu.memory_space<semaphore_mem>>
      tpu.enqueue_indirect_dma source(%dma_start3A_718 : memref<80x16xf32, #tpu.memory_space<vmem>>) target(%dma_start3A_724 : memref<10000x16xf32, #tpu.memory_space<vmem_shared>>) offsets(%dma_start3A_721 : memref<80xi32, #tpu.memory_space<vmem>>) semaphore(%dma_start3A_726 : memref<!tpu.dma_semaphore, #tpu.memory_space<semaphore_mem>>) {add = true}
      %add3A_727 = arith.constant 5 : i32
      %add3A_728 = arith.addi %add3A_697, %add3A_727 : i32
      %lt3A_729 = arith.constant 125 : i32
      %lt3A_730 = arith.cmpi slt, %add3A_728, %lt3A_729 : i32
      %convert_element_type3A_731 = arith.extui %lt3A_730 : i1 to i32
      %cond3A_732 = arith.constant 0 : i32
      %cond3A_733 = arith.cmpi ne, %convert_element_type3A_731, %cond3A_732 : i32
      scf.if %cond3A_733 {
        %ge3A = arith.constant 5 : i32
        %ge3A_814 = arith.cmpi sge, %add3A_697, %ge3A : i32
        %convert_element_type3A_815 = arith.extui %ge3A_814 : i1 to i32
        %cond3A_816 = arith.constant 0 : i32
        %cond3A_817 = arith.cmpi ne, %convert_element_type3A_815, %cond3A_816 : i32
        scf.if %cond3A_817 {
          %sub3A = arith.constant 5 : i32
          %sub3A_834 = arith.subi %add3A_698, %sub3A : i32
          %dma_wait3A_835 = arith.constant 2 : i32
          %dma_wait3A_836 = arith.constant 2 : i32
          %dma_wait3A_837 = arith.constant 0 : i32
          %dma_wait3A_838 = arith.constant 0 : i32
          %dma_wait3A_839 = tpu.memref_slice %arg15[%dma_wait3A_835, %dma_wait3A_837, %dma_wait3A_838] : memref<10x80x16xf32, #tpu.memory_space<vmem>> -> memref<1x80x16xf32, #tpu.memory_space<vmem>>
          %dma_wait3A_840 = tpu.memref_squeeze %dma_wait3A_839 : memref<1x80x16xf32, #tpu.memory_space<vmem>> -> memref<80x16xf32, #tpu.memory_space<vmem>>
          %dma_wait3A_841 = arith.constant 0 : i32
          %dma_wait3A_842 = tpu.memref_slice %arg9[%sub3A_834, %dma_wait3A_841] : memref<250x80xi32, #tpu.memory_space<vmem>> -> memref<1x80xi32, #tpu.memory_space<vmem>>
          %dma_wait3A_843 = tpu.memref_squeeze %dma_wait3A_842 : memref<1x80xi32, #tpu.memory_space<vmem>> -> memref<80xi32, #tpu.memory_space<vmem>>
          %dma_wait3A_844 = arith.constant 0 : i32
          %dma_wait3A_845 = arith.constant 0 : i32
          %dma_wait3A_846 = tpu.memref_slice %arg16[%dma_wait3A_844, %dma_wait3A_845] : memref<10000x16xf32, #tpu.memory_space<vmem_shared>> -> memref<10000x16xf32, #tpu.memory_space<vmem_shared>>
          %dma_wait3A_847 = tpu.memref_slice %arg19[%dma_wait3A_836] : memref<10x!tpu.dma_semaphore, #tpu.memory_space<semaphore_mem>> -> memref<1x!tpu.dma_semaphore, #tpu.memory_space<semaphore_mem>>
          %dma_wait3A_848 = tpu.memref_squeeze %dma_wait3A_847 : memref<1x!tpu.dma_semaphore, #tpu.memory_space<semaphore_mem>> -> memref<!tpu.dma_semaphore, #tpu.memory_space<semaphore_mem>>
          tpu.wait_indirect_dma semaphore(%dma_wait3A_848 : memref<!tpu.dma_semaphore, #tpu.memory_space<semaphore_mem>>) src(%dma_wait3A_840 : memref<80x16xf32, #tpu.memory_space<vmem>>) dst(%dma_wait3A_846 : memref<10000x16xf32, #tpu.memory_space<vmem_shared>>)
        } else {
        }
        %add3A_818 = arith.constant 5 : i32
        %add3A_819 = arith.addi %add3A_698, %add3A_818 : i32
        %dma_start3A_820 = arith.constant 2 : i32
        %dma_start3A_821 = arith.constant 2 : i32
        %dma_start3A_822 = arith.constant 0 : i32
        %dma_start3A_823 = arith.constant 0 : i32
        %dma_start3A_824 = tpu.memref_slice %arg15[%dma_start3A_820, %dma_start3A_822, %dma_start3A_823] : memref<10x80x16xf32, #tpu.memory_space<vmem>> -> memref<1x80x16xf32, #tpu.memory_space<vmem>>
        %dma_start3A_825 = tpu.memref_squeeze %dma_start3A_824 : memref<1x80x16xf32, #tpu.memory_space<vmem>> -> memref<80x16xf32, #tpu.memory_space<vmem>>
        %dma_start3A_826 = arith.constant 0 : i32
        %dma_start3A_827 = tpu.memref_slice %arg8[%add3A_819, %dma_start3A_826] : memref<250x80xi32, #tpu.memory_space<vmem>> -> memref<1x80xi32, #tpu.memory_space<vmem>>
        %dma_start3A_828 = tpu.memref_squeeze %dma_start3A_827 : memref<1x80xi32, #tpu.memory_space<vmem>> -> memref<80xi32, #tpu.memory_space<vmem>>
        %dma_start3A_829 = arith.constant 0 : i32
        %dma_start3A_830 = arith.constant 0 : i32
        %dma_start3A_831 = tpu.memref_slice %arg17[%dma_start3A_829, %dma_start3A_830] : memref<10000x16xf32, #tpu.memory_space<vmem_shared>> -> memref<10000x16xf32, #tpu.memory_space<vmem_shared>>
        %dma_start3A_832 = tpu.memref_slice %arg18[%dma_start3A_821] : memref<10x!tpu.dma_semaphore, #tpu.memory_space<semaphore_mem>> -> memref<1x!tpu.dma_semaphore, #tpu.memory_space<semaphore_mem>>
        %dma_start3A_833 = tpu.memref_squeeze %dma_start3A_832 : memref<1x!tpu.dma_semaphore, #tpu.memory_space<semaphore_mem>> -> memref<!tpu.dma_semaphore, #tpu.memory_space<semaphore_mem>>
        tpu.enqueue_indirect_dma source(%dma_start3A_831 : memref<10000x16xf32, #tpu.memory_space<vmem_shared>>) target(%dma_start3A_825 : memref<80x16xf32, #tpu.memory_space<vmem>>) offsets(%dma_start3A_828 : memref<80xi32, #tpu.memory_space<vmem>>) semaphore(%dma_start3A_833 : memref<!tpu.dma_semaphore, #tpu.memory_space<semaphore_mem>>)
      } else {
      }
      %mul3A_734 = arith.constant 10 : i32
      %mul3A_735 = arith.muli %scan3A_414, %mul3A_734 : i32
      %add3A_736 = arith.constant 8 : i32
      %add3A_737 = arith.addi %mul3A_735, %add3A_736 : i32
      %add3A_738 = arith.addi %mul3A_15, %add3A_737 : i32
      %dma_wait3A_739 = arith.constant 8 : i32
      %dma_wait3A_740 = arith.constant 8 : i32
      %dma_wait3A_741 = arith.constant 0 : i32
      %dma_wait3A_742 = arith.constant 0 : i32
      %dma_wait3A_743 = tpu.memref_slice %arg15[%dma_wait3A_739, %dma_wait3A_741, %dma_wait3A_742] : memref<10x80x16xf32, #tpu.memory_space<vmem>> -> memref<1x80x16xf32, #tpu.memory_space<vmem>>
      %dma_wait3A_744 = tpu.memref_squeeze %dma_wait3A_743 : memref<1x80x16xf32, #tpu.memory_space<vmem>> -> memref<80x16xf32, #tpu.memory_space<vmem>>
      %dma_wait3A_745 = arith.constant 0 : i32
      %dma_wait3A_746 = tpu.memref_slice %arg8[%add3A_738, %dma_wait3A_745] : memref<250x80xi32, #tpu.memory_space<vmem>> -> memref<1x80xi32, #tpu.memory_space<vmem>>
      %dma_wait3A_747 = tpu.memref_squeeze %dma_wait3A_746 : memref<1x80xi32, #tpu.memory_space<vmem>> -> memref<80xi32, #tpu.memory_space<vmem>>
      %dma_wait3A_748 = arith.constant 0 : i32
      %dma_wait3A_749 = arith.constant 0 : i32
      %dma_wait3A_750 = tpu.memref_slice %arg17[%dma_wait3A_748, %dma_wait3A_749] : memref<10000x16xf32, #tpu.memory_space<vmem_shared>> -> memref<10000x16xf32, #tpu.memory_space<vmem_shared>>
      %dma_wait3A_751 = tpu.memref_slice %arg18[%dma_wait3A_740] : memref<10x!tpu.dma_semaphore, #tpu.memory_space<semaphore_mem>> -> memref<1x!tpu.dma_semaphore, #tpu.memory_space<semaphore_mem>>
      %dma_wait3A_752 = tpu.memref_squeeze %dma_wait3A_751 : memref<1x!tpu.dma_semaphore, #tpu.memory_space<semaphore_mem>> -> memref<!tpu.dma_semaphore, #tpu.memory_space<semaphore_mem>>
      tpu.wait_indirect_dma semaphore(%dma_wait3A_752 : memref<!tpu.dma_semaphore, #tpu.memory_space<semaphore_mem>>) src(%dma_wait3A_750 : memref<10000x16xf32, #tpu.memory_space<vmem_shared>>) dst(%dma_wait3A_744 : memref<80x16xf32, #tpu.memory_space<vmem>>)
      %dma_start3A_753 = arith.constant 8 : i32
      %dma_start3A_754 = arith.constant 8 : i32
      %dma_start3A_755 = arith.constant 0 : i32
      %dma_start3A_756 = arith.constant 0 : i32
      %dma_start3A_757 = tpu.memref_slice %arg15[%dma_start3A_753, %dma_start3A_755, %dma_start3A_756] : memref<10x80x16xf32, #tpu.memory_space<vmem>> -> memref<1x80x16xf32, #tpu.memory_space<vmem>>
      %dma_start3A_758 = tpu.memref_squeeze %dma_start3A_757 : memref<1x80x16xf32, #tpu.memory_space<vmem>> -> memref<80x16xf32, #tpu.memory_space<vmem>>
      %dma_start3A_759 = arith.constant 0 : i32
      %dma_start3A_760 = tpu.memref_slice %arg9[%add3A_738, %dma_start3A_759] : memref<250x80xi32, #tpu.memory_space<vmem>> -> memref<1x80xi32, #tpu.memory_space<vmem>>
      %dma_start3A_761 = tpu.memref_squeeze %dma_start3A_760 : memref<1x80xi32, #tpu.memory_space<vmem>> -> memref<80xi32, #tpu.memory_space<vmem>>
      %dma_start3A_762 = arith.constant 0 : i32
      %dma_start3A_763 = arith.constant 0 : i32
      %dma_start3A_764 = tpu.memref_slice %arg16[%dma_start3A_762, %dma_start3A_763] : memref<10000x16xf32, #tpu.memory_space<vmem_shared>> -> memref<10000x16xf32, #tpu.memory_space<vmem_shared>>
      %dma_start3A_765 = tpu.memref_slice %arg19[%dma_start3A_754] : memref<10x!tpu.dma_semaphore, #tpu.memory_space<semaphore_mem>> -> memref<1x!tpu.dma_semaphore, #tpu.memory_space<semaphore_mem>>
      %dma_start3A_766 = tpu.memref_squeeze %dma_start3A_765 : memref<1x!tpu.dma_semaphore, #tpu.memory_space<semaphore_mem>> -> memref<!tpu.dma_semaphore, #tpu.memory_space<semaphore_mem>>
      tpu.enqueue_indirect_dma source(%dma_start3A_758 : memref<80x16xf32, #tpu.memory_space<vmem>>) target(%dma_start3A_764 : memref<10000x16xf32, #tpu.memory_space<vmem_shared>>) offsets(%dma_start3A_761 : memref<80xi32, #tpu.memory_space<vmem>>) semaphore(%dma_start3A_766 : memref<!tpu.dma_semaphore, #tpu.memory_space<semaphore_mem>>) {add = true}
      %add3A_767 = arith.constant 5 : i32
      %add3A_768 = arith.addi %add3A_737, %add3A_767 : i32
      %lt3A_769 = arith.constant 125 : i32
      %lt3A_770 = arith.cmpi slt, %add3A_768, %lt3A_769 : i32
      %convert_element_type3A_771 = arith.extui %lt3A_770 : i1 to i32
      %cond3A_772 = arith.constant 0 : i32
      %cond3A_773 = arith.cmpi ne, %convert_element_type3A_771, %cond3A_772 : i32
      scf.if %cond3A_773 {
        %ge3A = arith.constant 5 : i32
        %ge3A_814 = arith.cmpi sge, %add3A_737, %ge3A : i32
        %convert_element_type3A_815 = arith.extui %ge3A_814 : i1 to i32
        %cond3A_816 = arith.constant 0 : i32
        %cond3A_817 = arith.cmpi ne, %convert_element_type3A_815, %cond3A_816 : i32
        scf.if %cond3A_817 {
          %sub3A = arith.constant 5 : i32
          %sub3A_834 = arith.subi %add3A_738, %sub3A : i32
          %dma_wait3A_835 = arith.constant 3 : i32
          %dma_wait3A_836 = arith.constant 3 : i32
          %dma_wait3A_837 = arith.constant 0 : i32
          %dma_wait3A_838 = arith.constant 0 : i32
          %dma_wait3A_839 = tpu.memref_slice %arg15[%dma_wait3A_835, %dma_wait3A_837, %dma_wait3A_838] : memref<10x80x16xf32, #tpu.memory_space<vmem>> -> memref<1x80x16xf32, #tpu.memory_space<vmem>>
          %dma_wait3A_840 = tpu.memref_squeeze %dma_wait3A_839 : memref<1x80x16xf32, #tpu.memory_space<vmem>> -> memref<80x16xf32, #tpu.memory_space<vmem>>
          %dma_wait3A_841 = arith.constant 0 : i32
          %dma_wait3A_842 = tpu.memref_slice %arg9[%sub3A_834, %dma_wait3A_841] : memref<250x80xi32, #tpu.memory_space<vmem>> -> memref<1x80xi32, #tpu.memory_space<vmem>>
          %dma_wait3A_843 = tpu.memref_squeeze %dma_wait3A_842 : memref<1x80xi32, #tpu.memory_space<vmem>> -> memref<80xi32, #tpu.memory_space<vmem>>
          %dma_wait3A_844 = arith.constant 0 : i32
          %dma_wait3A_845 = arith.constant 0 : i32
          %dma_wait3A_846 = tpu.memref_slice %arg16[%dma_wait3A_844, %dma_wait3A_845] : memref<10000x16xf32, #tpu.memory_space<vmem_shared>> -> memref<10000x16xf32, #tpu.memory_space<vmem_shared>>
          %dma_wait3A_847 = tpu.memref_slice %arg19[%dma_wait3A_836] : memref<10x!tpu.dma_semaphore, #tpu.memory_space<semaphore_mem>> -> memref<1x!tpu.dma_semaphore, #tpu.memory_space<semaphore_mem>>
          %dma_wait3A_848 = tpu.memref_squeeze %dma_wait3A_847 : memref<1x!tpu.dma_semaphore, #tpu.memory_space<semaphore_mem>> -> memref<!tpu.dma_semaphore, #tpu.memory_space<semaphore_mem>>
          tpu.wait_indirect_dma semaphore(%dma_wait3A_848 : memref<!tpu.dma_semaphore, #tpu.memory_space<semaphore_mem>>) src(%dma_wait3A_840 : memref<80x16xf32, #tpu.memory_space<vmem>>) dst(%dma_wait3A_846 : memref<10000x16xf32, #tpu.memory_space<vmem_shared>>)
        } else {
        }
        %add3A_818 = arith.constant 5 : i32
        %add3A_819 = arith.addi %add3A_738, %add3A_818 : i32
        %dma_start3A_820 = arith.constant 3 : i32
        %dma_start3A_821 = arith.constant 3 : i32
        %dma_start3A_822 = arith.constant 0 : i32
        %dma_start3A_823 = arith.constant 0 : i32
        %dma_start3A_824 = tpu.memref_slice %arg15[%dma_start3A_820, %dma_start3A_822, %dma_start3A_823] : memref<10x80x16xf32, #tpu.memory_space<vmem>> -> memref<1x80x16xf32, #tpu.memory_space<vmem>>
        %dma_start3A_825 = tpu.memref_squeeze %dma_start3A_824 : memref<1x80x16xf32, #tpu.memory_space<vmem>> -> memref<80x16xf32, #tpu.memory_space<vmem>>
        %dma_start3A_826 = arith.constant 0 : i32
        %dma_start3A_827 = tpu.memref_slice %arg8[%add3A_819, %dma_start3A_826] : memref<250x80xi32, #tpu.memory_space<vmem>> -> memref<1x80xi32, #tpu.memory_space<vmem>>
        %dma_start3A_828 = tpu.memref_squeeze %dma_start3A_827 : memref<1x80xi32, #tpu.memory_space<vmem>> -> memref<80xi32, #tpu.memory_space<vmem>>
        %dma_start3A_829 = arith.constant 0 : i32
        %dma_start3A_830 = arith.constant 0 : i32
        %dma_start3A_831 = tpu.memref_slice %arg17[%dma_start3A_829, %dma_start3A_830] : memref<10000x16xf32, #tpu.memory_space<vmem_shared>> -> memref<10000x16xf32, #tpu.memory_space<vmem_shared>>
        %dma_start3A_832 = tpu.memref_slice %arg18[%dma_start3A_821] : memref<10x!tpu.dma_semaphore, #tpu.memory_space<semaphore_mem>> -> memref<1x!tpu.dma_semaphore, #tpu.memory_space<semaphore_mem>>
        %dma_start3A_833 = tpu.memref_squeeze %dma_start3A_832 : memref<1x!tpu.dma_semaphore, #tpu.memory_space<semaphore_mem>> -> memref<!tpu.dma_semaphore, #tpu.memory_space<semaphore_mem>>
        tpu.enqueue_indirect_dma source(%dma_start3A_831 : memref<10000x16xf32, #tpu.memory_space<vmem_shared>>) target(%dma_start3A_825 : memref<80x16xf32, #tpu.memory_space<vmem>>) offsets(%dma_start3A_828 : memref<80xi32, #tpu.memory_space<vmem>>) semaphore(%dma_start3A_833 : memref<!tpu.dma_semaphore, #tpu.memory_space<semaphore_mem>>)
      } else {
      }
      %mul3A_774 = arith.constant 10 : i32
      %mul3A_775 = arith.muli %scan3A_414, %mul3A_774 : i32
      %add3A_776 = arith.constant 9 : i32
      %add3A_777 = arith.addi %mul3A_775, %add3A_776 : i32
      %add3A_778 = arith.addi %mul3A_15, %add3A_777 : i32
      %dma_wait3A_779 = arith.constant 9 : i32
      %dma_wait3A_780 = arith.constant 9 : i32
      %dma_wait3A_781 = arith.constant 0 : i32
      %dma_wait3A_782 = arith.constant 0 : i32
      %dma_wait3A_783 = tpu.memref_slice %arg15[%dma_wait3A_779, %dma_wait3A_781, %dma_wait3A_782] : memref<10x80x16xf32, #tpu.memory_space<vmem>> -> memref<1x80x16xf32, #tpu.memory_space<vmem>>
      %dma_wait3A_784 = tpu.memref_squeeze %dma_wait3A_783 : memref<1x80x16xf32, #tpu.memory_space<vmem>> -> memref<80x16xf32, #tpu.memory_space<vmem>>
      %dma_wait3A_785 = arith.constant 0 : i32
      %dma_wait3A_786 = tpu.memref_slice %arg8[%add3A_778, %dma_wait3A_785] : memref<250x80xi32, #tpu.memory_space<vmem>> -> memref<1x80xi32, #tpu.memory_space<vmem>>
      %dma_wait3A_787 = tpu.memref_squeeze %dma_wait3A_786 : memref<1x80xi32, #tpu.memory_space<vmem>> -> memref<80xi32, #tpu.memory_space<vmem>>
      %dma_wait3A_788 = arith.constant 0 : i32
      %dma_wait3A_789 = arith.constant 0 : i32
      %dma_wait3A_790 = tpu.memref_slice %arg17[%dma_wait3A_788, %dma_wait3A_789] : memref<10000x16xf32, #tpu.memory_space<vmem_shared>> -> memref<10000x16xf32, #tpu.memory_space<vmem_shared>>
      %dma_wait3A_791 = tpu.memref_slice %arg18[%dma_wait3A_780] : memref<10x!tpu.dma_semaphore, #tpu.memory_space<semaphore_mem>> -> memref<1x!tpu.dma_semaphore, #tpu.memory_space<semaphore_mem>>
      %dma_wait3A_792 = tpu.memref_squeeze %dma_wait3A_791 : memref<1x!tpu.dma_semaphore, #tpu.memory_space<semaphore_mem>> -> memref<!tpu.dma_semaphore, #tpu.memory_space<semaphore_mem>>
      tpu.wait_indirect_dma semaphore(%dma_wait3A_792 : memref<!tpu.dma_semaphore, #tpu.memory_space<semaphore_mem>>) src(%dma_wait3A_790 : memref<10000x16xf32, #tpu.memory_space<vmem_shared>>) dst(%dma_wait3A_784 : memref<80x16xf32, #tpu.memory_space<vmem>>)
      %dma_start3A_793 = arith.constant 9 : i32
      %dma_start3A_794 = arith.constant 9 : i32
      %dma_start3A_795 = arith.constant 0 : i32
      %dma_start3A_796 = arith.constant 0 : i32
      %dma_start3A_797 = tpu.memref_slice %arg15[%dma_start3A_793, %dma_start3A_795, %dma_start3A_796] : memref<10x80x16xf32, #tpu.memory_space<vmem>> -> memref<1x80x16xf32, #tpu.memory_space<vmem>>
      %dma_start3A_798 = tpu.memref_squeeze %dma_start3A_797 : memref<1x80x16xf32, #tpu.memory_space<vmem>> -> memref<80x16xf32, #tpu.memory_space<vmem>>
      %dma_start3A_799 = arith.constant 0 : i32
      %dma_start3A_800 = tpu.memref_slice %arg9[%add3A_778, %dma_start3A_799] : memref<250x80xi32, #tpu.memory_space<vmem>> -> memref<1x80xi32, #tpu.memory_space<vmem>>
      %dma_start3A_801 = tpu.memref_squeeze %dma_start3A_800 : memref<1x80xi32, #tpu.memory_space<vmem>> -> memref<80xi32, #tpu.memory_space<vmem>>
      %dma_start3A_802 = arith.constant 0 : i32
      %dma_start3A_803 = arith.constant 0 : i32
      %dma_start3A_804 = tpu.memref_slice %arg16[%dma_start3A_802, %dma_start3A_803] : memref<10000x16xf32, #tpu.memory_space<vmem_shared>> -> memref<10000x16xf32, #tpu.memory_space<vmem_shared>>
      %dma_start3A_805 = tpu.memref_slice %arg19[%dma_start3A_794] : memref<10x!tpu.dma_semaphore, #tpu.memory_space<semaphore_mem>> -> memref<1x!tpu.dma_semaphore, #tpu.memory_space<semaphore_mem>>
      %dma_start3A_806 = tpu.memref_squeeze %dma_start3A_805 : memref<1x!tpu.dma_semaphore, #tpu.memory_space<semaphore_mem>> -> memref<!tpu.dma_semaphore, #tpu.memory_space<semaphore_mem>>
      tpu.enqueue_indirect_dma source(%dma_start3A_798 : memref<80x16xf32, #tpu.memory_space<vmem>>) target(%dma_start3A_804 : memref<10000x16xf32, #tpu.memory_space<vmem_shared>>) offsets(%dma_start3A_801 : memref<80xi32, #tpu.memory_space<vmem>>) semaphore(%dma_start3A_806 : memref<!tpu.dma_semaphore, #tpu.memory_space<semaphore_mem>>) {add = true}
      %add3A_807 = arith.constant 5 : i32
      %add3A_808 = arith.addi %add3A_777, %add3A_807 : i32
      %lt3A_809 = arith.constant 125 : i32
      %lt3A_810 = arith.cmpi slt, %add3A_808, %lt3A_809 : i32
      %convert_element_type3A_811 = arith.extui %lt3A_810 : i1 to i32
      %cond3A_812 = arith.constant 0 : i32
      %cond3A_813 = arith.cmpi ne, %convert_element_type3A_811, %cond3A_812 : i32
      scf.if %cond3A_813 {
        %ge3A = arith.constant 5 : i32
        %ge3A_814 = arith.cmpi sge, %add3A_777, %ge3A : i32
        %convert_element_type3A_815 = arith.extui %ge3A_814 : i1 to i32
        %cond3A_816 = arith.constant 0 : i32
        %cond3A_817 = arith.cmpi ne, %convert_element_type3A_815, %cond3A_816 : i32
        scf.if %cond3A_817 {
          %sub3A = arith.constant 5 : i32
          %sub3A_834 = arith.subi %add3A_778, %sub3A : i32
          %dma_wait3A_835 = arith.constant 4 : i32
          %dma_wait3A_836 = arith.constant 4 : i32
          %dma_wait3A_837 = arith.constant 0 : i32
          %dma_wait3A_838 = arith.constant 0 : i32
          %dma_wait3A_839 = tpu.memref_slice %arg15[%dma_wait3A_835, %dma_wait3A_837, %dma_wait3A_838] : memref<10x80x16xf32, #tpu.memory_space<vmem>> -> memref<1x80x16xf32, #tpu.memory_space<vmem>>
          %dma_wait3A_840 = tpu.memref_squeeze %dma_wait3A_839 : memref<1x80x16xf32, #tpu.memory_space<vmem>> -> memref<80x16xf32, #tpu.memory_space<vmem>>
          %dma_wait3A_841 = arith.constant 0 : i32
          %dma_wait3A_842 = tpu.memref_slice %arg9[%sub3A_834, %dma_wait3A_841] : memref<250x80xi32, #tpu.memory_space<vmem>> -> memref<1x80xi32, #tpu.memory_space<vmem>>
          %dma_wait3A_843 = tpu.memref_squeeze %dma_wait3A_842 : memref<1x80xi32, #tpu.memory_space<vmem>> -> memref<80xi32, #tpu.memory_space<vmem>>
          %dma_wait3A_844 = arith.constant 0 : i32
          %dma_wait3A_845 = arith.constant 0 : i32
          %dma_wait3A_846 = tpu.memref_slice %arg16[%dma_wait3A_844, %dma_wait3A_845] : memref<10000x16xf32, #tpu.memory_space<vmem_shared>> -> memref<10000x16xf32, #tpu.memory_space<vmem_shared>>
          %dma_wait3A_847 = tpu.memref_slice %arg19[%dma_wait3A_836] : memref<10x!tpu.dma_semaphore, #tpu.memory_space<semaphore_mem>> -> memref<1x!tpu.dma_semaphore, #tpu.memory_space<semaphore_mem>>
          %dma_wait3A_848 = tpu.memref_squeeze %dma_wait3A_847 : memref<1x!tpu.dma_semaphore, #tpu.memory_space<semaphore_mem>> -> memref<!tpu.dma_semaphore, #tpu.memory_space<semaphore_mem>>
          tpu.wait_indirect_dma semaphore(%dma_wait3A_848 : memref<!tpu.dma_semaphore, #tpu.memory_space<semaphore_mem>>) src(%dma_wait3A_840 : memref<80x16xf32, #tpu.memory_space<vmem>>) dst(%dma_wait3A_846 : memref<10000x16xf32, #tpu.memory_space<vmem_shared>>)
        } else {
        }
        %add3A_818 = arith.constant 5 : i32
        %add3A_819 = arith.addi %add3A_778, %add3A_818 : i32
        %dma_start3A_820 = arith.constant 4 : i32
        %dma_start3A_821 = arith.constant 4 : i32
        %dma_start3A_822 = arith.constant 0 : i32
        %dma_start3A_823 = arith.constant 0 : i32
        %dma_start3A_824 = tpu.memref_slice %arg15[%dma_start3A_820, %dma_start3A_822, %dma_start3A_823] : memref<10x80x16xf32, #tpu.memory_space<vmem>> -> memref<1x80x16xf32, #tpu.memory_space<vmem>>
        %dma_start3A_825 = tpu.memref_squeeze %dma_start3A_824 : memref<1x80x16xf32, #tpu.memory_space<vmem>> -> memref<80x16xf32, #tpu.memory_space<vmem>>
        %dma_start3A_826 = arith.constant 0 : i32
        %dma_start3A_827 = tpu.memref_slice %arg8[%add3A_819, %dma_start3A_826] : memref<250x80xi32, #tpu.memory_space<vmem>> -> memref<1x80xi32, #tpu.memory_space<vmem>>
        %dma_start3A_828 = tpu.memref_squeeze %dma_start3A_827 : memref<1x80xi32, #tpu.memory_space<vmem>> -> memref<80xi32, #tpu.memory_space<vmem>>
        %dma_start3A_829 = arith.constant 0 : i32
        %dma_start3A_830 = arith.constant 0 : i32
        %dma_start3A_831 = tpu.memref_slice %arg17[%dma_start3A_829, %dma_start3A_830] : memref<10000x16xf32, #tpu.memory_space<vmem_shared>> -> memref<10000x16xf32, #tpu.memory_space<vmem_shared>>
        %dma_start3A_832 = tpu.memref_slice %arg18[%dma_start3A_821] : memref<10x!tpu.dma_semaphore, #tpu.memory_space<semaphore_mem>> -> memref<1x!tpu.dma_semaphore, #tpu.memory_space<semaphore_mem>>
        %dma_start3A_833 = tpu.memref_squeeze %dma_start3A_832 : memref<1x!tpu.dma_semaphore, #tpu.memory_space<semaphore_mem>> -> memref<!tpu.dma_semaphore, #tpu.memory_space<semaphore_mem>>
        tpu.enqueue_indirect_dma source(%dma_start3A_831 : memref<10000x16xf32, #tpu.memory_space<vmem_shared>>) target(%dma_start3A_825 : memref<80x16xf32, #tpu.memory_space<vmem>>) offsets(%dma_start3A_828 : memref<80xi32, #tpu.memory_space<vmem>>) semaphore(%dma_start3A_833 : memref<!tpu.dma_semaphore, #tpu.memory_space<semaphore_mem>>)
      } else {
      }
    }
    %scan3A_98 = arith.constant 12 : i32
    %add3A_99 = arith.constant 120 : i32
    %add3A_100 = arith.addi %mul3A_15, %add3A_99 : i32
    %dma_wait3A = arith.constant 0 : i32
    %dma_wait3A_101 = arith.constant 0 : i32
    %dma_wait3A_102 = arith.constant 0 : i32
    %dma_wait3A_103 = arith.constant 0 : i32
    %dma_wait3A_104 = tpu.memref_slice %arg15[%dma_wait3A, %dma_wait3A_102, %dma_wait3A_103] : memref<10x80x16xf32, #tpu.memory_space<vmem>> -> memref<1x80x16xf32, #tpu.memory_space<vmem>>
    %dma_wait3A_105 = tpu.memref_squeeze %dma_wait3A_104 : memref<1x80x16xf32, #tpu.memory_space<vmem>> -> memref<80x16xf32, #tpu.memory_space<vmem>>
    %dma_wait3A_106 = arith.constant 0 : i32
    %dma_wait3A_107 = tpu.memref_slice %arg8[%add3A_100, %dma_wait3A_106] : memref<250x80xi32, #tpu.memory_space<vmem>> -> memref<1x80xi32, #tpu.memory_space<vmem>>
    %dma_wait3A_108 = tpu.memref_squeeze %dma_wait3A_107 : memref<1x80xi32, #tpu.memory_space<vmem>> -> memref<80xi32, #tpu.memory_space<vmem>>
    %dma_wait3A_109 = arith.constant 0 : i32
    %dma_wait3A_110 = arith.constant 0 : i32
    %dma_wait3A_111 = tpu.memref_slice %arg17[%dma_wait3A_109, %dma_wait3A_110] : memref<10000x16xf32, #tpu.memory_space<vmem_shared>> -> memref<10000x16xf32, #tpu.memory_space<vmem_shared>>
    %dma_wait3A_112 = tpu.memref_slice %arg18[%dma_wait3A_101] : memref<10x!tpu.dma_semaphore, #tpu.memory_space<semaphore_mem>> -> memref<1x!tpu.dma_semaphore, #tpu.memory_space<semaphore_mem>>
    %dma_wait3A_113 = tpu.memref_squeeze %dma_wait3A_112 : memref<1x!tpu.dma_semaphore, #tpu.memory_space<semaphore_mem>> -> memref<!tpu.dma_semaphore, #tpu.memory_space<semaphore_mem>>
    tpu.wait_indirect_dma semaphore(%dma_wait3A_113 : memref<!tpu.dma_semaphore, #tpu.memory_space<semaphore_mem>>) src(%dma_wait3A_111 : memref<10000x16xf32, #tpu.memory_space<vmem_shared>>) dst(%dma_wait3A_105 : memref<80x16xf32, #tpu.memory_space<vmem>>)
    %dma_start3A_114 = arith.constant 0 : i32
    %dma_start3A_115 = arith.constant 0 : i32
    %dma_start3A_116 = arith.constant 0 : i32
    %dma_start3A_117 = arith.constant 0 : i32
    %dma_start3A_118 = tpu.memref_slice %arg15[%dma_start3A_114, %dma_start3A_116, %dma_start3A_117] : memref<10x80x16xf32, #tpu.memory_space<vmem>> -> memref<1x80x16xf32, #tpu.memory_space<vmem>>
    %dma_start3A_119 = tpu.memref_squeeze %dma_start3A_118 : memref<1x80x16xf32, #tpu.memory_space<vmem>> -> memref<80x16xf32, #tpu.memory_space<vmem>>
    %dma_start3A_120 = arith.constant 0 : i32
    %dma_start3A_121 = tpu.memref_slice %arg9[%add3A_100, %dma_start3A_120] : memref<250x80xi32, #tpu.memory_space<vmem>> -> memref<1x80xi32, #tpu.memory_space<vmem>>
    %dma_start3A_122 = tpu.memref_squeeze %dma_start3A_121 : memref<1x80xi32, #tpu.memory_space<vmem>> -> memref<80xi32, #tpu.memory_space<vmem>>
    %dma_start3A_123 = arith.constant 0 : i32
    %dma_start3A_124 = arith.constant 0 : i32
    %dma_start3A_125 = tpu.memref_slice %arg16[%dma_start3A_123, %dma_start3A_124] : memref<10000x16xf32, #tpu.memory_space<vmem_shared>> -> memref<10000x16xf32, #tpu.memory_space<vmem_shared>>
    %dma_start3A_126 = tpu.memref_slice %arg19[%dma_start3A_115] : memref<10x!tpu.dma_semaphore, #tpu.memory_space<semaphore_mem>> -> memref<1x!tpu.dma_semaphore, #tpu.memory_space<semaphore_mem>>
    %dma_start3A_127 = tpu.memref_squeeze %dma_start3A_126 : memref<1x!tpu.dma_semaphore, #tpu.memory_space<semaphore_mem>> -> memref<!tpu.dma_semaphore, #tpu.memory_space<semaphore_mem>>
    tpu.enqueue_indirect_dma source(%dma_start3A_119 : memref<80x16xf32, #tpu.memory_space<vmem>>) target(%dma_start3A_125 : memref<10000x16xf32, #tpu.memory_space<vmem_shared>>) offsets(%dma_start3A_122 : memref<80xi32, #tpu.memory_space<vmem>>) semaphore(%dma_start3A_127 : memref<!tpu.dma_semaphore, #tpu.memory_space<semaphore_mem>>) {add = true}
    %add3A_128 = arith.constant 121 : i32
    %add3A_129 = arith.addi %mul3A_15, %add3A_128 : i32
    %dma_wait3A_130 = arith.constant 1 : i32
    %dma_wait3A_131 = arith.constant 1 : i32
    %dma_wait3A_132 = arith.constant 0 : i32
    %dma_wait3A_133 = arith.constant 0 : i32
    %dma_wait3A_134 = tpu.memref_slice %arg15[%dma_wait3A_130, %dma_wait3A_132, %dma_wait3A_133] : memref<10x80x16xf32, #tpu.memory_space<vmem>> -> memref<1x80x16xf32, #tpu.memory_space<vmem>>
    %dma_wait3A_135 = tpu.memref_squeeze %dma_wait3A_134 : memref<1x80x16xf32, #tpu.memory_space<vmem>> -> memref<80x16xf32, #tpu.memory_space<vmem>>
    %dma_wait3A_136 = arith.constant 0 : i32
    %dma_wait3A_137 = tpu.memref_slice %arg8[%add3A_129, %dma_wait3A_136] : memref<250x80xi32, #tpu.memory_space<vmem>> -> memref<1x80xi32, #tpu.memory_space<vmem>>
    %dma_wait3A_138 = tpu.memref_squeeze %dma_wait3A_137 : memref<1x80xi32, #tpu.memory_space<vmem>> -> memref<80xi32, #tpu.memory_space<vmem>>
    %dma_wait3A_139 = arith.constant 0 : i32
    %dma_wait3A_140 = arith.constant 0 : i32
    %dma_wait3A_141 = tpu.memref_slice %arg17[%dma_wait3A_139, %dma_wait3A_140] : memref<10000x16xf32, #tpu.memory_space<vmem_shared>> -> memref<10000x16xf32, #tpu.memory_space<vmem_shared>>
    %dma_wait3A_142 = tpu.memref_slice %arg18[%dma_wait3A_131] : memref<10x!tpu.dma_semaphore, #tpu.memory_space<semaphore_mem>> -> memref<1x!tpu.dma_semaphore, #tpu.memory_space<semaphore_mem>>
    %dma_wait3A_143 = tpu.memref_squeeze %dma_wait3A_142 : memref<1x!tpu.dma_semaphore, #tpu.memory_space<semaphore_mem>> -> memref<!tpu.dma_semaphore, #tpu.memory_space<semaphore_mem>>
    tpu.wait_indirect_dma semaphore(%dma_wait3A_143 : memref<!tpu.dma_semaphore, #tpu.memory_space<semaphore_mem>>) src(%dma_wait3A_141 : memref<10000x16xf32, #tpu.memory_space<vmem_shared>>) dst(%dma_wait3A_135 : memref<80x16xf32, #tpu.memory_space<vmem>>)
    %dma_start3A_144 = arith.constant 1 : i32
    %dma_start3A_145 = arith.constant 1 : i32
    %dma_start3A_146 = arith.constant 0 : i32
    %dma_start3A_147 = arith.constant 0 : i32
    %dma_start3A_148 = tpu.memref_slice %arg15[%dma_start3A_144, %dma_start3A_146, %dma_start3A_147] : memref<10x80x16xf32, #tpu.memory_space<vmem>> -> memref<1x80x16xf32, #tpu.memory_space<vmem>>
    %dma_start3A_149 = tpu.memref_squeeze %dma_start3A_148 : memref<1x80x16xf32, #tpu.memory_space<vmem>> -> memref<80x16xf32, #tpu.memory_space<vmem>>
    %dma_start3A_150 = arith.constant 0 : i32
    %dma_start3A_151 = tpu.memref_slice %arg9[%add3A_129, %dma_start3A_150] : memref<250x80xi32, #tpu.memory_space<vmem>> -> memref<1x80xi32, #tpu.memory_space<vmem>>
    %dma_start3A_152 = tpu.memref_squeeze %dma_start3A_151 : memref<1x80xi32, #tpu.memory_space<vmem>> -> memref<80xi32, #tpu.memory_space<vmem>>
    %dma_start3A_153 = arith.constant 0 : i32
    %dma_start3A_154 = arith.constant 0 : i32
    %dma_start3A_155 = tpu.memref_slice %arg16[%dma_start3A_153, %dma_start3A_154] : memref<10000x16xf32, #tpu.memory_space<vmem_shared>> -> memref<10000x16xf32, #tpu.memory_space<vmem_shared>>
    %dma_start3A_156 = tpu.memref_slice %arg19[%dma_start3A_145] : memref<10x!tpu.dma_semaphore, #tpu.memory_space<semaphore_mem>> -> memref<1x!tpu.dma_semaphore, #tpu.memory_space<semaphore_mem>>
    %dma_start3A_157 = tpu.memref_squeeze %dma_start3A_156 : memref<1x!tpu.dma_semaphore, #tpu.memory_space<semaphore_mem>> -> memref<!tpu.dma_semaphore, #tpu.memory_space<semaphore_mem>>
    tpu.enqueue_indirect_dma source(%dma_start3A_149 : memref<80x16xf32, #tpu.memory_space<vmem>>) target(%dma_start3A_155 : memref<10000x16xf32, #tpu.memory_space<vmem_shared>>) offsets(%dma_start3A_152 : memref<80xi32, #tpu.memory_space<vmem>>) semaphore(%dma_start3A_157 : memref<!tpu.dma_semaphore, #tpu.memory_space<semaphore_mem>>) {add = true}
    %add3A_158 = arith.constant 122 : i32
    %add3A_159 = arith.addi %mul3A_15, %add3A_158 : i32
    %dma_wait3A_160 = arith.constant 2 : i32
    %dma_wait3A_161 = arith.constant 2 : i32
    %dma_wait3A_162 = arith.constant 0 : i32
    %dma_wait3A_163 = arith.constant 0 : i32
    %dma_wait3A_164 = tpu.memref_slice %arg15[%dma_wait3A_160, %dma_wait3A_162, %dma_wait3A_163] : memref<10x80x16xf32, #tpu.memory_space<vmem>> -> memref<1x80x16xf32, #tpu.memory_space<vmem>>
    %dma_wait3A_165 = tpu.memref_squeeze %dma_wait3A_164 : memref<1x80x16xf32, #tpu.memory_space<vmem>> -> memref<80x16xf32, #tpu.memory_space<vmem>>
    %dma_wait3A_166 = arith.constant 0 : i32
    %dma_wait3A_167 = tpu.memref_slice %arg8[%add3A_159, %dma_wait3A_166] : memref<250x80xi32, #tpu.memory_space<vmem>> -> memref<1x80xi32, #tpu.memory_space<vmem>>
    %dma_wait3A_168 = tpu.memref_squeeze %dma_wait3A_167 : memref<1x80xi32, #tpu.memory_space<vmem>> -> memref<80xi32, #tpu.memory_space<vmem>>
    %dma_wait3A_169 = arith.constant 0 : i32
    %dma_wait3A_170 = arith.constant 0 : i32
    %dma_wait3A_171 = tpu.memref_slice %arg17[%dma_wait3A_169, %dma_wait3A_170] : memref<10000x16xf32, #tpu.memory_space<vmem_shared>> -> memref<10000x16xf32, #tpu.memory_space<vmem_shared>>
    %dma_wait3A_172 = tpu.memref_slice %arg18[%dma_wait3A_161] : memref<10x!tpu.dma_semaphore, #tpu.memory_space<semaphore_mem>> -> memref<1x!tpu.dma_semaphore, #tpu.memory_space<semaphore_mem>>
    %dma_wait3A_173 = tpu.memref_squeeze %dma_wait3A_172 : memref<1x!tpu.dma_semaphore, #tpu.memory_space<semaphore_mem>> -> memref<!tpu.dma_semaphore, #tpu.memory_space<semaphore_mem>>
    tpu.wait_indirect_dma semaphore(%dma_wait3A_173 : memref<!tpu.dma_semaphore, #tpu.memory_space<semaphore_mem>>) src(%dma_wait3A_171 : memref<10000x16xf32, #tpu.memory_space<vmem_shared>>) dst(%dma_wait3A_165 : memref<80x16xf32, #tpu.memory_space<vmem>>)
    %dma_start3A_174 = arith.constant 2 : i32
    %dma_start3A_175 = arith.constant 2 : i32
    %dma_start3A_176 = arith.constant 0 : i32
    %dma_start3A_177 = arith.constant 0 : i32
    %dma_start3A_178 = tpu.memref_slice %arg15[%dma_start3A_174, %dma_start3A_176, %dma_start3A_177] : memref<10x80x16xf32, #tpu.memory_space<vmem>> -> memref<1x80x16xf32, #tpu.memory_space<vmem>>
    %dma_start3A_179 = tpu.memref_squeeze %dma_start3A_178 : memref<1x80x16xf32, #tpu.memory_space<vmem>> -> memref<80x16xf32, #tpu.memory_space<vmem>>
    %dma_start3A_180 = arith.constant 0 : i32
    %dma_start3A_181 = tpu.memref_slice %arg9[%add3A_159, %dma_start3A_180] : memref<250x80xi32, #tpu.memory_space<vmem>> -> memref<1x80xi32, #tpu.memory_space<vmem>>
    %dma_start3A_182 = tpu.memref_squeeze %dma_start3A_181 : memref<1x80xi32, #tpu.memory_space<vmem>> -> memref<80xi32, #tpu.memory_space<vmem>>
    %dma_start3A_183 = arith.constant 0 : i32
    %dma_start3A_184 = arith.constant 0 : i32
    %dma_start3A_185 = tpu.memref_slice %arg16[%dma_start3A_183, %dma_start3A_184] : memref<10000x16xf32, #tpu.memory_space<vmem_shared>> -> memref<10000x16xf32, #tpu.memory_space<vmem_shared>>
    %dma_start3A_186 = tpu.memref_slice %arg19[%dma_start3A_175] : memref<10x!tpu.dma_semaphore, #tpu.memory_space<semaphore_mem>> -> memref<1x!tpu.dma_semaphore, #tpu.memory_space<semaphore_mem>>
    %dma_start3A_187 = tpu.memref_squeeze %dma_start3A_186 : memref<1x!tpu.dma_semaphore, #tpu.memory_space<semaphore_mem>> -> memref<!tpu.dma_semaphore, #tpu.memory_space<semaphore_mem>>
    tpu.enqueue_indirect_dma source(%dma_start3A_179 : memref<80x16xf32, #tpu.memory_space<vmem>>) target(%dma_start3A_185 : memref<10000x16xf32, #tpu.memory_space<vmem_shared>>) offsets(%dma_start3A_182 : memref<80xi32, #tpu.memory_space<vmem>>) semaphore(%dma_start3A_187 : memref<!tpu.dma_semaphore, #tpu.memory_space<semaphore_mem>>) {add = true}
    %add3A_188 = arith.constant 123 : i32
    %add3A_189 = arith.addi %mul3A_15, %add3A_188 : i32
    %dma_wait3A_190 = arith.constant 3 : i32
    %dma_wait3A_191 = arith.constant 3 : i32
    %dma_wait3A_192 = arith.constant 0 : i32
    %dma_wait3A_193 = arith.constant 0 : i32
    %dma_wait3A_194 = tpu.memref_slice %arg15[%dma_wait3A_190, %dma_wait3A_192, %dma_wait3A_193] : memref<10x80x16xf32, #tpu.memory_space<vmem>> -> memref<1x80x16xf32, #tpu.memory_space<vmem>>
    %dma_wait3A_195 = tpu.memref_squeeze %dma_wait3A_194 : memref<1x80x16xf32, #tpu.memory_space<vmem>> -> memref<80x16xf32, #tpu.memory_space<vmem>>
    %dma_wait3A_196 = arith.constant 0 : i32
    %dma_wait3A_197 = tpu.memref_slice %arg8[%add3A_189, %dma_wait3A_196] : memref<250x80xi32, #tpu.memory_space<vmem>> -> memref<1x80xi32, #tpu.memory_space<vmem>>
    %dma_wait3A_198 = tpu.memref_squeeze %dma_wait3A_197 : memref<1x80xi32, #tpu.memory_space<vmem>> -> memref<80xi32, #tpu.memory_space<vmem>>
    %dma_wait3A_199 = arith.constant 0 : i32
    %dma_wait3A_200 = arith.constant 0 : i32
    %dma_wait3A_201 = tpu.memref_slice %arg17[%dma_wait3A_199, %dma_wait3A_200] : memref<10000x16xf32, #tpu.memory_space<vmem_shared>> -> memref<10000x16xf32, #tpu.memory_space<vmem_shared>>
    %dma_wait3A_202 = tpu.memref_slice %arg18[%dma_wait3A_191] : memref<10x!tpu.dma_semaphore, #tpu.memory_space<semaphore_mem>> -> memref<1x!tpu.dma_semaphore, #tpu.memory_space<semaphore_mem>>
    %dma_wait3A_203 = tpu.memref_squeeze %dma_wait3A_202 : memref<1x!tpu.dma_semaphore, #tpu.memory_space<semaphore_mem>> -> memref<!tpu.dma_semaphore, #tpu.memory_space<semaphore_mem>>
    tpu.wait_indirect_dma semaphore(%dma_wait3A_203 : memref<!tpu.dma_semaphore, #tpu.memory_space<semaphore_mem>>) src(%dma_wait3A_201 : memref<10000x16xf32, #tpu.memory_space<vmem_shared>>) dst(%dma_wait3A_195 : memref<80x16xf32, #tpu.memory_space<vmem>>)
    %dma_start3A_204 = arith.constant 3 : i32
    %dma_start3A_205 = arith.constant 3 : i32
    %dma_start3A_206 = arith.constant 0 : i32
    %dma_start3A_207 = arith.constant 0 : i32
    %dma_start3A_208 = tpu.memref_slice %arg15[%dma_start3A_204, %dma_start3A_206, %dma_start3A_207] : memref<10x80x16xf32, #tpu.memory_space<vmem>> -> memref<1x80x16xf32, #tpu.memory_space<vmem>>
    %dma_start3A_209 = tpu.memref_squeeze %dma_start3A_208 : memref<1x80x16xf32, #tpu.memory_space<vmem>> -> memref<80x16xf32, #tpu.memory_space<vmem>>
    %dma_start3A_210 = arith.constant 0 : i32
    %dma_start3A_211 = tpu.memref_slice %arg9[%add3A_189, %dma_start3A_210] : memref<250x80xi32, #tpu.memory_space<vmem>> -> memref<1x80xi32, #tpu.memory_space<vmem>>
    %dma_start3A_212 = tpu.memref_squeeze %dma_start3A_211 : memref<1x80xi32, #tpu.memory_space<vmem>> -> memref<80xi32, #tpu.memory_space<vmem>>
    %dma_start3A_213 = arith.constant 0 : i32
    %dma_start3A_214 = arith.constant 0 : i32
    %dma_start3A_215 = tpu.memref_slice %arg16[%dma_start3A_213, %dma_start3A_214] : memref<10000x16xf32, #tpu.memory_space<vmem_shared>> -> memref<10000x16xf32, #tpu.memory_space<vmem_shared>>
    %dma_start3A_216 = tpu.memref_slice %arg19[%dma_start3A_205] : memref<10x!tpu.dma_semaphore, #tpu.memory_space<semaphore_mem>> -> memref<1x!tpu.dma_semaphore, #tpu.memory_space<semaphore_mem>>
    %dma_start3A_217 = tpu.memref_squeeze %dma_start3A_216 : memref<1x!tpu.dma_semaphore, #tpu.memory_space<semaphore_mem>> -> memref<!tpu.dma_semaphore, #tpu.memory_space<semaphore_mem>>
    tpu.enqueue_indirect_dma source(%dma_start3A_209 : memref<80x16xf32, #tpu.memory_space<vmem>>) target(%dma_start3A_215 : memref<10000x16xf32, #tpu.memory_space<vmem_shared>>) offsets(%dma_start3A_212 : memref<80xi32, #tpu.memory_space<vmem>>) semaphore(%dma_start3A_217 : memref<!tpu.dma_semaphore, #tpu.memory_space<semaphore_mem>>) {add = true}
    %add3A_218 = arith.constant 124 : i32
    %add3A_219 = arith.addi %mul3A_15, %add3A_218 : i32
    %dma_wait3A_220 = arith.constant 4 : i32
    %dma_wait3A_221 = arith.constant 4 : i32
    %dma_wait3A_222 = arith.constant 0 : i32
    %dma_wait3A_223 = arith.constant 0 : i32
    %dma_wait3A_224 = tpu.memref_slice %arg15[%dma_wait3A_220, %dma_wait3A_222, %dma_wait3A_223] : memref<10x80x16xf32, #tpu.memory_space<vmem>> -> memref<1x80x16xf32, #tpu.memory_space<vmem>>
    %dma_wait3A_225 = tpu.memref_squeeze %dma_wait3A_224 : memref<1x80x16xf32, #tpu.memory_space<vmem>> -> memref<80x16xf32, #tpu.memory_space<vmem>>
    %dma_wait3A_226 = arith.constant 0 : i32
    %dma_wait3A_227 = tpu.memref_slice %arg8[%add3A_219, %dma_wait3A_226] : memref<250x80xi32, #tpu.memory_space<vmem>> -> memref<1x80xi32, #tpu.memory_space<vmem>>
    %dma_wait3A_228 = tpu.memref_squeeze %dma_wait3A_227 : memref<1x80xi32, #tpu.memory_space<vmem>> -> memref<80xi32, #tpu.memory_space<vmem>>
    %dma_wait3A_229 = arith.constant 0 : i32
    %dma_wait3A_230 = arith.constant 0 : i32
    %dma_wait3A_231 = tpu.memref_slice %arg17[%dma_wait3A_229, %dma_wait3A_230] : memref<10000x16xf32, #tpu.memory_space<vmem_shared>> -> memref<10000x16xf32, #tpu.memory_space<vmem_shared>>
    %dma_wait3A_232 = tpu.memref_slice %arg18[%dma_wait3A_221] : memref<10x!tpu.dma_semaphore, #tpu.memory_space<semaphore_mem>> -> memref<1x!tpu.dma_semaphore, #tpu.memory_space<semaphore_mem>>
    %dma_wait3A_233 = tpu.memref_squeeze %dma_wait3A_232 : memref<1x!tpu.dma_semaphore, #tpu.memory_space<semaphore_mem>> -> memref<!tpu.dma_semaphore, #tpu.memory_space<semaphore_mem>>
    tpu.wait_indirect_dma semaphore(%dma_wait3A_233 : memref<!tpu.dma_semaphore, #tpu.memory_space<semaphore_mem>>) src(%dma_wait3A_231 : memref<10000x16xf32, #tpu.memory_space<vmem_shared>>) dst(%dma_wait3A_225 : memref<80x16xf32, #tpu.memory_space<vmem>>)
    %dma_start3A_234 = arith.constant 4 : i32
    %dma_start3A_235 = arith.constant 4 : i32
    %dma_start3A_236 = arith.constant 0 : i32
    %dma_start3A_237 = arith.constant 0 : i32
    %dma_start3A_238 = tpu.memref_slice %arg15[%dma_start3A_234, %dma_start3A_236, %dma_start3A_237] : memref<10x80x16xf32, #tpu.memory_space<vmem>> -> memref<1x80x16xf32, #tpu.memory_space<vmem>>
    %dma_start3A_239 = tpu.memref_squeeze %dma_start3A_238 : memref<1x80x16xf32, #tpu.memory_space<vmem>> -> memref<80x16xf32, #tpu.memory_space<vmem>>
    %dma_start3A_240 = arith.constant 0 : i32
    %dma_start3A_241 = tpu.memref_slice %arg9[%add3A_219, %dma_start3A_240] : memref<250x80xi32, #tpu.memory_space<vmem>> -> memref<1x80xi32, #tpu.memory_space<vmem>>
    %dma_start3A_242 = tpu.memref_squeeze %dma_start3A_241 : memref<1x80xi32, #tpu.memory_space<vmem>> -> memref<80xi32, #tpu.memory_space<vmem>>
    %dma_start3A_243 = arith.constant 0 : i32
    %dma_start3A_244 = arith.constant 0 : i32
    %dma_start3A_245 = tpu.memref_slice %arg16[%dma_start3A_243, %dma_start3A_244] : memref<10000x16xf32, #tpu.memory_space<vmem_shared>> -> memref<10000x16xf32, #tpu.memory_space<vmem_shared>>
    %dma_start3A_246 = tpu.memref_slice %arg19[%dma_start3A_235] : memref<10x!tpu.dma_semaphore, #tpu.memory_space<semaphore_mem>> -> memref<1x!tpu.dma_semaphore, #tpu.memory_space<semaphore_mem>>
    %dma_start3A_247 = tpu.memref_squeeze %dma_start3A_246 : memref<1x!tpu.dma_semaphore, #tpu.memory_space<semaphore_mem>> -> memref<!tpu.dma_semaphore, #tpu.memory_space<semaphore_mem>>
    tpu.enqueue_indirect_dma source(%dma_start3A_239 : memref<80x16xf32, #tpu.memory_space<vmem>>) target(%dma_start3A_245 : memref<10000x16xf32, #tpu.memory_space<vmem_shared>>) offsets(%dma_start3A_242 : memref<80xi32, #tpu.memory_space<vmem>>) semaphore(%dma_start3A_247 : memref<!tpu.dma_semaphore, #tpu.memory_space<semaphore_mem>>) {add = true}
    %add3A_248 = arith.constant 115 : i32
    %add3A_249 = arith.addi %mul3A_15, %add3A_248 : i32
    %dma_wait3A_250 = arith.constant 0 : i32
    %dma_wait3A_251 = arith.constant 0 : i32
    %dma_wait3A_252 = arith.constant 0 : i32
    %dma_wait3A_253 = arith.constant 0 : i32
    %dma_wait3A_254 = tpu.memref_slice %arg15[%dma_wait3A_250, %dma_wait3A_252, %dma_wait3A_253] : memref<10x80x16xf32, #tpu.memory_space<vmem>> -> memref<1x80x16xf32, #tpu.memory_space<vmem>>
    %dma_wait3A_255 = tpu.memref_squeeze %dma_wait3A_254 : memref<1x80x16xf32, #tpu.memory_space<vmem>> -> memref<80x16xf32, #tpu.memory_space<vmem>>
    %dma_wait3A_256 = arith.constant 0 : i32
    %dma_wait3A_257 = tpu.memref_slice %arg9[%add3A_249, %dma_wait3A_256] : memref<250x80xi32, #tpu.memory_space<vmem>> -> memref<1x80xi32, #tpu.memory_space<vmem>>
    %dma_wait3A_258 = tpu.memref_squeeze %dma_wait3A_257 : memref<1x80xi32, #tpu.memory_space<vmem>> -> memref<80xi32, #tpu.memory_space<vmem>>
    %dma_wait3A_259 = arith.constant 0 : i32
    %dma_wait3A_260 = arith.constant 0 : i32
    %dma_wait3A_261 = tpu.memref_slice %arg16[%dma_wait3A_259, %dma_wait3A_260] : memref<10000x16xf32, #tpu.memory_space<vmem_shared>> -> memref<10000x16xf32, #tpu.memory_space<vmem_shared>>
    %dma_wait3A_262 = tpu.memref_slice %arg19[%dma_wait3A_251] : memref<10x!tpu.dma_semaphore, #tpu.memory_space<semaphore_mem>> -> memref<1x!tpu.dma_semaphore, #tpu.memory_space<semaphore_mem>>
    %dma_wait3A_263 = tpu.memref_squeeze %dma_wait3A_262 : memref<1x!tpu.dma_semaphore, #tpu.memory_space<semaphore_mem>> -> memref<!tpu.dma_semaphore, #tpu.memory_space<semaphore_mem>>
    tpu.wait_indirect_dma semaphore(%dma_wait3A_263 : memref<!tpu.dma_semaphore, #tpu.memory_space<semaphore_mem>>) src(%dma_wait3A_255 : memref<80x16xf32, #tpu.memory_space<vmem>>) dst(%dma_wait3A_261 : memref<10000x16xf32, #tpu.memory_space<vmem_shared>>)
    %add3A_264 = arith.constant 116 : i32
    %add3A_265 = arith.addi %mul3A_15, %add3A_264 : i32
    %dma_wait3A_266 = arith.constant 1 : i32
    %dma_wait3A_267 = arith.constant 1 : i32
    %dma_wait3A_268 = arith.constant 0 : i32
    %dma_wait3A_269 = arith.constant 0 : i32
    %dma_wait3A_270 = tpu.memref_slice %arg15[%dma_wait3A_266, %dma_wait3A_268, %dma_wait3A_269] : memref<10x80x16xf32, #tpu.memory_space<vmem>> -> memref<1x80x16xf32, #tpu.memory_space<vmem>>
    %dma_wait3A_271 = tpu.memref_squeeze %dma_wait3A_270 : memref<1x80x16xf32, #tpu.memory_space<vmem>> -> memref<80x16xf32, #tpu.memory_space<vmem>>
    %dma_wait3A_272 = arith.constant 0 : i32
    %dma_wait3A_273 = tpu.memref_slice %arg9[%add3A_265, %dma_wait3A_272] : memref<250x80xi32, #tpu.memory_space<vmem>> -> memref<1x80xi32, #tpu.memory_space<vmem>>
    %dma_wait3A_274 = tpu.memref_squeeze %dma_wait3A_273 : memref<1x80xi32, #tpu.memory_space<vmem>> -> memref<80xi32, #tpu.memory_space<vmem>>
    %dma_wait3A_275 = arith.constant 0 : i32
    %dma_wait3A_276 = arith.constant 0 : i32
    %dma_wait3A_277 = tpu.memref_slice %arg16[%dma_wait3A_275, %dma_wait3A_276] : memref<10000x16xf32, #tpu.memory_space<vmem_shared>> -> memref<10000x16xf32, #tpu.memory_space<vmem_shared>>
    %dma_wait3A_278 = tpu.memref_slice %arg19[%dma_wait3A_267] : memref<10x!tpu.dma_semaphore, #tpu.memory_space<semaphore_mem>> -> memref<1x!tpu.dma_semaphore, #tpu.memory_space<semaphore_mem>>
    %dma_wait3A_279 = tpu.memref_squeeze %dma_wait3A_278 : memref<1x!tpu.dma_semaphore, #tpu.memory_space<semaphore_mem>> -> memref<!tpu.dma_semaphore, #tpu.memory_space<semaphore_mem>>
    tpu.wait_indirect_dma semaphore(%dma_wait3A_279 : memref<!tpu.dma_semaphore, #tpu.memory_space<semaphore_mem>>) src(%dma_wait3A_271 : memref<80x16xf32, #tpu.memory_space<vmem>>) dst(%dma_wait3A_277 : memref<10000x16xf32, #tpu.memory_space<vmem_shared>>)
    %add3A_280 = arith.constant 117 : i32
    %add3A_281 = arith.addi %mul3A_15, %add3A_280 : i32
    %dma_wait3A_282 = arith.constant 2 : i32
    %dma_wait3A_283 = arith.constant 2 : i32
    %dma_wait3A_284 = arith.constant 0 : i32
    %dma_wait3A_285 = arith.constant 0 : i32
    %dma_wait3A_286 = tpu.memref_slice %arg15[%dma_wait3A_282, %dma_wait3A_284, %dma_wait3A_285] : memref<10x80x16xf32, #tpu.memory_space<vmem>> -> memref<1x80x16xf32, #tpu.memory_space<vmem>>
    %dma_wait3A_287 = tpu.memref_squeeze %dma_wait3A_286 : memref<1x80x16xf32, #tpu.memory_space<vmem>> -> memref<80x16xf32, #tpu.memory_space<vmem>>
    %dma_wait3A_288 = arith.constant 0 : i32
    %dma_wait3A_289 = tpu.memref_slice %arg9[%add3A_281, %dma_wait3A_288] : memref<250x80xi32, #tpu.memory_space<vmem>> -> memref<1x80xi32, #tpu.memory_space<vmem>>
    %dma_wait3A_290 = tpu.memref_squeeze %dma_wait3A_289 : memref<1x80xi32, #tpu.memory_space<vmem>> -> memref<80xi32, #tpu.memory_space<vmem>>
    %dma_wait3A_291 = arith.constant 0 : i32
    %dma_wait3A_292 = arith.constant 0 : i32
    %dma_wait3A_293 = tpu.memref_slice %arg16[%dma_wait3A_291, %dma_wait3A_292] : memref<10000x16xf32, #tpu.memory_space<vmem_shared>> -> memref<10000x16xf32, #tpu.memory_space<vmem_shared>>
    %dma_wait3A_294 = tpu.memref_slice %arg19[%dma_wait3A_283] : memref<10x!tpu.dma_semaphore, #tpu.memory_space<semaphore_mem>> -> memref<1x!tpu.dma_semaphore, #tpu.memory_space<semaphore_mem>>
    %dma_wait3A_295 = tpu.memref_squeeze %dma_wait3A_294 : memref<1x!tpu.dma_semaphore, #tpu.memory_space<semaphore_mem>> -> memref<!tpu.dma_semaphore, #tpu.memory_space<semaphore_mem>>
    tpu.wait_indirect_dma semaphore(%dma_wait3A_295 : memref<!tpu.dma_semaphore, #tpu.memory_space<semaphore_mem>>) src(%dma_wait3A_287 : memref<80x16xf32, #tpu.memory_space<vmem>>) dst(%dma_wait3A_293 : memref<10000x16xf32, #tpu.memory_space<vmem_shared>>)
    %add3A_296 = arith.constant 118 : i32
    %add3A_297 = arith.addi %mul3A_15, %add3A_296 : i32
    %dma_wait3A_298 = arith.constant 3 : i32
    %dma_wait3A_299 = arith.constant 3 : i32
    %dma_wait3A_300 = arith.constant 0 : i32
    %dma_wait3A_301 = arith.constant 0 : i32
    %dma_wait3A_302 = tpu.memref_slice %arg15[%dma_wait3A_298, %dma_wait3A_300, %dma_wait3A_301] : memref<10x80x16xf32, #tpu.memory_space<vmem>> -> memref<1x80x16xf32, #tpu.memory_space<vmem>>
    %dma_wait3A_303 = tpu.memref_squeeze %dma_wait3A_302 : memref<1x80x16xf32, #tpu.memory_space<vmem>> -> memref<80x16xf32, #tpu.memory_space<vmem>>
    %dma_wait3A_304 = arith.constant 0 : i32
    %dma_wait3A_305 = tpu.memref_slice %arg9[%add3A_297, %dma_wait3A_304] : memref<250x80xi32, #tpu.memory_space<vmem>> -> memref<1x80xi32, #tpu.memory_space<vmem>>
    %dma_wait3A_306 = tpu.memref_squeeze %dma_wait3A_305 : memref<1x80xi32, #tpu.memory_space<vmem>> -> memref<80xi32, #tpu.memory_space<vmem>>
    %dma_wait3A_307 = arith.constant 0 : i32
    %dma_wait3A_308 = arith.constant 0 : i32
    %dma_wait3A_309 = tpu.memref_slice %arg16[%dma_wait3A_307, %dma_wait3A_308] : memref<10000x16xf32, #tpu.memory_space<vmem_shared>> -> memref<10000x16xf32, #tpu.memory_space<vmem_shared>>
    %dma_wait3A_310 = tpu.memref_slice %arg19[%dma_wait3A_299] : memref<10x!tpu.dma_semaphore, #tpu.memory_space<semaphore_mem>> -> memref<1x!tpu.dma_semaphore, #tpu.memory_space<semaphore_mem>>
    %dma_wait3A_311 = tpu.memref_squeeze %dma_wait3A_310 : memref<1x!tpu.dma_semaphore, #tpu.memory_space<semaphore_mem>> -> memref<!tpu.dma_semaphore, #tpu.memory_space<semaphore_mem>>
    tpu.wait_indirect_dma semaphore(%dma_wait3A_311 : memref<!tpu.dma_semaphore, #tpu.memory_space<semaphore_mem>>) src(%dma_wait3A_303 : memref<80x16xf32, #tpu.memory_space<vmem>>) dst(%dma_wait3A_309 : memref<10000x16xf32, #tpu.memory_space<vmem_shared>>)
    %add3A_312 = arith.constant 119 : i32
    %add3A_313 = arith.addi %mul3A_15, %add3A_312 : i32
    %dma_wait3A_314 = arith.constant 4 : i32
    %dma_wait3A_315 = arith.constant 4 : i32
    %dma_wait3A_316 = arith.constant 0 : i32
    %dma_wait3A_317 = arith.constant 0 : i32
    %dma_wait3A_318 = tpu.memref_slice %arg15[%dma_wait3A_314, %dma_wait3A_316, %dma_wait3A_317] : memref<10x80x16xf32, #tpu.memory_space<vmem>> -> memref<1x80x16xf32, #tpu.memory_space<vmem>>
    %dma_wait3A_319 = tpu.memref_squeeze %dma_wait3A_318 : memref<1x80x16xf32, #tpu.memory_space<vmem>> -> memref<80x16xf32, #tpu.memory_space<vmem>>
    %dma_wait3A_320 = arith.constant 0 : i32
    %dma_wait3A_321 = tpu.memref_slice %arg9[%add3A_313, %dma_wait3A_320] : memref<250x80xi32, #tpu.memory_space<vmem>> -> memref<1x80xi32, #tpu.memory_space<vmem>>
    %dma_wait3A_322 = tpu.memref_squeeze %dma_wait3A_321 : memref<1x80xi32, #tpu.memory_space<vmem>> -> memref<80xi32, #tpu.memory_space<vmem>>
    %dma_wait3A_323 = arith.constant 0 : i32
    %dma_wait3A_324 = arith.constant 0 : i32
    %dma_wait3A_325 = tpu.memref_slice %arg16[%dma_wait3A_323, %dma_wait3A_324] : memref<10000x16xf32, #tpu.memory_space<vmem_shared>> -> memref<10000x16xf32, #tpu.memory_space<vmem_shared>>
    %dma_wait3A_326 = tpu.memref_slice %arg19[%dma_wait3A_315] : memref<10x!tpu.dma_semaphore, #tpu.memory_space<semaphore_mem>> -> memref<1x!tpu.dma_semaphore, #tpu.memory_space<semaphore_mem>>
    %dma_wait3A_327 = tpu.memref_squeeze %dma_wait3A_326 : memref<1x!tpu.dma_semaphore, #tpu.memory_space<semaphore_mem>> -> memref<!tpu.dma_semaphore, #tpu.memory_space<semaphore_mem>>
    tpu.wait_indirect_dma semaphore(%dma_wait3A_327 : memref<!tpu.dma_semaphore, #tpu.memory_space<semaphore_mem>>) src(%dma_wait3A_319 : memref<80x16xf32, #tpu.memory_space<vmem>>) dst(%dma_wait3A_325 : memref<10000x16xf32, #tpu.memory_space<vmem_shared>>)
    %add3A_328 = arith.constant 120 : i32
    %add3A_329 = arith.addi %mul3A_15, %add3A_328 : i32
    %dma_wait3A_330 = arith.constant 5 : i32
    %dma_wait3A_331 = arith.constant 5 : i32
    %dma_wait3A_332 = arith.constant 0 : i32
    %dma_wait3A_333 = arith.constant 0 : i32
    %dma_wait3A_334 = tpu.memref_slice %arg15[%dma_wait3A_330, %dma_wait3A_332, %dma_wait3A_333] : memref<10x80x16xf32, #tpu.memory_space<vmem>> -> memref<1x80x16xf32, #tpu.memory_space<vmem>>
    %dma_wait3A_335 = tpu.memref_squeeze %dma_wait3A_334 : memref<1x80x16xf32, #tpu.memory_space<vmem>> -> memref<80x16xf32, #tpu.memory_space<vmem>>
    %dma_wait3A_336 = arith.constant 0 : i32
    %dma_wait3A_337 = tpu.memref_slice %arg9[%add3A_329, %dma_wait3A_336] : memref<250x80xi32, #tpu.memory_space<vmem>> -> memref<1x80xi32, #tpu.memory_space<vmem>>
    %dma_wait3A_338 = tpu.memref_squeeze %dma_wait3A_337 : memref<1x80xi32, #tpu.memory_space<vmem>> -> memref<80xi32, #tpu.memory_space<vmem>>
    %dma_wait3A_339 = arith.constant 0 : i32
    %dma_wait3A_340 = arith.constant 0 : i32
    %dma_wait3A_341 = tpu.memref_slice %arg16[%dma_wait3A_339, %dma_wait3A_340] : memref<10000x16xf32, #tpu.memory_space<vmem_shared>> -> memref<10000x16xf32, #tpu.memory_space<vmem_shared>>
    %dma_wait3A_342 = tpu.memref_slice %arg19[%dma_wait3A_331] : memref<10x!tpu.dma_semaphore, #tpu.memory_space<semaphore_mem>> -> memref<1x!tpu.dma_semaphore, #tpu.memory_space<semaphore_mem>>
    %dma_wait3A_343 = tpu.memref_squeeze %dma_wait3A_342 : memref<1x!tpu.dma_semaphore, #tpu.memory_space<semaphore_mem>> -> memref<!tpu.dma_semaphore, #tpu.memory_space<semaphore_mem>>
    tpu.wait_indirect_dma semaphore(%dma_wait3A_343 : memref<!tpu.dma_semaphore, #tpu.memory_space<semaphore_mem>>) src(%dma_wait3A_335 : memref<80x16xf32, #tpu.memory_space<vmem>>) dst(%dma_wait3A_341 : memref<10000x16xf32, #tpu.memory_space<vmem_shared>>)
    %add3A_344 = arith.constant 121 : i32
    %add3A_345 = arith.addi %mul3A_15, %add3A_344 : i32
    %dma_wait3A_346 = arith.constant 6 : i32
    %dma_wait3A_347 = arith.constant 6 : i32
    %dma_wait3A_348 = arith.constant 0 : i32
    %dma_wait3A_349 = arith.constant 0 : i32
    %dma_wait3A_350 = tpu.memref_slice %arg15[%dma_wait3A_346, %dma_wait3A_348, %dma_wait3A_349] : memref<10x80x16xf32, #tpu.memory_space<vmem>> -> memref<1x80x16xf32, #tpu.memory_space<vmem>>
    %dma_wait3A_351 = tpu.memref_squeeze %dma_wait3A_350 : memref<1x80x16xf32, #tpu.memory_space<vmem>> -> memref<80x16xf32, #tpu.memory_space<vmem>>
    %dma_wait3A_352 = arith.constant 0 : i32
    %dma_wait3A_353 = tpu.memref_slice %arg9[%add3A_345, %dma_wait3A_352] : memref<250x80xi32, #tpu.memory_space<vmem>> -> memref<1x80xi32, #tpu.memory_space<vmem>>
    %dma_wait3A_354 = tpu.memref_squeeze %dma_wait3A_353 : memref<1x80xi32, #tpu.memory_space<vmem>> -> memref<80xi32, #tpu.memory_space<vmem>>
    %dma_wait3A_355 = arith.constant 0 : i32
    %dma_wait3A_356 = arith.constant 0 : i32
    %dma_wait3A_357 = tpu.memref_slice %arg16[%dma_wait3A_355, %dma_wait3A_356] : memref<10000x16xf32, #tpu.memory_space<vmem_shared>> -> memref<10000x16xf32, #tpu.memory_space<vmem_shared>>
    %dma_wait3A_358 = tpu.memref_slice %arg19[%dma_wait3A_347] : memref<10x!tpu.dma_semaphore, #tpu.memory_space<semaphore_mem>> -> memref<1x!tpu.dma_semaphore, #tpu.memory_space<semaphore_mem>>
    %dma_wait3A_359 = tpu.memref_squeeze %dma_wait3A_358 : memref<1x!tpu.dma_semaphore, #tpu.memory_space<semaphore_mem>> -> memref<!tpu.dma_semaphore, #tpu.memory_space<semaphore_mem>>
    tpu.wait_indirect_dma semaphore(%dma_wait3A_359 : memref<!tpu.dma_semaphore, #tpu.memory_space<semaphore_mem>>) src(%dma_wait3A_351 : memref<80x16xf32, #tpu.memory_space<vmem>>) dst(%dma_wait3A_357 : memref<10000x16xf32, #tpu.memory_space<vmem_shared>>)
    %add3A_360 = arith.constant 122 : i32
    %add3A_361 = arith.addi %mul3A_15, %add3A_360 : i32
    %dma_wait3A_362 = arith.constant 7 : i32
    %dma_wait3A_363 = arith.constant 7 : i32
    %dma_wait3A_364 = arith.constant 0 : i32
    %dma_wait3A_365 = arith.constant 0 : i32
    %dma_wait3A_366 = tpu.memref_slice %arg15[%dma_wait3A_362, %dma_wait3A_364, %dma_wait3A_365] : memref<10x80x16xf32, #tpu.memory_space<vmem>> -> memref<1x80x16xf32, #tpu.memory_space<vmem>>
    %dma_wait3A_367 = tpu.memref_squeeze %dma_wait3A_366 : memref<1x80x16xf32, #tpu.memory_space<vmem>> -> memref<80x16xf32, #tpu.memory_space<vmem>>
    %dma_wait3A_368 = arith.constant 0 : i32
    %dma_wait3A_369 = tpu.memref_slice %arg9[%add3A_361, %dma_wait3A_368] : memref<250x80xi32, #tpu.memory_space<vmem>> -> memref<1x80xi32, #tpu.memory_space<vmem>>
    %dma_wait3A_370 = tpu.memref_squeeze %dma_wait3A_369 : memref<1x80xi32, #tpu.memory_space<vmem>> -> memref<80xi32, #tpu.memory_space<vmem>>
    %dma_wait3A_371 = arith.constant 0 : i32
    %dma_wait3A_372 = arith.constant 0 : i32
    %dma_wait3A_373 = tpu.memref_slice %arg16[%dma_wait3A_371, %dma_wait3A_372] : memref<10000x16xf32, #tpu.memory_space<vmem_shared>> -> memref<10000x16xf32, #tpu.memory_space<vmem_shared>>
    %dma_wait3A_374 = tpu.memref_slice %arg19[%dma_wait3A_363] : memref<10x!tpu.dma_semaphore, #tpu.memory_space<semaphore_mem>> -> memref<1x!tpu.dma_semaphore, #tpu.memory_space<semaphore_mem>>
    %dma_wait3A_375 = tpu.memref_squeeze %dma_wait3A_374 : memref<1x!tpu.dma_semaphore, #tpu.memory_space<semaphore_mem>> -> memref<!tpu.dma_semaphore, #tpu.memory_space<semaphore_mem>>
    tpu.wait_indirect_dma semaphore(%dma_wait3A_375 : memref<!tpu.dma_semaphore, #tpu.memory_space<semaphore_mem>>) src(%dma_wait3A_367 : memref<80x16xf32, #tpu.memory_space<vmem>>) dst(%dma_wait3A_373 : memref<10000x16xf32, #tpu.memory_space<vmem_shared>>)
    %add3A_376 = arith.constant 123 : i32
    %add3A_377 = arith.addi %mul3A_15, %add3A_376 : i32
    %dma_wait3A_378 = arith.constant 8 : i32
    %dma_wait3A_379 = arith.constant 8 : i32
    %dma_wait3A_380 = arith.constant 0 : i32
    %dma_wait3A_381 = arith.constant 0 : i32
    %dma_wait3A_382 = tpu.memref_slice %arg15[%dma_wait3A_378, %dma_wait3A_380, %dma_wait3A_381] : memref<10x80x16xf32, #tpu.memory_space<vmem>> -> memref<1x80x16xf32, #tpu.memory_space<vmem>>
    %dma_wait3A_383 = tpu.memref_squeeze %dma_wait3A_382 : memref<1x80x16xf32, #tpu.memory_space<vmem>> -> memref<80x16xf32, #tpu.memory_space<vmem>>
    %dma_wait3A_384 = arith.constant 0 : i32
    %dma_wait3A_385 = tpu.memref_slice %arg9[%add3A_377, %dma_wait3A_384] : memref<250x80xi32, #tpu.memory_space<vmem>> -> memref<1x80xi32, #tpu.memory_space<vmem>>
    %dma_wait3A_386 = tpu.memref_squeeze %dma_wait3A_385 : memref<1x80xi32, #tpu.memory_space<vmem>> -> memref<80xi32, #tpu.memory_space<vmem>>
    %dma_wait3A_387 = arith.constant 0 : i32
    %dma_wait3A_388 = arith.constant 0 : i32
    %dma_wait3A_389 = tpu.memref_slice %arg16[%dma_wait3A_387, %dma_wait3A_388] : memref<10000x16xf32, #tpu.memory_space<vmem_shared>> -> memref<10000x16xf32, #tpu.memory_space<vmem_shared>>
    %dma_wait3A_390 = tpu.memref_slice %arg19[%dma_wait3A_379] : memref<10x!tpu.dma_semaphore, #tpu.memory_space<semaphore_mem>> -> memref<1x!tpu.dma_semaphore, #tpu.memory_space<semaphore_mem>>
    %dma_wait3A_391 = tpu.memref_squeeze %dma_wait3A_390 : memref<1x!tpu.dma_semaphore, #tpu.memory_space<semaphore_mem>> -> memref<!tpu.dma_semaphore, #tpu.memory_space<semaphore_mem>>
    tpu.wait_indirect_dma semaphore(%dma_wait3A_391 : memref<!tpu.dma_semaphore, #tpu.memory_space<semaphore_mem>>) src(%dma_wait3A_383 : memref<80x16xf32, #tpu.memory_space<vmem>>) dst(%dma_wait3A_389 : memref<10000x16xf32, #tpu.memory_space<vmem_shared>>)
    %add3A_392 = arith.constant 124 : i32
    %add3A_393 = arith.addi %mul3A_15, %add3A_392 : i32
    %dma_wait3A_394 = arith.constant 9 : i32
    %dma_wait3A_395 = arith.constant 9 : i32
    %dma_wait3A_396 = arith.constant 0 : i32
    %dma_wait3A_397 = arith.constant 0 : i32
    %dma_wait3A_398 = tpu.memref_slice %arg15[%dma_wait3A_394, %dma_wait3A_396, %dma_wait3A_397] : memref<10x80x16xf32, #tpu.memory_space<vmem>> -> memref<1x80x16xf32, #tpu.memory_space<vmem>>
    %dma_wait3A_399 = tpu.memref_squeeze %dma_wait3A_398 : memref<1x80x16xf32, #tpu.memory_space<vmem>> -> memref<80x16xf32, #tpu.memory_space<vmem>>
    %dma_wait3A_400 = arith.constant 0 : i32
    %dma_wait3A_401 = tpu.memref_slice %arg9[%add3A_393, %dma_wait3A_400] : memref<250x80xi32, #tpu.memory_space<vmem>> -> memref<1x80xi32, #tpu.memory_space<vmem>>
    %dma_wait3A_402 = tpu.memref_squeeze %dma_wait3A_401 : memref<1x80xi32, #tpu.memory_space<vmem>> -> memref<80xi32, #tpu.memory_space<vmem>>
    %dma_wait3A_403 = arith.constant 0 : i32
    %dma_wait3A_404 = arith.constant 0 : i32
    %dma_wait3A_405 = tpu.memref_slice %arg16[%dma_wait3A_403, %dma_wait3A_404] : memref<10000x16xf32, #tpu.memory_space<vmem_shared>> -> memref<10000x16xf32, #tpu.memory_space<vmem_shared>>
    %dma_wait3A_406 = tpu.memref_slice %arg19[%dma_wait3A_395] : memref<10x!tpu.dma_semaphore, #tpu.memory_space<semaphore_mem>> -> memref<1x!tpu.dma_semaphore, #tpu.memory_space<semaphore_mem>>
    %dma_wait3A_407 = tpu.memref_squeeze %dma_wait3A_406 : memref<1x!tpu.dma_semaphore, #tpu.memory_space<semaphore_mem>> -> memref<!tpu.dma_semaphore, #tpu.memory_space<semaphore_mem>>
    tpu.wait_indirect_dma semaphore(%dma_wait3A_407 : memref<!tpu.dma_semaphore, #tpu.memory_space<semaphore_mem>>) src(%dma_wait3A_399 : memref<80x16xf32, #tpu.memory_space<vmem>>) dst(%dma_wait3A_405 : memref<10000x16xf32, #tpu.memory_space<vmem_shared>>)
    %barrier3A_408 = arith.constant 0 : index
    tpu.barrier barrier_id(%barrier3A_408)
    "tpu.region"() ({
      %run_scoped3A_414 = tpu.sem_alloc : memref<!tpu.dma_semaphore, #tpu.memory_space<semaphore_mem>>
      %dma_start3A_415 = arith.constant 0 : i32
      %dma_start3A_416 = tpu.memref_slice %arg16[%mul3A_0, %dma_start3A_415] : memref<10000x16xf32, #tpu.memory_space<vmem_shared>> -> memref<625x16xf32, #tpu.memory_space<vmem_shared>>
      %dma_start3A_417 = arith.constant 0 : i32
      %dma_start3A_418 = tpu.memref_slice %arg16[%mul3A_0, %dma_start3A_417] : memref<10000x16xf32, #tpu.memory_space<vmem_shared>> -> memref<625x16xf32, #tpu.memory_space<vmem_shared>>
      tpu.enqueue_dma source(%dma_start3A_418 : memref<625x16xf32, #tpu.memory_space<vmem_shared>>) target(%arg12 : memref<625x16xf32, #tpu.memory_space<vmem>>) target_semaphore(%run_scoped3A_414 : memref<!tpu.dma_semaphore, #tpu.memory_space<semaphore_mem>>)
      %dma_wait3A_419 = arith.constant 0 : i32
      %dma_wait3A_420 = tpu.memref_slice %arg16[%mul3A_0, %dma_wait3A_419] : memref<10000x16xf32, #tpu.memory_space<vmem_shared>> -> memref<625x16xf32, #tpu.memory_space<vmem_shared>>
      %dma_wait3A_421 = arith.constant 0 : i32
      %dma_wait3A_422 = tpu.memref_slice %arg16[%mul3A_0, %dma_wait3A_421] : memref<10000x16xf32, #tpu.memory_space<vmem_shared>> -> memref<625x16xf32, #tpu.memory_space<vmem_shared>>
      tpu.wait_dma2 semaphore(%run_scoped3A_414 : memref<!tpu.dma_semaphore, #tpu.memory_space<semaphore_mem>>) src(%dma_wait3A_422 : memref<625x16xf32, #tpu.memory_space<vmem_shared>>) dst(%arg12 : memref<625x16xf32, #tpu.memory_space<vmem>>)
      tpu.yield
    }) : () -> ()
    %scan3A_409 = arith.constant 0 : i32
    %scan3A_410 = arith.constant 625 : i32
    %scan3A_411 = arith.addi %scan3A_409, %scan3A_410 : i32
    %scan3A_412 = arith.constant 1 : i32
    scf.for %scan3A_414 = %scan3A_409 to %scan3A_411 step %scan3A_412  : i32 {
      %get3A = arith.index_cast %scan3A_414 : i32 to index
      %get3A_415 = arith.constant 0 : index
      %get3A_416 = tpu.vector_load %arg13[%get3A, %get3A_415] {strides = array<i32>} : memref<625x16xf32, #tpu.memory_space<vmem>>, vector<16xf32>,
      %get3A_417 = arith.index_cast %scan3A_414 : i32 to index
      %get3A_418 = arith.constant 0 : index
      %get3A_419 = tpu.vector_load %arg12[%get3A_417, %get3A_418] {strides = array<i32>} : memref<625x16xf32, #tpu.memory_space<vmem>>, vector<16xf32>,
      %mul3A_420 = arith.mulf %get3A_416, %get3A_419 : vector<16xf32>
      %swap3A = arith.index_cast %scan3A_414 : i32 to index
      %swap3A_421 = arith.constant 0 : index
      %swap3A_422 = tpu.vector_load %arg12[%swap3A, %swap3A_421] {strides = array<i32>} : memref<625x16xf32, #tpu.memory_space<vmem>>, vector<16xf32>,
      tpu.vector_store %arg12[%swap3A, %swap3A_421], %mul3A_420 {strides = array<i32>} : memref<625x16xf32, #tpu.memory_space<vmem>>, vector<16xf32>,
    }
    %scan3A_413 = arith.constant 625 : i32
    "tpu.region"() ({
      %run_scoped3A_414 = tpu.sem_alloc : memref<!tpu.dma_semaphore, #tpu.memory_space<semaphore_mem>>
      %dma_start3A_415 = arith.constant 0 : i32
      %dma_start3A_416 = tpu.memref_slice %arg7[%arg0, %mul3A_0, %dma_start3A_415] : memref<2x10000x16xf32, #tpu.memory_space<hbm>> -> memref<1x625x16xf32, #tpu.memory_space<hbm>>
      %dma_start3A_417 = tpu.memref_squeeze %dma_start3A_416 : memref<1x625x16xf32, #tpu.memory_space<hbm>> -> memref<625x16xf32, #tpu.memory_space<hbm>>
      %dma_start3A_418 = arith.constant 0 : i32
      %dma_start3A_419 = tpu.memref_slice %arg7[%arg0, %mul3A_0, %dma_start3A_418] : memref<2x10000x16xf32, #tpu.memory_space<hbm>> -> memref<1x625x16xf32, #tpu.memory_space<hbm>>
      %dma_start3A_420 = tpu.memref_squeeze %dma_start3A_419 : memref<1x625x16xf32, #tpu.memory_space<hbm>> -> memref<625x16xf32, #tpu.memory_space<hbm>>
      tpu.enqueue_dma source(%arg12 : memref<625x16xf32, #tpu.memory_space<vmem>>) target(%dma_start3A_420 : memref<625x16xf32, #tpu.memory_space<hbm>>) target_semaphore(%run_scoped3A_414 : memref<!tpu.dma_semaphore, #tpu.memory_space<semaphore_mem>>)
      %dma_wait3A_421 = arith.constant 0 : i32
      %dma_wait3A_422 = tpu.memref_slice %arg7[%arg0, %mul3A_0, %dma_wait3A_421] : memref<2x10000x16xf32, #tpu.memory_space<hbm>> -> memref<1x625x16xf32, #tpu.memory_space<hbm>>
      %dma_wait3A_423 = tpu.memref_squeeze %dma_wait3A_422 : memref<1x625x16xf32, #tpu.memory_space<hbm>> -> memref<625x16xf32, #tpu.memory_space<hbm>>
      %dma_wait3A_424 = arith.constant 0 : i32
      %dma_wait3A_425 = tpu.memref_slice %arg7[%arg0, %mul3A_0, %dma_wait3A_424] : memref<2x10000x16xf32, #tpu.memory_space<hbm>> -> memref<1x625x16xf32, #tpu.memory_space<hbm>>
      %dma_wait3A_426 = tpu.memref_squeeze %dma_wait3A_425 : memref<1x625x16xf32, #tpu.memory_space<hbm>> -> memref<625x16xf32, #tpu.memory_space<hbm>>
      tpu.wait_dma2 semaphore(%run_scoped3A_414 : memref<!tpu.dma_semaphore, #tpu.memory_space<semaphore_mem>>) src(%arg12 : memref<625x16xf32, #tpu.memory_space<vmem>>) dst(%dma_wait3A_426 : memref<625x16xf32, #tpu.memory_space<hbm>>)
      tpu.yield
    }) : () -> ()
    return
  }
}

module attributes {stable_mosaic.version = 14 : i64} {
  func.func @body(%arg0: i32, %arg1: memref<2000x128xf32, #tpu.memory_space<vmem>>, %arg2: memref<128x16xf32, #tpu.memory_space<vmem>>, %arg3: memref<2000x16xf32, #tpu.memory_space<vmem>>) attributes {dimension_semantics = [#tpu.dimension_semantics<arbitrary>], iteration_bounds = array<i64: 5>, scalar_prefetch = 0 : i64, scratch_operands = 0 : i64, tpu.core_type = #tpu.core_type<tc>, window_params = [{transform_indices = @transform_0, window_bounds = array<i64: 2000, 128>}, {pipeline_mode = #tpu.pipeline_mode<synchronous>, transform_indices = @transform_1, window_bounds = array<i64: 128, 16>}, {transform_indices = @transform_2, window_bounds = array<i64: 2000, 16>}]} {
    %get3A = arith.constant 0 : index
    %get3A_0 = arith.constant 0 : index
    %get3A_1 = vector.load %arg1[%get3A, %get3A_0] : memref<2000x128xf32, #tpu.memory_space<vmem>>, vector<2000x128xf32>
    %get3A_2 = arith.constant 0 : index
    %get3A_3 = arith.constant 0 : index
    %get3A_4 = vector.load %arg2[%get3A_2, %get3A_3] : memref<128x16xf32, #tpu.memory_space<vmem>>, vector<128x16xf32>
    %dot_general3A = arith.constant dense<0.000000e+00> : vector<2000x16xf32>
    %dot_general3A_5 = tpu.matmul %get3A_1, %get3A_4, %dot_general3A {dimension_numbers = #tpu.dot_dimension_numbers<[1], [0], [0], [1], [0, 0, 1, 1], [], []>, transpose_lhs_hint = false} : vector<2000x128xf32>, vector<128x16xf32>, vector<2000x16xf32> -> vector<2000x16xf32>
    %swap3A = arith.constant 0 : index
    %swap3A_6 = arith.constant 0 : index
    %swap3A_7 = vector.load %arg3[%swap3A, %swap3A_6] : memref<2000x16xf32, #tpu.memory_space<vmem>>, vector<2000x16xf32>
    tpu.vector_store %arg3[%swap3A, %swap3A_6], %dot_general3A_5 {strides = array<i32>} : memref<2000x16xf32, #tpu.memory_space<vmem>>, vector<2000x16xf32>,
    return
  }
  func.func @transform_0(%arg0: i32) -> (i32, i32) {
    %c0_i32 = arith.constant 0 : i32
    %c0_i32_0 = arith.constant 0 : i32
    return %arg0, %c0_i32 : i32, i32
  }
  func.func @transform_1(%arg0: i32) -> (i32, i32) {
    %c0_i32 = arith.constant 0 : i32
    %c0_i32_0 = arith.constant 0 : i32
    %c0_i32_1 = arith.constant 0 : i32
    return %c0_i32, %c0_i32_0 : i32, i32
  }
  func.func @transform_2(%arg0: i32) -> (i32, i32) {
    %c0_i32 = arith.constant 0 : i32
    %c0_i32_0 = arith.constant 0 : i32
    return %arg0, %c0_i32 : i32, i32
  }
}

module attributes {stable_mosaic.version = 14 : i64} {
  func.func @body(%arg0: i32, %arg1: memref<2x2000x16xf32, #tpu.memory_space<vmem>>, %arg2: memref<16x40xf32, #tpu.memory_space<vmem>>, %arg3: memref<1x40xf32, #tpu.memory_space<vmem>>, %arg4: memref<2000x40xf32, #tpu.memory_space<vmem>>) attributes {dimension_semantics = [#tpu.dimension_semantics<arbitrary>], iteration_bounds = array<i64: 5>, scalar_prefetch = 0 : i64, scratch_operands = 0 : i64, tpu.core_type = #tpu.core_type<tc>, window_params = [{transform_indices = @transform_0, window_bounds = array<i64: 2, 2000, 16>}, {pipeline_mode = #tpu.pipeline_mode<synchronous>, transform_indices = @transform_1, window_bounds = array<i64: 16, 40>}, {pipeline_mode = #tpu.pipeline_mode<synchronous>, transform_indices = @transform_2, window_bounds = array<i64: 1, 40>}, {transform_indices = @transform_3, window_bounds = array<i64: 2000, 40>}]} {
    %get3A = arith.constant 0 : index
    %get3A_0 = arith.constant 0 : index
    %get3A_1 = arith.constant 0 : index
    %get3A_2 = vector.load %arg1[%get3A, %get3A_0, %get3A_1] : memref<2x2000x16xf32, #tpu.memory_space<vmem>>, vector<1x2000x16xf32>
    %get3A_3 = vector.shape_cast %get3A_2 : vector<1x2000x16xf32> to vector<2000x16xf32>
    %get3A_4 = arith.constant 1 : index
    %get3A_5 = arith.constant 0 : index
    %get3A_6 = arith.constant 0 : index
    %get3A_7 = vector.load %arg1[%get3A_4, %get3A_5, %get3A_6] : memref<2x2000x16xf32, #tpu.memory_space<vmem>>, vector<1x2000x16xf32>
    %get3A_8 = vector.shape_cast %get3A_7 : vector<1x2000x16xf32> to vector<2000x16xf32>
    %add3A = arith.addf %get3A_3, %get3A_8 : vector<2000x16xf32>
    %get3A_9 = arith.constant 0 : index
    %get3A_10 = arith.constant 0 : index
    %get3A_11 = vector.load %arg2[%get3A_9, %get3A_10] : memref<16x40xf32, #tpu.memory_space<vmem>>, vector<16x40xf32>
    %dot_general3A = arith.constant dense<0.000000e+00> : vector<2000x40xf32>
    %dot_general3A_12 = tpu.matmul %add3A, %get3A_11, %dot_general3A {dimension_numbers = #tpu.dot_dimension_numbers<[1], [0], [0], [1], [0, 0, 1, 1], [], []>, transpose_lhs_hint = false} : vector<2000x16xf32>, vector<16x40xf32>, vector<2000x40xf32> -> vector<2000x40xf32>
    %get3A_13 = arith.constant 0 : index
    %get3A_14 = arith.constant 0 : index
    %get3A_15 = vector.load %arg3[%get3A_13, %get3A_14] : memref<1x40xf32, #tpu.memory_space<vmem>>, vector<1x40xf32>
    %add3A_16 = vector.broadcast %get3A_15 : vector<1x40xf32> to vector<2000x40xf32>
    %add3A_17 = arith.addf %dot_general3A_12, %add3A_16 : vector<2000x40xf32>
    %reduce_max3A = arith.constant dense<0xFF800000> : vector<2000xf32>
    %reduce_max3A_18 = vector.multi_reduction <maximumf>, %add3A_17, %reduce_max3A [1] : vector<2000x40xf32> to vector<2000xf32>
    %broadcast_in_dim3A = vector.shape_cast %reduce_max3A_18 : vector<2000xf32> to vector<2000x1xf32>
    %sub3A = vector.broadcast %broadcast_in_dim3A : vector<2000x1xf32> to vector<2000x40xf32>
    %sub3A_19 = arith.subf %add3A_17, %sub3A : vector<2000x40xf32>
    %exp3A = math.exp %sub3A_19 : vector<2000x40xf32>
    %reduce_sum3A = arith.constant dense<0.000000e+00> : vector<2000xf32>
    %reduce_sum3A_20 = vector.multi_reduction <add>, %exp3A, %reduce_sum3A [1] : vector<2000x40xf32> to vector<2000xf32>
    %broadcast_in_dim3A_21 = vector.shape_cast %reduce_sum3A_20 : vector<2000xf32> to vector<2000x1xf32>
    %log3A = math.log %broadcast_in_dim3A_21 : vector<2000x1xf32>
    %sub3A_22 = vector.broadcast %log3A : vector<2000x1xf32> to vector<2000x40xf32>
    %sub3A_23 = arith.subf %sub3A_19, %sub3A_22 : vector<2000x40xf32>
    %swap3A = arith.constant 0 : index
    %swap3A_24 = arith.constant 0 : index
    %swap3A_25 = vector.load %arg4[%swap3A, %swap3A_24] : memref<2000x40xf32, #tpu.memory_space<vmem>>, vector<2000x40xf32>
    tpu.vector_store %arg4[%swap3A, %swap3A_24], %sub3A_23 {strides = array<i32>} : memref<2000x40xf32, #tpu.memory_space<vmem>>, vector<2000x40xf32>,
    return
  }
  func.func @transform_0(%arg0: i32) -> (i32, i32, i32) {
    %c0_i32 = arith.constant 0 : i32
    %c0_i32_0 = arith.constant 0 : i32
    %c0_i32_1 = arith.constant 0 : i32
    return %c0_i32, %arg0, %c0_i32_0 : i32, i32, i32
  }
  func.func @transform_1(%arg0: i32) -> (i32, i32) {
    %c0_i32 = arith.constant 0 : i32
    %c0_i32_0 = arith.constant 0 : i32
    %c0_i32_1 = arith.constant 0 : i32
    return %c0_i32, %c0_i32_0 : i32, i32
  }
  func.func @transform_2(%arg0: i32) -> (i32, i32) {
    %c0_i32 = arith.constant 0 : i32
    %c0_i32_0 = arith.constant 0 : i32
    %c0_i32_1 = arith.constant 0 : i32
    return %c0_i32, %c0_i32_0 : i32, i32
  }
  func.func @transform_3(%arg0: i32) -> (i32, i32) {
    %c0_i32 = arith.constant 0 : i32
    %c0_i32_0 = arith.constant 0 : i32
    return %arg0, %c0_i32 : i32, i32
  }
}

</mosaic_0001>

<sc_bundles>
// kernel: kernel.6.cloned.1.call-start
scs
__scs_entry_jumppad:
0x0: {  	(pc) =	sbr.rel $0x88, $3  }
0x1: {  	(tag) =	ssettag $0x0;
	lr =	simm.s32 $0x1  }
0x2: {  	[smem:$0x3F9B] =	sst lr;
	_ =	strace $0xD0000000  }
0x3: {  	_ = 	snop  }
0x4: {  	_ = 	snop  }
0x5: {  	_ = 	snop  }
0x6: {  	_ = 	snop  }
0x7: {  	_ = 	snop  }
__scs_overlays_trampoline_lowered:
0x8: {  	[smem:$0x3FAA] =	sst s0  }
0x9: {  	[smem:$0x3FAB] =	sst s1  }
0xa: {  	[smem:$0x3FAC] =	sst s2  }
0xb: {  	[smem:$0x3FAD] =	sst s3  }
0xc: {  	[smem:$0x3FAE] =	sst s4  }
0xd: {  	[smem:$0x3FAF] =	sst s5  }
0xe: {  	[smem:$0x3FB0] =	sst s6  }
0xf: {  	[smem:$0x3FB1] =	sst s7  }
0x10: {  	[smem:$0x3FB2] =	sst s8  }
0x11: {  	[smem:$0x3FB3] =	sst s9;
	s0 =	simm.s32 @!p0 $0x0  }
0x12: {  	s1 =	sld [smem:$0x3F99];
	s0 =	simm.s32 @p0 $0x1  }
0x13: {  	[smem:$0x3FB4] =	sst s0;
	s0 =	simm.s32 @!p1 $0x0  }
0x14: {  	s2 =	sld [smem:$0x3F98];
	s0 =	simm.s32 @p1 $0x1  }
0x15: {  	[smem:$0x3FB5] =	sst s0;
	s0 =	simm.s32 @!p2 $0x0  }
0x16: {  	s3 =	sld [smem:$0x3FDB];
	s0 =	simm.s32 @p2 $0x1  }
0x17: {  	s4 =	simm.s32 $0x1BF5;
	[smem:$0x3FB7] =	sst s0  }
0x18: {  	s0 =	sld [smem:$0x3F9A];
	_ =	swait.ge [sflag:s4], $0x0  }
0x19: {  	s7 =	sld [smem:$0x3F9B]  }
0x1a: {  	s8 =	sadd.s32 $0xFFFFE003, lr  }
0x1b: {  	s9 =	sadd.s32 $0xFFFFFEF7, lr;
	s5 =	simm.s32 $0xFFFFFFFF;
	p2 =	slt.u32 s8, $0xFFFFF086  }
0x1c: {  	p1 =	slt.u32 s9, $0xF7A;
	s5 =	simm.s32 @!p2 $0x0  }
0x1d: {  	s5 =	simm.s32 @p1 $0x1;
	p0 =	seq.s32 s7, s2  }
0x1e: {  	s7 =	smul.u32 @!p0 $0xF7A, s2;
	p2 =	seq.s32 @!p0 s5, $0x0  }
0x1f: {  	s9 =	smul.u32 $0xF7A, s1;
	s8 =	simm.s32 @!p0 $0x1BF5;
	p2 =	por !p2, p0  }
0x20: {  	[sflag:s8] =	ssyncset.s32 @!p0 $0xFFFFF086;
	s6 =	sadd.s32 @!p0 s3, s7;
	s7 =	simm.s32 @!p0 $0x108  }
0x21: {  	s3 =	sadd.s32 s3, s9;
	s6 =	sadd.s32 @!p0 $0x88, s6;
	s7 =	simm.s32 @p2 $0x1082  }
0x22: {  	[simem:s7], [sflag:s8] =	dma.local @!p0 [hbm:s6], $0xF7A  }
0x23: {  	s9 =	sor.u32 $0xD0000000, s2;
	s6 =	simm.s32 $0x108;
	_ =	swait.ge @!p0 [sflag:s8], $0x0  }
0x24: {  	s3 =	sadd.s32 $0x88, s3;
	s6 =	simm.s32 @!p1 $0x1082;
	[sflag:s4] =	ssyncset.s32 $0xFFFFF086  }
0x25: {  	[simem:s6], [sflag:s4] =	dma.local [hbm:s3], $0xF7A  }
0x26: {  	[smem:$0x3F9B] =	sst s1;
	(tag) =	ssettag s2;
	_ =	strace s9  }
0x27: {  	s1 =	sld [smem:$0x3FAB]  }
0x28: {  	s2 =	sld [smem:$0x3FAC]  }
0x29: {  	s4 =	sld [smem:$0x3FAE]  }
0x2a: {  	p0 =	seq.s32 s5, $0x0;
	s5 =	sld [smem:$0x3FAF]  }
0x2b: {  	s6 =	sld [smem:$0x3FB0]  }
0x2c: {  	s7 =	sld [smem:$0x3FB1]  }
0x2d: {  	s3 =	simm.s32 $0x108;
	s8 =	sld [smem:$0x3FB2]  }
0x2e: {  	s3 =	simm.s32 @!p0 $0x1082;
	s9 =	sld [smem:$0x3FB3]  }
0x2f: {  	lr =	sadd.s32 s0, s3;
	s0 =	sld [smem:$0x3FAA]  }
0x30: {  	s3 =	sld [smem:$0x3FAD]  }
0x31: {  	[smem:$0x3FB6] =	sst s10  }
0x32: {  	s10 =	sld [smem:$0x3FB4];
	_ =	sdelay $0x3  }
0x33: {  	p0 =	seq.s32 s10, $0x1;
	s10 =	sld [smem:$0x3FB6];
	_ =	sdelay $0x3  }
0x34: {  	[smem:$0x3FB6] =	sst s10  }
0x35: {  	s10 =	sld [smem:$0x3FB5];
	_ =	sdelay $0x3  }
0x36: {  	p1 =	seq.s32 s10, $0x1;
	s10 =	sld [smem:$0x3FB6];
	_ =	sdelay $0x3  }
0x37: {  	[smem:$0x3FB6] =	sst s10  }
0x38: {  	s10 =	sld [smem:$0x3FB7]  }
0x39: {  	_ = 	snop;
	(pc) =	sbr.ind lr, $3  }
0x3a: {  	_ = 	snop  }
0x3b: {  	_ = 	snop  }
0x3c: {  	p2 =	seq.s32 s10, $0x1;
	s10 =	sld [smem:$0x3FB6]  }
0x3d: {  	_ =	shalt  }
0x3e: {  	_ =	shalt  }
0x3f: {  	_ =	shalt  }
0x40: {  	_ =	shalt  }
0x41: {  	_ =	shalt  }
0x42: {  	_ =	shalt  }
0x43: {  	_ =	shalt  }
0x44: {  	_ =	shalt  }
0x45: {  	_ =	shalt  }
0x46: {  	_ =	shalt  }
0x47: {  	_ =	shalt  }
0x48: {  	_ =	shalt  }
0x49: {  	_ =	shalt  }
0x4a: {  	_ =	shalt  }
0x4b: {  	_ =	shalt  }
0x4c: {  	_ =	shalt  }
0x4d: {  	_ =	shalt  }
0x4e: {  	_ =	shalt  }
0x4f: {  	_ =	shalt  }
0x50: {  	_ =	shalt  }
0x51: {  	_ =	shalt  }
0x52: {  	_ =	shalt  }
0x53: {  	_ =	shalt  }
0x54: {  	_ =	shalt  }
0x55: {  	_ =	shalt  }
0x56: {  	_ =	shalt  }
0x57: {  	_ =	shalt  }
0x58: {  	_ =	shalt  }
0x59: {  	_ =	shalt  }
0x5a: {  	_ =	shalt  }
0x5b: {  	_ =	shalt  }
0x5c: {  	_ =	shalt  }
0x5d: {  	_ =	shalt  }
0x5e: {  	_ =	shalt  }
0x5f: {  	_ =	shalt  }
0x60: {  	_ =	shalt  }
0x61: {  	_ =	shalt  }
0x62: {  	_ =	shalt  }
0x63: {  	_ =	shalt  }
0x64: {  	_ =	shalt  }
0x65: {  	_ =	shalt  }
0x66: {  	_ =	shalt  }
0x67: {  	_ =	shalt  }
0x68: {  	_ =	shalt  }
0x69: {  	_ =	shalt  }
0x6a: {  	_ =	shalt  }
0x6b: {  	_ =	shalt  }
0x6c: {  	_ =	shalt  }
0x6d: {  	_ =	shalt  }
0x6e: {  	_ =	shalt  }
0x6f: {  	_ =	shalt  }
0x70: {  	_ =	shalt  }
0x71: {  	_ =	shalt  }
0x72: {  	_ =	shalt  }
0x73: {  	_ =	shalt  }
0x74: {  	_ =	shalt  }
0x75: {  	_ =	shalt  }
0x76: {  	_ =	shalt  }
0x77: {  	_ =	shalt  }
0x78: {  	_ =	shalt  }
0x79: {  	_ =	shalt  }
0x7a: {  	_ =	shalt  }
0x7b: {  	_ =	shalt  }
0x7c: {  	_ =	shalt  }
0x7d: {  	_ =	shalt  }
0x7e: {  	_ =	shalt  }
0x7f: {  	_ =	shalt  }
0x80: {  	_ =	shalt  }
0x81: {  	_ =	shalt  }
0x82: {  	_ =	shalt  }
0x83: {  	_ =	shalt  }
0x84: {  	_ =	shalt  }
0x85: {  	_ =	shalt  }
0x86: {  	_ =	shalt  }
0x87: {  	_ =	shalt  }
.Lfunc_end0:
.L_simem_size_0:
called_computation_lowered:
.L_overlay_start_0:
0x88: {  	s2 =	sld [smem:$0x3FD9]  }
0x89: {  	s3 =	sld [smem:$0x3FFE];
	_ =	sdelay $0x1  }
0x8a: {  	s1 =	srdreg.scid  }
0x8b: {  	s0 =	sand.u32 $0x1, s1  }
0x8c: {  	s17 =	sshll.u32 s0, $0xA;
	s2 =	sadd.s32 s3, s2  }
0x8d: {  	s2 =	sadd.s32 s2, s17  }
0x8e: {  	[smem:$0x3FC2] =	sst s2  }
0x8f: {  	_ = 	snop  }
0x90: {  	s2 =	sld [smem:$0x3FD0];
	(tm) =	ssettm $0x1  }
0x91: {  	s18 =	sld [smem:$0x3FFB];
	_ =	sdelay $0x3  }
0x92: {  	_ =	strace s18  }
0x93: {  	s3 =	sld [smem:$0x3FFC];
	_ =	sdelay $0x3  }
0x94: {  	_ =	strace s3  }
0x95: {  	s3 =	sld [smem:$0x3FFD];
	_ =	sdelay $0x3  }
0x96: {  	_ =	strace s3  }
0x97: {  	_ =	strace $0x8FFFFFFF  }
0x98: {  	s19 =	sld [smem:$0x3FDB];
	_ =	sdelay $0x1  }
0x99: {  	s4 =	simm.s32 $_scs_section_size  }
0x9a: {  	s5 =	simm.s32 $_size__tile_overlayer_lowered;
	s6 =	simm.s32 $_tile_overlayer_lowered  }
0x9b: {  	s22 =	simm.s32 $0x1BFF;
	s21 =	sshll.u32 s6, $0x1;
	s3 =	sadd.s32 s4, s19  }
0x9c: {  	s7 =	simm.s32 $0x0;
	s20 =	sshll.u32 s5, $0x1;
	s5 =	sadd.s32 s21, s3  }
0x9d: {  	[timem:s7], [sflag:s22] =	dma.local [hbm:s5], s20  }
0x9e: {  	_ =	swait.ge [sflag:s22], s20  }
0x9f: {  	s4 =	ssub.s32 $0x0, s20;
	[sflag:s22] =	ssyncset.done $0x0  }
0xa0: {  	[sflag:s22] =	ssyncadd.s32 s4;
	_ =	sdelay $0x1  }
0xa1: {  	s23 =	simm.s32 $0x1B8B  }
0xa2: {  	_ =	swait.ge [sflag:s23], $0x1  }
0xa3: {  	[sflag:s23] =	ssyncset.done $0x0  }
0xa4: {  	s25 =	simm.s32 $0x1B8E;
	s24 =	sld [smem:$0x3FFE];
	[sflag:s23] =	ssyncadd.s32 $0xFFFFFFFF  }
0xa5: {  	s26 =	simm.s32 $execute0_lowered;
	[smem:$0x3FD2] =	sst s25  }
0xa6: {  	s5 =	sshll.u32 s26, $0x1;
	_ =	strace $0x80000046;
	[dreg:$0x1] =	wrdreg $0xFFFFFFFF  }
0xa7: {  	s28 =	simm.s32 $_size_execute0_lowered;
	s3 =	sadd.s32 s3, s5;
	[dreg:$0x0] =	wrdreg $0x0  }
0xa8: {  	s5 =	sshll.u32 s28, $0x1;
	[dreg:$0x2] =	wrdreg s3  }
0xa9: {  	[dreg:$0x3] =	wrdreg s5  }
0xaa: {  	[dreg:$0x4] =	wrdreg $0xC0  }
0xab: {  	_ =	task [dreg:s7], $0x5FFFF  }
0xac: {  	[dreg:$0x1] =	wrdreg $0xFFFFFFFF  }
0xad: {  	[dreg:$0x0] =	wrdreg $0x60  }
0xae: {  	[dreg:$0x2] =	wrdreg s2  }
0xaf: {  	[dreg:$0x3] =	wrdreg s24  }
0xb0: {  	[dreg:$0x4] =	wrdreg $0x148700  }
0xb1: {  	[dreg:$0x5] =	wrdreg $0x16F800  }
0xb2: {  	[dreg:$0x6] =	wrdreg $0x9  }
0xb3: {  	_ =	task.clear_ibuf [dreg:s7], $0x7FFFF;
	_ =	strace $0x90000046  }
0xb4: {  	s29 =	simm.s32 $0x9;
	_ =	strace $0x80000048  }
0xb5: {  	_ =	swait.ge [sflag:s29], $0x1  }
0xb6: {  	[sflag:s29] =	ssyncadd.s32 $0xFFFFFFFF  }
0xb7: {  	_ =	strace $0x90000048  }
0xb8: {  	_ =	sfence  }
0xb9: {  	s30 =	sld [smem:$0x0];
	_ =	sdelay $0x2  }
0xba: {  	s31 =	sshll.u32 s1, $0xD;
	s1 =	sshrl.u32 s1, $0x2  }
0xbb: {  	s3 =	sand.u32 $0x4000, s31;
	s1 =	sadd.s32 s1, s30  }
0xbc: {  	s0 =	sor.u32 s3, s0;
	s1 =	sshll.u32 s1, $0x11  }
0xbd: {  	s0 =	sor.u32 s1, s0  }
0xbe: {  	s0 =	sadd.s32 $0x8F2B, s0  }
0xbf: {  	[sflag:s0] =	ssyncadd.remote.s32 $0x1  }
0xc0: {  	_ =	sfence.sel $0xFFFF  }
0xc1: {  	[dreg:$0x0] =	wrdreg $0xFFFFFFFF;
	(pc) =	sbr.abs _section_cstart, $3  }
0xc2: {  	[dreg:$0x1] =	wrdreg $0xFFFFFFFF  }
0xc3: {  	_ =	task.clear_ibuf [dreg:s7], $0x2FFFF;
	_ =	strace $0x9FFFFFFF  }
0xc4: {  	(tm) =	ssettm $0x7FFFFFFF  }
0xc5: {  	_ =	shalt  }
tec
execute0_lowered:
.L_overlay_start_1:
0x0: {  	(tag) =	ssettag $0x1  }
0x1: {  	s0 =	rddreg [dreg:$0x0]  }
0x2: {  	s1 =	rddreg [dreg:$0x1]  }
0x3: {  	s2 =	rddreg [dreg:$0x2]  }
0x4: {  	s3 =	rddreg [dreg:$0x3]  }
0x5: {  	s6 =	stileid.u32;
	s5 =	srdreg.scid  }
0x6: {  	s18 =	simm.s32 $0x0;
	s4 =	smul.u32 $0x4E20, s6;
	s5 =	sand.u32 $0x1, s5  }
0x7: {  	s6 =	smul.u32 $0x2710, s6;
	[smem:$0x7FF] =	sst s18;
	s9 =	sadd.s32 $0x14E00, s1  }
0x8: {  	s10 =	sadd.s32 $0x15000, s1;
	_ =	strace $0x80000047;
	[dreg:$0x7] =	wrdreg s9  }
0x9: {  	s7 =	smul.u32 $0x27100, s5;
	s8 =	ssub.s32 $0x2, s5;
	[dreg:$0x8] =	wrdreg s10  }
0xa: {  	s26 =	smul.u32 $0x9C40, s5;
	p0 =	seq.s32 s5, $0x0;
	s4 =	sshrl.u32 s4, $0x3  }
0xb: {  	s24 =	sshrl.u32 s8, $0x1;
	s22 =	sadd.s32 s6, s2;
	s12 =	sadd.s32 s6, s3  }
0xc: {  	s25 =	sshrl.u32 s6, $0x3;
	s4 =	sadd.s32 s4, s1;
	[dreg:$0xe] =	wrdreg s12  }
0xd: {  	s7 =	sadd.s32 s6, s7;
	s0 =	sadd.s32 s0, s25;
	[dreg:$0x9] =	wrdreg s22  }
0xe: {  	s7 =	sshrl.u32 s7, $0x3;
	s29 =	sadd.s32 $0x1400, s4;
	[dreg:$0xc] =	wrdreg s0  }
0xf: {  	s4 =	sadd.s32 $0xB040, s4;
	s0 =	simm.s32 $0xEF60;
	[dreg:$0xa] =	wrdreg s29  }
0x10: {  	s1 =	sadd.s32 s7, s1;
	[dreg:$0xb] =	wrdreg s4;
	s0 =	simm.s32 @!p0 $0xA140  }
0x11: {  	s7 =	ssub.s32 s8, s24;
	s24 =	sshrl.u32 s26, $0x2;
	[dreg:$0x1a] =	wrdreg s0  }
0x12: {  	s11 =	sadd.s32 $0x1F400, s1;
	[dreg:$0x6] =	wrdreg s24  }
0x13: {  	s31 =	simm.s32 $0x15;
	s13 =	sadd.s32 $0x50, s24;
	[dreg:$0xd] =	wrdreg s11  }
0x14: {  	s30 =	simm.s32 $0x9C40;
	s14 =	sadd.s32 $0xA0, s24;
	[dreg:$0xf] =	wrdreg s13  }
0x15: {  	s28 =	simm.s32 $0x7;
	s15 =	sadd.s32 $0xF0, s24;
	[dreg:$0x10] =	wrdreg s14  }
0x16: {  	s9 =	simm.s32 $0xF;
	s16 =	sadd.s32 $0x140, s24;
	[dreg:$0x11] =	wrdreg s15  }
0x17: {  	s10 =	simm.s32 $0x11;
	s17 =	sadd.s32 $0x4E20, s24;
	[dreg:$0x12] =	wrdreg s16  }
0x18: {  	s6 =	simm.s32 $0xD;
	s19 =	sadd.s32 $0x73A0, s24;
	[dreg:$0x5] =	wrdreg s17  }
0x19: {  	s12 =	simm.s32 $0x13;
	s20 =	sadd.s32 $0x73F0, s24;
	[dreg:$0x13] =	wrdreg s19  }
0x1a: {  	s8 =	simm.s32 $0xE;
	s21 =	sadd.s32 $0x7440, s24;
	[dreg:$0x14] =	wrdreg s20  }
0x1b: {  	s4 =	simm.s32 $0x13970;
	s23 =	sadd.s32 $0x7490, s24;
	[dreg:$0x15] =	wrdreg s21  }
0x1c: {  	s25 =	sadd.s32 $0x74E0, s24;
	s26 =	sadd.s32 $0x15600, s1;
	[dreg:$0x16] =	wrdreg s23  }
0x1d: {  	s29 =	smax.u32 s7, $0x1;
	s0 =	simm.s32 $0x50;
	[dreg:$0x17] =	wrdreg s25  }
0x1e: {  	s1 =	simm.s32 $0xC;
	s7 =	simm.s32 $0x10;
	[dreg:$0x18] =	wrdreg s26  }
0x1f: {  	[dreg:$0x19] =	wrdreg s29;
	s26 =	simm.s32 $0xB;
	s11 =	simm.s32 $0x12  }
0x20: {  	s14 =	simm.s32 $0x14;
	s15 =	simm.s32 $0x1;
	s19 =	simm.s32 $0x2  }
0x21: {  	s13 =	simm.s32 $0x13E70;
	s16 =	simm.s32 $0x14370;
	s17 =	simm.s32 $0x0  }
0x22: {  	s21 =	simm.s32 $0x1;
	s23 =	simm.s32 $0x2;
	s25 =	simm.s32 $0x3  }
.LBB2_1:
0x23: {  	s20 =	rddreg [dreg:$0x8];
	s24 =	simm.s32 $0xA140  }
0x24: {  	[tilespmem:s24], [sflag:$0x15] =	stream.linear.gather [hbm4b:s20+s18], $0x2710, $0x38;
	[tilespmem:$0x19690] =	vst v63  }
0x25: {  	_ =	swait.ge [sflag:s31], $0x2710  }
0x26: {  	[sflag:s31] =	ssyncset.done $0x0  }
0x27: {  	[sflag:s31] =	ssyncadd.s32 $0xFFFFD8F0  }
0x28: {  	[spmem:s22] =	stream.linear.scatter [tilespmem:s24], [sflag:$0x15], $0x2710, $0x38;
	[tilespmem:$0x19690] =	vst v63  }
0x29: {  	_ =	swait.ge [sflag:s31], $0x2710  }
0x2a: {  	[sflag:s31] =	ssyncset.done $0x0  }
0x2b: {  	s5 =	rddreg [dreg:$0x7];
	[sflag:s31] =	ssyncadd.s32 $0xFFFFD8F0  }
0x2c: {  	[tilespmem:s30], [sflag:$0x15] =	stream.linear.gather [hbm4b:s5+s18], $0x500, $0x38;
	[tilespmem:$0x19690] =	vst v63  }
0x2d: {  	_ =	swait.ge [sflag:s31], $0x500  }
0x2e: {  	[sflag:s31] =	ssyncset.done $0x0  }
0x2f: {  	s22 =	rddreg [dreg:$0xa];
	[sflag:s31] =	ssyncadd.s32 $0xFFFFFB00  }
0x30: {  	[tilespmem:s18], [sflag:$0x15] =	stream.linear.gather [hbm4b:s22+s18], $0x4E20, $0x38;
	[tilespmem:$0x19690] =	vst v63  }
0x31: {  	_ =	swait.ge [sflag:s31], $0x4E20  }
0x32: {  	[sflag:s31] =	ssyncset.done $0x0  }
0x33: {  	s29 =	simm.s32 $0x4E20;
	s24 =	rddreg [dreg:$0xb];
	[sflag:s31] =	ssyncadd.s32 $0xFFFFB1E0  }
0x34: {  	[tilespmem:s29], [sflag:$0x15] =	stream.linear.gather [hbm4b:s24+s18], $0x4E20, $0x38;
	[tilespmem:$0x19690] =	vst v63  }
0x35: {  	_ =	swait.ge [sflag:s31], $0x4E20  }
0x36: {  	[sflag:s31] =	ssyncset.done $0x0  }
0x37: {  	[sflag:s31] =	ssyncadd.s32 $0xFFFFB1E0  }
0x38: {  	[bflag:$0x0] =	sbarrier.arrive $0xFFFF  }
0x39: {  	[spmem:s2] =	stream.indirect.scatter.add.f32 [tilespmem:s30], [sflag:$0xB], $0x10, s29, s0, $0xb8;
	[tilespmem:$0x19690] =	vst v63  }
0x3a: {  	s31 =	simm.s32 $0x4E70  }
0x3b: {  	[spmem:s2] =	stream.indirect.scatter.add.f32 [tilespmem:s30], [sflag:$0xC], $0x10, s31, s0, $0xb8;
	[tilespmem:$0x19690] =	vst v63  }
0x3c: {  	s5 =	simm.s32 $0x4EC0  }
0x3d: {  	[spmem:s2] =	stream.indirect.scatter.add.f32 [tilespmem:s30], [sflag:$0xD], $0x10, s5, s0, $0xb8;
	[tilespmem:$0x19690] =	vst v63  }
0x3e: {  	s20 =	simm.s32 $0x4F10  }
0x3f: {  	[spmem:s2] =	stream.indirect.scatter.add.f32 [tilespmem:s30], [sflag:$0xE], $0x10, s20, s0, $0xb8;
	[tilespmem:$0x19690] =	vst v63  }
0x40: {  	s22 =	simm.s32 $0x4F60  }
0x41: {  	[spmem:s2] =	stream.indirect.scatter.add.f32 [tilespmem:s30], [sflag:$0xF], $0x10, s22, s0, $0xb8;
	[tilespmem:$0x19690] =	vst v63  }
0x42: {  	s24 =	simm.s32 $0x4FB0  }
0x43: {  	[spmem:s2] =	stream.indirect.scatter.add.f32 [tilespmem:s30], [sflag:$0x10], $0x10, s24, s0, $0xb8;
	[tilespmem:$0x19690] =	vst v63  }
0x44: {  	s29 =	simm.s32 $0x5000  }
0x45: {  	[spmem:s2] =	stream.indirect.scatter.add.f32 [tilespmem:s30], [sflag:$0x11], $0x10, s29, s0, $0xb8;
	[tilespmem:$0x19690] =	vst v63  }
0x46: {  	s31 =	simm.s32 $0x5050  }
0x47: {  	[spmem:s2] =	stream.indirect.scatter.add.f32 [tilespmem:s30], [sflag:$0x12], $0x10, s31, s0, $0xb8;
	[tilespmem:$0x19690] =	vst v63  }
0x48: {  	s5 =	simm.s32 $0x50A0  }
0x49: {  	[spmem:s2] =	stream.indirect.scatter.add.f32 [tilespmem:s30], [sflag:$0x13], $0x10, s5, s0, $0xb8;
	[tilespmem:$0x19690] =	vst v63  }
0x4a: {  	s20 =	simm.s32 $0x50F0  }
0x4b: {  	[spmem:s2] =	stream.indirect.scatter.add.f32 [tilespmem:s30], [sflag:$0x14], $0x10, s20, s0, $0xb8;
	[tilespmem:$0x19690] =	vst v63  }
0x4c: {  	s22 =	simm.s32 $0x5140  }
0x4d: {  	[spmem:s2] =	stream.indirect.scatter.add.f32 [tilespmem:s30], [sflag:$0xB], $0x10, s22, s0, $0xb8;
	[tilespmem:$0x19690] =	vst v63  }
0x4e: {  	_ =	swait.ge [sflag:s26], $0x500  }
0x4f: {  	[sflag:s26] =	ssyncset.done $0x0  }
0x50: {  	s24 =	simm.s32 $0x5190;
	[sflag:s26] =	ssyncadd.s32 $0xFFFFFB00  }
0x51: {  	[spmem:s2] =	stream.indirect.scatter.add.f32 [tilespmem:s30], [sflag:$0xC], $0x10, s24, s0, $0xb8;
	[tilespmem:$0x19690] =	vst v63  }
0x52: {  	_ =	swait.ge [sflag:s1], $0x500  }
0x53: {  	[sflag:s1] =	ssyncset.done $0x0  }
0x54: {  	s29 =	simm.s32 $0x51E0;
	[sflag:s1] =	ssyncadd.s32 $0xFFFFFB00  }
0x55: {  	[spmem:s2] =	stream.indirect.scatter.add.f32 [tilespmem:s30], [sflag:$0xD], $0x10, s29, s0, $0xb8;
	[tilespmem:$0x19690] =	vst v63  }
0x56: {  	_ =	swait.ge [sflag:s6], $0x500  }
0x57: {  	[sflag:s6] =	ssyncset.done $0x0  }
0x58: {  	s31 =	simm.s32 $0x5230;
	[sflag:s6] =	ssyncadd.s32 $0xFFFFFB00  }
0x59: {  	[spmem:s2] =	stream.indirect.scatter.add.f32 [tilespmem:s30], [sflag:$0xE], $0x10, s31, s0, $0xb8;
	[tilespmem:$0x19690] =	vst v63  }
0x5a: {  	_ =	swait.ge [sflag:s8], $0x500  }
0x5b: {  	[sflag:s8] =	ssyncset.done $0x0  }
0x5c: {  	s5 =	simm.s32 $0x5280;
	[sflag:s8] =	ssyncadd.s32 $0xFFFFFB00  }
0x5d: {  	[spmem:s2] =	stream.indirect.scatter.add.f32 [tilespmem:s30], [sflag:$0xF], $0x10, s5, s0, $0xb8;
	[tilespmem:$0x19690] =	vst v63  }
0x5e: {  	_ =	swait.ge [sflag:s9], $0x500  }
0x5f: {  	[sflag:s9] =	ssyncset.done $0x0  }
0x60: {  	s20 =	simm.s32 $0x52D0;
	[sflag:s9] =	ssyncadd.s32 $0xFFFFFB00  }
0x61: {  	[spmem:s2] =	stream.indirect.scatter.add.f32 [tilespmem:s30], [sflag:$0x10], $0x10, s20, s0, $0xb8;
	[tilespmem:$0x19690] =	vst v63  }
0x62: {  	_ =	swait.ge [sflag:s7], $0x500  }
0x63: {  	[sflag:s7] =	ssyncset.done $0x0  }
0x64: {  	s22 =	simm.s32 $0x5320;
	[sflag:s7] =	ssyncadd.s32 $0xFFFFFB00  }
0x65: {  	[spmem:s2] =	stream.indirect.scatter.add.f32 [tilespmem:s30], [sflag:$0x11], $0x10, s22, s0, $0xb8;
	[tilespmem:$0x19690] =	vst v63  }
0x66: {  	_ =	swait.ge [sflag:s10], $0x500  }
0x67: {  	[sflag:s10] =	ssyncset.done $0x0  }
0x68: {  	s24 =	simm.s32 $0x5370;
	[sflag:s10] =	ssyncadd.s32 $0xFFFFFB00  }
0x69: {  	[spmem:s2] =	stream.indirect.scatter.add.f32 [tilespmem:s30], [sflag:$0x12], $0x10, s24, s0, $0xb8;
	[tilespmem:$0x19690] =	vst v63  }
0x6a: {  	_ =	swait.ge [sflag:s11], $0x500  }
0x6b: {  	[sflag:s11] =	ssyncset.done $0x0  }
0x6c: {  	s29 =	simm.s32 $0x53C0;
	[sflag:s11] =	ssyncadd.s32 $0xFFFFFB00  }
0x6d: {  	[spmem:s2] =	stream.indirect.scatter.add.f32 [tilespmem:s30], [sflag:$0x13], $0x10, s29, s0, $0xb8;
	[tilespmem:$0x19690] =	vst v63  }
0x6e: {  	_ =	swait.ge [sflag:s12], $0x500  }
0x6f: {  	[sflag:s12] =	ssyncset.done $0x0  }
0x70: {  	s31 =	simm.s32 $0x5410;
	[sflag:s12] =	ssyncadd.s32 $0xFFFFFB00  }
0x71: {  	[spmem:s2] =	stream.indirect.scatter.add.f32 [tilespmem:s30], [sflag:$0x14], $0x10, s31, s0, $0xb8;
	[tilespmem:$0x19690] =	vst v63  }
0x72: {  	_ =	swait.ge [sflag:s14], $0x500  }
0x73: {  	s18 =	simm.s32 $0x320;
	s20 =	simm.s32 $0x1900;
	[sflag:s14] =	ssyncset.done $0x0  }
.LBB2_2:
0x74: {  	s24 =	sadd.s32 $0x5140, s18  }
0x75: {  	[sflag:s14] =	ssyncadd.s32 $0xFFFFFB00;
	s31 =	smov.u32 s20;
	s22 =	sadd.s32 $0xC80, s20  }
0x76: {  	[spmem:s2] =	stream.indirect.scatter.add.f32 [tilespmem:s30], [sflag:$0xB], $0x10, s24, s0, $0xb8;
	[tilespmem:$0x19690] =	vst v63  }
0x77: {  	p0 =	sne.s32 s20, $0x11F80;
	_ =	swait.ge [sflag:s26], $0x500  }
0x78: {  	[sflag:s26] =	ssyncset.done $0x0  }
0x79: {  	s20 =	sadd.s32 $0x5190, s18;
	[sflag:s26] =	ssyncadd.s32 $0xFFFFFB00  }
0x7a: {  	[spmem:s2] =	stream.indirect.scatter.add.f32 [tilespmem:s30], [sflag:$0xC], $0x10, s20, s0, $0xb8;
	[tilespmem:$0x19690] =	vst v63  }
0x7b: {  	_ =	swait.ge [sflag:s1], $0x500  }
0x7c: {  	[sflag:s1] =	ssyncset.done $0x0  }
0x7d: {  	s20 =	sadd.s32 $0x51E0, s18;
	[sflag:s1] =	ssyncadd.s32 $0xFFFFFB00  }
0x7e: {  	[spmem:s2] =	stream.indirect.scatter.add.f32 [tilespmem:s30], [sflag:$0xD], $0x10, s20, s0, $0xb8;
	[tilespmem:$0x19690] =	vst v63  }
0x7f: {  	_ =	swait.ge [sflag:s6], $0x500  }
0x80: {  	[sflag:s6] =	ssyncset.done $0x0  }
0x81: {  	s20 =	sadd.s32 $0x5230, s18;
	[sflag:s6] =	ssyncadd.s32 $0xFFFFFB00  }
0x82: {  	[spmem:s2] =	stream.indirect.scatter.add.f32 [tilespmem:s30], [sflag:$0xE], $0x10, s20, s0, $0xb8;
	[tilespmem:$0x19690] =	vst v63  }
0x83: {  	_ =	swait.ge [sflag:s8], $0x500  }
0x84: {  	[sflag:s8] =	ssyncset.done $0x0  }
0x85: {  	s20 =	sadd.s32 $0x5280, s18;
	[sflag:s8] =	ssyncadd.s32 $0xFFFFFB00  }
0x86: {  	[spmem:s2] =	stream.indirect.scatter.add.f32 [tilespmem:s30], [sflag:$0xF], $0x10, s20, s0, $0xb8;
	[tilespmem:$0x19690] =	vst v63  }
0x87: {  	_ =	swait.ge [sflag:s9], $0x500  }
0x88: {  	[sflag:s9] =	ssyncset.done $0x0  }
0x89: {  	s20 =	sadd.s32 $0x52D0, s18;
	[sflag:s9] =	ssyncadd.s32 $0xFFFFFB00  }
0x8a: {  	[spmem:s2] =	stream.indirect.scatter.add.f32 [tilespmem:s30], [sflag:$0x10], $0x10, s20, s0, $0xb8;
	[tilespmem:$0x19690] =	vst v63  }
0x8b: {  	_ =	swait.ge [sflag:s7], $0x500  }
0x8c: {  	[sflag:s7] =	ssyncset.done $0x0  }
0x8d: {  	s20 =	sadd.s32 $0x5320, s18;
	[sflag:s7] =	ssyncadd.s32 $0xFFFFFB00  }
0x8e: {  	[spmem:s2] =	stream.indirect.scatter.add.f32 [tilespmem:s30], [sflag:$0x11], $0x10, s20, s0, $0xb8;
	[tilespmem:$0x19690] =	vst v63  }
0x8f: {  	_ =	swait.ge [sflag:s10], $0x500  }
0x90: {  	[sflag:s10] =	ssyncset.done $0x0  }
0x91: {  	s20 =	sadd.s32 $0x5370, s18;
	[sflag:s10] =	ssyncadd.s32 $0xFFFFFB00  }
0x92: {  	[spmem:s2] =	stream.indirect.scatter.add.f32 [tilespmem:s30], [sflag:$0x12], $0x10, s20, s0, $0xb8;
	[tilespmem:$0x19690] =	vst v63  }
0x93: {  	_ =	swait.ge [sflag:s11], $0x500  }
0x94: {  	[sflag:s11] =	ssyncset.done $0x0  }
0x95: {  	s20 =	sadd.s32 $0x53C0, s18;
	[sflag:s11] =	ssyncadd.s32 $0xFFFFFB00  }
0x96: {  	[spmem:s2] =	stream.indirect.scatter.add.f32 [tilespmem:s30], [sflag:$0x13], $0x10, s20, s0, $0xb8;
	[tilespmem:$0x19690] =	vst v63  }
0x97: {  	_ =	swait.ge [sflag:s12], $0x500  }
.Ltmp0:
0x98: {  	[sflag:s12] =	ssyncset.done $0x0;
	(pc) =	sbr.rel @p0 .LBB2_2-.Ltmp0, $4  }
0x99: {  	s18 =	sadd.s32 $0x5410, s18;
	[sflag:s12] =	ssyncadd.s32 $0xFFFFFB00  }
0x9a: {  	[spmem:s2] =	stream.indirect.scatter.add.f32 [tilespmem:s30], [sflag:$0x14], $0x10, s18, s0, $0xb8;
	[tilespmem:$0x19690] =	vst v63  }
0x9b: {  	_ =	swait.ge [sflag:s14], $0x500  }
0x9c: {  	s20 =	smov.u32 s22;
	s18 =	sshra.s32 s31, $0x2;
	[sflag:s14] =	ssyncset.done $0x0  }
0x9d: {  	[dreg:$0x1b] =	wrdreg s17;
	s20 =	sadd.s32 $0x5140, s18;
	[sflag:s14] =	ssyncadd.s32 $0xFFFFFB00  }
0x9e: {  	[spmem:s2] =	stream.indirect.scatter.add.f32 [tilespmem:s30], [sflag:$0xB], $0x10, s20, s0, $0xb8;
	[tilespmem:$0x19690] =	vst v63  }
0x9f: {  	_ =	swait.ge [sflag:s26], $0x500  }
0xa0: {  	[sflag:s26] =	ssyncset.done $0x0  }
0xa1: {  	s22 =	sadd.s32 $0x5190, s18;
	[sflag:s26] =	ssyncadd.s32 $0xFFFFFB00  }
0xa2: {  	[spmem:s2] =	stream.indirect.scatter.add.f32 [tilespmem:s30], [sflag:$0xC], $0x10, s22, s0, $0xb8;
	[tilespmem:$0x19690] =	vst v63  }
0xa3: {  	_ =	swait.ge [sflag:s1], $0x500  }
0xa4: {  	[sflag:s1] =	ssyncset.done $0x0  }
0xa5: {  	s24 =	sadd.s32 $0x51E0, s18;
	[sflag:s1] =	ssyncadd.s32 $0xFFFFFB00  }
0xa6: {  	[spmem:s2] =	stream.indirect.scatter.add.f32 [tilespmem:s30], [sflag:$0xD], $0x10, s24, s0, $0xb8;
	[tilespmem:$0x19690] =	vst v63  }
0xa7: {  	_ =	swait.ge [sflag:s6], $0x500  }
0xa8: {  	[sflag:s6] =	ssyncset.done $0x0  }
0xa9: {  	s29 =	sadd.s32 $0x5230, s18;
	[sflag:s6] =	ssyncadd.s32 $0xFFFFFB00  }
0xaa: {  	[spmem:s2] =	stream.indirect.scatter.add.f32 [tilespmem:s30], [sflag:$0xE], $0x10, s29, s0, $0xb8;
	[tilespmem:$0x19690] =	vst v63  }
0xab: {  	_ =	swait.ge [sflag:s8], $0x500  }
0xac: {  	[sflag:s8] =	ssyncset.done $0x0  }
0xad: {  	s5 =	sadd.s32 $0x5280, s18;
	[sflag:s8] =	ssyncadd.s32 $0xFFFFFB00  }
0xae: {  	[spmem:s2] =	stream.indirect.scatter.add.f32 [tilespmem:s30], [sflag:$0xF], $0x10, s5, s0, $0xb8;
	[tilespmem:$0x19690] =	vst v63  }
0xaf: {  	_ =	swait.ge [sflag:s9], $0x500  }
0xb0: {  	[sflag:s9] =	ssyncset.done $0x0  }
0xb1: {  	s17 =	sadd.s32 $0x52D0, s18;
	[sflag:s9] =	ssyncadd.s32 $0xFFFFFB00  }
0xb2: {  	[spmem:s2] =	stream.indirect.scatter.add.f32 [tilespmem:s30], [sflag:$0x10], $0x10, s17, s0, $0xb8;
	[tilespmem:$0x19690] =	vst v63  }
0xb3: {  	_ =	swait.ge [sflag:s7], $0x500  }
0xb4: {  	[sflag:s7] =	ssyncset.done $0x0  }
0xb5: {  	s22 =	sadd.s32 $0x5320, s18;
	[sflag:s7] =	ssyncadd.s32 $0xFFFFFB00  }
0xb6: {  	[spmem:s2] =	stream.indirect.scatter.add.f32 [tilespmem:s30], [sflag:$0x11], $0x10, s22, s0, $0xb8;
	[tilespmem:$0x19690] =	vst v63  }
0xb7: {  	_ =	swait.ge [sflag:s10], $0x500  }
0xb8: {  	[sflag:s10] =	ssyncset.done $0x0  }
0xb9: {  	s24 =	sadd.s32 $0x5370, s18;
	[sflag:s10] =	ssyncadd.s32 $0xFFFFFB00  }
0xba: {  	[spmem:s2] =	stream.indirect.scatter.add.f32 [tilespmem:s30], [sflag:$0x12], $0x10, s24, s0, $0xb8;
	[tilespmem:$0x19690] =	vst v63  }
0xbb: {  	_ =	swait.ge [sflag:s11], $0x500  }
0xbc: {  	[sflag:s11] =	ssyncset.done $0x0  }
0xbd: {  	s29 =	sadd.s32 $0x53C0, s18;
	[sflag:s11] =	ssyncadd.s32 $0xFFFFFB00  }
0xbe: {  	[spmem:s2] =	stream.indirect.scatter.add.f32 [tilespmem:s30], [sflag:$0x13], $0x10, s29, s0, $0xb8;
	[tilespmem:$0x19690] =	vst v63  }
0xbf: {  	_ =	swait.ge [sflag:s12], $0x500  }
0xc0: {  	[sflag:s12] =	ssyncset.done $0x0  }
0xc1: {  	s5 =	sadd.s32 $0x5410, s18;
	[sflag:s12] =	ssyncadd.s32 $0xFFFFFB00  }
0xc2: {  	[spmem:s2] =	stream.indirect.scatter.add.f32 [tilespmem:s30], [sflag:$0x14], $0x10, s5, s0, $0xb8;
	[tilespmem:$0x19690] =	vst v63  }
0xc3: {  	_ =	swait.ge [sflag:s14], $0x500  }
0xc4: {  	[sflag:s14] =	ssyncset.done $0x0  }
0xc5: {  	[sflag:s14] =	ssyncadd.s32 $0xFFFFFB00  }
0xc6: {  	_ =	swait.ge [sflag:s26], $0x500  }
0xc7: {  	[sflag:s26] =	ssyncset.done $0x0  }
0xc8: {  	[sflag:s26] =	ssyncadd.s32 $0xFFFFFB00  }
0xc9: {  	_ =	swait.ge [sflag:s1], $0x500  }
0xca: {  	[sflag:s1] =	ssyncset.done $0x0  }
0xcb: {  	[sflag:s1] =	ssyncadd.s32 $0xFFFFFB00  }
0xcc: {  	_ =	swait.ge [sflag:s6], $0x500  }
0xcd: {  	[sflag:s6] =	ssyncset.done $0x0  }
0xce: {  	[sflag:s6] =	ssyncadd.s32 $0xFFFFFB00  }
0xcf: {  	_ =	swait.ge [sflag:s8], $0x500  }
0xd0: {  	[sflag:s8] =	ssyncset.done $0x0  }
0xd1: {  	[sflag:s8] =	ssyncadd.s32 $0xFFFFFB00  }
0xd2: {  	_ =	swait.ge [sflag:s9], $0x500  }
0xd3: {  	[sflag:s9] =	ssyncset.done $0x0  }
0xd4: {  	[sflag:s9] =	ssyncadd.s32 $0xFFFFFB00  }
0xd5: {  	_ =	swait.ge [sflag:s7], $0x500  }
0xd6: {  	[sflag:s7] =	ssyncset.done $0x0  }
0xd7: {  	[sflag:s7] =	ssyncadd.s32 $0xFFFFFB00  }
0xd8: {  	_ =	swait.ge [sflag:s10], $0x500  }
0xd9: {  	[sflag:s10] =	ssyncset.done $0x0  }
0xda: {  	[sflag:s10] =	ssyncadd.s32 $0xFFFFFB00  }
0xdb: {  	_ =	swait.ge [sflag:s11], $0x500  }
0xdc: {  	[sflag:s11] =	ssyncset.done $0x0  }
0xdd: {  	[sflag:s11] =	ssyncadd.s32 $0xFFFFFB00  }
0xde: {  	_ =	swait.ge [sflag:s12], $0x500  }
0xdf: {  	[sflag:s12] =	ssyncset.done $0x0  }
0xe0: {  	[sflag:s12] =	ssyncadd.s32 $0xFFFFFB00  }
0xe1: {  	_ =	swait.ge [sflag:s14], $0x500  }
0xe2: {  	[sflag:s14] =	ssyncset.done $0x0  }
0xe3: {  	[sflag:s14] =	ssyncadd.s32 $0xFFFFFB00  }
0xe4: {  	[bflag:$0x0] =	sbarrier.arrive $0xFFFF  }
0xe5: {  	s31 =	simm.s32 $0x15;
	s17 =	simm.s32 $0xC850;
	s24 =	rddreg [dreg:$0x9]  }
0xe6: {  	[tilespmem:s17], [sflag:$0x15] =	stream.linear.gather [spmem:s24], $0x2710, $0x38;
	[tilespmem:$0x19690] =	vst v63  }
0xe7: {  	_ =	swait.ge [sflag:s31], $0x2710  }
0xe8: {  	s20 =	simm.s32 $0x0;
	[sflag:s31] =	ssyncset.done $0x0  }
0xe9: {  	s22 =	simm.s32 $0xEF60;
	s29 =	rddreg [dreg:$0xc];
	[sflag:s31] =	ssyncadd.s32 $0xFFFFD8F0  }
0xea: {  	[tilespmem:s22], [sflag:$0x15] =	stream.linear.gather [hbm4b:s29+s20], $0x2710, $0x38;
	[tilespmem:$0x19690] =	vst v63  }
0xeb: {  	_ =	swait.ge [sflag:s31], $0x2710  }
0xec: {  	[sflag:s31] =	ssyncset.done $0x0  }
0xed: {  	s18 =	simm.s32 $0x0;
	[sflag:s31] =	ssyncadd.s32 $0xFFFFD8F0  }
0xee: {  	v0 =	vld [tilespmem:s18+$0xC850];
	_ =	sdelay $0x4  }
0xef: {  	v0 =	vadd.f32 $1.000000000e+00, v0;
	_ =	sdelay $0x1  }
0xf0: {  	v1 =	vshrl.u32 v0, $0x1;
	v0 =	vmul.f32 $5.000000000e-01, v0  }
0xf1: {  	v1 =	vsub.s32 $0x5F3759DF, v1  }
0xf2: {  	v2 =	vmul.f32 v1, v0;
	_ =	sdelay $0x1  }
0xf3: {  	v2 =	vmul.f32 v1, v2;
	_ =	sdelay $0x1  }
0xf4: {  	v2 =	vsub.f32 $1.500000000e+00, v2;
	_ =	sdelay $0x1  }
0xf5: {  	v1 =	vmul.f32 v1, v2;
	_ =	sdelay $0x1  }
0xf6: {  	v2 =	vmul.f32 v1, v0;
	_ =	sdelay $0x1  }
0xf7: {  	v2 =	vmul.f32 v2, v1;
	_ =	sdelay $0x1  }
0xf8: {  	v2 =	vsub.f32 $1.500000000e+00, v2;
	_ =	sdelay $0x1  }
0xf9: {  	v1 =	vmul.f32 v2, v1;
	_ =	sdelay $0x1  }
0xfa: {  	v0 =	vmul.f32 v1, v0;
	_ =	sdelay $0x1  }
0xfb: {  	v0 =	vmul.f32 v0, v1;
	_ =	sdelay $0x1  }
0xfc: {  	v2 =	vsub.f32 $1.500000000e+00, v0;
	v0 =	vld [tilespmem:s18+$0xEF60];
	_ =	sdelay $0x2  }
0xfd: {  	s20 =	simm.s32 $0x40;
	s31 =	simm.s32 $0x80;
	v1 =	vmul.f32 v2, v1  }
.LBB2_4:
0xfe: {  	p0 =	sne.s32 s31, $0x9C00  }
0xff: {  	s22 =	sshra.s32 s20, $0x2;
	s20 =	smov.u32 s31;
	[tilespmem:s18+$0xC850] =	vst v1;
	v0 =	vmul.f32 v1, v0  }
0x100: {  	v1 =	vld [tilespmem:s22+$0xC850]  }
0x101: {  	[tilespmem:s18+$0xEF60] =	vst v0;
	s18 =	smov.u32 s22;
	_ =	sdelay $0x3  }
0x102: {  	v0 =	vadd.f32 $1.000000000e+00, v1;
	_ =	sdelay $0x1  }
0x103: {  	v1 =	vshrl.u32 v0, $0x1;
	v0 =	vmul.f32 $5.000000000e-01, v0  }
0x104: {  	v1 =	vsub.s32 $0x5F3759DF, v1  }
0x105: {  	v2 =	vmul.f32 v1, v0;
	_ =	sdelay $0x1  }
0x106: {  	v2 =	vmul.f32 v1, v2;
	_ =	sdelay $0x1  }
0x107: {  	v2 =	vsub.f32 $1.500000000e+00, v2;
	_ =	sdelay $0x1  }
0x108: {  	v1 =	vmul.f32 v1, v2;
	_ =	sdelay $0x1  }
0x109: {  	v2 =	vmul.f32 v1, v0;
	_ =	sdelay $0x1  }
0x10a: {  	v2 =	vmul.f32 v2, v1;
	_ =	sdelay $0x1  }
0x10b: {  	v2 =	vsub.f32 $1.500000000e+00, v2;
	_ =	sdelay $0x1  }
0x10c: {  	v1 =	vmul.f32 v2, v1;
	_ =	sdelay $0x1  }
0x10d: {  	v0 =	vmul.f32 v1, v0;
	_ =	sdelay $0x1  }
.Ltmp1:
0x10e: {  	v2 =	vmul.f32 v0, v1;
	(pc) =	sbr.rel @p0 .LBB2_4-.Ltmp1, $3  }
0x10f: {  	v0 =	vld [tilespmem:s18+$0xEF60]  }
0x110: {  	v2 =	vsub.f32 $1.500000000e+00, v2;
	_ =	sdelay $0x1  }
0x111: {  	s31 =	sadd.s32 $0x40, s31;
	v1 =	vmul.f32 v2, v1  }
0x112: {  	_ = 	snop  }
0x113: {  	s20 =	sshra.s32 s20, $0x2;
	[tilespmem:s18+$0xC850] =	vst v1  }
0x114: {  	v2 =	vld [tilespmem:s20+$0xC850];
	_ =	sdelay $0x4  }
0x115: {  	v2 =	vadd.f32 $1.000000000e+00, v2;
	_ =	sdelay $0x1  }
0x116: {  	v3 =	vshrl.u32 v2, $0x1;
	v2 =	vmul.f32 $5.000000000e-01, v2  }
0x117: {  	v3 =	vsub.s32 $0x5F3759DF, v3  }
0x118: {  	v4 =	vmul.f32 v3, v2;
	_ =	sdelay $0x1  }
0x119: {  	v4 =	vmul.f32 v3, v4;
	_ =	sdelay $0x1  }
0x11a: {  	v4 =	vsub.f32 $1.500000000e+00, v4;
	_ =	sdelay $0x1  }
0x11b: {  	v3 =	vmul.f32 v3, v4;
	_ =	sdelay $0x1  }
0x11c: {  	v4 =	vmul.f32 v3, v2;
	_ =	sdelay $0x1  }
0x11d: {  	v4 =	vmul.f32 v4, v3;
	_ =	sdelay $0x1  }
0x11e: {  	v4 =	vsub.f32 $1.500000000e+00, v4;
	_ =	sdelay $0x1  }
0x11f: {  	v3 =	vmul.f32 v4, v3;
	_ =	sdelay $0x1  }
0x120: {  	v0 =	vmul.f32 v1, v0;
	v61 =	vmul.f32 v3, v2;
	_ =	sdelay $0x1  }
0x121: {  	[tilespmem:s18+$0xEF60] =	vst v0;
	v62 =	vmul.f32 v61, v3  }
0x122: {  	v63 =	vld [tilespmem:s20+$0xEF60]  }
0x123: {  	v0 =	vsub.f32 $1.500000000e+00, v62;
	_ =	sdelay $0x1  }
0x124: {  	v0 =	vmul.f32 v0, v3;
	_ =	sdelay $0x1  }
0x125: {  	v1 =	vmul.f32 v0, v63  }
0x126: {  	s12 =	simm.s32 $0x0;
	[tilespmem:s20+$0xC850] =	vst v0  }
0x127: {  	s14 =	rddreg [dreg:$0xd];
	s22 =	simm.s32 $0xC850;
	s17 =	simm.s32 $0x15;
	[tilespmem:s20+$0xEF60] =	vst v1  }
0x128: {  	[hbm4b:s14+s12] =	stream.linear.scatter [tilespmem:s22], [sflag:$0x15], $0x2710, $0x38;
	[tilespmem:$0x19690] =	vst v63  }
0x129: {  	_ =	swait.ge [sflag:s17], $0x2710  }
0x12a: {  	[sflag:s17] =	ssyncset.done $0x0  }
0x12b: {  	s31 =	simm.s32 $0xEF60;
	s29 =	rddreg [dreg:$0xe];
	[sflag:s17] =	ssyncadd.s32 $0xFFFFD8F0  }
0x12c: {  	[spmem:s29] =	stream.linear.scatter [tilespmem:s31], [sflag:$0x15], $0x2710, $0x38;
	[tilespmem:$0x19690] =	vst v63  }
0x12d: {  	_ =	swait.ge [sflag:s17], $0x2710  }
0x12e: {  	[sflag:s17] =	ssyncset.done $0x0  }
0x12f: {  	s1 =	rddreg [dreg:$0x1a];
	[sflag:s17] =	ssyncadd.s32 $0xFFFFD8F0  }
0x130: {  	[spmem:s24] =	stream.linear.scatter [tilespmem:s1], [sflag:$0x15], $0x2710, $0x38;
	[tilespmem:$0x19690] =	vst v63  }
0x131: {  	_ =	swait.ge [sflag:s17], $0x2710  }
0x132: {  	[sflag:s17] =	ssyncset.done $0x0  }
0x133: {  	[sflag:s17] =	ssyncadd.s32 $0xFFFFD8F0  }
0x134: {  	[bflag:$0x0] =	sbarrier.arrive $0xFFFF  }
0x135: {  	s14 =	simm.s32 $0x11670;
	s5 =	rddreg [dreg:$0x6]  }
0x136: {  	[tilespmem:s14], [sflag:$0x1] =	stream.indirect.gather [spmem:s3], $0x10, s5, s0, $0xb8;
	[tilespmem:$0x19690] =	vst v63  }
0x137: {  	s12 =	simm.s32 $0x11B70;
	s7 =	rddreg [dreg:$0xf]  }
0x138: {  	[tilespmem:s12], [sflag:$0x2] =	stream.indirect.gather [spmem:s3], $0x10, s7, s0, $0xb8;
	[tilespmem:$0x19690] =	vst v63  }
0x139: {  	s11 =	simm.s32 $0x12070;
	s8 =	rddreg [dreg:$0x10]  }
0x13a: {  	[tilespmem:s11], [sflag:$0x3] =	stream.indirect.gather [spmem:s3], $0x10, s8, s0, $0xb8;
	[tilespmem:$0x19690] =	vst v63  }
0x13b: {  	s10 =	rddreg [dreg:$0x11];
	s7 =	simm.s32 $0x12570  }
0x13c: {  	[tilespmem:s7], [sflag:$0x4] =	stream.indirect.gather [spmem:s3], $0x10, s10, s0, $0xb8;
	[tilespmem:$0x19690] =	vst v63  }
0x13d: {  	s17 =	rddreg [dreg:$0x12];
	s10 =	simm.s32 $0x12A70  }
0x13e: {  	[tilespmem:s10], [sflag:$0x5] =	stream.indirect.gather [spmem:s3], $0x10, s17, s0, $0xb8;
	[tilespmem:$0x19690] =	vst v63  }
0x13f: {  	_ =	swait.ge [sflag:s15], $0x500  }
0x140: {  	p0 =	por $0x1, $0x1;
	s22 =	rddreg [dreg:$0x5];
	[sflag:s15] =	ssyncset.done $0x0  }
0x141: {  	[sflag:s15] =	ssyncadd.s32 $0xFFFFFB00;
	s18 =	sadd.s32 $0x0, s22;
	s22 =	simm.s32 @!p0 $0x10  }
0x142: {  	[spmem:s2] =	stream.indirect.scatter.add.f32 [tilespmem:s14], [sflag:$0xB], $0x10, s18, s0, $0xb8;
	[tilespmem:$0x19690] =	vst v63  }
0x143: {  	_ =	swait.ge @!p0 [sflag:s22], $0x500  }
0x144: {  	s20 =	sadd.s32 $0x0, s5;
	[sflag:s22] =	ssyncset.done @!p0 $0x0  }
0x145: {  	s24 =	sadd.s32 $0x190, s20;
	s15 =	simm.s32 $0x12F70;
	[sflag:s22] =	ssyncadd.s32 @!p0 $0xFFFFFB00  }
0x146: {  	[tilespmem:s15], [sflag:$0x6] =	stream.indirect.gather [spmem:s3], $0x10, s24, s0, $0xb8;
	[tilespmem:$0x19690] =	vst v63  }
0x147: {  	_ =	swait.ge [sflag:s19], $0x500  }
0x148: {  	[sflag:s19] =	ssyncset.done $0x0  }
0x149: {  	s29 =	sadd.s32 $0x50, s18;
	s22 =	simm.s32 @!p0 $0x11;
	[sflag:s19] =	ssyncadd.s32 $0xFFFFFB00  }
0x14a: {  	[spmem:s2] =	stream.indirect.scatter.add.f32 [tilespmem:s12], [sflag:$0xC], $0x10, s29, s0, $0xb8;
	[tilespmem:$0x19690] =	vst v63  }
0x14b: {  	_ =	swait.ge @!p0 [sflag:s22], $0x500  }
0x14c: {  	[sflag:s22] =	ssyncset.done @!p0 $0x0  }
0x14d: {  	s1 =	simm.s32 $0x13470;
	s31 =	sadd.s32 $0x1E0, s20;
	[sflag:s22] =	ssyncadd.s32 @!p0 $0xFFFFFB00  }
0x14e: {  	[tilespmem:s1], [sflag:$0x7] =	stream.indirect.gather [spmem:s3], $0x10, s31, s0, $0xb8;
	[tilespmem:$0x19690] =	vst v63  }
0x14f: {  	_ =	swait.ge [sflag:s25], $0x500  }
0x150: {  	[sflag:s25] =	ssyncset.done $0x0  }
0x151: {  	s5 =	sadd.s32 $0xA0, s18;
	s22 =	simm.s32 @!p0 $0x12;
	[sflag:s25] =	ssyncadd.s32 $0xFFFFFB00  }
0x152: {  	[spmem:s2] =	stream.indirect.scatter.add.f32 [tilespmem:s11], [sflag:$0xD], $0x10, s5, s0, $0xb8;
	[tilespmem:$0x19690] =	vst v63  }
0x153: {  	_ =	swait.ge @!p0 [sflag:s22], $0x500  }
0x154: {  	[sflag:s22] =	ssyncset.done @!p0 $0x0  }
0x155: {  	s8 =	sadd.s32 $0x230, s20;
	[sflag:s22] =	ssyncadd.s32 @!p0 $0xFFFFFB00  }
0x156: {  	[tilespmem:s4], [sflag:$0x8] =	stream.indirect.gather [spmem:s3], $0x10, s8, s0, $0xb8;
	[tilespmem:$0x19690] =	vst v63  }
0x157: {  	s4 =	simm.s32 $0x4  }
0x158: {  	_ =	swait.ge [sflag:s4], $0x500  }
0x159: {  	[sflag:s4] =	ssyncset.done $0x0  }
0x15a: {  	s17 =	sadd.s32 $0xF0, s18;
	s22 =	simm.s32 @!p0 $0x13;
	[sflag:s4] =	ssyncadd.s32 $0xFFFFFB00  }
0x15b: {  	[spmem:s2] =	stream.indirect.scatter.add.f32 [tilespmem:s7], [sflag:$0xE], $0x10, s17, s0, $0xb8;
	[tilespmem:$0x19690] =	vst v63  }
0x15c: {  	_ =	swait.ge @!p0 [sflag:s22], $0x500  }
0x15d: {  	[sflag:s22] =	ssyncset.done @!p0 $0x0  }
0x15e: {  	s19 =	sadd.s32 $0x280, s20;
	[sflag:s22] =	ssyncadd.s32 @!p0 $0xFFFFFB00  }
0x15f: {  	[tilespmem:s13], [sflag:$0x9] =	stream.indirect.gather [spmem:s3], $0x10, s19, s0, $0xb8;
	[tilespmem:$0x19690] =	vst v63  }
0x160: {  	s13 =	simm.s32 $0x5  }
0x161: {  	_ =	swait.ge [sflag:s13], $0x500  }
0x162: {  	[sflag:s13] =	ssyncset.done $0x0  }
0x163: {  	s24 =	sadd.s32 $0x140, s18;
	s22 =	simm.s32 @!p0 $0x14;
	[sflag:s13] =	ssyncadd.s32 $0xFFFFFB00  }
0x164: {  	[spmem:s2] =	stream.indirect.scatter.add.f32 [tilespmem:s10], [sflag:$0xF], $0x10, s24, s0, $0xb8;
	[tilespmem:$0x19690] =	vst v63  }
0x165: {  	_ =	swait.ge @!p0 [sflag:s22], $0x500  }
0x166: {  	[sflag:s22] =	ssyncset.done @!p0 $0x0  }
0x167: {  	s29 =	sadd.s32 $0x2D0, s20;
	s17 =	simm.s32 $0x6;
	[sflag:s22] =	ssyncadd.s32 @!p0 $0xFFFFFB00  }
0x168: {  	[tilespmem:s16], [sflag:$0xA] =	stream.indirect.gather [spmem:s3], $0x10, s29, s0, $0xb8;
	[tilespmem:$0x19690] =	vst v63  }
0x169: {  	_ =	swait.ge [sflag:s17], $0x500  }
0x16a: {  	[sflag:s17] =	ssyncset.done $0x0  }
0x16b: {  	s31 =	sadd.s32 $0x190, s18;
	[sflag:s17] =	ssyncadd.s32 $0xFFFFFB00  }
0x16c: {  	[spmem:s2] =	stream.indirect.scatter.add.f32 [tilespmem:s15], [sflag:$0x10], $0x10, s31, s0, $0xb8;
	[tilespmem:$0x19690] =	vst v63  }
0x16d: {  	_ =	swait.ge [sflag:s26], $0x500  }
0x16e: {  	[sflag:s26] =	ssyncset.done $0x0  }
0x16f: {  	s10 =	sadd.s32 $0x320, s20;
	[sflag:s26] =	ssyncadd.s32 $0xFFFFFB00  }
0x170: {  	[tilespmem:s14], [sflag:$0x1] =	stream.indirect.gather [spmem:s3], $0x10, s10, s0, $0xb8;
	[tilespmem:$0x19690] =	vst v63  }
0x171: {  	_ =	swait.ge [sflag:s28], $0x500  }
0x172: {  	[sflag:s28] =	ssyncset.done $0x0  }
0x173: {  	s15 =	simm.s32 $0xC;
	s14 =	sadd.s32 $0x1E0, s18;
	[sflag:s28] =	ssyncadd.s32 $0xFFFFFB00  }
0x174: {  	[spmem:s2] =	stream.indirect.scatter.add.f32 [tilespmem:s1], [sflag:$0x11], $0x10, s14, s0, $0xb8;
	[tilespmem:$0x19690] =	vst v63  }
0x175: {  	_ =	swait.ge [sflag:s15], $0x500  }
0x176: {  	[sflag:s15] =	ssyncset.done $0x0  }
0x177: {  	s16 =	sadd.s32 $0x370, s20;
	[sflag:s15] =	ssyncadd.s32 $0xFFFFFB00  }
0x178: {  	[tilespmem:s12], [sflag:$0x2] =	stream.indirect.gather [spmem:s3], $0x10, s16, s0, $0xb8;
	[tilespmem:$0x19690] =	vst v63  }
0x179: {  	s16 =	simm.s32 $0x8  }
0x17a: {  	_ =	swait.ge [sflag:s16], $0x500  }
0x17b: {  	[sflag:s16] =	ssyncset.done $0x0  }
0x17c: {  	s5 =	simm.s32 $0x13970;
	s19 =	sadd.s32 $0x230, s18;
	[sflag:s16] =	ssyncadd.s32 $0xFFFFFB00  }
0x17d: {  	[spmem:s2] =	stream.indirect.scatter.add.f32 [tilespmem:s5], [sflag:$0x12], $0x10, s19, s0, $0xb8;
	[tilespmem:$0x19690] =	vst v63  }
0x17e: {  	_ =	swait.ge [sflag:s6], $0x500  }
0x17f: {  	[sflag:s6] =	ssyncset.done $0x0  }
0x180: {  	s24 =	sadd.s32 $0x3C0, s20;
	s12 =	simm.s32 $0x9;
	[sflag:s6] =	ssyncadd.s32 $0xFFFFFB00  }
0x181: {  	[tilespmem:s11], [sflag:$0x3] =	stream.indirect.gather [spmem:s3], $0x10, s24, s0, $0xb8;
	[tilespmem:$0x19690] =	vst v63  }
0x182: {  	_ =	swait.ge [sflag:s12], $0x500  }
0x183: {  	s8 =	simm.s32 $0x13E70;
	[sflag:s12] =	ssyncset.done $0x0  }
0x184: {  	s29 =	simm.s32 $0xE;
	s26 =	sadd.s32 $0x280, s18;
	[sflag:s12] =	ssyncadd.s32 $0xFFFFFB00  }
0x185: {  	[spmem:s2] =	stream.indirect.scatter.add.f32 [tilespmem:s8], [sflag:$0x13], $0x10, s26, s0, $0xb8;
	[tilespmem:$0x19690] =	vst v63  }
0x186: {  	_ =	swait.ge [sflag:s29], $0x500  }
0x187: {  	[sflag:s29] =	ssyncset.done $0x0  }
0x188: {  	s31 =	sadd.s32 $0x410, s20;
	s11 =	simm.s32 $0xA;
	[sflag:s29] =	ssyncadd.s32 $0xFFFFFB00  }
0x189: {  	[tilespmem:s7], [sflag:$0x4] =	stream.indirect.gather [spmem:s3], $0x10, s31, s0, $0xb8;
	[tilespmem:$0x19690] =	vst v63  }
0x18a: {  	_ =	swait.ge [sflag:s11], $0x500  }
0x18b: {  	[sflag:s11] =	ssyncset.done $0x0  }
0x18c: {  	s18 =	sadd.s32 $0x2D0, s18;
	s14 =	simm.s32 $0x14370;
	[sflag:s11] =	ssyncadd.s32 $0xFFFFFB00  }
0x18d: {  	[spmem:s2] =	stream.indirect.scatter.add.f32 [tilespmem:s14], [sflag:$0x14], $0x10, s18, s0, $0xb8;
	[tilespmem:$0x19690] =	vst v63  }
0x18e: {  	s20 =	sadd.s32 $0x460, s20;
	_ =	swait.ge [sflag:s9], $0x500  }
0x18f: {  	s5 =	simm.s32 $0xB;
	s18 =	simm.s32 $0xC80;
	[sflag:s9] =	ssyncset.done $0x0  }
.LBB2_6:
0x190: {  	[sflag:s9] =	ssyncadd.s32 $0xFFFFFB00;
	s22 =	smov.u32 s18;
	s10 =	simm.s32 $0x12A70  }
0x191: {  	[tilespmem:s10], [sflag:$0x5] =	stream.indirect.gather [spmem:s3], $0x10, s20, s0, $0xb8;
	[tilespmem:$0x19690] =	vst v63  }
0x192: {  	s29 =	simm.s32 $0x11670;
	s24 =	sshra.s32 s22, $0x2;
	_ =	swait.ge [sflag:s21], $0x500  }
0x193: {  	p1 =	seq.s32 s22, $0x0;
	s1 =	rddreg [dreg:$0x5];
	[sflag:s21] =	ssyncset.done $0x0  }
0x194: {  	s22 =	simm.s32 @!p1 $0x10;
	[sflag:s21] =	ssyncadd.s32 $0xFFFFFB00;
	s20 =	sadd.s32 s24, s1  }
0x195: {  	[spmem:s2] =	stream.indirect.scatter.add.f32 [tilespmem:s29], [sflag:$0xB], $0x10, s20, s0, $0xb8;
	[tilespmem:$0x19690] =	vst v63  }
0x196: {  	s6 =	rddreg [dreg:$0x6];
	_ =	swait.ge @!p1 [sflag:s22], $0x500  }
0x197: {  	s31 =	sadd.s32 s24, s6;
	[sflag:s22] =	ssyncset.done @!p1 $0x0  }
0x198: {  	s26 =	simm.s32 $0x12F70;
	s7 =	sadd.s32 $0x190, s31;
	[sflag:s22] =	ssyncadd.s32 @!p1 $0xFFFFFB00  }
0x199: {  	[tilespmem:s26], [sflag:$0x6] =	stream.indirect.gather [spmem:s3], $0x10, s7, s0, $0xb8;
	[tilespmem:$0x19690] =	vst v63  }
0x19a: {  	_ =	swait.ge [sflag:s23], $0x500  }
0x19b: {  	s19 =	simm.s32 $0x11B70;
	[sflag:s23] =	ssyncset.done $0x0  }
0x19c: {  	s24 =	simm.s32 @!p1 $0x11;
	s8 =	sadd.s32 $0x50, s20;
	[sflag:s23] =	ssyncadd.s32 $0xFFFFFB00  }
0x19d: {  	[spmem:s2] =	stream.indirect.scatter.add.f32 [tilespmem:s19], [sflag:$0xC], $0x10, s8, s0, $0xb8;
	[tilespmem:$0x19690] =	vst v63  }
0x19e: {  	_ =	swait.ge @!p1 [sflag:s24], $0x500  }
0x19f: {  	[sflag:s24] =	ssyncset.done @!p1 $0x0  }
0x1a0: {  	s1 =	simm.s32 $0x13470;
	s15 =	sadd.s32 $0x1E0, s31;
	[sflag:s24] =	ssyncadd.s32 @!p1 $0xFFFFFB00  }
0x1a1: {  	[tilespmem:s1], [sflag:$0x7] =	stream.indirect.gather [spmem:s3], $0x10, s15, s0, $0xb8;
	[tilespmem:$0x19690] =	vst v63  }
0x1a2: {  	_ =	swait.ge [sflag:s25], $0x500  }
0x1a3: {  	s6 =	sadd.s32 $0xA0, s20;
	[sflag:s25] =	ssyncset.done $0x0  }
0x1a4: {  	s24 =	simm.s32 @!p1 $0x12;
	s15 =	simm.s32 $0x12070;
	[sflag:s25] =	ssyncadd.s32 $0xFFFFFB00  }
0x1a5: {  	[spmem:s2] =	stream.indirect.scatter.add.f32 [tilespmem:s15], [sflag:$0xD], $0x10, s6, s0, $0xb8;
	[tilespmem:$0x19690] =	vst v63  }
0x1a6: {  	_ =	swait.ge @!p1 [sflag:s24], $0x500  }
0x1a7: {  	[sflag:s24] =	ssyncset.done @!p1 $0x0  }
0x1a8: {  	s7 =	sadd.s32 $0x230, s31;
	s6 =	simm.s32 $0x13970;
	[sflag:s24] =	ssyncadd.s32 @!p1 $0xFFFFFB00  }
0x1a9: {  	[tilespmem:s6], [sflag:$0x8] =	stream.indirect.gather [spmem:s3], $0x10, s7, s0, $0xb8;
	[tilespmem:$0x19690] =	vst v63  }
0x1aa: {  	_ =	swait.ge [sflag:s4], $0x500  }
0x1ab: {  	s8 =	sadd.s32 $0xF0, s20;
	[sflag:s4] =	ssyncset.done $0x0  }
0x1ac: {  	s24 =	simm.s32 @!p1 $0x13;
	s7 =	simm.s32 $0x12570;
	[sflag:s4] =	ssyncadd.s32 $0xFFFFFB00  }
0x1ad: {  	[spmem:s2] =	stream.indirect.scatter.add.f32 [tilespmem:s7], [sflag:$0xE], $0x10, s8, s0, $0xb8;
	[tilespmem:$0x19690] =	vst v63  }
0x1ae: {  	_ =	swait.ge @!p1 [sflag:s24], $0x500  }
0x1af: {  	[sflag:s24] =	ssyncset.done @!p1 $0x0  }
0x1b0: {  	s22 =	sadd.s32 $0x280, s31;
	s8 =	simm.s32 $0x13E70;
	[sflag:s24] =	ssyncadd.s32 @!p1 $0xFFFFFB00  }
0x1b1: {  	[tilespmem:s8], [sflag:$0x9] =	stream.indirect.gather [spmem:s3], $0x10, s22, s0, $0xb8;
	[tilespmem:$0x19690] =	vst v63  }
0x1b2: {  	_ =	swait.ge [sflag:s13], $0x500  }
0x1b3: {  	[sflag:s13] =	ssyncset.done $0x0  }
0x1b4: {  	s24 =	simm.s32 @!p1 $0x14;
	s22 =	sadd.s32 $0x140, s20;
	[sflag:s13] =	ssyncadd.s32 $0xFFFFFB00  }
0x1b5: {  	[spmem:s2] =	stream.indirect.scatter.add.f32 [tilespmem:s10], [sflag:$0xF], $0x10, s22, s0, $0xb8;
	[tilespmem:$0x19690] =	vst v63  }
0x1b6: {  	_ =	swait.ge @!p1 [sflag:s24], $0x500  }
0x1b7: {  	[sflag:s24] =	ssyncset.done @!p1 $0x0  }
0x1b8: {  	s10 =	sadd.s32 $0x2D0, s31;
	[sflag:s24] =	ssyncadd.s32 @!p1 $0xFFFFFB00  }
0x1b9: {  	[tilespmem:s14], [sflag:$0xA] =	stream.indirect.gather [spmem:s3], $0x10, s10, s0, $0xb8;
	[tilespmem:$0x19690] =	vst v63  }
0x1ba: {  	_ =	swait.ge [sflag:s17], $0x500  }
0x1bb: {  	[sflag:s17] =	ssyncset.done $0x0  }
0x1bc: {  	s24 =	sadd.s32 $0x190, s20;
	[sflag:s17] =	ssyncadd.s32 $0xFFFFFB00  }
0x1bd: {  	[spmem:s2] =	stream.indirect.scatter.add.f32 [tilespmem:s26], [sflag:$0x10], $0x10, s24, s0, $0xb8;
	[tilespmem:$0x19690] =	vst v63  }
0x1be: {  	_ =	swait.ge [sflag:s5], $0x500  }
0x1bf: {  	[sflag:s5] =	ssyncset.done $0x0  }
0x1c0: {  	s10 =	sadd.s32 $0x320, s31;
	[sflag:s5] =	ssyncadd.s32 $0xFFFFFB00  }
0x1c1: {  	[tilespmem:s29], [sflag:$0x1] =	stream.indirect.gather [spmem:s3], $0x10, s10, s0, $0xb8;
	[tilespmem:$0x19690] =	vst v63  }
0x1c2: {  	_ =	swait.ge [sflag:s28], $0x500  }
0x1c3: {  	[sflag:s28] =	ssyncset.done $0x0  }
0x1c4: {  	s24 =	sadd.s32 $0x1E0, s20;
	[sflag:s28] =	ssyncadd.s32 $0xFFFFFB00  }
0x1c5: {  	[spmem:s2] =	stream.indirect.scatter.add.f32 [tilespmem:s1], [sflag:$0x11], $0x10, s24, s0, $0xb8;
	[tilespmem:$0x19690] =	vst v63  }
0x1c6: {  	s1 =	simm.s32 $0xC  }
0x1c7: {  	_ =	swait.ge [sflag:s1], $0x500  }
0x1c8: {  	[sflag:s1] =	ssyncset.done $0x0  }
0x1c9: {  	s10 =	sadd.s32 $0x370, s31;
	[sflag:s1] =	ssyncadd.s32 $0xFFFFFB00  }
0x1ca: {  	[tilespmem:s19], [sflag:$0x2] =	stream.indirect.gather [spmem:s3], $0x10, s10, s0, $0xb8;
	[tilespmem:$0x19690] =	vst v63  }
0x1cb: {  	_ =	swait.ge [sflag:s16], $0x500  }
0x1cc: {  	[sflag:s16] =	ssyncset.done $0x0  }
0x1cd: {  	s24 =	sadd.s32 $0x230, s20;
	[sflag:s16] =	ssyncadd.s32 $0xFFFFFB00  }
0x1ce: {  	[spmem:s2] =	stream.indirect.scatter.add.f32 [tilespmem:s6], [sflag:$0x12], $0x10, s24, s0, $0xb8;
	[tilespmem:$0x19690] =	vst v63  }
0x1cf: {  	s6 =	simm.s32 $0xD  }
0x1d0: {  	_ =	swait.ge [sflag:s6], $0x500  }
0x1d1: {  	[sflag:s6] =	ssyncset.done $0x0  }
0x1d2: {  	s10 =	sadd.s32 $0x3C0, s31;
	[sflag:s6] =	ssyncadd.s32 $0xFFFFFB00  }
0x1d3: {  	[tilespmem:s15], [sflag:$0x3] =	stream.indirect.gather [spmem:s3], $0x10, s10, s0, $0xb8;
	[tilespmem:$0x19690] =	vst v63  }
0x1d4: {  	_ =	swait.ge [sflag:s12], $0x500  }
0x1d5: {  	[sflag:s12] =	ssyncset.done $0x0  }
0x1d6: {  	s15 =	sadd.s32 $0x280, s20;
	[sflag:s12] =	ssyncadd.s32 $0xFFFFFB00  }
0x1d7: {  	[spmem:s2] =	stream.indirect.scatter.add.f32 [tilespmem:s8], [sflag:$0x13], $0x10, s15, s0, $0xb8;
	[tilespmem:$0x19690] =	vst v63  }
0x1d8: {  	s8 =	simm.s32 $0xE  }
0x1d9: {  	_ =	swait.ge [sflag:s8], $0x500  }
0x1da: {  	[sflag:s8] =	ssyncset.done $0x0  }
0x1db: {  	s18 =	sadd.s32 $0xC80, s18;
	s24 =	sadd.s32 $0x410, s31;
	[sflag:s8] =	ssyncadd.s32 $0xFFFFFB00  }
0x1dc: {  	[tilespmem:s7], [sflag:$0x4] =	stream.indirect.gather [spmem:s3], $0x10, s24, s0, $0xb8;
	[tilespmem:$0x19690] =	vst v63  }
0x1dd: {  	p0 =	sne.s32 s18, $0x9600;
	_ =	swait.ge [sflag:s11], $0x500  }
.Ltmp2:
0x1de: {  	[sflag:s11] =	ssyncset.done $0x0;
	(pc) =	sbr.rel @p0 .LBB2_6-.Ltmp2, $4  }
0x1df: {  	s26 =	simm.s32 $0x11670;
	s20 =	sadd.s32 $0x2D0, s20;
	[sflag:s11] =	ssyncadd.s32 $0xFFFFFB00  }
0x1e0: {  	[spmem:s2] =	stream.indirect.scatter.add.f32 [tilespmem:s14], [sflag:$0x14], $0x10, s20, s0, $0xb8;
	[tilespmem:$0x19690] =	vst v63  }
0x1e1: {  	s29 =	simm.s32 $0x11B70;
	s19 =	simm.s32 $0x12070;
	_ =	swait.ge [sflag:s9], $0x500  }
0x1e2: {  	s10 =	simm.s32 $0x12570;
	s20 =	sadd.s32 $0x460, s31;
	[sflag:s9] =	ssyncset.done $0x0  }
0x1e3: {  	[sflag:s9] =	ssyncadd.s32 $0xFFFFFB00;
	s7 =	simm.s32 $0x12A70  }
0x1e4: {  	[tilespmem:s7], [sflag:$0x5] =	stream.indirect.gather [spmem:s3], $0x10, s20, s0, $0xb8;
	[tilespmem:$0x19690] =	vst v63  }
0x1e5: {  	_ =	swait.ge [sflag:s21], $0x500  }
0x1e6: {  	[sflag:s21] =	ssyncset.done $0x0  }
0x1e7: {  	s16 =	rddreg [dreg:$0x13];
	[sflag:s21] =	ssyncadd.s32 $0xFFFFFB00  }
0x1e8: {  	[spmem:s2] =	stream.indirect.scatter.add.f32 [tilespmem:s26], [sflag:$0xB], $0x10, s16, s0, $0xb8;
	[tilespmem:$0x19690] =	vst v63  }
0x1e9: {  	_ =	swait.ge [sflag:s23], $0x500  }
0x1ea: {  	[sflag:s23] =	ssyncset.done $0x0  }
0x1eb: {  	s17 =	rddreg [dreg:$0x14];
	[sflag:s23] =	ssyncadd.s32 $0xFFFFFB00  }
0x1ec: {  	[spmem:s2] =	stream.indirect.scatter.add.f32 [tilespmem:s29], [sflag:$0xC], $0x10, s17, s0, $0xb8;
	[tilespmem:$0x19690] =	vst v63  }
0x1ed: {  	_ =	swait.ge [sflag:s25], $0x500  }
0x1ee: {  	[sflag:s25] =	ssyncset.done $0x0  }
0x1ef: {  	s18 =	rddreg [dreg:$0x15];
	[sflag:s25] =	ssyncadd.s32 $0xFFFFFB00  }
0x1f0: {  	[spmem:s2] =	stream.indirect.scatter.add.f32 [tilespmem:s19], [sflag:$0xD], $0x10, s18, s0, $0xb8;
	[tilespmem:$0x19690] =	vst v63  }
0x1f1: {  	_ =	swait.ge [sflag:s4], $0x500  }
0x1f2: {  	[sflag:s4] =	ssyncset.done $0x0  }
0x1f3: {  	s20 =	rddreg [dreg:$0x16];
	[sflag:s4] =	ssyncadd.s32 $0xFFFFFB00  }
0x1f4: {  	[spmem:s2] =	stream.indirect.scatter.add.f32 [tilespmem:s10], [sflag:$0xE], $0x10, s20, s0, $0xb8;
	[tilespmem:$0x19690] =	vst v63  }
0x1f5: {  	_ =	swait.ge [sflag:s13], $0x500  }
0x1f6: {  	[sflag:s13] =	ssyncset.done $0x0  }
0x1f7: {  	s22 =	rddreg [dreg:$0x17];
	[sflag:s13] =	ssyncadd.s32 $0xFFFFFB00  }
0x1f8: {  	[spmem:s2] =	stream.indirect.scatter.add.f32 [tilespmem:s7], [sflag:$0xF], $0x10, s22, s0, $0xb8;
	[tilespmem:$0x19690] =	vst v63  }
0x1f9: {  	_ =	swait.ge [sflag:s5], $0x500  }
0x1fa: {  	[sflag:s5] =	ssyncset.done $0x0  }
0x1fb: {  	[sflag:s5] =	ssyncadd.s32 $0xFFFFFB00  }
0x1fc: {  	_ =	swait.ge [sflag:s1], $0x500  }
0x1fd: {  	[sflag:s1] =	ssyncset.done $0x0  }
0x1fe: {  	[sflag:s1] =	ssyncadd.s32 $0xFFFFFB00  }
0x1ff: {  	_ =	swait.ge [sflag:s6], $0x500  }
0x200: {  	[sflag:s6] =	ssyncset.done $0x0  }
0x201: {  	[sflag:s6] =	ssyncadd.s32 $0xFFFFFB00  }
0x202: {  	_ =	swait.ge [sflag:s8], $0x500  }
0x203: {  	[sflag:s8] =	ssyncset.done $0x0  }
0x204: {  	[sflag:s8] =	ssyncadd.s32 $0xFFFFFB00  }
0x205: {  	_ =	swait.ge [sflag:s9], $0x500  }
0x206: {  	[sflag:s9] =	ssyncset.done $0x0  }
0x207: {  	s7 =	simm.s32 $0x10;
	[sflag:s9] =	ssyncadd.s32 $0xFFFFFB00  }
0x208: {  	_ =	swait.ge [sflag:s7], $0x500  }
0x209: {  	[sflag:s7] =	ssyncset.done $0x0  }
0x20a: {  	s10 =	simm.s32 $0x11;
	[sflag:s7] =	ssyncadd.s32 $0xFFFFFB00  }
0x20b: {  	_ =	swait.ge [sflag:s10], $0x500  }
0x20c: {  	[sflag:s10] =	ssyncset.done $0x0  }
0x20d: {  	s11 =	simm.s32 $0x12;
	[sflag:s10] =	ssyncadd.s32 $0xFFFFFB00  }
0x20e: {  	_ =	swait.ge [sflag:s11], $0x500  }
0x20f: {  	[sflag:s11] =	ssyncset.done $0x0  }
0x210: {  	s12 =	simm.s32 $0x13;
	[sflag:s11] =	ssyncadd.s32 $0xFFFFFB00  }
0x211: {  	_ =	swait.ge [sflag:s12], $0x500  }
0x212: {  	[sflag:s12] =	ssyncset.done $0x0  }
0x213: {  	s14 =	simm.s32 $0x14;
	[sflag:s12] =	ssyncadd.s32 $0xFFFFFB00  }
0x214: {  	_ =	swait.ge [sflag:s14], $0x500  }
0x215: {  	[sflag:s14] =	ssyncset.done $0x0  }
0x216: {  	[sflag:s14] =	ssyncadd.s32 $0xFFFFFB00  }
0x217: {  	[bflag:$0x0] =	sbarrier.arrive $0xFFFF  }
0x218: {  	s24 =	simm.s32 $0xC850;
	s31 =	simm.s32 $0x15;
	s22 =	rddreg [dreg:$0x9]  }
0x219: {  	[tilespmem:s24], [sflag:$0x15] =	stream.linear.gather [spmem:s22], $0x2710, $0x38;
	[tilespmem:$0x19690] =	vst v63  }
0x21a: {  	_ =	swait.ge [sflag:s31], $0x2710  }
0x21b: {  	[sflag:s31] =	ssyncset.done $0x0  }
0x21c: {  	s18 =	simm.s32 $0x0;
	s26 =	rddreg [dreg:$0x18];
	[sflag:s31] =	ssyncadd.s32 $0xFFFFD8F0  }
0x21d: {  	[hbm4b:s26+s18] =	stream.linear.scatter [tilespmem:s24], [sflag:$0x15], $0x2710, $0x38;
	[tilespmem:$0x19690] =	vst v63  }
0x21e: {  	_ =	swait.ge [sflag:s31], $0x2710  }
0x21f: {  	s17 =	rddreg [dreg:$0x1b]  }
0x220: {  	s29 =	rddreg [dreg:$0x19];
	s17 =	sadd.s32 $0x1, s17  }
0x221: {  	p0 =	sne.s32 s17, s29  }
.Ltmp3:
0x222: {  	_ = 	snop;
	(pc) =	sbr.rel @p0 .LBB2_1-.Ltmp3, $4  }
0x223: {  	_ = 	snop  }
0x224: {  	s15 =	simm.s32 $0x1;
	s16 =	simm.s32 $0x14370  }
0x225: {  	s19 =	simm.s32 $0x2;
	s4 =	simm.s32 $0x13970;
	[sflag:s31] =	ssyncset.done $0x0  }
0x226: {  	s13 =	simm.s32 $0x13E70;
	s26 =	simm.s32 $0xB;
	[sflag:s31] =	ssyncadd.s32 $0xFFFFD8F0  }
0x227: {  	_ =	sfence.sel $0x180000  }
0x228: {  	[bflag:$0x0] =	sbarrier.arrive $0xFFFF  }
0x229: {  	_ =	strace $0x90000047  }
0x22a: {  	s0 =	stileid.u32;
	[bflag:$0x2] =	sbarrier.arrive $0xFFFF  }
0x22b: {  	p0 =	sne.s32 s0, $0x0;
	s0 =	rddreg [dreg:$0x4]  }
0x22c: {  	s0 =	sadd.s32 @!p0 $0x100000, s0  }
0x22d: {  	[sflag:s0] =	ssyncadd.tile.s32 @!p0 $0x1;
	_ =	shalt  }
.Lfunc_end2:
_tile_overlayer_lowered:
.L_overlay_start_2:
0x22e: {  	(tag) =	ssettag $0x2  }
0x22f: {  	s0 =	rddreg [dreg:$0x0];
	s2 =	stileid.u32  }
0x230: {  	s1 =	rddreg [dreg:$0x1];
	p0 =	sne.s32 s2, $0x0  }
0x231: {  	s3 =	rddreg [dreg:$0x2];
	[bflag:$0x3] =	sbarrier.arrive $0xFFFF;
	s2 =	simm.s32 @!p0 $0x1C15  }
0x232: {  	[timem:s3], [sflag:s2] =	dma.local @!p0 [hbm:s0], s1  }
0x233: {  	s0 =	simm.s32 @!p0 $0x15  }
0x234: {  	_ =	swait.ge @!p0 [sflag:s0], s1  }
0x235: {  	s1 =	ssub.s32 @!p0 $0x0, s1;
	[sflag:s0] =	ssyncset.done @!p0 $0x0  }
0x236: {  	[sflag:s0] =	ssyncadd.s32 @!p0 s1  }
0x237: {  	[bflag:$0x3] =	sbarrier.arrive $0xFFFF  }
0x238: {  	_ =	shalt  }

// kernel: kernel.9.cloned.1.call-start
scs
__scs_entry_jumppad:
0x0: {  	(pc) =	sbr.rel $0x88, $3  }
0x1: {  	(tag) =	ssettag $0x0;
	lr =	simm.s32 $0x1  }
0x2: {  	[smem:$0x3F9B] =	sst lr;
	_ =	strace $0xD0000000  }
0x3: {  	_ = 	snop  }
0x4: {  	_ = 	snop  }
0x5: {  	_ = 	snop  }
0x6: {  	_ = 	snop  }
0x7: {  	_ = 	snop  }
__scs_overlays_trampoline_lowered:
0x8: {  	[smem:$0x3FAA] =	sst s0  }
0x9: {  	[smem:$0x3FAB] =	sst s1  }
0xa: {  	[smem:$0x3FAC] =	sst s2  }
0xb: {  	[smem:$0x3FAD] =	sst s3  }
0xc: {  	[smem:$0x3FAE] =	sst s4  }
0xd: {  	[smem:$0x3FAF] =	sst s5  }
0xe: {  	[smem:$0x3FB0] =	sst s6  }
0xf: {  	[smem:$0x3FB1] =	sst s7  }
0x10: {  	[smem:$0x3FB2] =	sst s8  }
0x11: {  	[smem:$0x3FB3] =	sst s9;
	s0 =	simm.s32 @!p0 $0x0  }
0x12: {  	s1 =	sld [smem:$0x3F99];
	s0 =	simm.s32 @p0 $0x1  }
0x13: {  	[smem:$0x3FB4] =	sst s0;
	s0 =	simm.s32 @!p1 $0x0  }
0x14: {  	s2 =	sld [smem:$0x3F98];
	s0 =	simm.s32 @p1 $0x1  }
0x15: {  	[smem:$0x3FB5] =	sst s0;
	s0 =	simm.s32 @!p2 $0x0  }
0x16: {  	s3 =	sld [smem:$0x3FDB];
	s0 =	simm.s32 @p2 $0x1  }
0x17: {  	s4 =	simm.s32 $0x1BF5;
	[smem:$0x3FB7] =	sst s0  }
0x18: {  	s0 =	sld [smem:$0x3F9A];
	_ =	swait.ge [sflag:s4], $0x0  }
0x19: {  	s7 =	sld [smem:$0x3F9B]  }
0x1a: {  	s8 =	sadd.s32 $0xFFFFE003, lr  }
0x1b: {  	s9 =	sadd.s32 $0xFFFFFEF7, lr;
	s5 =	simm.s32 $0xFFFFFFFF;
	p2 =	slt.u32 s8, $0xFFFFF086  }
0x1c: {  	p1 =	slt.u32 s9, $0xF7A;
	s5 =	simm.s32 @!p2 $0x0  }
0x1d: {  	s5 =	simm.s32 @p1 $0x1;
	p0 =	seq.s32 s7, s2  }
0x1e: {  	s7 =	smul.u32 @!p0 $0xF7A, s2;
	p2 =	seq.s32 @!p0 s5, $0x0  }
0x1f: {  	s9 =	smul.u32 $0xF7A, s1;
	s8 =	simm.s32 @!p0 $0x1BF5;
	p2 =	por !p2, p0  }
0x20: {  	[sflag:s8] =	ssyncset.s32 @!p0 $0xFFFFF086;
	s6 =	sadd.s32 @!p0 s3, s7;
	s7 =	simm.s32 @!p0 $0x108  }
0x21: {  	s3 =	sadd.s32 s3, s9;
	s6 =	sadd.s32 @!p0 $0x88, s6;
	s7 =	simm.s32 @p2 $0x1082  }
0x22: {  	[simem:s7], [sflag:s8] =	dma.local @!p0 [hbm:s6], $0xF7A  }
0x23: {  	s9 =	sor.u32 $0xD0000000, s2;
	s6 =	simm.s32 $0x108;
	_ =	swait.ge @!p0 [sflag:s8], $0x0  }
0x24: {  	s3 =	sadd.s32 $0x88, s3;
	s6 =	simm.s32 @!p1 $0x1082;
	[sflag:s4] =	ssyncset.s32 $0xFFFFF086  }
0x25: {  	[simem:s6], [sflag:s4] =	dma.local [hbm:s3], $0xF7A  }
0x26: {  	[smem:$0x3F9B] =	sst s1;
	(tag) =	ssettag s2;
	_ =	strace s9  }
0x27: {  	s1 =	sld [smem:$0x3FAB]  }
0x28: {  	s2 =	sld [smem:$0x3FAC]  }
0x29: {  	s4 =	sld [smem:$0x3FAE]  }
0x2a: {  	p0 =	seq.s32 s5, $0x0;
	s5 =	sld [smem:$0x3FAF]  }
0x2b: {  	s6 =	sld [smem:$0x3FB0]  }
0x2c: {  	s7 =	sld [smem:$0x3FB1]  }
0x2d: {  	s3 =	simm.s32 $0x108;
	s8 =	sld [smem:$0x3FB2]  }
0x2e: {  	s3 =	simm.s32 @!p0 $0x1082;
	s9 =	sld [smem:$0x3FB3]  }
0x2f: {  	lr =	sadd.s32 s0, s3;
	s0 =	sld [smem:$0x3FAA]  }
0x30: {  	s3 =	sld [smem:$0x3FAD]  }
0x31: {  	[smem:$0x3FB6] =	sst s10  }
0x32: {  	s10 =	sld [smem:$0x3FB4];
	_ =	sdelay $0x3  }
0x33: {  	p0 =	seq.s32 s10, $0x1;
	s10 =	sld [smem:$0x3FB6];
	_ =	sdelay $0x3  }
0x34: {  	[smem:$0x3FB6] =	sst s10  }
0x35: {  	s10 =	sld [smem:$0x3FB5];
	_ =	sdelay $0x3  }
0x36: {  	p1 =	seq.s32 s10, $0x1;
	s10 =	sld [smem:$0x3FB6];
	_ =	sdelay $0x3  }
0x37: {  	[smem:$0x3FB6] =	sst s10  }
0x38: {  	s10 =	sld [smem:$0x3FB7]  }
0x39: {  	_ = 	snop;
	(pc) =	sbr.ind lr, $3  }
0x3a: {  	_ = 	snop  }
0x3b: {  	_ = 	snop  }
0x3c: {  	p2 =	seq.s32 s10, $0x1;
	s10 =	sld [smem:$0x3FB6]  }
0x3d: {  	_ =	shalt  }
0x3e: {  	_ =	shalt  }
0x3f: {  	_ =	shalt  }
0x40: {  	_ =	shalt  }
0x41: {  	_ =	shalt  }
0x42: {  	_ =	shalt  }
0x43: {  	_ =	shalt  }
0x44: {  	_ =	shalt  }
0x45: {  	_ =	shalt  }
0x46: {  	_ =	shalt  }
0x47: {  	_ =	shalt  }
0x48: {  	_ =	shalt  }
0x49: {  	_ =	shalt  }
0x4a: {  	_ =	shalt  }
0x4b: {  	_ =	shalt  }
0x4c: {  	_ =	shalt  }
0x4d: {  	_ =	shalt  }
0x4e: {  	_ =	shalt  }
0x4f: {  	_ =	shalt  }
0x50: {  	_ =	shalt  }
0x51: {  	_ =	shalt  }
0x52: {  	_ =	shalt  }
0x53: {  	_ =	shalt  }
0x54: {  	_ =	shalt  }
0x55: {  	_ =	shalt  }
0x56: {  	_ =	shalt  }
0x57: {  	_ =	shalt  }
0x58: {  	_ =	shalt  }
0x59: {  	_ =	shalt  }
0x5a: {  	_ =	shalt  }
0x5b: {  	_ =	shalt  }
0x5c: {  	_ =	shalt  }
0x5d: {  	_ =	shalt  }
0x5e: {  	_ =	shalt  }
0x5f: {  	_ =	shalt  }
0x60: {  	_ =	shalt  }
0x61: {  	_ =	shalt  }
0x62: {  	_ =	shalt  }
0x63: {  	_ =	shalt  }
0x64: {  	_ =	shalt  }
0x65: {  	_ =	shalt  }
0x66: {  	_ =	shalt  }
0x67: {  	_ =	shalt  }
0x68: {  	_ =	shalt  }
0x69: {  	_ =	shalt  }
0x6a: {  	_ =	shalt  }
0x6b: {  	_ =	shalt  }
0x6c: {  	_ =	shalt  }
0x6d: {  	_ =	shalt  }
0x6e: {  	_ =	shalt  }
0x6f: {  	_ =	shalt  }
0x70: {  	_ =	shalt  }
0x71: {  	_ =	shalt  }
0x72: {  	_ =	shalt  }
0x73: {  	_ =	shalt  }
0x74: {  	_ =	shalt  }
0x75: {  	_ =	shalt  }
0x76: {  	_ =	shalt  }
0x77: {  	_ =	shalt  }
0x78: {  	_ =	shalt  }
0x79: {  	_ =	shalt  }
0x7a: {  	_ =	shalt  }
0x7b: {  	_ =	shalt  }
0x7c: {  	_ =	shalt  }
0x7d: {  	_ =	shalt  }
0x7e: {  	_ =	shalt  }
0x7f: {  	_ =	shalt  }
0x80: {  	_ =	shalt  }
0x81: {  	_ =	shalt  }
0x82: {  	_ =	shalt  }
0x83: {  	_ =	shalt  }
0x84: {  	_ =	shalt  }
0x85: {  	_ =	shalt  }
0x86: {  	_ =	shalt  }
0x87: {  	_ =	shalt  }
.Lfunc_end0:
.L_simem_size_0:
called_computation.1_lowered:
.L_overlay_start_0:
0x88: {  	s2 =	sld [smem:$0x3FD9]  }
0x89: {  	s3 =	sld [smem:$0x3FFE];
	_ =	sdelay $0x1  }
0x8a: {  	s1 =	srdreg.scid  }
0x8b: {  	s0 =	sand.u32 $0x1, s1  }
0x8c: {  	s17 =	sshll.u32 s0, $0xA;
	s2 =	sadd.s32 s3, s2  }
0x8d: {  	s2 =	sadd.s32 s2, s17  }
0x8e: {  	[smem:$0x3FC2] =	sst s2  }
0x8f: {  	_ = 	snop  }
0x90: {  	s2 =	sld [smem:$0x3FD0];
	(tm) =	ssettm $0x1  }
0x91: {  	s18 =	sld [smem:$0x3FFB];
	_ =	sdelay $0x3  }
0x92: {  	_ =	strace s18  }
0x93: {  	s3 =	sld [smem:$0x3FFC];
	_ =	sdelay $0x3  }
0x94: {  	_ =	strace s3  }
0x95: {  	s3 =	sld [smem:$0x3FFD];
	_ =	sdelay $0x3  }
0x96: {  	_ =	strace s3  }
0x97: {  	_ =	strace $0x8FFFFFFF  }
0x98: {  	s19 =	sld [smem:$0x3FDB];
	_ =	sdelay $0x1  }
0x99: {  	s4 =	simm.s32 $_scs_section_size  }
0x9a: {  	s5 =	simm.s32 $_size__tile_overlayer_lowered;
	s6 =	simm.s32 $_tile_overlayer_lowered  }
0x9b: {  	s22 =	simm.s32 $0x1BFF;
	s21 =	sshll.u32 s6, $0x1;
	s3 =	sadd.s32 s4, s19  }
0x9c: {  	s7 =	simm.s32 $0x0;
	s20 =	sshll.u32 s5, $0x1;
	s5 =	sadd.s32 s21, s3  }
0x9d: {  	[timem:s7], [sflag:s22] =	dma.local [hbm:s5], s20  }
0x9e: {  	_ =	swait.ge [sflag:s22], s20  }
0x9f: {  	s4 =	ssub.s32 $0x0, s20;
	[sflag:s22] =	ssyncset.done $0x0  }
0xa0: {  	[sflag:s22] =	ssyncadd.s32 s4;
	_ =	sdelay $0x1  }
0xa1: {  	s23 =	simm.s32 $0x1B8B  }
0xa2: {  	_ =	swait.ge [sflag:s23], $0x1  }
0xa3: {  	[sflag:s23] =	ssyncset.done $0x0  }
0xa4: {  	s25 =	simm.s32 $0x1B8E;
	s24 =	sld [smem:$0x3FFE];
	[sflag:s23] =	ssyncadd.s32 $0xFFFFFFFF  }
0xa5: {  	s26 =	simm.s32 $execute0_lowered;
	[smem:$0x3FD2] =	sst s25  }
0xa6: {  	s5 =	sshll.u32 s26, $0x1;
	_ =	strace $0x80000049;
	[dreg:$0x1] =	wrdreg $0xFFFFFFFF  }
0xa7: {  	s28 =	simm.s32 $_size_execute0_lowered;
	s3 =	sadd.s32 s3, s5;
	[dreg:$0x0] =	wrdreg $0x0  }
0xa8: {  	s5 =	sshll.u32 s28, $0x1;
	[dreg:$0x2] =	wrdreg s3  }
0xa9: {  	[dreg:$0x3] =	wrdreg s5  }
0xaa: {  	[dreg:$0x4] =	wrdreg $0xC0  }
0xab: {  	_ =	task [dreg:s7], $0x5FFFF  }
0xac: {  	[dreg:$0x1] =	wrdreg $0xFFFFFFFF  }
0xad: {  	[dreg:$0x0] =	wrdreg $0x60  }
0xae: {  	[dreg:$0x2] =	wrdreg s24  }
0xaf: {  	[dreg:$0x3] =	wrdreg s2  }
0xb0: {  	[dreg:$0x4] =	wrdreg $0x192900  }
0xb1: {  	[dreg:$0x5] =	wrdreg $0x16B800  }
0xb2: {  	[dreg:$0x6] =	wrdreg $0x9  }
0xb3: {  	_ =	task.clear_ibuf [dreg:s7], $0x7FFFF;
	_ =	strace $0x90000049  }
0xb4: {  	s29 =	simm.s32 $0x9;
	_ =	strace $0x8000004B  }
0xb5: {  	_ =	swait.ge [sflag:s29], $0x1  }
0xb6: {  	[sflag:s29] =	ssyncadd.s32 $0xFFFFFFFF  }
0xb7: {  	_ =	strace $0x9000004B  }
0xb8: {  	_ =	sfence  }
0xb9: {  	s30 =	sld [smem:$0x0];
	_ =	sdelay $0x2  }
0xba: {  	s31 =	sshll.u32 s1, $0xD;
	s1 =	sshrl.u32 s1, $0x2  }
0xbb: {  	s3 =	sand.u32 $0x4000, s31;
	s1 =	sadd.s32 s1, s30  }
0xbc: {  	s0 =	sor.u32 s3, s0;
	s1 =	sshll.u32 s1, $0x11  }
0xbd: {  	s0 =	sor.u32 s1, s0  }
0xbe: {  	s0 =	sadd.s32 $0x8F2B, s0  }
0xbf: {  	[sflag:s0] =	ssyncadd.remote.s32 $0x1  }
0xc0: {  	_ =	sfence.sel $0xFFFF  }
0xc1: {  	[dreg:$0x0] =	wrdreg $0xFFFFFFFF;
	(pc) =	sbr.abs _section_cstart, $3  }
0xc2: {  	[dreg:$0x1] =	wrdreg $0xFFFFFFFF  }
0xc3: {  	_ =	task.clear_ibuf [dreg:s7], $0x2FFFF;
	_ =	strace $0x9FFFFFFF  }
0xc4: {  	(tm) =	ssettm $0x7FFFFFFF  }
0xc5: {  	_ =	shalt  }
tec
execute0_lowered:
.L_overlay_start_1:
0x0: {  	(tag) =	ssettag $0x1  }
0x1: {  	s0 =	rddreg [dreg:$0x0]  }
0x2: {  	s1 =	rddreg [dreg:$0x1]  }
0x3: {  	s2 =	rddreg [dreg:$0x2]  }
0x4: {  	s8 =	stileid.u32;
	s4 =	srdreg.scid  }
0x5: {  	s3 =	rddreg [dreg:$0x3];
	s14 =	simm.s32 $0x0;
	s5 =	smul.u32 $0x2710, s8  }
0x6: {  	s4 =	sand.u32 $0x1, s4;
	[smem:$0x7FF] =	sst s14;
	s8 =	smul.u32 $0x4E20, s8  }
0x7: {  	s11 =	sadd.s32 $0x29200, s0;
	s6 =	smul.u32 $0x27100, s4;
	_ =	strace $0x8000004A  }
0x8: {  	s10 =	ssub.s32 $0x2, s4;
	[dreg:$0x6] =	wrdreg s11;
	s12 =	smul.u32 $0x9C40, s4  }
0x9: {  	p0 =	seq.s32 s4, $0x0;
	s4 =	simm.s32 $0xC450;
	s15 =	sadd.s32 s5, s2  }
0xa: {  	s8 =	sshrl.u32 s8, $0x3;
	s16 =	sadd.s32 s5, s3;
	[dreg:$0xd] =	wrdreg s15  }
0xb: {  	s4 =	simm.s32 @!p0 $0x9D40;
	s8 =	sadd.s32 s8, s0;
	[dreg:$0xe] =	wrdreg s16  }
0xc: {  	s7 =	sshrl.u32 s5, $0x3;
	[dreg:$0x18] =	wrdreg s4;
	s28 =	sadd.s32 $0x1400, s8  }
0xd: {  	s7 =	sadd.s32 s7, s0;
	s8 =	sadd.s32 $0xB040, s8;
	[dreg:$0x8] =	wrdreg s28  }
0xe: {  	s29 =	simm.s32 $0xC450;
	s11 =	sadd.s32 $0x15600, s7;
	[dreg:$0x9] =	wrdreg s8  }
0xf: {  	s17 =	sshrl.u32 s12, $0x2;
	s7 =	sadd.s32 $0x1A420, s7;
	[dreg:$0xa] =	wrdreg s11  }
0x10: {  	s30 =	simm.s32 $0x15;
	s18 =	sadd.s32 $0x50, s17;
	[dreg:$0xb] =	wrdreg s7  }
0x11: {  	s31 =	simm.s32 $0x50;
	s19 =	sadd.s32 $0xA0, s17;
	[dreg:$0xf] =	wrdreg s18  }
0x12: {  	s26 =	sshrl.u32 s10, $0x1;
	s21 =	sadd.s32 $0xF0, s17;
	[dreg:$0x10] =	wrdreg s19  }
0x13: {  	s6 =	sadd.s32 s5, s6;
	s22 =	sadd.s32 $0x140, s17;
	[dreg:$0x11] =	wrdreg s21  }
0x14: {  	s4 =	simm.s32 $0x0;
	s20 =	sadd.s32 $0x4E20, s17;
	[dreg:$0x12] =	wrdreg s22  }
0x15: {  	s15 =	simm.s32 $0x3;
	s23 =	sadd.s32 $0x73A0, s17;
	[dreg:$0x5] =	wrdreg s20  }
0x16: {  	s12 =	simm.s32 $0x4;
	s24 =	sadd.s32 $0x73F0, s17;
	[dreg:$0x13] =	wrdreg s23  }
0x17: {  	s6 =	sshrl.u32 s6, $0x3;
	s25 =	sadd.s32 $0x7440, s17;
	[dreg:$0x14] =	wrdreg s24  }
0x18: {  	s9 =	sadd.s32 s6, s0;
	s0 =	sadd.s32 $0x15000, s0;
	[dreg:$0x15] =	wrdreg s25  }
0x19: {  	s1 =	sadd.s32 s1, s6;
	s28 =	sadd.s32 $0x74E0, s17;
	s7 =	simm.s32 $0x1  }
0x1a: {  	s11 =	simm.s32 $0x3;
	s24 =	simm.s32 $0xE;
	s18 =	simm.s32 $0x15780  }
0x1b: {  	s19 =	simm.s32 $0x5;
	s20 =	simm.s32 $0x16680;
	s21 =	simm.s32 $0xB  }
0x1c: {  	s22 =	simm.s32 $0x7;
	s23 =	simm.s32 $0xC;
	[dreg:$0x7] =	wrdreg s0  }
0x1d: {  	s25 =	simm.s32 $0x8;
	s0 =	ssub.s32 s10, s26;
	[dreg:$0x17] =	wrdreg s1  }
0x1e: {  	s13 =	sadd.s32 $0x1F400, s9;
	s26 =	sadd.s32 $0x7490, s17;
	[dreg:$0x1a] =	wrdreg s28  }
0x1f: {  	s1 =	smov.u32 s17;
	s9 =	simm.s32 $0x2;
	[dreg:$0xc] =	wrdreg s13  }
0x20: {  	s17 =	simm.s32 $0x16180;
	[dreg:$0x16] =	wrdreg s26;
	s0 =	smax.u32 s0, $0x1  }
0x21: {  	s10 =	simm.s32 $0x6;
	s26 =	simm.s32 $0xD;
	[dreg:$0x19] =	wrdreg s0  }
.LBB2_1:
0x22: {  	[dreg:$0x1b] =	wrdreg s4  }
0x23: {  	s0 =	rddreg [dreg:$0x7];
	s8 =	simm.s32 $0x9D40  }
0x24: {  	[tilespmem:s8], [sflag:$0x15] =	stream.linear.gather [hbm4b:s0+s14], $0x2710, $0x38;
	[tilespmem:$0x1B9A0] =	vst v63  }
0x25: {  	_ =	swait.ge [sflag:s30], $0x2710  }
0x26: {  	[sflag:s30] =	ssyncset.done $0x0  }
0x27: {  	s13 =	rddreg [dreg:$0x8];
	[sflag:s30] =	ssyncadd.s32 $0xFFFFD8F0  }
0x28: {  	[tilespmem:s14], [sflag:$0x15] =	stream.linear.gather [hbm4b:s13+s14], $0x4E20, $0x38;
	[tilespmem:$0x1B9A0] =	vst v63  }
0x29: {  	_ =	swait.ge [sflag:s30], $0x4E20  }
0x2a: {  	[sflag:s30] =	ssyncset.done $0x0  }
0x2b: {  	s28 =	simm.s32 $0x4E20;
	s16 =	rddreg [dreg:$0x9];
	[sflag:s30] =	ssyncadd.s32 $0xFFFFB1E0  }
0x2c: {  	[tilespmem:s28], [sflag:$0x15] =	stream.linear.gather [hbm4b:s16+s14], $0x4E20, $0x38;
	[tilespmem:$0x1B9A0] =	vst v63  }
0x2d: {  	_ =	swait.ge [sflag:s30], $0x4E20  }
0x2e: {  	[sflag:s30] =	ssyncset.done $0x0  }
0x2f: {  	s5 =	simm.s32 $0x9C40;
	s4 =	rddreg [dreg:$0x6];
	[sflag:s30] =	ssyncadd.s32 $0xFFFFB1E0  }
0x30: {  	[tilespmem:s5], [sflag:$0x15] =	stream.linear.gather [hbm4b:s4+s14], $0x100, $0x38;
	[tilespmem:$0x1B9A0] =	vst v63  }
0x31: {  	_ =	swait.ge [sflag:s30], $0x100  }
0x32: {  	[sflag:s30] =	ssyncset.done $0x0  }
0x33: {  	s6 =	rddreg [dreg:$0xa];
	[sflag:s30] =	ssyncadd.s32 $0xFFFFFF00  }
0x34: {  	[tilespmem:s29], [sflag:$0x15] =	stream.linear.gather [hbm4b:s6+s14], $0x2710, $0x38;
	[tilespmem:$0x1B9A0] =	vst v63  }
0x35: {  	_ =	swait.ge [sflag:s30], $0x2710  }
0x36: {  	[sflag:s30] =	ssyncset.done $0x0  }
0x37: {  	s13 =	simm.s32 $0x11270;
	s8 =	rddreg [dreg:$0xb];
	[sflag:s30] =	ssyncadd.s32 $0xFFFFD8F0  }
0x38: {  	[tilespmem:s13], [sflag:$0x15] =	stream.linear.gather [hbm4b:s8+s14], $0x2710, $0x38;
	[tilespmem:$0x1B9A0] =	vst v63  }
0x39: {  	_ =	swait.ge [sflag:s30], $0x2710  }
0x3a: {  	[sflag:s30] =	ssyncset.done $0x0  }
0x3b: {  	s28 =	simm.s32 $0xEB60;
	s16 =	rddreg [dreg:$0xc];
	[sflag:s30] =	ssyncadd.s32 $0xFFFFD8F0  }
0x3c: {  	[tilespmem:s28], [sflag:$0x15] =	stream.linear.gather [hbm4b:s16+s14], $0x2710, $0x38;
	[tilespmem:$0x1B9A0] =	vst v63  }
0x3d: {  	_ =	swait.ge [sflag:s30], $0x2710  }
0x3e: {  	[sflag:s30] =	ssyncset.done $0x0  }
0x3f: {  	s4 =	simm.s32 $0x0;
	[sflag:s30] =	ssyncadd.s32 $0xFFFFD8F0  }
0x40: {  	s14 =	simm.s32 $0x40;
	v0 =	vld [tilespmem:s4+$0x11270]  }
.LBB2_2:
0x41: {  	p0 =	sne.s32 s14, $0x9C00;
	v1 =	vld [tilespmem:s4+$0xC450];
	_ =	sdelay $0x1  }
0x42: {  	v2 =	vld [tilespmem:s4+$0xEB60];
	_ =	sdelay $0x1  }
0x43: {  	v3 =	vld [tilespmem:$0x9C40]  }
0x44: {  	v0 =	vadd.f32 v0, v1;
	_ =	sdelay $0x1  }
0x45: {  	v0 =	vmul.f32 v0, v2;
	_ =	sdelay $0x1  }
0x46: {  	v0 =	vadd.f32 v0, v3  }
.Ltmp0:
0x47: {  	(pc) =	sbr.rel @p0 .LBB2_2-.Ltmp0, $4  }
0x48: {  	v0 =	vmax.f32 v0, $0.0e+00  }
0x49: {  	v1 =	vmul.f32 v0, v2  }
0x4a: {  	s30 =	sshra.s32 s14, $0x2  }
0x4b: {  	s14 =	sadd.s32 $0x40, s14;
	v0 =	vld [tilespmem:s30+$0x11270];
	[tilespmem:s4+$0xC450] =	vst v1;
	s4 =	smov.u32 s30  }
0x4c: {  	v1 =	vld [tilespmem:s4+$0xC450];
	_ =	sdelay $0x1  }
0x4d: {  	v2 =	vld [tilespmem:s4+$0xEB60];
	_ =	sdelay $0x1  }
0x4e: {  	v3 =	vld [tilespmem:$0x9C40]  }
0x4f: {  	v0 =	vadd.f32 v0, v1;
	_ =	sdelay $0x1  }
0x50: {  	v0 =	vmul.f32 v0, v2;
	_ =	sdelay $0x1  }
0x51: {  	v0 =	vadd.f32 v0, v3;
	_ =	sdelay $0x1  }
0x52: {  	v0 =	vmax.f32 v0, $0.0e+00  }
0x53: {  	v0 =	vmul.f32 v0, v2;
	_ =	sdelay $0x1  }
0x54: {  	s0 =	rddreg [dreg:$0xd];
	s14 =	simm.s32 $0x15;
	[tilespmem:s4+$0xC450] =	vst v0  }
0x55: {  	[spmem:s0] =	stream.linear.scatter [tilespmem:s29], [sflag:$0x15], $0x2710, $0x38;
	[tilespmem:$0x1B9A0] =	vst v63  }
0x56: {  	_ =	swait.ge [sflag:s14], $0x2710  }
0x57: {  	[sflag:s14] =	ssyncset.done $0x0;
	s6 =	rddreg [dreg:$0xe]  }
0x58: {  	s8 =	rddreg [dreg:$0x18];
	[sflag:s14] =	ssyncadd.s32 $0xFFFFD8F0  }
0x59: {  	[spmem:s6] =	stream.linear.scatter [tilespmem:s8], [sflag:$0x15], $0x2710, $0x38;
	[tilespmem:$0x1B9A0] =	vst v63  }
0x5a: {  	_ =	swait.ge [sflag:s14], $0x2710  }
0x5b: {  	[sflag:s14] =	ssyncset.done $0x0  }
0x5c: {  	[sflag:s14] =	ssyncadd.s32 $0xFFFFD8F0  }
0x5d: {  	s5 =	simm.s32 $0x13980;
	[bflag:$0x0] =	sbarrier.arrive $0xFFFF  }
0x5e: {  	[tilespmem:s5], [sflag:$0x1] =	stream.indirect.gather [spmem:s2], $0x10, s1, s31, $0xb8;
	[tilespmem:$0x1B9A0] =	vst v63  }
0x5f: {  	s6 =	simm.s32 $0x13E80;
	s13 =	rddreg [dreg:$0xf]  }
0x60: {  	[tilespmem:s6], [sflag:$0x2] =	stream.indirect.gather [spmem:s2], $0x10, s13, s31, $0xb8;
	[tilespmem:$0x1B9A0] =	vst v63  }
0x61: {  	s28 =	simm.s32 $0x14380;
	s14 =	rddreg [dreg:$0x10]  }
0x62: {  	[tilespmem:s28], [sflag:$0x3] =	stream.indirect.gather [spmem:s2], $0x10, s14, s31, $0xb8;
	[tilespmem:$0x1B9A0] =	vst v63  }
0x63: {  	s16 =	rddreg [dreg:$0x11];
	s13 =	simm.s32 $0x14880  }
0x64: {  	[tilespmem:s13], [sflag:$0x4] =	stream.indirect.gather [spmem:s2], $0x10, s16, s31, $0xb8;
	[tilespmem:$0x1B9A0] =	vst v63  }
0x65: {  	s8 =	simm.s32 $0x14D80;
	s30 =	rddreg [dreg:$0x12]  }
0x66: {  	[tilespmem:s8], [sflag:$0x5] =	stream.indirect.gather [spmem:s2], $0x10, s30, s31, $0xb8;
	[tilespmem:$0x1B9A0] =	vst v63  }
0x67: {  	_ =	swait.ge [sflag:s7], $0x500  }
0x68: {  	p0 =	por $0x1, $0x1;
	s0 =	rddreg [dreg:$0x5];
	[sflag:s7] =	ssyncset.done $0x0  }
0x69: {  	s30 =	simm.s32 @!p0 $0x10;
	[sflag:s7] =	ssyncadd.s32 $0xFFFFFB00;
	s4 =	sadd.s32 $0x0, s0  }
0x6a: {  	[spmem:s3] =	stream.indirect.scatter.add.f32 [tilespmem:s5], [sflag:$0xB], $0x10, s4, s31, $0xb8;
	[tilespmem:$0x1B9A0] =	vst v63  }
0x6b: {  	_ =	swait.ge @!p0 [sflag:s30], $0x500  }
0x6c: {  	s14 =	sadd.s32 $0x0, s1;
	[sflag:s30] =	ssyncset.done @!p0 $0x0  }
0x6d: {  	s7 =	sadd.s32 $0x190, s14;
	s0 =	simm.s32 $0x15280;
	[sflag:s30] =	ssyncadd.s32 @!p0 $0xFFFFFB00  }
0x6e: {  	[tilespmem:s0], [sflag:$0x6] =	stream.indirect.gather [spmem:s2], $0x10, s7, s31, $0xb8;
	[tilespmem:$0x1B9A0] =	vst v63  }
0x6f: {  	_ =	swait.ge [sflag:s9], $0x500  }
0x70: {  	[sflag:s9] =	ssyncset.done $0x0  }
0x71: {  	s16 =	sadd.s32 $0x50, s4;
	s30 =	simm.s32 @!p0 $0x11;
	[sflag:s9] =	ssyncadd.s32 $0xFFFFFB00  }
0x72: {  	[spmem:s3] =	stream.indirect.scatter.add.f32 [tilespmem:s6], [sflag:$0xC], $0x10, s16, s31, $0xb8;
	[tilespmem:$0x1B9A0] =	vst v63  }
0x73: {  	_ =	swait.ge @!p0 [sflag:s30], $0x500  }
0x74: {  	[sflag:s30] =	ssyncset.done @!p0 $0x0  }
0x75: {  	s7 =	sadd.s32 $0x1E0, s14;
	[sflag:s30] =	ssyncadd.s32 @!p0 $0xFFFFFB00  }
0x76: {  	[tilespmem:s18], [sflag:$0x7] =	stream.indirect.gather [spmem:s2], $0x10, s7, s31, $0xb8;
	[tilespmem:$0x1B9A0] =	vst v63  }
0x77: {  	_ =	swait.ge [sflag:s11], $0x500  }
0x78: {  	[sflag:s11] =	ssyncset.done $0x0  }
0x79: {  	s9 =	sadd.s32 $0xA0, s4;
	s30 =	simm.s32 @!p0 $0x12;
	[sflag:s11] =	ssyncadd.s32 $0xFFFFFB00  }
0x7a: {  	[spmem:s3] =	stream.indirect.scatter.add.f32 [tilespmem:s28], [sflag:$0xD], $0x10, s9, s31, $0xb8;
	[tilespmem:$0x1B9A0] =	vst v63  }
0x7b: {  	_ =	swait.ge @!p0 [sflag:s30], $0x500  }
0x7c: {  	[sflag:s30] =	ssyncset.done @!p0 $0x0  }
0x7d: {  	s16 =	sadd.s32 $0x230, s14;
	s7 =	simm.s32 $0x15C80;
	[sflag:s30] =	ssyncadd.s32 @!p0 $0xFFFFFB00  }
0x7e: {  	[tilespmem:s7], [sflag:$0x8] =	stream.indirect.gather [spmem:s2], $0x10, s16, s31, $0xb8;
	[tilespmem:$0x1B9A0] =	vst v63  }
0x7f: {  	_ =	swait.ge [sflag:s12], $0x500  }
0x80: {  	[sflag:s12] =	ssyncset.done $0x0  }
0x81: {  	s30 =	simm.s32 @!p0 $0x13;
	s16 =	sadd.s32 $0xF0, s4;
	[sflag:s12] =	ssyncadd.s32 $0xFFFFFB00  }
0x82: {  	[spmem:s3] =	stream.indirect.scatter.add.f32 [tilespmem:s13], [sflag:$0xE], $0x10, s16, s31, $0xb8;
	[tilespmem:$0x1B9A0] =	vst v63  }
0x83: {  	_ =	swait.ge @!p0 [sflag:s30], $0x500  }
0x84: {  	[sflag:s30] =	ssyncset.done @!p0 $0x0  }
0x85: {  	s16 =	sadd.s32 $0x280, s14;
	[sflag:s30] =	ssyncadd.s32 @!p0 $0xFFFFFB00  }
0x86: {  	[tilespmem:s17], [sflag:$0x9] =	stream.indirect.gather [spmem:s2], $0x10, s16, s31, $0xb8;
	[tilespmem:$0x1B9A0] =	vst v63  }
0x87: {  	_ =	swait.ge [sflag:s19], $0x500  }
0x88: {  	[sflag:s19] =	ssyncset.done $0x0  }
0x89: {  	s30 =	simm.s32 @!p0 $0x14;
	s16 =	sadd.s32 $0x140, s4;
	[sflag:s19] =	ssyncadd.s32 $0xFFFFFB00  }
0x8a: {  	[spmem:s3] =	stream.indirect.scatter.add.f32 [tilespmem:s8], [sflag:$0xF], $0x10, s16, s31, $0xb8;
	[tilespmem:$0x1B9A0] =	vst v63  }
0x8b: {  	_ =	swait.ge @!p0 [sflag:s30], $0x500  }
0x8c: {  	[sflag:s30] =	ssyncset.done @!p0 $0x0  }
0x8d: {  	s16 =	sadd.s32 $0x2D0, s14;
	[sflag:s30] =	ssyncadd.s32 @!p0 $0xFFFFFB00  }
0x8e: {  	[tilespmem:s20], [sflag:$0xA] =	stream.indirect.gather [spmem:s2], $0x10, s16, s31, $0xb8;
	[tilespmem:$0x1B9A0] =	vst v63  }
0x8f: {  	_ =	swait.ge [sflag:s10], $0x500  }
0x90: {  	[sflag:s10] =	ssyncset.done $0x0  }
0x91: {  	s8 =	sadd.s32 $0x190, s4;
	[sflag:s10] =	ssyncadd.s32 $0xFFFFFB00  }
0x92: {  	[spmem:s3] =	stream.indirect.scatter.add.f32 [tilespmem:s0], [sflag:$0x10], $0x10, s8, s31, $0xb8;
	[tilespmem:$0x1B9A0] =	vst v63  }
0x93: {  	_ =	swait.ge [sflag:s21], $0x500  }
0x94: {  	[sflag:s21] =	ssyncset.done $0x0  }
0x95: {  	s16 =	sadd.s32 $0x320, s14;
	[sflag:s21] =	ssyncadd.s32 $0xFFFFFB00  }
0x96: {  	[tilespmem:s5], [sflag:$0x1] =	stream.indirect.gather [spmem:s2], $0x10, s16, s31, $0xb8;
	[tilespmem:$0x1B9A0] =	vst v63  }
0x97: {  	_ =	swait.ge [sflag:s22], $0x500  }
0x98: {  	[sflag:s22] =	ssyncset.done $0x0  }
0x99: {  	s0 =	sadd.s32 $0x1E0, s4;
	[sflag:s22] =	ssyncadd.s32 $0xFFFFFB00  }
0x9a: {  	[spmem:s3] =	stream.indirect.scatter.add.f32 [tilespmem:s18], [sflag:$0x11], $0x10, s0, s31, $0xb8;
	[tilespmem:$0x1B9A0] =	vst v63  }
0x9b: {  	_ =	swait.ge [sflag:s23], $0x500  }
0x9c: {  	[sflag:s23] =	ssyncset.done $0x0  }
0x9d: {  	s5 =	sadd.s32 $0x370, s14;
	[sflag:s23] =	ssyncadd.s32 $0xFFFFFB00  }
0x9e: {  	[tilespmem:s6], [sflag:$0x2] =	stream.indirect.gather [spmem:s2], $0x10, s5, s31, $0xb8;
	[tilespmem:$0x1B9A0] =	vst v63  }
0x9f: {  	_ =	swait.ge [sflag:s25], $0x500  }
0xa0: {  	[sflag:s25] =	ssyncset.done $0x0  }
0xa1: {  	s6 =	sadd.s32 $0x230, s4;
	[sflag:s25] =	ssyncadd.s32 $0xFFFFFB00  }
0xa2: {  	[spmem:s3] =	stream.indirect.scatter.add.f32 [tilespmem:s7], [sflag:$0x12], $0x10, s6, s31, $0xb8;
	[tilespmem:$0x1B9A0] =	vst v63  }
0xa3: {  	_ =	swait.ge [sflag:s26], $0x500  }
0xa4: {  	[sflag:s26] =	ssyncset.done $0x0  }
0xa5: {  	s8 =	sadd.s32 $0x3C0, s14;
	[sflag:s26] =	ssyncadd.s32 $0xFFFFFB00  }
0xa6: {  	[tilespmem:s28], [sflag:$0x3] =	stream.indirect.gather [spmem:s2], $0x10, s8, s31, $0xb8;
	[tilespmem:$0x1B9A0] =	vst v63  }
0xa7: {  	s8 =	simm.s32 $0x9  }
0xa8: {  	_ =	swait.ge [sflag:s8], $0x500  }
0xa9: {  	[sflag:s8] =	ssyncset.done $0x0  }
0xaa: {  	s16 =	sadd.s32 $0x280, s4;
	[sflag:s8] =	ssyncadd.s32 $0xFFFFFB00  }
0xab: {  	[spmem:s3] =	stream.indirect.scatter.add.f32 [tilespmem:s17], [sflag:$0x13], $0x10, s16, s31, $0xb8;
	[tilespmem:$0x1B9A0] =	vst v63  }
0xac: {  	_ =	swait.ge [sflag:s24], $0x500  }
0xad: {  	[sflag:s24] =	ssyncset.done $0x0  }
0xae: {  	s30 =	simm.s32 $0xA;
	s28 =	sadd.s32 $0x410, s14;
	[sflag:s24] =	ssyncadd.s32 $0xFFFFFB00  }
0xaf: {  	[tilespmem:s13], [sflag:$0x4] =	stream.indirect.gather [spmem:s2], $0x10, s28, s31, $0xb8;
	[tilespmem:$0x1B9A0] =	vst v63  }
0xb0: {  	_ =	swait.ge [sflag:s30], $0x500  }
0xb1: {  	s29 =	smov.u32 s1;
	[sflag:s30] =	ssyncset.done $0x0  }
0xb2: {  	s4 =	sadd.s32 $0x2D0, s4;
	s13 =	simm.s32 $0xF;
	[sflag:s30] =	ssyncadd.s32 $0xFFFFFB00  }
0xb3: {  	[spmem:s3] =	stream.indirect.scatter.add.f32 [tilespmem:s20], [sflag:$0x14], $0x10, s4, s31, $0xb8;
	[tilespmem:$0x1B9A0] =	vst v63  }
0xb4: {  	s11 =	simm.s32 $0x2;
	s9 =	simm.s32 $0x1;
	_ =	swait.ge [sflag:s13], $0x500  }
0xb5: {  	s14 =	sadd.s32 $0x460, s14;
	s4 =	simm.s32 $0xC80;
	[sflag:s13] =	ssyncset.done $0x0  }
.LBB2_4:
0xb6: {  	[sflag:s13] =	ssyncadd.s32 $0xFFFFFB00  }
0xb7: {  	s30 =	smov.u32 s4;
	s24 =	simm.s32 $0x14D80;
	s5 =	simm.s32 $0x13980  }
0xb8: {  	[tilespmem:s24], [sflag:$0x5] =	stream.indirect.gather [spmem:s2], $0x10, s14, s31, $0xb8;
	[tilespmem:$0x1B9A0] =	vst v63  }
0xb9: {  	s1 =	sshra.s32 s30, $0x2;
	p1 =	seq.s32 s30, $0x0;
	_ =	swait.ge [sflag:s9], $0x500  }
0xba: {  	s30 =	sadd.s32 s1, s29;
	s6 =	rddreg [dreg:$0x5];
	[sflag:s9] =	ssyncset.done $0x0  }
0xbb: {  	[sflag:s9] =	ssyncadd.s32 $0xFFFFFB00;
	s14 =	sadd.s32 s1, s6;
	s1 =	simm.s32 @!p1 $0x10  }
0xbc: {  	[spmem:s3] =	stream.indirect.scatter.add.f32 [tilespmem:s5], [sflag:$0xB], $0x10, s14, s31, $0xb8;
	[tilespmem:$0x1B9A0] =	vst v63  }
0xbd: {  	_ =	swait.ge @!p1 [sflag:s1], $0x500  }
0xbe: {  	[sflag:s1] =	ssyncset.done @!p1 $0x0  }
0xbf: {  	s16 =	simm.s32 $0x15280;
	s0 =	sadd.s32 $0x190, s30;
	[sflag:s1] =	ssyncadd.s32 @!p1 $0xFFFFFB00  }
0xc0: {  	[tilespmem:s16], [sflag:$0x6] =	stream.indirect.gather [spmem:s2], $0x10, s0, s31, $0xb8;
	[tilespmem:$0x1B9A0] =	vst v63  }
0xc1: {  	_ =	swait.ge [sflag:s11], $0x500  }
0xc2: {  	s6 =	simm.s32 $0x13E80;
	[sflag:s11] =	ssyncset.done $0x0  }
0xc3: {  	s13 =	sadd.s32 $0x50, s14;
	s1 =	simm.s32 @!p1 $0x11;
	[sflag:s11] =	ssyncadd.s32 $0xFFFFFB00  }
0xc4: {  	[spmem:s3] =	stream.indirect.scatter.add.f32 [tilespmem:s6], [sflag:$0xC], $0x10, s13, s31, $0xb8;
	[tilespmem:$0x1B9A0] =	vst v63  }
0xc5: {  	_ =	swait.ge @!p1 [sflag:s1], $0x500  }
0xc6: {  	[sflag:s1] =	ssyncset.done @!p1 $0x0  }
0xc7: {  	s13 =	sadd.s32 $0x1E0, s30;
	[sflag:s1] =	ssyncadd.s32 @!p1 $0xFFFFFB00  }
0xc8: {  	[tilespmem:s18], [sflag:$0x7] =	stream.indirect.gather [spmem:s2], $0x10, s13, s31, $0xb8;
	[tilespmem:$0x1B9A0] =	vst v63  }
0xc9: {  	_ =	swait.ge [sflag:s15], $0x500  }
0xca: {  	s28 =	simm.s32 $0x14380;
	[sflag:s15] =	ssyncset.done $0x0  }
0xcb: {  	s1 =	simm.s32 @!p1 $0x12;
	s13 =	sadd.s32 $0xA0, s14;
	[sflag:s15] =	ssyncadd.s32 $0xFFFFFB00  }
0xcc: {  	[spmem:s3] =	stream.indirect.scatter.add.f32 [tilespmem:s28], [sflag:$0xD], $0x10, s13, s31, $0xb8;
	[tilespmem:$0x1B9A0] =	vst v63  }
0xcd: {  	_ =	swait.ge @!p1 [sflag:s1], $0x500  }
0xce: {  	[sflag:s1] =	ssyncset.done @!p1 $0x0  }
0xcf: {  	s13 =	sadd.s32 $0x230, s30;
	[sflag:s1] =	ssyncadd.s32 @!p1 $0xFFFFFB00  }
0xd0: {  	[tilespmem:s7], [sflag:$0x8] =	stream.indirect.gather [spmem:s2], $0x10, s13, s31, $0xb8;
	[tilespmem:$0x1B9A0] =	vst v63  }
0xd1: {  	_ =	swait.ge [sflag:s12], $0x500  }
0xd2: {  	s0 =	sadd.s32 $0xF0, s14;
	[sflag:s12] =	ssyncset.done $0x0  }
0xd3: {  	s1 =	simm.s32 @!p1 $0x13;
	s13 =	simm.s32 $0x14880;
	[sflag:s12] =	ssyncadd.s32 $0xFFFFFB00  }
0xd4: {  	[spmem:s3] =	stream.indirect.scatter.add.f32 [tilespmem:s13], [sflag:$0xE], $0x10, s0, s31, $0xb8;
	[tilespmem:$0x1B9A0] =	vst v63  }
0xd5: {  	_ =	swait.ge @!p1 [sflag:s1], $0x500  }
0xd6: {  	[sflag:s1] =	ssyncset.done @!p1 $0x0  }
0xd7: {  	s0 =	sadd.s32 $0x280, s30;
	[sflag:s1] =	ssyncadd.s32 @!p1 $0xFFFFFB00  }
0xd8: {  	[tilespmem:s17], [sflag:$0x9] =	stream.indirect.gather [spmem:s2], $0x10, s0, s31, $0xb8;
	[tilespmem:$0x1B9A0] =	vst v63  }
0xd9: {  	_ =	swait.ge [sflag:s19], $0x500  }
0xda: {  	[sflag:s19] =	ssyncset.done $0x0  }
0xdb: {  	s1 =	simm.s32 @!p1 $0x14;
	s0 =	sadd.s32 $0x140, s14;
	[sflag:s19] =	ssyncadd.s32 $0xFFFFFB00  }
0xdc: {  	[spmem:s3] =	stream.indirect.scatter.add.f32 [tilespmem:s24], [sflag:$0xF], $0x10, s0, s31, $0xb8;
	[tilespmem:$0x1B9A0] =	vst v63  }
0xdd: {  	_ =	swait.ge @!p1 [sflag:s1], $0x500  }
0xde: {  	[sflag:s1] =	ssyncset.done @!p1 $0x0  }
0xdf: {  	s0 =	sadd.s32 $0x2D0, s30;
	[sflag:s1] =	ssyncadd.s32 @!p1 $0xFFFFFB00  }
0xe0: {  	[tilespmem:s20], [sflag:$0xA] =	stream.indirect.gather [spmem:s2], $0x10, s0, s31, $0xb8;
	[tilespmem:$0x1B9A0] =	vst v63  }
0xe1: {  	_ =	swait.ge [sflag:s10], $0x500  }
0xe2: {  	[sflag:s10] =	ssyncset.done $0x0  }
0xe3: {  	s1 =	sadd.s32 $0x190, s14;
	[sflag:s10] =	ssyncadd.s32 $0xFFFFFB00  }
0xe4: {  	[spmem:s3] =	stream.indirect.scatter.add.f32 [tilespmem:s16], [sflag:$0x10], $0x10, s1, s31, $0xb8;
	[tilespmem:$0x1B9A0] =	vst v63  }
0xe5: {  	_ =	swait.ge [sflag:s21], $0x500  }
0xe6: {  	[sflag:s21] =	ssyncset.done $0x0  }
0xe7: {  	s1 =	sadd.s32 $0x320, s30;
	[sflag:s21] =	ssyncadd.s32 $0xFFFFFB00  }
0xe8: {  	[tilespmem:s5], [sflag:$0x1] =	stream.indirect.gather [spmem:s2], $0x10, s1, s31, $0xb8;
	[tilespmem:$0x1B9A0] =	vst v63  }
0xe9: {  	_ =	swait.ge [sflag:s22], $0x500  }
0xea: {  	[sflag:s22] =	ssyncset.done $0x0  }
0xeb: {  	s5 =	sadd.s32 $0x1E0, s14;
	[sflag:s22] =	ssyncadd.s32 $0xFFFFFB00  }
0xec: {  	[spmem:s3] =	stream.indirect.scatter.add.f32 [tilespmem:s18], [sflag:$0x11], $0x10, s5, s31, $0xb8;
	[tilespmem:$0x1B9A0] =	vst v63  }
0xed: {  	_ =	swait.ge [sflag:s23], $0x500  }
0xee: {  	[sflag:s23] =	ssyncset.done $0x0  }
0xef: {  	s1 =	sadd.s32 $0x370, s30;
	[sflag:s23] =	ssyncadd.s32 $0xFFFFFB00  }
0xf0: {  	[tilespmem:s6], [sflag:$0x2] =	stream.indirect.gather [spmem:s2], $0x10, s1, s31, $0xb8;
	[tilespmem:$0x1B9A0] =	vst v63  }
0xf1: {  	_ =	swait.ge [sflag:s25], $0x500  }
0xf2: {  	[sflag:s25] =	ssyncset.done $0x0  }
0xf3: {  	s6 =	sadd.s32 $0x230, s14;
	[sflag:s25] =	ssyncadd.s32 $0xFFFFFB00  }
0xf4: {  	[spmem:s3] =	stream.indirect.scatter.add.f32 [tilespmem:s7], [sflag:$0x12], $0x10, s6, s31, $0xb8;
	[tilespmem:$0x1B9A0] =	vst v63  }
0xf5: {  	_ =	swait.ge [sflag:s26], $0x500  }
0xf6: {  	[sflag:s26] =	ssyncset.done $0x0  }
0xf7: {  	s1 =	sadd.s32 $0x3C0, s30;
	[sflag:s26] =	ssyncadd.s32 $0xFFFFFB00  }
0xf8: {  	[tilespmem:s28], [sflag:$0x3] =	stream.indirect.gather [spmem:s2], $0x10, s1, s31, $0xb8;
	[tilespmem:$0x1B9A0] =	vst v63  }
0xf9: {  	_ =	swait.ge [sflag:s8], $0x500  }
0xfa: {  	[sflag:s8] =	ssyncset.done $0x0  }
0xfb: {  	s24 =	simm.s32 $0xE;
	s1 =	sadd.s32 $0x280, s14;
	[sflag:s8] =	ssyncadd.s32 $0xFFFFFB00  }
0xfc: {  	[spmem:s3] =	stream.indirect.scatter.add.f32 [tilespmem:s17], [sflag:$0x13], $0x10, s1, s31, $0xb8;
	[tilespmem:$0x1B9A0] =	vst v63  }
0xfd: {  	_ =	swait.ge [sflag:s24], $0x500  }
0xfe: {  	s4 =	sadd.s32 $0xC80, s4;
	[sflag:s24] =	ssyncset.done $0x0  }
0xff: {  	s0 =	simm.s32 $0xA;
	s1 =	sadd.s32 $0x410, s30;
	[sflag:s24] =	ssyncadd.s32 $0xFFFFFB00  }
0x100: {  	[tilespmem:s13], [sflag:$0x4] =	stream.indirect.gather [spmem:s2], $0x10, s1, s31, $0xb8;
	[tilespmem:$0x1B9A0] =	vst v63  }
0x101: {  	p0 =	sne.s32 s4, $0x9600;
	_ =	swait.ge [sflag:s0], $0x500  }
.Ltmp1:
0x102: {  	s16 =	simm.s32 $0x13980;
	[sflag:s0] =	ssyncset.done $0x0;
	(pc) =	sbr.rel @p0 .LBB2_4-.Ltmp1, $4  }
0x103: {  	s14 =	sadd.s32 $0x2D0, s14;
	s13 =	simm.s32 $0xF;
	[sflag:s0] =	ssyncadd.s32 $0xFFFFFB00  }
0x104: {  	[spmem:s3] =	stream.indirect.scatter.add.f32 [tilespmem:s20], [sflag:$0x14], $0x10, s14, s31, $0xb8;
	[tilespmem:$0x1B9A0] =	vst v63  }
0x105: {  	s5 =	simm.s32 $0x13E80;
	s6 =	simm.s32 $0x14380;
	_ =	swait.ge [sflag:s13], $0x500  }
0x106: {  	s28 =	simm.s32 $0x14880;
	s14 =	sadd.s32 $0x460, s30;
	[sflag:s13] =	ssyncset.done $0x0  }
0x107: {  	[sflag:s13] =	ssyncadd.s32 $0xFFFFFB00;
	s4 =	simm.s32 $0x14D80  }
0x108: {  	[tilespmem:s4], [sflag:$0x5] =	stream.indirect.gather [spmem:s2], $0x10, s14, s31, $0xb8;
	[tilespmem:$0x1B9A0] =	vst v63  }
0x109: {  	_ =	swait.ge [sflag:s9], $0x500  }
0x10a: {  	[sflag:s9] =	ssyncset.done $0x0  }
0x10b: {  	s0 =	rddreg [dreg:$0x13];
	[sflag:s9] =	ssyncadd.s32 $0xFFFFFB00  }
0x10c: {  	[spmem:s3] =	stream.indirect.scatter.add.f32 [tilespmem:s16], [sflag:$0xB], $0x10, s0, s31, $0xb8;
	[tilespmem:$0x1B9A0] =	vst v63  }
0x10d: {  	_ =	swait.ge [sflag:s11], $0x500  }
0x10e: {  	[sflag:s11] =	ssyncset.done $0x0  }
0x10f: {  	s16 =	rddreg [dreg:$0x14];
	[sflag:s11] =	ssyncadd.s32 $0xFFFFFB00  }
0x110: {  	[spmem:s3] =	stream.indirect.scatter.add.f32 [tilespmem:s5], [sflag:$0xC], $0x10, s16, s31, $0xb8;
	[tilespmem:$0x1B9A0] =	vst v63  }
0x111: {  	_ =	swait.ge [sflag:s15], $0x500  }
0x112: {  	[sflag:s15] =	ssyncset.done $0x0  }
0x113: {  	s5 =	rddreg [dreg:$0x15];
	[sflag:s15] =	ssyncadd.s32 $0xFFFFFB00  }
0x114: {  	[spmem:s3] =	stream.indirect.scatter.add.f32 [tilespmem:s6], [sflag:$0xD], $0x10, s5, s31, $0xb8;
	[tilespmem:$0x1B9A0] =	vst v63  }
0x115: {  	_ =	swait.ge [sflag:s12], $0x500  }
0x116: {  	[sflag:s12] =	ssyncset.done $0x0  }
0x117: {  	s7 =	rddreg [dreg:$0x16];
	[sflag:s12] =	ssyncadd.s32 $0xFFFFFB00  }
0x118: {  	[spmem:s3] =	stream.indirect.scatter.add.f32 [tilespmem:s28], [sflag:$0xE], $0x10, s7, s31, $0xb8;
	[tilespmem:$0x1B9A0] =	vst v63  }
0x119: {  	_ =	swait.ge [sflag:s19], $0x500  }
0x11a: {  	[sflag:s19] =	ssyncset.done $0x0  }
0x11b: {  	s8 =	rddreg [dreg:$0x1a];
	[sflag:s19] =	ssyncadd.s32 $0xFFFFFB00  }
0x11c: {  	[spmem:s3] =	stream.indirect.scatter.add.f32 [tilespmem:s4], [sflag:$0xF], $0x10, s8, s31, $0xb8;
	[tilespmem:$0x1B9A0] =	vst v63  }
0x11d: {  	_ =	swait.ge [sflag:s21], $0x500  }
0x11e: {  	[sflag:s21] =	ssyncset.done $0x0  }
0x11f: {  	[sflag:s21] =	ssyncadd.s32 $0xFFFFFB00  }
0x120: {  	_ =	swait.ge [sflag:s23], $0x500  }
0x121: {  	[sflag:s23] =	ssyncset.done $0x0  }
0x122: {  	[sflag:s23] =	ssyncadd.s32 $0xFFFFFB00  }
0x123: {  	_ =	swait.ge [sflag:s26], $0x500  }
0x124: {  	[sflag:s26] =	ssyncset.done $0x0  }
0x125: {  	[sflag:s26] =	ssyncadd.s32 $0xFFFFFB00  }
0x126: {  	_ =	swait.ge [sflag:s24], $0x500  }
0x127: {  	[sflag:s24] =	ssyncset.done $0x0  }
0x128: {  	[sflag:s24] =	ssyncadd.s32 $0xFFFFFB00  }
0x129: {  	_ =	swait.ge [sflag:s13], $0x500  }
0x12a: {  	[sflag:s13] =	ssyncset.done $0x0  }
0x12b: {  	s9 =	simm.s32 $0x10;
	[sflag:s13] =	ssyncadd.s32 $0xFFFFFB00  }
0x12c: {  	_ =	swait.ge [sflag:s9], $0x500  }
0x12d: {  	[sflag:s9] =	ssyncset.done $0x0  }
0x12e: {  	s11 =	simm.s32 $0x11;
	[sflag:s9] =	ssyncadd.s32 $0xFFFFFB00  }
0x12f: {  	_ =	swait.ge [sflag:s11], $0x500  }
0x130: {  	[sflag:s11] =	ssyncset.done $0x0  }
0x131: {  	s13 =	simm.s32 $0x12;
	[sflag:s11] =	ssyncadd.s32 $0xFFFFFB00  }
0x132: {  	_ =	swait.ge [sflag:s13], $0x500  }
0x133: {  	[sflag:s13] =	ssyncset.done $0x0  }
0x134: {  	s14 =	simm.s32 $0x13;
	[sflag:s13] =	ssyncadd.s32 $0xFFFFFB00  }
0x135: {  	_ =	swait.ge [sflag:s14], $0x500  }
0x136: {  	[sflag:s14] =	ssyncset.done $0x0  }
0x137: {  	s16 =	simm.s32 $0x14;
	[sflag:s14] =	ssyncadd.s32 $0xFFFFFB00  }
0x138: {  	_ =	swait.ge [sflag:s16], $0x500  }
0x139: {  	[sflag:s16] =	ssyncset.done $0x0  }
0x13a: {  	[sflag:s16] =	ssyncadd.s32 $0xFFFFFB00  }
0x13b: {  	s1 =	smov.u32 s29;
	[bflag:$0x0] =	sbarrier.arrive $0xFFFF  }
0x13c: {  	s29 =	simm.s32 $0xC450;
	s30 =	simm.s32 $0x15;
	s28 =	rddreg [dreg:$0xe]  }
0x13d: {  	[tilespmem:s29], [sflag:$0x15] =	stream.linear.gather [spmem:s28], $0x2710, $0x38;
	[tilespmem:$0x1B9A0] =	vst v63  }
0x13e: {  	_ =	swait.ge [sflag:s30], $0x2710  }
0x13f: {  	[sflag:s30] =	ssyncset.done $0x0  }
0x140: {  	s7 =	simm.s32 $0x1;
	s4 =	simm.s32 $0x0;
	[sflag:s30] =	ssyncadd.s32 $0xFFFFD8F0  }
0x141: {  	s9 =	simm.s32 $0x2;
	s11 =	simm.s32 $0x3;
	s14 =	simm.s32 $0x40;
	v0 =	vld [tilespmem:s4+$0xEB60]  }
.LBB2_6:
0x142: {  	p0 =	sne.s32 s14, $0x9C00;
	v1 =	vld [tilespmem:s4+$0xC450];
	_ =	sdelay $0x2  }
.Ltmp2:
0x143: {  	(pc) =	sbr.rel @p0 .LBB2_6-.Ltmp2, $4  }
0x144: {  	_ = 	snop  }
0x145: {  	v1 =	vmul.f32 v1, v0  }
0x146: {  	s0 =	sshra.s32 s14, $0x2  }
0x147: {  	s14 =	sadd.s32 $0x40, s14;
	v0 =	vld [tilespmem:s0+$0xEB60];
	[tilespmem:s4+$0xC450] =	vst v1;
	s4 =	smov.u32 s0  }
0x148: {  	v1 =	vld [tilespmem:s4+$0xC450];
	_ =	sdelay $0x4  }
0x149: {  	v0 =	vmul.f32 v1, v0;
	_ =	sdelay $0x1  }
0x14a: {  	s14 =	simm.s32 $0x0;
	s0 =	rddreg [dreg:$0x17];
	[tilespmem:s4+$0xC450] =	vst v0  }
0x14b: {  	[hbm4b:s0+s14] =	stream.linear.scatter [tilespmem:s29], [sflag:$0x15], $0x2710, $0x38;
	[tilespmem:$0x1B9A0] =	vst v63  }
0x14c: {  	_ =	swait.ge [sflag:s30], $0x2710  }
0x14d: {  	s16 =	rddreg [dreg:$0x1b]  }
0x14e: {  	s28 =	rddreg [dreg:$0x19];
	s4 =	sadd.s32 $0x1, s16  }
0x14f: {  	p0 =	sne.s32 s4, s28  }
.Ltmp3:
0x150: {  	_ = 	snop;
	(pc) =	sbr.rel @p0 .LBB2_1-.Ltmp3, $3  }
0x151: {  	_ =	sdelay $0x1  }
0x152: {  	[sflag:s30] =	ssyncset.done $0x0  }
0x153: {  	[sflag:s30] =	ssyncadd.s32 $0xFFFFD8F0  }
0x154: {  	_ =	sfence.sel $0x180000  }
0x155: {  	[bflag:$0x0] =	sbarrier.arrive $0xFFFF  }
0x156: {  	_ =	strace $0x9000004A  }
0x157: {  	s0 =	stileid.u32;
	[bflag:$0x2] =	sbarrier.arrive $0xFFFF  }
0x158: {  	p0 =	sne.s32 s0, $0x0;
	s0 =	rddreg [dreg:$0x4]  }
0x159: {  	s0 =	sadd.s32 @!p0 $0x100000, s0  }
0x15a: {  	[sflag:s0] =	ssyncadd.tile.s32 @!p0 $0x1;
	_ =	shalt  }
.Lfunc_end2:
_tile_overlayer_lowered:
.L_overlay_start_2:
0x15b: {  	(tag) =	ssettag $0x2  }
0x15c: {  	s0 =	rddreg [dreg:$0x0];
	s2 =	stileid.u32  }
0x15d: {  	s1 =	rddreg [dreg:$0x1];
	p0 =	sne.s32 s2, $0x0  }
0x15e: {  	s3 =	rddreg [dreg:$0x2];
	[bflag:$0x3] =	sbarrier.arrive $0xFFFF;
	s2 =	simm.s32 @!p0 $0x1C15  }
0x15f: {  	[timem:s3], [sflag:s2] =	dma.local @!p0 [hbm:s0], s1  }
0x160: {  	s0 =	simm.s32 @!p0 $0x15  }
0x161: {  	_ =	swait.ge @!p0 [sflag:s0], s1  }
0x162: {  	s1 =	ssub.s32 @!p0 $0x0, s1;
	[sflag:s0] =	ssyncset.done @!p0 $0x0  }
0x163: {  	[sflag:s0] =	ssyncadd.s32 @!p0 s1  }
0x164: {  	[bflag:$0x3] =	sbarrier.arrive $0xFFFF  }
0x165: {  	_ =	shalt  }

</sc_bundles>
